<compile_context>
chip_gen: v7x
topology: tpu7x:2x2x1
jax: 0.10.2.dev20260603
libtpu: 0.0.44.dev20260713+nightly
codegen_flags: <defaults>
</compile_context>

<pallas_src>
import dataclasses
import functools

import jax
import jax.numpy as jnp
from jax import lax
from jax.experimental import pallas as pl
from jax.experimental.pallas import tpu as pltpu
from jax.experimental.pallas import tpu_sc as plsc

N = 10000
E = 160000
D = 256
DP = 128
OUT = 256

NC = 2
NS = 16
NW = NC * NS

R = 320
MR = 328
DEGR = 336
NPAD = NW * R

C = 3200
NCHUNK = E // C
G = 48
CPAD = C + 2 * G

FMIN = -3.4028235e38
PADV = 1 << 20


def _sc_segment_kernel(xlo_hbm, xhi_hbm, src_hbm, dst_hbm,
                       slo_hbm, shi_hbm, mlo_hbm, mhi_hbm, deg_hbm,
                       srcv, dstv, gsrc, gdst, gix0, gix1,
                       rowbuf0, rowbuf1, maxacc, sumacc, degv,
                       sem_e, sem_g0, sem_g1):
  c = lax.axis_index("c")
  s = lax.axis_index("s")
  g = c * NS + s
  base = g * R
  my_r = jnp.minimum(R, N - base)

  lane_iota = lax.iota(jnp.int32, 16)
  onesf = jnp.full((16,), 1.0, jnp.float32)
  zerof = jnp.full((16,), 0.0, jnp.float32)
  fminf = jnp.full((16,), FMIN, jnp.float32)

  gixs = (gix0, gix1)
  bufs = (rowbuf0, rowbuf1)
  gsems = (sem_g0, sem_g1)

  @pl.loop(0, DEGR // 16)
  def _(i):
    degv[pl.ds(16 * i, 16)] = zerof

  def stage(b, q, count_deg):
    off = b * G
    for t in range(G // 16):
      sv = gsrc[pl.ds(off + 16 * t, 16)]
      gixs[q][pl.ds(16 * t, 16)] = sv
      if count_deg:
        dv = gdst[pl.ds(off + 16 * t, 16)]
        plsc.addupdate_scatter(degv, [jnp.minimum(dv, DEGR - 1)], onesf,
                               mask=dv < R)

  for half, (x_hbm, sum_hbm, max_hbm) in enumerate((
      (xlo_hbm, slo_hbm, mlo_hbm),
      (xhi_hbm, shi_hbm, mhi_hbm),
  )):
    first = half == 0

    @pl.loop(0, MR)
    def _(r):
      for j in range(DP // 16):
        maxacc[r, pl.ds(16 * j, 16)] = fminf
        sumacc[r, pl.ds(16 * j, 16)] = zerof

    pltpu.async_copy(src_hbm.at[pl.ds(0, C)], srcv, sem_e)
    pltpu.async_copy(dst_hbm.at[pl.ds(0, C)], dstv, sem_e)

    @pl.loop(0, NCHUNK)
    def _(k):
      pltpu.make_async_copy(src_hbm.at[pl.ds(0, C)], srcv, sem_e).wait()
      pltpu.make_async_copy(dst_hbm.at[pl.ds(0, C)], dstv, sem_e).wait()

      def cbody(i, cnt):
        d16 = dstv[pl.ds(16 * i, 16)]
        s16 = srcv[pl.ds(16 * i, 16)]
        dloc = d16 - base
        m = (dloc >= 0) & (dloc < my_r)
        plsc.store_compressed(gdst.at[pl.ds(cnt, 16)], dloc, mask=m)
        plsc.store_compressed(gsrc.at[pl.ds(cnt, 16)], s16, mask=m)
        return cnt + jnp.sum(jnp.where(m, 1, 0))

      cnt = lax.fori_loop(0, C // 16, cbody, jnp.int32(0))

      @pl.when(k + 1 < NCHUNK)
      def _():
        e1 = (k + 1) * C
        pltpu.async_copy(src_hbm.at[pl.ds(e1, C)], srcv, sem_e)
        pltpu.async_copy(dst_hbm.at[pl.ds(e1, C)], dstv, sem_e)

      pad_src = jnp.full((16,), 0, jnp.int32)
      pad_dst = jnp.full((16,), PADV, jnp.int32)
      for t in range(G // 16):
        gsrc[pl.ds(cnt + 16 * t, 16)] = pad_src
        gdst[pl.ds(cnt + 16 * t, 16)] = pad_dst

      nb = (cnt + (G - 1)) // G

      @pl.when(nb > 0)
      def _():
        stage(0, 0, first)
        pltpu.async_copy(x_hbm.at[gix0], rowbuf0, sem_g0)

      def pairbody(p, carry):
        for q in (0, 1):
          b = 2 * p + q

          @pl.when(b < nb)
          def _():
            pltpu.make_async_copy(x_hbm.at[gixs[q]], bufs[q],
                                  gsems[q]).wait()

            @pl.when(b + 1 < nb)
            def _():
              stage(b + 1, 1 - q, first)
              pltpu.async_copy(x_hbm.at[gixs[1 - q]], bufs[1 - q],
                               gsems[1 - q])

            @pl.loop(0, G, unroll=2)
            def _(e):
              e16 = (e // 16) * 16
              dv = gdst[pl.ds(b * G + e16, 16)]
              lane = e - e16
              dscal = jnp.sum(jnp.where(lane_iota == lane, dv, 0))
              dscal = jnp.minimum(dscal, MR - 1)
              for j in range(DP // 16):
                bv = bufs[q][e, pl.ds(16 * j, 16)]
                mv = maxacc[dscal, pl.ds(16 * j, 16)]
                maxacc[dscal, pl.ds(16 * j, 16)] = jnp.maximum(mv, bv)
                sv = sumacc[dscal, pl.ds(16 * j, 16)]
                sumacc[dscal, pl.ds(16 * j, 16)] = sv + bv

        return carry

      lax.fori_loop(0, (nb + 1) // 2, pairbody, jnp.int32(0))

    pltpu.sync_copy(sumacc.at[pl.ds(0, R)], sum_hbm.at[pl.ds(base, R)])
    pltpu.sync_copy(maxacc.at[pl.ds(0, R)], max_hbm.at[pl.ds(base, R)])

  pltpu.sync_copy(degv.at[pl.ds(0, R)], deg_hbm.at[pl.ds(base, R)])


@jax.jit
def _sc_segment(xlo, xhi, src, dst):
  mesh = plsc.VectorSubcoreMesh(core_axis_name="c", subcore_axis_name="s")
  cp = pltpu.CompilerParams()
  if "needs_layout_passes" in pltpu.CompilerParams.__dataclass_fields__:
    cp = dataclasses.replace(cp, needs_layout_passes=False)
  f = pl.kernel(
      _sc_segment_kernel,
      mesh=mesh,
      compiler_params=cp,
      out_type=[
          jax.ShapeDtypeStruct((NPAD, DP), jnp.float32),
          jax.ShapeDtypeStruct((NPAD, DP), jnp.float32),
          jax.ShapeDtypeStruct((NPAD, DP), jnp.float32),
          jax.ShapeDtypeStruct((NPAD, DP), jnp.float32),
          jax.ShapeDtypeStruct((NPAD,), jnp.float32),
      ],
      scratch_types=[
          pltpu.VMEM((C,), jnp.int32),
          pltpu.VMEM((C,), jnp.int32),
          pltpu.VMEM((CPAD,), jnp.int32),
          pltpu.VMEM((CPAD,), jnp.int32),
          pltpu.VMEM((G,), jnp.int32),
          pltpu.VMEM((G,), jnp.int32),
          pltpu.VMEM((G, DP), jnp.float32),
          pltpu.VMEM((G, DP), jnp.float32),
          pltpu.VMEM((MR, DP), jnp.float32),
          pltpu.VMEM((MR, DP), jnp.float32),
          pltpu.VMEM((DEGR,), jnp.float32),
          pltpu.SemaphoreType.DMA,
          pltpu.SemaphoreType.DMA,
          pltpu.SemaphoreType.DMA,
      ],
  )
  return f(xlo, xhi, src, dst)


BN = 2560


def _linear_kernel(x_ref, mlo_ref, mhi_ref, slo_ref, shi_ref,
                   w1_ref, w2lo_ref, w2hi_ref, w3lo_ref, w3hi_ref,
                   b_ref, o_ref):
  acc = jnp.dot(x_ref[...], w1_ref[...], preferred_element_type=jnp.float32)
  for lhs, w in ((mlo_ref, w2lo_ref), (mhi_ref, w2hi_ref),
                 (slo_ref, w3lo_ref), (shi_ref, w3hi_ref)):
    acc = acc + jnp.dot(lhs[...], w[...], preferred_element_type=jnp.float32)
  acc = acc + b_ref[...]
  o_ref[...] = jnp.maximum(acc, 0.0)


@jax.jit
def _tc_linear(xp, mlo, mhi, slo, shi, w1t, w2lo, w2hi, w3lo, w3hi, b2):
  grid = NPAD // BN
  row_spec = lambda nc: pl.BlockSpec((BN, nc), lambda i: (i, 0))
  w_spec = lambda nr: pl.BlockSpec((nr, OUT), lambda i: (0, 0))
  return pl.pallas_call(
      _linear_kernel,
      grid=(grid,),
      in_specs=[
          row_spec(D), row_spec(DP), row_spec(DP), row_spec(DP), row_spec(DP),
          w_spec(D), w_spec(DP), w_spec(DP), w_spec(DP), w_spec(DP),
          pl.BlockSpec((1, OUT), lambda i: (0, 0)),
      ],
      out_specs=pl.BlockSpec((BN, OUT), lambda i: (i, 0)),
      out_shape=jax.ShapeDtypeStruct((NPAD, OUT), jnp.float32),
  )(xp, mlo, mhi, slo, shi, w1t, w2lo, w2hi, w3lo, w3hi, b2)


def kernel(x, edge_index, W, b):
  src = edge_index[0]
  dst = edge_index[1]

  xlo = x[:, :DP]
  xhi = x[:, DP:]
  slo, shi, mlo, mhi, deg = _sc_segment(xlo, xhi, src, dst)

  inv = (1.0 / jnp.maximum(deg, 1.0))[:, None]
  nz = (deg > 0.0)[:, None]
  mean_lo = slo * inv
  mean_hi = shi * inv
  smax_lo = jnp.where(nz, mlo, 0.0)
  smax_hi = jnp.where(nz, mhi, 0.0)

  xp = jnp.zeros((NPAD, D), jnp.float32).at[:N].set(x)
  w1t = W[:, :D].T
  w2lo = W[:, D:D + DP].T
  w2hi = W[:, D + DP:2 * D].T
  w3lo = W[:, 2 * D:2 * D + DP].T
  w3hi = W[:, 2 * D + DP:].T
  b2 = b.reshape(1, OUT)

  h = _tc_linear(xp, mean_lo, mean_hi, smax_lo, smax_hi,
                 w1t, w2lo, w2hi, w3lo, w3hi, b2)
  return h[:N]

# --- scband reference (transcript-rebuilt; emitter-appended) ---
"""Pipeline reference for scband-gcn-11776800326077 (READ-ONLY COPY).

The authoritative reference and input builder live on the scoring server;
editing this copy changes nothing except your own understanding.
"""

import jax, jax.numpy as jnp
import numpy as np

N = 10000
E = 160000
D = 256
OUT = 256


def setup_inputs(seed: int = 0) -> dict:
    key = jax.random.key(seed)
    k1, k2, k3 = jax.random.split(key, 3)
    x = jax.random.normal(k1, (N, D), dtype=jnp.float32)
    edge_index = jax.random.randint(k2, (2, E), 0, N, dtype=jnp.int32)
    # Linear(3*in_feats, out_feats) parameters
    W = jax.random.normal(k3, (OUT, 3 * D), dtype=jnp.float32) * (1.0 / np.sqrt(3 * D))
    b = jnp.zeros((OUT,), dtype=jnp.float32)
    return {"x": x, "edge_index": edge_index, "W": W, "b": b}


def reference(x, edge_index, W, b):
    src = edge_index[0]
    dst = edge_index[1]
    # message: copy src 'h' -> mailbox 'm'
    m = jnp.take(x, src, axis=0)  # [E, D]
    # reduce: concat(mean(mailbox), max(mailbox)) per destination node
    ssum = jax.ops.segment_sum(m, dst, num_segments=N)  # [N, D]
    deg = jax.ops.segment_sum(jnp.ones((E,), dtype=x.dtype), dst, num_segments=N)  # [N]
    mean = ssum / jnp.maximum(deg, 1.0)[:, None]
    smax = jax.ops.segment_max(m, dst, num_segments=N)  # [N, D], -inf for empty segments
    smax = jnp.where(deg[:, None] > 0, smax, jnp.zeros_like(smax))
    hm = jnp.concatenate([mean, smax], axis=1)  # [N, 2D]
    # node apply: Linear(cat(h, hm)) + activation
    h_in = jnp.concatenate([x, hm], axis=1)  # [N, 3D]
    h = h_in @ W.T + b
    h = jax.nn.relu(h)
    return h

if __name__ == "__main__":
    import jax
    _d = setup_inputs()
    print(jax.jit(kernel)(*tuple(_d.values())))

</pallas_src>

<mosaic_0001>
#map = affine_map<(d0, d1) -> (0, 0)>
#map1 = affine_map<(d0, d1) -> (0)>
module attributes {stable_mosaic.version = 14 : i64} {
  func.func @_sc_segment_kernel(%arg0: i32, %arg1: i32, %arg2: memref<10000x128xf32, #tpu.memory_space<hbm>>, %arg3: memref<10000x128xf32, #tpu.memory_space<hbm>>, %arg4: memref<160000xi32, #tpu.memory_space<hbm>>, %arg5: memref<160000xi32, #tpu.memory_space<hbm>>, %arg6: memref<10240x128xf32, #tpu.memory_space<hbm>>, %arg7: memref<10240x128xf32, #tpu.memory_space<hbm>>, %arg8: memref<10240x128xf32, #tpu.memory_space<hbm>>, %arg9: memref<10240x128xf32, #tpu.memory_space<hbm>>, %arg10: memref<10240xf32, #tpu.memory_space<hbm>>, %arg11: memref<3200xi32, #tpu.memory_space<vmem>>, %arg12: memref<3200xi32, #tpu.memory_space<vmem>>, %arg13: memref<3296xi32, #tpu.memory_space<vmem>>, %arg14: memref<3296xi32, #tpu.memory_space<vmem>>, %arg15: memref<48xi32, #tpu.memory_space<vmem>>, %arg16: memref<48xi32, #tpu.memory_space<vmem>>, %arg17: memref<48x128xf32, #tpu.memory_space<vmem>>, %arg18: memref<48x128xf32, #tpu.memory_space<vmem>>, %arg19: memref<328x128xf32, #tpu.memory_space<vmem>>, %arg20: memref<328x128xf32, #tpu.memory_space<vmem>>, %arg21: memref<336xf32, #tpu.memory_space<vmem>>, %arg22: memref<!tpu.dma_semaphore, #tpu.memory_space<semaphore_mem>>, %arg23: memref<!tpu.dma_semaphore, #tpu.memory_space<semaphore_mem>>, %arg24: memref<!tpu.dma_semaphore, #tpu.memory_space<semaphore_mem>>) attributes {dimension_semantics = [#tpu.dimension_semantics<core_parallel>, #tpu.dimension_semantics<subcore_parallel>], iteration_bounds = array<i64: 2, 16>, scalar_prefetch = 0 : i64, scratch_operands = 14 : i64, tpu.core_type = #tpu.core_type<sc_vector_subcore>, window_params = [{transform_indices = #map}, {transform_indices = #map}, {transform_indices = #map1}, {transform_indices = #map1}, {transform_indices = #map}, {transform_indices = #map}, {transform_indices = #map}, {transform_indices = #map}, {transform_indices = #map1}]} {
    %mul3A = arith.constant 16 : i32
    %mul3A_0 = arith.muli %arg0, %mul3A : i32
    %add3A = arith.addi %mul3A_0, %arg1 : i32
    %mul3A_1 = arith.constant 320 : i32
    %mul3A_2 = arith.muli %add3A, %mul3A_1 : i32
    %sub3A = arith.constant 10000 : i32
    %sub3A_3 = arith.subi %sub3A, %mul3A_2 : i32
    %min3A = arith.constant 320 : i32
    %min3A_4 = arith.minsi %min3A, %sub3A_3 : i32
    %iota3A = tpu.iota {dimensions = array<i32: 0>} : vector<16xi32>
    %broadcast_in_dim3A = arith.constant 1.000000e+00 : f32
    %broadcast_in_dim3A_5 = vector.broadcast %broadcast_in_dim3A : f32 to vector<16xf32>
    %broadcast_in_dim3A_6 = arith.constant 0.000000e+00 : f32
    %broadcast_in_dim3A_7 = vector.broadcast %broadcast_in_dim3A_6 : f32 to vector<16xf32>
    %broadcast_in_dim3A_8 = arith.constant -3.40282347E+38 : f32
    %broadcast_in_dim3A_9 = vector.broadcast %broadcast_in_dim3A_8 : f32 to vector<16xf32>
    %scan3A = arith.constant 0 : i32
    %scan3A_10 = arith.constant 21 : i32
    %scan3A_11 = arith.addi %scan3A, %scan3A_10 : i32
    %scan3A_12 = arith.constant 1 : i32
    scf.for %scan3A_49 = %scan3A to %scan3A_11 step %scan3A_12  : i32 {
      %mul3A_50 = arith.constant 1 : i32
      %mul3A_51 = arith.muli %scan3A_49, %mul3A_50 : i32
      %add3A_52 = arith.constant 0 : i32
      %add3A_53 = arith.addi %add3A_52, %mul3A_51 : i32
      %mul3A_54 = arith.constant 16 : i32
      %mul3A_55 = arith.muli %mul3A_54, %add3A_53 : i32
      %swap3A = arith.index_cast %mul3A_55 : i32 to index
      %swap3A_56 = tpu.vector_load %arg21[%swap3A] {strides = array<i32>} : memref<336xf32, #tpu.memory_space<vmem>>, vector<16xf32>,
      tpu.vector_store %arg21[%swap3A], %broadcast_in_dim3A_7 {strides = array<i32>} : memref<336xf32, #tpu.memory_space<vmem>>, vector<16xf32>,
    }
    %scan3A_13 = arith.constant 21 : i32
    %scan3A_14 = arith.constant 0 : i32
    %scan3A_15 = arith.constant 328 : i32
    %scan3A_16 = arith.addi %scan3A_14, %scan3A_15 : i32
    %scan3A_17 = arith.constant 1 : i32
    scf.for %scan3A_49 = %scan3A_14 to %scan3A_16 step %scan3A_17  : i32 {
      %mul3A_50 = arith.constant 1 : i32
      %mul3A_51 = arith.muli %scan3A_49, %mul3A_50 : i32
      %add3A_52 = arith.constant 0 : i32
      %add3A_53 = arith.addi %add3A_52, %mul3A_51 : i32
      %swap3A = arith.index_cast %add3A_53 : i32 to index
      %swap3A_54 = arith.constant 0 : index
      %swap3A_55 = tpu.vector_load %arg19[%swap3A, %swap3A_54] {strides = array<i32>} : memref<328x128xf32, #tpu.memory_space<vmem>>, vector<16xf32>,
      tpu.vector_store %arg19[%swap3A, %swap3A_54], %broadcast_in_dim3A_9 {strides = array<i32>} : memref<328x128xf32, #tpu.memory_space<vmem>>, vector<16xf32>,
      %swap3A_56 = arith.index_cast %add3A_53 : i32 to index
      %swap3A_57 = arith.constant 0 : index
      %swap3A_58 = tpu.vector_load %arg20[%swap3A_56, %swap3A_57] {strides = array<i32>} : memref<328x128xf32, #tpu.memory_space<vmem>>, vector<16xf32>,
      tpu.vector_store %arg20[%swap3A_56, %swap3A_57], %broadcast_in_dim3A_7 {strides = array<i32>} : memref<328x128xf32, #tpu.memory_space<vmem>>, vector<16xf32>,
      %swap3A_59 = arith.index_cast %add3A_53 : i32 to index
      %swap3A_60 = arith.constant 16 : index
      %swap3A_61 = tpu.vector_load %arg19[%swap3A_59, %swap3A_60] {strides = array<i32>} : memref<328x128xf32, #tpu.memory_space<vmem>>, vector<16xf32>,
      tpu.vector_store %arg19[%swap3A_59, %swap3A_60], %broadcast_in_dim3A_9 {strides = array<i32>} : memref<328x128xf32, #tpu.memory_space<vmem>>, vector<16xf32>,
      %swap3A_62 = arith.index_cast %add3A_53 : i32 to index
      %swap3A_63 = arith.constant 16 : index
      %swap3A_64 = tpu.vector_load %arg20[%swap3A_62, %swap3A_63] {strides = array<i32>} : memref<328x128xf32, #tpu.memory_space<vmem>>, vector<16xf32>,
      tpu.vector_store %arg20[%swap3A_62, %swap3A_63], %broadcast_in_dim3A_7 {strides = array<i32>} : memref<328x128xf32, #tpu.memory_space<vmem>>, vector<16xf32>,
      %swap3A_65 = arith.index_cast %add3A_53 : i32 to index
      %swap3A_66 = arith.constant 32 : index
      %swap3A_67 = tpu.vector_load %arg19[%swap3A_65, %swap3A_66] {strides = array<i32>} : memref<328x128xf32, #tpu.memory_space<vmem>>, vector<16xf32>,
      tpu.vector_store %arg19[%swap3A_65, %swap3A_66], %broadcast_in_dim3A_9 {strides = array<i32>} : memref<328x128xf32, #tpu.memory_space<vmem>>, vector<16xf32>,
      %swap3A_68 = arith.index_cast %add3A_53 : i32 to index
      %swap3A_69 = arith.constant 32 : index
      %swap3A_70 = tpu.vector_load %arg20[%swap3A_68, %swap3A_69] {strides = array<i32>} : memref<328x128xf32, #tpu.memory_space<vmem>>, vector<16xf32>,
      tpu.vector_store %arg20[%swap3A_68, %swap3A_69], %broadcast_in_dim3A_7 {strides = array<i32>} : memref<328x128xf32, #tpu.memory_space<vmem>>, vector<16xf32>,
      %swap3A_71 = arith.index_cast %add3A_53 : i32 to index
      %swap3A_72 = arith.constant 48 : index
      %swap3A_73 = tpu.vector_load %arg19[%swap3A_71, %swap3A_72] {strides = array<i32>} : memref<328x128xf32, #tpu.memory_space<vmem>>, vector<16xf32>,
      tpu.vector_store %arg19[%swap3A_71, %swap3A_72], %broadcast_in_dim3A_9 {strides = array<i32>} : memref<328x128xf32, #tpu.memory_space<vmem>>, vector<16xf32>,
      %swap3A_74 = arith.index_cast %add3A_53 : i32 to index
      %swap3A_75 = arith.constant 48 : index
      %swap3A_76 = tpu.vector_load %arg20[%swap3A_74, %swap3A_75] {strides = array<i32>} : memref<328x128xf32, #tpu.memory_space<vmem>>, vector<16xf32>,
      tpu.vector_store %arg20[%swap3A_74, %swap3A_75], %broadcast_in_dim3A_7 {strides = array<i32>} : memref<328x128xf32, #tpu.memory_space<vmem>>, vector<16xf32>,
      %swap3A_77 = arith.index_cast %add3A_53 : i32 to index
      %swap3A_78 = arith.constant 64 : index
      %swap3A_79 = tpu.vector_load %arg19[%swap3A_77, %swap3A_78] {strides = array<i32>} : memref<328x128xf32, #tpu.memory_space<vmem>>, vector<16xf32>,
      tpu.vector_store %arg19[%swap3A_77, %swap3A_78], %broadcast_in_dim3A_9 {strides = array<i32>} : memref<328x128xf32, #tpu.memory_space<vmem>>, vector<16xf32>,
      %swap3A_80 = arith.index_cast %add3A_53 : i32 to index
      %swap3A_81 = arith.constant 64 : index
      %swap3A_82 = tpu.vector_load %arg20[%swap3A_80, %swap3A_81] {strides = array<i32>} : memref<328x128xf32, #tpu.memory_space<vmem>>, vector<16xf32>,
      tpu.vector_store %arg20[%swap3A_80, %swap3A_81], %broadcast_in_dim3A_7 {strides = array<i32>} : memref<328x128xf32, #tpu.memory_space<vmem>>, vector<16xf32>,
      %swap3A_83 = arith.index_cast %add3A_53 : i32 to index
      %swap3A_84 = arith.constant 80 : index
      %swap3A_85 = tpu.vector_load %arg19[%swap3A_83, %swap3A_84] {strides = array<i32>} : memref<328x128xf32, #tpu.memory_space<vmem>>, vector<16xf32>,
      tpu.vector_store %arg19[%swap3A_83, %swap3A_84], %broadcast_in_dim3A_9 {strides = array<i32>} : memref<328x128xf32, #tpu.memory_space<vmem>>, vector<16xf32>,
      %swap3A_86 = arith.index_cast %add3A_53 : i32 to index
      %swap3A_87 = arith.constant 80 : index
      %swap3A_88 = tpu.vector_load %arg20[%swap3A_86, %swap3A_87] {strides = array<i32>} : memref<328x128xf32, #tpu.memory_space<vmem>>, vector<16xf32>,
      tpu.vector_store %arg20[%swap3A_86, %swap3A_87], %broadcast_in_dim3A_7 {strides = array<i32>} : memref<328x128xf32, #tpu.memory_space<vmem>>, vector<16xf32>,
      %swap3A_89 = arith.index_cast %add3A_53 : i32 to index
      %swap3A_90 = arith.constant 96 : index
      %swap3A_91 = tpu.vector_load %arg19[%swap3A_89, %swap3A_90] {strides = array<i32>} : memref<328x128xf32, #tpu.memory_space<vmem>>, vector<16xf32>,
      tpu.vector_store %arg19[%swap3A_89, %swap3A_90], %broadcast_in_dim3A_9 {strides = array<i32>} : memref<328x128xf32, #tpu.memory_space<vmem>>, vector<16xf32>,
      %swap3A_92 = arith.index_cast %add3A_53 : i32 to index
      %swap3A_93 = arith.constant 96 : index
      %swap3A_94 = tpu.vector_load %arg20[%swap3A_92, %swap3A_93] {strides = array<i32>} : memref<328x128xf32, #tpu.memory_space<vmem>>, vector<16xf32>,
      tpu.vector_store %arg20[%swap3A_92, %swap3A_93], %broadcast_in_dim3A_7 {strides = array<i32>} : memref<328x128xf32, #tpu.memory_space<vmem>>, vector<16xf32>,
      %swap3A_95 = arith.index_cast %add3A_53 : i32 to index
      %swap3A_96 = arith.constant 112 : index
      %swap3A_97 = tpu.vector_load %arg19[%swap3A_95, %swap3A_96] {strides = array<i32>} : memref<328x128xf32, #tpu.memory_space<vmem>>, vector<16xf32>,
      tpu.vector_store %arg19[%swap3A_95, %swap3A_96], %broadcast_in_dim3A_9 {strides = array<i32>} : memref<328x128xf32, #tpu.memory_space<vmem>>, vector<16xf32>,
      %swap3A_98 = arith.index_cast %add3A_53 : i32 to index
      %swap3A_99 = arith.constant 112 : index
      %swap3A_100 = tpu.vector_load %arg20[%swap3A_98, %swap3A_99] {strides = array<i32>} : memref<328x128xf32, #tpu.memory_space<vmem>>, vector<16xf32>,
      tpu.vector_store %arg20[%swap3A_98, %swap3A_99], %broadcast_in_dim3A_7 {strides = array<i32>} : memref<328x128xf32, #tpu.memory_space<vmem>>, vector<16xf32>,
    }
    %scan3A_18 = arith.constant 328 : i32
    %dma_start3A = arith.constant 0 : i32
    %dma_start3A_19 = tpu.memref_slice %arg4[%dma_start3A] : memref<160000xi32, #tpu.memory_space<hbm>> -> memref<3200xi32, #tpu.memory_space<hbm>>
    %dma_start3A_20 = arith.constant 0 : i32
    %dma_start3A_21 = tpu.memref_slice %arg4[%dma_start3A_20] : memref<160000xi32, #tpu.memory_space<hbm>> -> memref<3200xi32, #tpu.memory_space<hbm>>
    tpu.enqueue_dma source(%dma_start3A_21 : memref<3200xi32, #tpu.memory_space<hbm>>) target(%arg11 : memref<3200xi32, #tpu.memory_space<vmem>>) target_semaphore(%arg22 : memref<!tpu.dma_semaphore, #tpu.memory_space<semaphore_mem>>)
    %dma_start3A_22 = arith.constant 0 : i32
    %dma_start3A_23 = tpu.memref_slice %arg5[%dma_start3A_22] : memref<160000xi32, #tpu.memory_space<hbm>> -> memref<3200xi32, #tpu.memory_space<hbm>>
    %dma_start3A_24 = arith.constant 0 : i32
    %dma_start3A_25 = tpu.memref_slice %arg5[%dma_start3A_24] : memref<160000xi32, #tpu.memory_space<hbm>> -> memref<3200xi32, #tpu.memory_space<hbm>>
    tpu.enqueue_dma source(%dma_start3A_25 : memref<3200xi32, #tpu.memory_space<hbm>>) target(%arg12 : memref<3200xi32, #tpu.memory_space<vmem>>) target_semaphore(%arg22 : memref<!tpu.dma_semaphore, #tpu.memory_space<semaphore_mem>>)
    %scan3A_26 = arith.constant 0 : i32
    %scan3A_27 = arith.constant 50 : i32
    %scan3A_28 = arith.addi %scan3A_26, %scan3A_27 : i32
    %scan3A_29 = arith.constant 1 : i32
    scf.for %scan3A_49 = %scan3A_26 to %scan3A_28 step %scan3A_29  : i32 {
      %mul3A_50 = arith.constant 1 : i32
      %mul3A_51 = arith.muli %scan3A_49, %mul3A_50 : i32
      %add3A_52 = arith.constant 0 : i32
      %add3A_53 = arith.addi %add3A_52, %mul3A_51 : i32
      %dma_wait3A = arith.constant 0 : i32
      %dma_wait3A_54 = tpu.memref_slice %arg4[%dma_wait3A] : memref<160000xi32, #tpu.memory_space<hbm>> -> memref<3200xi32, #tpu.memory_space<hbm>>
      %dma_wait3A_55 = arith.constant 0 : i32
      %dma_wait3A_56 = tpu.memref_slice %arg4[%dma_wait3A_55] : memref<160000xi32, #tpu.memory_space<hbm>> -> memref<3200xi32, #tpu.memory_space<hbm>>
      tpu.wait_dma2 semaphore(%arg22 : memref<!tpu.dma_semaphore, #tpu.memory_space<semaphore_mem>>) src(%dma_wait3A_56 : memref<3200xi32, #tpu.memory_space<hbm>>) dst(%arg11 : memref<3200xi32, #tpu.memory_space<vmem>>)
      %dma_wait3A_57 = arith.constant 0 : i32
      %dma_wait3A_58 = tpu.memref_slice %arg5[%dma_wait3A_57] : memref<160000xi32, #tpu.memory_space<hbm>> -> memref<3200xi32, #tpu.memory_space<hbm>>
      %dma_wait3A_59 = arith.constant 0 : i32
      %dma_wait3A_60 = tpu.memref_slice %arg5[%dma_wait3A_59] : memref<160000xi32, #tpu.memory_space<hbm>> -> memref<3200xi32, #tpu.memory_space<hbm>>
      tpu.wait_dma2 semaphore(%arg22 : memref<!tpu.dma_semaphore, #tpu.memory_space<semaphore_mem>>) src(%dma_wait3A_60 : memref<3200xi32, #tpu.memory_space<hbm>>) dst(%arg12 : memref<3200xi32, #tpu.memory_space<vmem>>)
      %scan3A_61 = arith.constant 0 : i32
      %scan3A_62 = arith.constant 0 : i32
      %scan3A_63 = arith.constant 200 : i32
      %scan3A_64 = arith.addi %scan3A_62, %scan3A_63 : i32
      %scan3A_65 = arith.constant 1 : i32
      %scan3A_66 = scf.for %scan3A_157 = %scan3A_62 to %scan3A_64 step %scan3A_65 iter_args(%scan3A_158 = %scan3A_61) -> (i32)  : i32 {
        %mul3A_159 = arith.constant 16 : i32
        %mul3A_160 = arith.muli %mul3A_159, %scan3A_157 : i32
        %get3A = arith.index_cast %mul3A_160 : i32 to index
        %get3A_161 = tpu.vector_load %arg12[%get3A] {strides = array<i32>} : memref<3200xi32, #tpu.memory_space<vmem>>, vector<16xi32>,
        %mul3A_162 = arith.constant 16 : i32
        %mul3A_163 = arith.muli %mul3A_162, %scan3A_157 : i32
        %get3A_164 = arith.index_cast %mul3A_163 : i32 to index
        %get3A_165 = tpu.vector_load %arg11[%get3A_164] {strides = array<i32>} : memref<3200xi32, #tpu.memory_space<vmem>>, vector<16xi32>,
        %sub3A_166 = vector.broadcast %mul3A_2 : i32 to vector<16xi32>
        %sub3A_167 = arith.subi %get3A_161, %sub3A_166 : vector<16xi32>
        %ge3A = arith.constant 0 : i32
        %ge3A_168 = vector.broadcast %ge3A : i32 to vector<16xi32>
        %ge3A_169 = arith.cmpi sge, %sub3A_167, %ge3A_168 : vector<16xi32>
        %lt3A_170 = vector.broadcast %min3A_4 : i32 to vector<16xi32>
        %lt3A_171 = arith.cmpi slt, %sub3A_167, %lt3A_170 : vector<16xi32>
        %and3A_172 = arith.andi %ge3A_169, %lt3A_171 : vector<16xi1>
        %swap3A_173 = arith.index_cast %scan3A_158 : i32 to index
        %swap3A_174 = tpu.vector_load %arg14[%swap3A_173] masked %and3A_172 {strides = array<i32>} : memref<3296xi32, #tpu.memory_space<vmem>>, vector<16xi32>, vector<16xi1>
        tpu.vector_store %arg14[%swap3A_173], %sub3A_167 masked %and3A_172 {strides = array<i32>} : memref<3296xi32, #tpu.memory_space<vmem>>, vector<16xi32>, vector<16xi1>
        %swap3A_175 = arith.index_cast %scan3A_158 : i32 to index
        %swap3A_176 = tpu.vector_load %arg13[%swap3A_175] masked %and3A_172 {strides = array<i32>} : memref<3296xi32, #tpu.memory_space<vmem>>, vector<16xi32>, vector<16xi1>
        tpu.vector_store %arg13[%swap3A_175], %get3A_165 masked %and3A_172 {strides = array<i32>} : memref<3296xi32, #tpu.memory_space<vmem>>, vector<16xi32>, vector<16xi1>
        %jit3A_177 = arith.constant 1 : i32
        %jit3A_178 = arith.constant 0 : i32
        %broadcast_in_dim3A_179 = vector.broadcast %jit3A_177 : i32 to vector<16xi32>
        %broadcast_in_dim3A_180 = vector.broadcast %jit3A_178 : i32 to vector<16xi32>
        %select_n3A_181 = arith.select %and3A_172, %broadcast_in_dim3A_179, %broadcast_in_dim3A_180 : vector<16xi1>, vector<16xi32>
        %reduce_sum3A = arith.constant true
        %reduce_sum3A_182 = vector.broadcast %reduce_sum3A : i1 to vector<16xi1>
        %reduce_sum3A_183 = tpu.scan <sum>, %select_n3A_181 masked %reduce_sum3A_182 : vector<16xi32>, vector<16xi1> -> vector<16xi32>
        %reduce_sum3A_184 = vector.extract %reduce_sum3A_183[15] : i32 from vector<16xi32>
        %add3A_185 = arith.addi %scan3A_158, %reduce_sum3A_184 : i32
        scf.yield %add3A_185 : i32
      }
      %scan3A_67 = arith.constant 200 : i32
      %add3A_68 = arith.constant 1 : i32
      %add3A_69 = arith.addi %add3A_53, %add3A_68 : i32
      %lt3A = arith.constant 50 : i32
      %lt3A_70 = arith.cmpi slt, %add3A_69, %lt3A : i32
      %convert_element_type3A = arith.extui %lt3A_70 : i1 to i32
      %cond3A = arith.constant 0 : i32
      %cond3A_71 = arith.cmpi ne, %convert_element_type3A, %cond3A : i32
      scf.if %cond3A_71 {
        %add3A_157 = arith.constant 1 : i32
        %add3A_158 = arith.addi %add3A_53, %add3A_157 : i32
        %mul3A_159 = arith.constant 3200 : i32
        %mul3A_160 = arith.muli %add3A_158, %mul3A_159 : i32
        %dma_start3A_161 = tpu.memref_slice %arg4[%mul3A_160] : memref<160000xi32, #tpu.memory_space<hbm>> -> memref<3200xi32, #tpu.memory_space<hbm>>
        %dma_start3A_162 = tpu.memref_slice %arg4[%mul3A_160] : memref<160000xi32, #tpu.memory_space<hbm>> -> memref<3200xi32, #tpu.memory_space<hbm>>
        tpu.enqueue_dma source(%dma_start3A_162 : memref<3200xi32, #tpu.memory_space<hbm>>) target(%arg11 : memref<3200xi32, #tpu.memory_space<vmem>>) target_semaphore(%arg22 : memref<!tpu.dma_semaphore, #tpu.memory_space<semaphore_mem>>)
        %dma_start3A_163 = tpu.memref_slice %arg5[%mul3A_160] : memref<160000xi32, #tpu.memory_space<hbm>> -> memref<3200xi32, #tpu.memory_space<hbm>>
        %dma_start3A_164 = tpu.memref_slice %arg5[%mul3A_160] : memref<160000xi32, #tpu.memory_space<hbm>> -> memref<3200xi32, #tpu.memory_space<hbm>>
        tpu.enqueue_dma source(%dma_start3A_164 : memref<3200xi32, #tpu.memory_space<hbm>>) target(%arg12 : memref<3200xi32, #tpu.memory_space<vmem>>) target_semaphore(%arg22 : memref<!tpu.dma_semaphore, #tpu.memory_space<semaphore_mem>>)
      } else {
      }
      %broadcast_in_dim3A_72 = arith.constant 0 : i32
      %broadcast_in_dim3A_73 = vector.broadcast %broadcast_in_dim3A_72 : i32 to vector<16xi32>
      %broadcast_in_dim3A_74 = arith.constant 1048576 : i32
      %broadcast_in_dim3A_75 = vector.broadcast %broadcast_in_dim3A_74 : i32 to vector<16xi32>
      %add3A_76 = arith.constant 0 : i32
      %add3A_77 = arith.addi %scan3A_66, %add3A_76 : i32
      %swap3A = arith.index_cast %add3A_77 : i32 to index
      %swap3A_78 = tpu.vector_load %arg13[%swap3A] {strides = array<i32>} : memref<3296xi32, #tpu.memory_space<vmem>>, vector<16xi32>,
      tpu.vector_store %arg13[%swap3A], %broadcast_in_dim3A_73 {strides = array<i32>} : memref<3296xi32, #tpu.memory_space<vmem>>, vector<16xi32>,
      %add3A_79 = arith.constant 0 : i32
      %add3A_80 = arith.addi %scan3A_66, %add3A_79 : i32
      %swap3A_81 = arith.index_cast %add3A_80 : i32 to index
      %swap3A_82 = tpu.vector_load %arg14[%swap3A_81] {strides = array<i32>} : memref<3296xi32, #tpu.memory_space<vmem>>, vector<16xi32>,
      tpu.vector_store %arg14[%swap3A_81], %broadcast_in_dim3A_75 {strides = array<i32>} : memref<3296xi32, #tpu.memory_space<vmem>>, vector<16xi32>,
      %add3A_83 = arith.constant 16 : i32
      %add3A_84 = arith.addi %scan3A_66, %add3A_83 : i32
      %swap3A_85 = arith.index_cast %add3A_84 : i32 to index
      %swap3A_86 = tpu.vector_load %arg13[%swap3A_85] {strides = array<i32>} : memref<3296xi32, #tpu.memory_space<vmem>>, vector<16xi32>,
      tpu.vector_store %arg13[%swap3A_85], %broadcast_in_dim3A_73 {strides = array<i32>} : memref<3296xi32, #tpu.memory_space<vmem>>, vector<16xi32>,
      %add3A_87 = arith.constant 16 : i32
      %add3A_88 = arith.addi %scan3A_66, %add3A_87 : i32
      %swap3A_89 = arith.index_cast %add3A_88 : i32 to index
      %swap3A_90 = tpu.vector_load %arg14[%swap3A_89] {strides = array<i32>} : memref<3296xi32, #tpu.memory_space<vmem>>, vector<16xi32>,
      tpu.vector_store %arg14[%swap3A_89], %broadcast_in_dim3A_75 {strides = array<i32>} : memref<3296xi32, #tpu.memory_space<vmem>>, vector<16xi32>,
      %add3A_91 = arith.constant 32 : i32
      %add3A_92 = arith.addi %scan3A_66, %add3A_91 : i32
      %swap3A_93 = arith.index_cast %add3A_92 : i32 to index
      %swap3A_94 = tpu.vector_load %arg13[%swap3A_93] {strides = array<i32>} : memref<3296xi32, #tpu.memory_space<vmem>>, vector<16xi32>,
      tpu.vector_store %arg13[%swap3A_93], %broadcast_in_dim3A_73 {strides = array<i32>} : memref<3296xi32, #tpu.memory_space<vmem>>, vector<16xi32>,
      %add3A_95 = arith.constant 32 : i32
      %add3A_96 = arith.addi %scan3A_66, %add3A_95 : i32
      %swap3A_97 = arith.index_cast %add3A_96 : i32 to index
      %swap3A_98 = tpu.vector_load %arg14[%swap3A_97] {strides = array<i32>} : memref<3296xi32, #tpu.memory_space<vmem>>, vector<16xi32>,
      tpu.vector_store %arg14[%swap3A_97], %broadcast_in_dim3A_75 {strides = array<i32>} : memref<3296xi32, #tpu.memory_space<vmem>>, vector<16xi32>,
      %add3A_99 = arith.constant 47 : i32
      %add3A_100 = arith.addi %scan3A_66, %add3A_99 : i32
      %jit3A = arith.constant 48 : i32
      %div3A = arith.divsi %add3A_100, %jit3A : i32
      %sign3A = arith.constant 0 : i32
      %sign3A_101 = arith.cmpi sgt, %add3A_100, %sign3A : i32
      %sign3A_102 = arith.extui %sign3A_101 : i1 to i32
      %sign3A_103 = arith.constant 0 : i32
      %sign3A_104 = arith.cmpi slt, %add3A_100, %sign3A_103 : i32
      %sign3A_105 = arith.extui %sign3A_104 : i1 to i32
      %sign3A_106 = arith.subi %sign3A_102, %sign3A_105 : i32
      %sign3A_107 = arith.constant 0 : i32
      %sign3A_108 = arith.cmpi sgt, %jit3A, %sign3A_107 : i32
      %sign3A_109 = arith.extui %sign3A_108 : i1 to i32
      %sign3A_110 = arith.constant 0 : i32
      %sign3A_111 = arith.cmpi slt, %jit3A, %sign3A_110 : i32
      %sign3A_112 = arith.extui %sign3A_111 : i1 to i32
      %sign3A_113 = arith.subi %sign3A_109, %sign3A_112 : i32
      %ne3A = arith.cmpi ne, %sign3A_106, %sign3A_113 : i32
      %rem3A = arith.remsi %add3A_100, %jit3A : i32
      %ne3A_114 = arith.constant 0 : i32
      %ne3A_115 = arith.cmpi ne, %rem3A, %ne3A_114 : i32
      %and3A = arith.andi %ne3A, %ne3A_115 : i1
      %sub3A_116 = arith.constant 1 : i32
      %sub3A_117 = arith.subi %div3A, %sub3A_116 : i32
      %select_n3A = arith.select %and3A, %sub3A_117, %div3A : i32
      %gt3A = arith.constant 0 : i32
      %gt3A_118 = arith.cmpi sgt, %select_n3A, %gt3A : i32
      %convert_element_type3A_119 = arith.extui %gt3A_118 : i1 to i32
      %cond3A_120 = arith.constant 0 : i32
      %cond3A_121 = arith.cmpi ne, %convert_element_type3A_119, %cond3A_120 : i32
      scf.if %cond3A_121 {
        %get3A = arith.constant 0 : index
        %get3A_157 = tpu.vector_load %arg13[%get3A] {strides = array<i32>} : memref<3296xi32, #tpu.memory_space<vmem>>, vector<16xi32>,
        %swap3A_158 = arith.constant 0 : index
        %swap3A_159 = tpu.vector_load %arg15[%swap3A_158] {strides = array<i32>} : memref<48xi32, #tpu.memory_space<vmem>>, vector<16xi32>,
        tpu.vector_store %arg15[%swap3A_158], %get3A_157 {strides = array<i32>} : memref<48xi32, #tpu.memory_space<vmem>>, vector<16xi32>,
        %get3A_160 = arith.constant 0 : index
        %get3A_161 = tpu.vector_load %arg14[%get3A_160] {strides = array<i32>} : memref<3296xi32, #tpu.memory_space<vmem>>, vector<16xi32>,
        %min3A_162 = arith.constant 335 : i32
        %min3A_163 = vector.broadcast %min3A_162 : i32 to vector<16xi32>
        %min3A_164 = arith.minsi %get3A_161, %min3A_163 : vector<16xi32>
        %lt3A_165 = arith.constant 320 : i32
        %lt3A_166 = vector.broadcast %lt3A_165 : i32 to vector<16xi32>
        %lt3A_167 = arith.cmpi slt, %get3A_161, %lt3A_166 : vector<16xi32>
        tpu.vector_store_idx %arg21[%min3A_164], %broadcast_in_dim3A_5 masked %lt3A_167 {add = true} : memref<336xf32, #tpu.memory_space<vmem>>[vector<16xi32>], vector<16xf32>, vector<16xi1>
        %get3A_168 = arith.constant 16 : index
        %get3A_169 = tpu.vector_load %arg13[%get3A_168] {strides = array<i32>} : memref<3296xi32, #tpu.memory_space<vmem>>, vector<16xi32>,
        %swap3A_170 = arith.constant 16 : index
        %swap3A_171 = tpu.vector_load %arg15[%swap3A_170] {strides = array<i32>} : memref<48xi32, #tpu.memory_space<vmem>>, vector<16xi32>,
        tpu.vector_store %arg15[%swap3A_170], %get3A_169 {strides = array<i32>} : memref<48xi32, #tpu.memory_space<vmem>>, vector<16xi32>,
        %get3A_172 = arith.constant 16 : index
        %get3A_173 = tpu.vector_load %arg14[%get3A_172] {strides = array<i32>} : memref<3296xi32, #tpu.memory_space<vmem>>, vector<16xi32>,
        %min3A_174 = arith.constant 335 : i32
        %min3A_175 = vector.broadcast %min3A_174 : i32 to vector<16xi32>
        %min3A_176 = arith.minsi %get3A_173, %min3A_175 : vector<16xi32>
        %lt3A_177 = arith.constant 320 : i32
        %lt3A_178 = vector.broadcast %lt3A_177 : i32 to vector<16xi32>
        %lt3A_179 = arith.cmpi slt, %get3A_173, %lt3A_178 : vector<16xi32>
        tpu.vector_store_idx %arg21[%min3A_176], %broadcast_in_dim3A_5 masked %lt3A_179 {add = true} : memref<336xf32, #tpu.memory_space<vmem>>[vector<16xi32>], vector<16xf32>, vector<16xi1>
        %get3A_180 = arith.constant 32 : index
        %get3A_181 = tpu.vector_load %arg13[%get3A_180] {strides = array<i32>} : memref<3296xi32, #tpu.memory_space<vmem>>, vector<16xi32>,
        %swap3A_182 = arith.constant 32 : index
        %swap3A_183 = tpu.vector_load %arg15[%swap3A_182] {strides = array<i32>} : memref<48xi32, #tpu.memory_space<vmem>>, vector<16xi32>,
        tpu.vector_store %arg15[%swap3A_182], %get3A_181 {strides = array<i32>} : memref<48xi32, #tpu.memory_space<vmem>>, vector<16xi32>,
        %get3A_184 = arith.constant 32 : index
        %get3A_185 = tpu.vector_load %arg14[%get3A_184] {strides = array<i32>} : memref<3296xi32, #tpu.memory_space<vmem>>, vector<16xi32>,
        %min3A_186 = arith.constant 335 : i32
        %min3A_187 = vector.broadcast %min3A_186 : i32 to vector<16xi32>
        %min3A_188 = arith.minsi %get3A_185, %min3A_187 : vector<16xi32>
        %lt3A_189 = arith.constant 320 : i32
        %lt3A_190 = vector.broadcast %lt3A_189 : i32 to vector<16xi32>
        %lt3A_191 = arith.cmpi slt, %get3A_185, %lt3A_190 : vector<16xi32>
        tpu.vector_store_idx %arg21[%min3A_188], %broadcast_in_dim3A_5 masked %lt3A_191 {add = true} : memref<336xf32, #tpu.memory_space<vmem>>[vector<16xi32>], vector<16xf32>, vector<16xi1>
        %dma_start3A_192 = arith.constant 0 : i32
        %dma_start3A_193 = arith.constant 0 : i32
        %dma_start3A_194 = tpu.memref_slice %arg2[%dma_start3A_192, %dma_start3A_193] : memref<10000x128xf32, #tpu.memory_space<hbm>> -> memref<10000x128xf32, #tpu.memory_space<hbm>>
        tpu.enqueue_indirect_dma source(%dma_start3A_194 : memref<10000x128xf32, #tpu.memory_space<hbm>>) target(%arg17 : memref<48x128xf32, #tpu.memory_space<vmem>>) offsets(%arg15 : memref<48xi32, #tpu.memory_space<vmem>>) semaphore(%arg23 : memref<!tpu.dma_semaphore, #tpu.memory_space<semaphore_mem>>)
      } else {
      }
      %add3A_122 = arith.constant 1 : i32
      %add3A_123 = arith.addi %select_n3A, %add3A_122 : i32
      %jit3A_124 = arith.constant 2 : i32
      %div3A_125 = arith.divsi %add3A_123, %jit3A_124 : i32
      %sign3A_126 = arith.constant 0 : i32
      %sign3A_127 = arith.cmpi sgt, %add3A_123, %sign3A_126 : i32
      %sign3A_128 = arith.extui %sign3A_127 : i1 to i32
      %sign3A_129 = arith.constant 0 : i32
      %sign3A_130 = arith.cmpi slt, %add3A_123, %sign3A_129 : i32
      %sign3A_131 = arith.extui %sign3A_130 : i1 to i32
      %sign3A_132 = arith.subi %sign3A_128, %sign3A_131 : i32
      %sign3A_133 = arith.constant 0 : i32
      %sign3A_134 = arith.cmpi sgt, %jit3A_124, %sign3A_133 : i32
      %sign3A_135 = arith.extui %sign3A_134 : i1 to i32
      %sign3A_136 = arith.constant 0 : i32
      %sign3A_137 = arith.cmpi slt, %jit3A_124, %sign3A_136 : i32
      %sign3A_138 = arith.extui %sign3A_137 : i1 to i32
      %sign3A_139 = arith.subi %sign3A_135, %sign3A_138 : i32
      %ne3A_140 = arith.cmpi ne, %sign3A_132, %sign3A_139 : i32
      %rem3A_141 = arith.remsi %add3A_123, %jit3A_124 : i32
      %ne3A_142 = arith.constant 0 : i32
      %ne3A_143 = arith.cmpi ne, %rem3A_141, %ne3A_142 : i32
      %and3A_144 = arith.andi %ne3A_140, %ne3A_143 : i1
      %sub3A_145 = arith.constant 1 : i32
      %sub3A_146 = arith.subi %div3A_125, %sub3A_145 : i32
      %select_n3A_147 = arith.select %and3A_144, %sub3A_146, %div3A_125 : i32
      %while3A = arith.constant 0 : i32
      %while3A_148 = arith.constant 0 : i32
      %while3A_149 = arith.subi %select_n3A_147, %while3A_148 : i32
      %while3A_150 = arith.addi %while3A_148, %while3A_149 : i32
      %while3A_151 = arith.constant 1 : i32
      %while3A_152 = arith.divsi %while3A_149, %while3A_151 : i32
      %while3A_153 = arith.muli %while3A_152, %while3A_151 : i32
      %while3A_154 = arith.addi %while3A_148, %while3A_153 : i32
      %while3A_155 = arith.constant 1 : i32
      scf.for %while3A_157 = %while3A_148 to %while3A_154 step %while3A_155  : i32 {
        %mul3A_158 = arith.constant 2 : i32
        %mul3A_159 = arith.muli %mul3A_158, %while3A_157 : i32
        %add3A_160 = arith.constant 0 : i32
        %add3A_161 = arith.addi %mul3A_159, %add3A_160 : i32
        %lt3A_162 = arith.cmpi slt, %add3A_161, %select_n3A : i32
        %convert_element_type3A_163 = arith.extui %lt3A_162 : i1 to i32
        %cond3A_164 = arith.constant 0 : i32
        %cond3A_165 = arith.cmpi ne, %convert_element_type3A_163, %cond3A_164 : i32
        scf.if %cond3A_165 {
          %dma_wait3A_174 = arith.constant 0 : i32
          %dma_wait3A_175 = arith.constant 0 : i32
          %dma_wait3A_176 = tpu.memref_slice %arg2[%dma_wait3A_174, %dma_wait3A_175] : memref<10000x128xf32, #tpu.memory_space<hbm>> -> memref<10000x128xf32, #tpu.memory_space<hbm>>
          tpu.wait_indirect_dma semaphore(%arg23 : memref<!tpu.dma_semaphore, #tpu.memory_space<semaphore_mem>>) src(%dma_wait3A_176 : memref<10000x128xf32, #tpu.memory_space<hbm>>) dst(%arg17 : memref<48x128xf32, #tpu.memory_space<vmem>>)
          %add3A_177 = arith.constant 1 : i32
          %add3A_178 = arith.addi %add3A_161, %add3A_177 : i32
          %lt3A_179 = arith.cmpi slt, %add3A_178, %select_n3A : i32
          %convert_element_type3A_180 = arith.extui %lt3A_179 : i1 to i32
          %cond3A_181 = arith.constant 0 : i32
          %cond3A_182 = arith.cmpi ne, %convert_element_type3A_180, %cond3A_181 : i32
          scf.if %cond3A_182 {
            %add3A_188 = arith.constant 1 : i32
            %add3A_189 = arith.addi %add3A_161, %add3A_188 : i32
            %mul3A_190 = arith.constant 48 : i32
            %mul3A_191 = arith.muli %add3A_189, %mul3A_190 : i32
            %add3A_192 = arith.constant 0 : i32
            %add3A_193 = arith.addi %mul3A_191, %add3A_192 : i32
            %get3A = arith.index_cast %add3A_193 : i32 to index
            %get3A_194 = tpu.vector_load %arg13[%get3A] {strides = array<i32>} : memref<3296xi32, #tpu.memory_space<vmem>>, vector<16xi32>,
            %swap3A_195 = arith.constant 0 : index
            %swap3A_196 = tpu.vector_load %arg16[%swap3A_195] {strides = array<i32>} : memref<48xi32, #tpu.memory_space<vmem>>, vector<16xi32>,
            tpu.vector_store %arg16[%swap3A_195], %get3A_194 {strides = array<i32>} : memref<48xi32, #tpu.memory_space<vmem>>, vector<16xi32>,
            %add3A_197 = arith.constant 0 : i32
            %add3A_198 = arith.addi %mul3A_191, %add3A_197 : i32
            %get3A_199 = arith.index_cast %add3A_198 : i32 to index
            %get3A_200 = tpu.vector_load %arg14[%get3A_199] {strides = array<i32>} : memref<3296xi32, #tpu.memory_space<vmem>>, vector<16xi32>,
            %min3A_201 = arith.constant 335 : i32
            %min3A_202 = vector.broadcast %min3A_201 : i32 to vector<16xi32>
            %min3A_203 = arith.minsi %get3A_200, %min3A_202 : vector<16xi32>
            %lt3A_204 = arith.constant 320 : i32
            %lt3A_205 = vector.broadcast %lt3A_204 : i32 to vector<16xi32>
            %lt3A_206 = arith.cmpi slt, %get3A_200, %lt3A_205 : vector<16xi32>
            tpu.vector_store_idx %arg21[%min3A_203], %broadcast_in_dim3A_5 masked %lt3A_206 {add = true} : memref<336xf32, #tpu.memory_space<vmem>>[vector<16xi32>], vector<16xf32>, vector<16xi1>
            %add3A_207 = arith.constant 16 : i32
            %add3A_208 = arith.addi %mul3A_191, %add3A_207 : i32
            %get3A_209 = arith.index_cast %add3A_208 : i32 to index
            %get3A_210 = tpu.vector_load %arg13[%get3A_209] {strides = array<i32>} : memref<3296xi32, #tpu.memory_space<vmem>>, vector<16xi32>,
            %swap3A_211 = arith.constant 16 : index
            %swap3A_212 = tpu.vector_load %arg16[%swap3A_211] {strides = array<i32>} : memref<48xi32, #tpu.memory_space<vmem>>, vector<16xi32>,
            tpu.vector_store %arg16[%swap3A_211], %get3A_210 {strides = array<i32>} : memref<48xi32, #tpu.memory_space<vmem>>, vector<16xi32>,
            %add3A_213 = arith.constant 16 : i32
            %add3A_214 = arith.addi %mul3A_191, %add3A_213 : i32
            %get3A_215 = arith.index_cast %add3A_214 : i32 to index
            %get3A_216 = tpu.vector_load %arg14[%get3A_215] {strides = array<i32>} : memref<3296xi32, #tpu.memory_space<vmem>>, vector<16xi32>,
            %min3A_217 = arith.constant 335 : i32
            %min3A_218 = vector.broadcast %min3A_217 : i32 to vector<16xi32>
            %min3A_219 = arith.minsi %get3A_216, %min3A_218 : vector<16xi32>
            %lt3A_220 = arith.constant 320 : i32
            %lt3A_221 = vector.broadcast %lt3A_220 : i32 to vector<16xi32>
            %lt3A_222 = arith.cmpi slt, %get3A_216, %lt3A_221 : vector<16xi32>
            tpu.vector_store_idx %arg21[%min3A_219], %broadcast_in_dim3A_5 masked %lt3A_222 {add = true} : memref<336xf32, #tpu.memory_space<vmem>>[vector<16xi32>], vector<16xf32>, vector<16xi1>
            %add3A_223 = arith.constant 32 : i32
            %add3A_224 = arith.addi %mul3A_191, %add3A_223 : i32
            %get3A_225 = arith.index_cast %add3A_224 : i32 to index
            %get3A_226 = tpu.vector_load %arg13[%get3A_225] {strides = array<i32>} : memref<3296xi32, #tpu.memory_space<vmem>>, vector<16xi32>,
            %swap3A_227 = arith.constant 32 : index
            %swap3A_228 = tpu.vector_load %arg16[%swap3A_227] {strides = array<i32>} : memref<48xi32, #tpu.memory_space<vmem>>, vector<16xi32>,
            tpu.vector_store %arg16[%swap3A_227], %get3A_226 {strides = array<i32>} : memref<48xi32, #tpu.memory_space<vmem>>, vector<16xi32>,
            %add3A_229 = arith.constant 32 : i32
            %add3A_230 = arith.addi %mul3A_191, %add3A_229 : i32
            %get3A_231 = arith.index_cast %add3A_230 : i32 to index
            %get3A_232 = tpu.vector_load %arg14[%get3A_231] {strides = array<i32>} : memref<3296xi32, #tpu.memory_space<vmem>>, vector<16xi32>,
            %min3A_233 = arith.constant 335 : i32
            %min3A_234 = vector.broadcast %min3A_233 : i32 to vector<16xi32>
            %min3A_235 = arith.minsi %get3A_232, %min3A_234 : vector<16xi32>
            %lt3A_236 = arith.constant 320 : i32
            %lt3A_237 = vector.broadcast %lt3A_236 : i32 to vector<16xi32>
            %lt3A_238 = arith.cmpi slt, %get3A_232, %lt3A_237 : vector<16xi32>
            tpu.vector_store_idx %arg21[%min3A_235], %broadcast_in_dim3A_5 masked %lt3A_238 {add = true} : memref<336xf32, #tpu.memory_space<vmem>>[vector<16xi32>], vector<16xf32>, vector<16xi1>
            %dma_start3A_239 = arith.constant 0 : i32
            %dma_start3A_240 = arith.constant 0 : i32
            %dma_start3A_241 = tpu.memref_slice %arg2[%dma_start3A_239, %dma_start3A_240] : memref<10000x128xf32, #tpu.memory_space<hbm>> -> memref<10000x128xf32, #tpu.memory_space<hbm>>
            tpu.enqueue_indirect_dma source(%dma_start3A_241 : memref<10000x128xf32, #tpu.memory_space<hbm>>) target(%arg18 : memref<48x128xf32, #tpu.memory_space<vmem>>) offsets(%arg16 : memref<48xi32, #tpu.memory_space<vmem>>) semaphore(%arg24 : memref<!tpu.dma_semaphore, #tpu.memory_space<semaphore_mem>>)
          } else {
          }
          %scan3A_183 = arith.constant 0 : i32
          %scan3A_184 = arith.constant 48 : i32
          %scan3A_185 = arith.addi %scan3A_183, %scan3A_184 : i32
          %scan3A_186 = arith.constant 2 : i32
          scf.for %scan3A_188 = %scan3A_183 to %scan3A_185 step %scan3A_186  : i32 {
            %mul3A_189 = arith.constant 1 : i32
            %mul3A_190 = arith.muli %scan3A_188, %mul3A_189 : i32
            %add3A_191 = arith.constant 0 : i32
            %add3A_192 = arith.addi %add3A_191, %mul3A_190 : i32
            %jit3A_193 = arith.constant 16 : i32
            %div3A_194 = arith.divsi %add3A_192, %jit3A_193 : i32
            %sign3A_195 = arith.constant 0 : i32
            %sign3A_196 = arith.cmpi sgt, %add3A_192, %sign3A_195 : i32
            %sign3A_197 = arith.extui %sign3A_196 : i1 to i32
            %sign3A_198 = arith.constant 0 : i32
            %sign3A_199 = arith.cmpi slt, %add3A_192, %sign3A_198 : i32
            %sign3A_200 = arith.extui %sign3A_199 : i1 to i32
            %sign3A_201 = arith.subi %sign3A_197, %sign3A_200 : i32
            %sign3A_202 = arith.constant 0 : i32
            %sign3A_203 = arith.cmpi sgt, %jit3A_193, %sign3A_202 : i32
            %sign3A_204 = arith.extui %sign3A_203 : i1 to i32
            %sign3A_205 = arith.constant 0 : i32
            %sign3A_206 = arith.cmpi slt, %jit3A_193, %sign3A_205 : i32
            %sign3A_207 = arith.extui %sign3A_206 : i1 to i32
            %sign3A_208 = arith.subi %sign3A_204, %sign3A_207 : i32
            %ne3A_209 = arith.cmpi ne, %sign3A_201, %sign3A_208 : i32
            %rem3A_210 = arith.remsi %add3A_192, %jit3A_193 : i32
            %ne3A_211 = arith.constant 0 : i32
            %ne3A_212 = arith.cmpi ne, %rem3A_210, %ne3A_211 : i32
            %and3A_213 = arith.andi %ne3A_209, %ne3A_212 : i1
            %sub3A_214 = arith.constant 1 : i32
            %sub3A_215 = arith.subi %div3A_194, %sub3A_214 : i32
            %select_n3A_216 = arith.select %and3A_213, %sub3A_215, %div3A_194 : i32
            %mul3A_217 = arith.constant 16 : i32
            %mul3A_218 = arith.muli %select_n3A_216, %mul3A_217 : i32
            %mul3A_219 = arith.constant 48 : i32
            %mul3A_220 = arith.muli %add3A_161, %mul3A_219 : i32
            %add3A_221 = arith.addi %mul3A_220, %mul3A_218 : i32
            %get3A = arith.index_cast %add3A_221 : i32 to index
            %get3A_222 = tpu.vector_load %arg14[%get3A] {strides = array<i32>} : memref<3296xi32, #tpu.memory_space<vmem>>, vector<16xi32>,
            %sub3A_223 = arith.subi %add3A_192, %mul3A_218 : i32
            %eq3A = vector.broadcast %sub3A_223 : i32 to vector<16xi32>
            %eq3A_224 = arith.cmpi eq, %iota3A, %eq3A : vector<16xi32>
            %jit3A_225 = arith.constant 0 : i32
            %broadcast_in_dim3A_226 = vector.broadcast %jit3A_225 : i32 to vector<16xi32>
            %select_n3A_227 = arith.select %eq3A_224, %get3A_222, %broadcast_in_dim3A_226 : vector<16xi1>, vector<16xi32>
            %reduce_sum3A = arith.constant true
            %reduce_sum3A_228 = vector.broadcast %reduce_sum3A : i1 to vector<16xi1>
            %reduce_sum3A_229 = tpu.scan <sum>, %select_n3A_227 masked %reduce_sum3A_228 : vector<16xi32>, vector<16xi1> -> vector<16xi32>
            %reduce_sum3A_230 = vector.extract %reduce_sum3A_229[15] : i32 from vector<16xi32>
            %min3A_231 = arith.constant 327 : i32
            %min3A_232 = arith.minsi %reduce_sum3A_230, %min3A_231 : i32
            %get3A_233 = arith.index_cast %add3A_192 : i32 to index
            %get3A_234 = arith.constant 0 : index
            %get3A_235 = tpu.vector_load %arg17[%get3A_233, %get3A_234] {strides = array<i32>} : memref<48x128xf32, #tpu.memory_space<vmem>>, vector<16xf32>,
            %get3A_236 = arith.index_cast %min3A_232 : i32 to index
            %get3A_237 = arith.constant 0 : index
            %get3A_238 = tpu.vector_load %arg19[%get3A_236, %get3A_237] {strides = array<i32>} : memref<328x128xf32, #tpu.memory_space<vmem>>, vector<16xf32>,
            %max3A = arith.maximumf %get3A_238, %get3A_235 : vector<16xf32>
            %swap3A_239 = arith.index_cast %min3A_232 : i32 to index
            %swap3A_240 = arith.constant 0 : index
            %swap3A_241 = tpu.vector_load %arg19[%swap3A_239, %swap3A_240] {strides = array<i32>} : memref<328x128xf32, #tpu.memory_space<vmem>>, vector<16xf32>,
            tpu.vector_store %arg19[%swap3A_239, %swap3A_240], %max3A {strides = array<i32>} : memref<328x128xf32, #tpu.memory_space<vmem>>, vector<16xf32>,
            %get3A_242 = arith.index_cast %min3A_232 : i32 to index
            %get3A_243 = arith.constant 0 : index
            %get3A_244 = tpu.vector_load %arg20[%get3A_242, %get3A_243] {strides = array<i32>} : memref<328x128xf32, #tpu.memory_space<vmem>>, vector<16xf32>,
            %add3A_245 = arith.addf %get3A_244, %get3A_235 : vector<16xf32>
            %swap3A_246 = arith.index_cast %min3A_232 : i32 to index
            %swap3A_247 = arith.constant 0 : index
            %swap3A_248 = tpu.vector_load %arg20[%swap3A_246, %swap3A_247] {strides = array<i32>} : memref<328x128xf32, #tpu.memory_space<vmem>>, vector<16xf32>,
            tpu.vector_store %arg20[%swap3A_246, %swap3A_247], %add3A_245 {strides = array<i32>} : memref<328x128xf32, #tpu.memory_space<vmem>>, vector<16xf32>,
            %get3A_249 = arith.index_cast %add3A_192 : i32 to index
            %get3A_250 = arith.constant 16 : index
            %get3A_251 = tpu.vector_load %arg17[%get3A_249, %get3A_250] {strides = array<i32>} : memref<48x128xf32, #tpu.memory_space<vmem>>, vector<16xf32>,
            %get3A_252 = arith.index_cast %min3A_232 : i32 to index
            %get3A_253 = arith.constant 16 : index
            %get3A_254 = tpu.vector_load %arg19[%get3A_252, %get3A_253] {strides = array<i32>} : memref<328x128xf32, #tpu.memory_space<vmem>>, vector<16xf32>,
            %max3A_255 = arith.maximumf %get3A_254, %get3A_251 : vector<16xf32>
            %swap3A_256 = arith.index_cast %min3A_232 : i32 to index
            %swap3A_257 = arith.constant 16 : index
            %swap3A_258 = tpu.vector_load %arg19[%swap3A_256, %swap3A_257] {strides = array<i32>} : memref<328x128xf32, #tpu.memory_space<vmem>>, vector<16xf32>,
            tpu.vector_store %arg19[%swap3A_256, %swap3A_257], %max3A_255 {strides = array<i32>} : memref<328x128xf32, #tpu.memory_space<vmem>>, vector<16xf32>,
            %get3A_259 = arith.index_cast %min3A_232 : i32 to index
            %get3A_260 = arith.constant 16 : index
            %get3A_261 = tpu.vector_load %arg20[%get3A_259, %get3A_260] {strides = array<i32>} : memref<328x128xf32, #tpu.memory_space<vmem>>, vector<16xf32>,
            %add3A_262 = arith.addf %get3A_261, %get3A_251 : vector<16xf32>
            %swap3A_263 = arith.index_cast %min3A_232 : i32 to index
            %swap3A_264 = arith.constant 16 : index
            %swap3A_265 = tpu.vector_load %arg20[%swap3A_263, %swap3A_264] {strides = array<i32>} : memref<328x128xf32, #tpu.memory_space<vmem>>, vector<16xf32>,
            tpu.vector_store %arg20[%swap3A_263, %swap3A_264], %add3A_262 {strides = array<i32>} : memref<328x128xf32, #tpu.memory_space<vmem>>, vector<16xf32>,
            %get3A_266 = arith.index_cast %add3A_192 : i32 to index
            %get3A_267 = arith.constant 32 : index
            %get3A_268 = tpu.vector_load %arg17[%get3A_266, %get3A_267] {strides = array<i32>} : memref<48x128xf32, #tpu.memory_space<vmem>>, vector<16xf32>,
            %get3A_269 = arith.index_cast %min3A_232 : i32 to index
            %get3A_270 = arith.constant 32 : index
            %get3A_271 = tpu.vector_load %arg19[%get3A_269, %get3A_270] {strides = array<i32>} : memref<328x128xf32, #tpu.memory_space<vmem>>, vector<16xf32>,
            %max3A_272 = arith.maximumf %get3A_271, %get3A_268 : vector<16xf32>
            %swap3A_273 = arith.index_cast %min3A_232 : i32 to index
            %swap3A_274 = arith.constant 32 : index
            %swap3A_275 = tpu.vector_load %arg19[%swap3A_273, %swap3A_274] {strides = array<i32>} : memref<328x128xf32, #tpu.memory_space<vmem>>, vector<16xf32>,
            tpu.vector_store %arg19[%swap3A_273, %swap3A_274], %max3A_272 {strides = array<i32>} : memref<328x128xf32, #tpu.memory_space<vmem>>, vector<16xf32>,
            %get3A_276 = arith.index_cast %min3A_232 : i32 to index
            %get3A_277 = arith.constant 32 : index
            %get3A_278 = tpu.vector_load %arg20[%get3A_276, %get3A_277] {strides = array<i32>} : memref<328x128xf32, #tpu.memory_space<vmem>>, vector<16xf32>,
            %add3A_279 = arith.addf %get3A_278, %get3A_268 : vector<16xf32>
            %swap3A_280 = arith.index_cast %min3A_232 : i32 to index
            %swap3A_281 = arith.constant 32 : index
            %swap3A_282 = tpu.vector_load %arg20[%swap3A_280, %swap3A_281] {strides = array<i32>} : memref<328x128xf32, #tpu.memory_space<vmem>>, vector<16xf32>,
            tpu.vector_store %arg20[%swap3A_280, %swap3A_281], %add3A_279 {strides = array<i32>} : memref<328x128xf32, #tpu.memory_space<vmem>>, vector<16xf32>,
            %get3A_283 = arith.index_cast %add3A_192 : i32 to index
            %get3A_284 = arith.constant 48 : index
            %get3A_285 = tpu.vector_load %arg17[%get3A_283, %get3A_284] {strides = array<i32>} : memref<48x128xf32, #tpu.memory_space<vmem>>, vector<16xf32>,
            %get3A_286 = arith.index_cast %min3A_232 : i32 to index
            %get3A_287 = arith.constant 48 : index
            %get3A_288 = tpu.vector_load %arg19[%get3A_286, %get3A_287] {strides = array<i32>} : memref<328x128xf32, #tpu.memory_space<vmem>>, vector<16xf32>,
            %max3A_289 = arith.maximumf %get3A_288, %get3A_285 : vector<16xf32>
            %swap3A_290 = arith.index_cast %min3A_232 : i32 to index
            %swap3A_291 = arith.constant 48 : index
            %swap3A_292 = tpu.vector_load %arg19[%swap3A_290, %swap3A_291] {strides = array<i32>} : memref<328x128xf32, #tpu.memory_space<vmem>>, vector<16xf32>,
            tpu.vector_store %arg19[%swap3A_290, %swap3A_291], %max3A_289 {strides = array<i32>} : memref<328x128xf32, #tpu.memory_space<vmem>>, vector<16xf32>,
            %get3A_293 = arith.index_cast %min3A_232 : i32 to index
            %get3A_294 = arith.constant 48 : index
            %get3A_295 = tpu.vector_load %arg20[%get3A_293, %get3A_294] {strides = array<i32>} : memref<328x128xf32, #tpu.memory_space<vmem>>, vector<16xf32>,
            %add3A_296 = arith.addf %get3A_295, %get3A_285 : vector<16xf32>
            %swap3A_297 = arith.index_cast %min3A_232 : i32 to index
            %swap3A_298 = arith.constant 48 : index
            %swap3A_299 = tpu.vector_load %arg20[%swap3A_297, %swap3A_298] {strides = array<i32>} : memref<328x128xf32, #tpu.memory_space<vmem>>, vector<16xf32>,
            tpu.vector_store %arg20[%swap3A_297, %swap3A_298], %add3A_296 {strides = array<i32>} : memref<328x128xf32, #tpu.memory_space<vmem>>, vector<16xf32>,
            %get3A_300 = arith.index_cast %add3A_192 : i32 to index
            %get3A_301 = arith.constant 64 : index
            %get3A_302 = tpu.vector_load %arg17[%get3A_300, %get3A_301] {strides = array<i32>} : memref<48x128xf32, #tpu.memory_space<vmem>>, vector<16xf32>,
            %get3A_303 = arith.index_cast %min3A_232 : i32 to index
            %get3A_304 = arith.constant 64 : index
            %get3A_305 = tpu.vector_load %arg19[%get3A_303, %get3A_304] {strides = array<i32>} : memref<328x128xf32, #tpu.memory_space<vmem>>, vector<16xf32>,
            %max3A_306 = arith.maximumf %get3A_305, %get3A_302 : vector<16xf32>
            %swap3A_307 = arith.index_cast %min3A_232 : i32 to index
            %swap3A_308 = arith.constant 64 : index
            %swap3A_309 = tpu.vector_load %arg19[%swap3A_307, %swap3A_308] {strides = array<i32>} : memref<328x128xf32, #tpu.memory_space<vmem>>, vector<16xf32>,
            tpu.vector_store %arg19[%swap3A_307, %swap3A_308], %max3A_306 {strides = array<i32>} : memref<328x128xf32, #tpu.memory_space<vmem>>, vector<16xf32>,
            %get3A_310 = arith.index_cast %min3A_232 : i32 to index
            %get3A_311 = arith.constant 64 : index
            %get3A_312 = tpu.vector_load %arg20[%get3A_310, %get3A_311] {strides = array<i32>} : memref<328x128xf32, #tpu.memory_space<vmem>>, vector<16xf32>,
            %add3A_313 = arith.addf %get3A_312, %get3A_302 : vector<16xf32>
            %swap3A_314 = arith.index_cast %min3A_232 : i32 to index
            %swap3A_315 = arith.constant 64 : index
            %swap3A_316 = tpu.vector_load %arg20[%swap3A_314, %swap3A_315] {strides = array<i32>} : memref<328x128xf32, #tpu.memory_space<vmem>>, vector<16xf32>,
            tpu.vector_store %arg20[%swap3A_314, %swap3A_315], %add3A_313 {strides = array<i32>} : memref<328x128xf32, #tpu.memory_space<vmem>>, vector<16xf32>,
            %get3A_317 = arith.index_cast %add3A_192 : i32 to index
            %get3A_318 = arith.constant 80 : index
            %get3A_319 = tpu.vector_load %arg17[%get3A_317, %get3A_318] {strides = array<i32>} : memref<48x128xf32, #tpu.memory_space<vmem>>, vector<16xf32>,
            %get3A_320 = arith.index_cast %min3A_232 : i32 to index
            %get3A_321 = arith.constant 80 : index
            %get3A_322 = tpu.vector_load %arg19[%get3A_320, %get3A_321] {strides = array<i32>} : memref<328x128xf32, #tpu.memory_space<vmem>>, vector<16xf32>,
            %max3A_323 = arith.maximumf %get3A_322, %get3A_319 : vector<16xf32>
            %swap3A_324 = arith.index_cast %min3A_232 : i32 to index
            %swap3A_325 = arith.constant 80 : index
            %swap3A_326 = tpu.vector_load %arg19[%swap3A_324, %swap3A_325] {strides = array<i32>} : memref<328x128xf32, #tpu.memory_space<vmem>>, vector<16xf32>,
            tpu.vector_store %arg19[%swap3A_324, %swap3A_325], %max3A_323 {strides = array<i32>} : memref<328x128xf32, #tpu.memory_space<vmem>>, vector<16xf32>,
            %get3A_327 = arith.index_cast %min3A_232 : i32 to index
            %get3A_328 = arith.constant 80 : index
            %get3A_329 = tpu.vector_load %arg20[%get3A_327, %get3A_328] {strides = array<i32>} : memref<328x128xf32, #tpu.memory_space<vmem>>, vector<16xf32>,
            %add3A_330 = arith.addf %get3A_329, %get3A_319 : vector<16xf32>
            %swap3A_331 = arith.index_cast %min3A_232 : i32 to index
            %swap3A_332 = arith.constant 80 : index
            %swap3A_333 = tpu.vector_load %arg20[%swap3A_331, %swap3A_332] {strides = array<i32>} : memref<328x128xf32, #tpu.memory_space<vmem>>, vector<16xf32>,
            tpu.vector_store %arg20[%swap3A_331, %swap3A_332], %add3A_330 {strides = array<i32>} : memref<328x128xf32, #tpu.memory_space<vmem>>, vector<16xf32>,
            %get3A_334 = arith.index_cast %add3A_192 : i32 to index
            %get3A_335 = arith.constant 96 : index
            %get3A_336 = tpu.vector_load %arg17[%get3A_334, %get3A_335] {strides = array<i32>} : memref<48x128xf32, #tpu.memory_space<vmem>>, vector<16xf32>,
            %get3A_337 = arith.index_cast %min3A_232 : i32 to index
            %get3A_338 = arith.constant 96 : index
            %get3A_339 = tpu.vector_load %arg19[%get3A_337, %get3A_338] {strides = array<i32>} : memref<328x128xf32, #tpu.memory_space<vmem>>, vector<16xf32>,
            %max3A_340 = arith.maximumf %get3A_339, %get3A_336 : vector<16xf32>
            %swap3A_341 = arith.index_cast %min3A_232 : i32 to index
            %swap3A_342 = arith.constant 96 : index
            %swap3A_343 = tpu.vector_load %arg19[%swap3A_341, %swap3A_342] {strides = array<i32>} : memref<328x128xf32, #tpu.memory_space<vmem>>, vector<16xf32>,
            tpu.vector_store %arg19[%swap3A_341, %swap3A_342], %max3A_340 {strides = array<i32>} : memref<328x128xf32, #tpu.memory_space<vmem>>, vector<16xf32>,
            %get3A_344 = arith.index_cast %min3A_232 : i32 to index
            %get3A_345 = arith.constant 96 : index
            %get3A_346 = tpu.vector_load %arg20[%get3A_344, %get3A_345] {strides = array<i32>} : memref<328x128xf32, #tpu.memory_space<vmem>>, vector<16xf32>,
            %add3A_347 = arith.addf %get3A_346, %get3A_336 : vector<16xf32>
            %swap3A_348 = arith.index_cast %min3A_232 : i32 to index
            %swap3A_349 = arith.constant 96 : index
            %swap3A_350 = tpu.vector_load %arg20[%swap3A_348, %swap3A_349] {strides = array<i32>} : memref<328x128xf32, #tpu.memory_space<vmem>>, vector<16xf32>,
            tpu.vector_store %arg20[%swap3A_348, %swap3A_349], %add3A_347 {strides = array<i32>} : memref<328x128xf32, #tpu.memory_space<vmem>>, vector<16xf32>,
            %get3A_351 = arith.index_cast %add3A_192 : i32 to index
            %get3A_352 = arith.constant 112 : index
            %get3A_353 = tpu.vector_load %arg17[%get3A_351, %get3A_352] {strides = array<i32>} : memref<48x128xf32, #tpu.memory_space<vmem>>, vector<16xf32>,
            %get3A_354 = arith.index_cast %min3A_232 : i32 to index
            %get3A_355 = arith.constant 112 : index
            %get3A_356 = tpu.vector_load %arg19[%get3A_354, %get3A_355] {strides = array<i32>} : memref<328x128xf32, #tpu.memory_space<vmem>>, vector<16xf32>,
            %max3A_357 = arith.maximumf %get3A_356, %get3A_353 : vector<16xf32>
            %swap3A_358 = arith.index_cast %min3A_232 : i32 to index
            %swap3A_359 = arith.constant 112 : index
            %swap3A_360 = tpu.vector_load %arg19[%swap3A_358, %swap3A_359] {strides = array<i32>} : memref<328x128xf32, #tpu.memory_space<vmem>>, vector<16xf32>,
            tpu.vector_store %arg19[%swap3A_358, %swap3A_359], %max3A_357 {strides = array<i32>} : memref<328x128xf32, #tpu.memory_space<vmem>>, vector<16xf32>,
            %get3A_361 = arith.index_cast %min3A_232 : i32 to index
            %get3A_362 = arith.constant 112 : index
            %get3A_363 = tpu.vector_load %arg20[%get3A_361, %get3A_362] {strides = array<i32>} : memref<328x128xf32, #tpu.memory_space<vmem>>, vector<16xf32>,
            %add3A_364 = arith.addf %get3A_363, %get3A_353 : vector<16xf32>
            %swap3A_365 = arith.index_cast %min3A_232 : i32 to index
            %swap3A_366 = arith.constant 112 : index
            %swap3A_367 = tpu.vector_load %arg20[%swap3A_365, %swap3A_366] {strides = array<i32>} : memref<328x128xf32, #tpu.memory_space<vmem>>, vector<16xf32>,
            tpu.vector_store %arg20[%swap3A_365, %swap3A_366], %add3A_364 {strides = array<i32>} : memref<328x128xf32, #tpu.memory_space<vmem>>, vector<16xf32>,
            %scan3A_368 = arith.constant 1 : i32
            %scan3A_369 = arith.addi %scan3A_188, %scan3A_368 : i32
            %mul3A_370 = arith.constant 1 : i32
            %mul3A_371 = arith.muli %scan3A_369, %mul3A_370 : i32
            %add3A_372 = arith.constant 0 : i32
            %add3A_373 = arith.addi %add3A_372, %mul3A_371 : i32
            %jit3A_374 = arith.constant 16 : i32
            %div3A_375 = arith.divsi %add3A_373, %jit3A_374 : i32
            %sign3A_376 = arith.constant 0 : i32
            %sign3A_377 = arith.cmpi sgt, %add3A_373, %sign3A_376 : i32
            %sign3A_378 = arith.extui %sign3A_377 : i1 to i32
            %sign3A_379 = arith.constant 0 : i32
            %sign3A_380 = arith.cmpi slt, %add3A_373, %sign3A_379 : i32
            %sign3A_381 = arith.extui %sign3A_380 : i1 to i32
            %sign3A_382 = arith.subi %sign3A_378, %sign3A_381 : i32
            %sign3A_383 = arith.constant 0 : i32
            %sign3A_384 = arith.cmpi sgt, %jit3A_374, %sign3A_383 : i32
            %sign3A_385 = arith.extui %sign3A_384 : i1 to i32
            %sign3A_386 = arith.constant 0 : i32
            %sign3A_387 = arith.cmpi slt, %jit3A_374, %sign3A_386 : i32
            %sign3A_388 = arith.extui %sign3A_387 : i1 to i32
            %sign3A_389 = arith.subi %sign3A_385, %sign3A_388 : i32
            %ne3A_390 = arith.cmpi ne, %sign3A_382, %sign3A_389 : i32
            %rem3A_391 = arith.remsi %add3A_373, %jit3A_374 : i32
            %ne3A_392 = arith.constant 0 : i32
            %ne3A_393 = arith.cmpi ne, %rem3A_391, %ne3A_392 : i32
            %and3A_394 = arith.andi %ne3A_390, %ne3A_393 : i1
            %sub3A_395 = arith.constant 1 : i32
            %sub3A_396 = arith.subi %div3A_375, %sub3A_395 : i32
            %select_n3A_397 = arith.select %and3A_394, %sub3A_396, %div3A_375 : i32
            %mul3A_398 = arith.constant 16 : i32
            %mul3A_399 = arith.muli %select_n3A_397, %mul3A_398 : i32
            %mul3A_400 = arith.constant 48 : i32
            %mul3A_401 = arith.muli %add3A_161, %mul3A_400 : i32
            %add3A_402 = arith.addi %mul3A_401, %mul3A_399 : i32
            %get3A_403 = arith.index_cast %add3A_402 : i32 to index
            %get3A_404 = tpu.vector_load %arg14[%get3A_403] {strides = array<i32>} : memref<3296xi32, #tpu.memory_space<vmem>>, vector<16xi32>,
            %sub3A_405 = arith.subi %add3A_373, %mul3A_399 : i32
            %eq3A_406 = vector.broadcast %sub3A_405 : i32 to vector<16xi32>
            %eq3A_407 = arith.cmpi eq, %iota3A, %eq3A_406 : vector<16xi32>
            %jit3A_408 = arith.constant 0 : i32
            %broadcast_in_dim3A_409 = vector.broadcast %jit3A_408 : i32 to vector<16xi32>
            %select_n3A_410 = arith.select %eq3A_407, %get3A_404, %broadcast_in_dim3A_409 : vector<16xi1>, vector<16xi32>
            %reduce_sum3A_411 = arith.constant true
            %reduce_sum3A_412 = vector.broadcast %reduce_sum3A_411 : i1 to vector<16xi1>
            %reduce_sum3A_413 = tpu.scan <sum>, %select_n3A_410 masked %reduce_sum3A_412 : vector<16xi32>, vector<16xi1> -> vector<16xi32>
            %reduce_sum3A_414 = vector.extract %reduce_sum3A_413[15] : i32 from vector<16xi32>
            %min3A_415 = arith.constant 327 : i32
            %min3A_416 = arith.minsi %reduce_sum3A_414, %min3A_415 : i32
            %get3A_417 = arith.index_cast %add3A_373 : i32 to index
            %get3A_418 = arith.constant 0 : index
            %get3A_419 = tpu.vector_load %arg17[%get3A_417, %get3A_418] {strides = array<i32>} : memref<48x128xf32, #tpu.memory_space<vmem>>, vector<16xf32>,
            %get3A_420 = arith.index_cast %min3A_416 : i32 to index
            %get3A_421 = arith.constant 0 : index
            %get3A_422 = tpu.vector_load %arg19[%get3A_420, %get3A_421] {strides = array<i32>} : memref<328x128xf32, #tpu.memory_space<vmem>>, vector<16xf32>,
            %max3A_423 = arith.maximumf %get3A_422, %get3A_419 : vector<16xf32>
            %swap3A_424 = arith.index_cast %min3A_416 : i32 to index
            %swap3A_425 = arith.constant 0 : index
            %swap3A_426 = tpu.vector_load %arg19[%swap3A_424, %swap3A_425] {strides = array<i32>} : memref<328x128xf32, #tpu.memory_space<vmem>>, vector<16xf32>,
            tpu.vector_store %arg19[%swap3A_424, %swap3A_425], %max3A_423 {strides = array<i32>} : memref<328x128xf32, #tpu.memory_space<vmem>>, vector<16xf32>,
            %get3A_427 = arith.index_cast %min3A_416 : i32 to index
            %get3A_428 = arith.constant 0 : index
            %get3A_429 = tpu.vector_load %arg20[%get3A_427, %get3A_428] {strides = array<i32>} : memref<328x128xf32, #tpu.memory_space<vmem>>, vector<16xf32>,
            %add3A_430 = arith.addf %get3A_429, %get3A_419 : vector<16xf32>
            %swap3A_431 = arith.index_cast %min3A_416 : i32 to index
            %swap3A_432 = arith.constant 0 : index
            %swap3A_433 = tpu.vector_load %arg20[%swap3A_431, %swap3A_432] {strides = array<i32>} : memref<328x128xf32, #tpu.memory_space<vmem>>, vector<16xf32>,
            tpu.vector_store %arg20[%swap3A_431, %swap3A_432], %add3A_430 {strides = array<i32>} : memref<328x128xf32, #tpu.memory_space<vmem>>, vector<16xf32>,
            %get3A_434 = arith.index_cast %add3A_373 : i32 to index
            %get3A_435 = arith.constant 16 : index
            %get3A_436 = tpu.vector_load %arg17[%get3A_434, %get3A_435] {strides = array<i32>} : memref<48x128xf32, #tpu.memory_space<vmem>>, vector<16xf32>,
            %get3A_437 = arith.index_cast %min3A_416 : i32 to index
            %get3A_438 = arith.constant 16 : index
            %get3A_439 = tpu.vector_load %arg19[%get3A_437, %get3A_438] {strides = array<i32>} : memref<328x128xf32, #tpu.memory_space<vmem>>, vector<16xf32>,
            %max3A_440 = arith.maximumf %get3A_439, %get3A_436 : vector<16xf32>
            %swap3A_441 = arith.index_cast %min3A_416 : i32 to index
            %swap3A_442 = arith.constant 16 : index
            %swap3A_443 = tpu.vector_load %arg19[%swap3A_441, %swap3A_442] {strides = array<i32>} : memref<328x128xf32, #tpu.memory_space<vmem>>, vector<16xf32>,
            tpu.vector_store %arg19[%swap3A_441, %swap3A_442], %max3A_440 {strides = array<i32>} : memref<328x128xf32, #tpu.memory_space<vmem>>, vector<16xf32>,
            %get3A_444 = arith.index_cast %min3A_416 : i32 to index
            %get3A_445 = arith.constant 16 : index
            %get3A_446 = tpu.vector_load %arg20[%get3A_444, %get3A_445] {strides = array<i32>} : memref<328x128xf32, #tpu.memory_space<vmem>>, vector<16xf32>,
            %add3A_447 = arith.addf %get3A_446, %get3A_436 : vector<16xf32>
            %swap3A_448 = arith.index_cast %min3A_416 : i32 to index
            %swap3A_449 = arith.constant 16 : index
            %swap3A_450 = tpu.vector_load %arg20[%swap3A_448, %swap3A_449] {strides = array<i32>} : memref<328x128xf32, #tpu.memory_space<vmem>>, vector<16xf32>,
            tpu.vector_store %arg20[%swap3A_448, %swap3A_449], %add3A_447 {strides = array<i32>} : memref<328x128xf32, #tpu.memory_space<vmem>>, vector<16xf32>,
            %get3A_451 = arith.index_cast %add3A_373 : i32 to index
            %get3A_452 = arith.constant 32 : index
            %get3A_453 = tpu.vector_load %arg17[%get3A_451, %get3A_452] {strides = array<i32>} : memref<48x128xf32, #tpu.memory_space<vmem>>, vector<16xf32>,
            %get3A_454 = arith.index_cast %min3A_416 : i32 to index
            %get3A_455 = arith.constant 32 : index
            %get3A_456 = tpu.vector_load %arg19[%get3A_454, %get3A_455] {strides = array<i32>} : memref<328x128xf32, #tpu.memory_space<vmem>>, vector<16xf32>,
            %max3A_457 = arith.maximumf %get3A_456, %get3A_453 : vector<16xf32>
            %swap3A_458 = arith.index_cast %min3A_416 : i32 to index
            %swap3A_459 = arith.constant 32 : index
            %swap3A_460 = tpu.vector_load %arg19[%swap3A_458, %swap3A_459] {strides = array<i32>} : memref<328x128xf32, #tpu.memory_space<vmem>>, vector<16xf32>,
            tpu.vector_store %arg19[%swap3A_458, %swap3A_459], %max3A_457 {strides = array<i32>} : memref<328x128xf32, #tpu.memory_space<vmem>>, vector<16xf32>,
            %get3A_461 = arith.index_cast %min3A_416 : i32 to index
            %get3A_462 = arith.constant 32 : index
            %get3A_463 = tpu.vector_load %arg20[%get3A_461, %get3A_462] {strides = array<i32>} : memref<328x128xf32, #tpu.memory_space<vmem>>, vector<16xf32>,
            %add3A_464 = arith.addf %get3A_463, %get3A_453 : vector<16xf32>
            %swap3A_465 = arith.index_cast %min3A_416 : i32 to index
            %swap3A_466 = arith.constant 32 : index
            %swap3A_467 = tpu.vector_load %arg20[%swap3A_465, %swap3A_466] {strides = array<i32>} : memref<328x128xf32, #tpu.memory_space<vmem>>, vector<16xf32>,
            tpu.vector_store %arg20[%swap3A_465, %swap3A_466], %add3A_464 {strides = array<i32>} : memref<328x128xf32, #tpu.memory_space<vmem>>, vector<16xf32>,
            %get3A_468 = arith.index_cast %add3A_373 : i32 to index
            %get3A_469 = arith.constant 48 : index
            %get3A_470 = tpu.vector_load %arg17[%get3A_468, %get3A_469] {strides = array<i32>} : memref<48x128xf32, #tpu.memory_space<vmem>>, vector<16xf32>,
            %get3A_471 = arith.index_cast %min3A_416 : i32 to index
            %get3A_472 = arith.constant 48 : index
            %get3A_473 = tpu.vector_load %arg19[%get3A_471, %get3A_472] {strides = array<i32>} : memref<328x128xf32, #tpu.memory_space<vmem>>, vector<16xf32>,
            %max3A_474 = arith.maximumf %get3A_473, %get3A_470 : vector<16xf32>
            %swap3A_475 = arith.index_cast %min3A_416 : i32 to index
            %swap3A_476 = arith.constant 48 : index
            %swap3A_477 = tpu.vector_load %arg19[%swap3A_475, %swap3A_476] {strides = array<i32>} : memref<328x128xf32, #tpu.memory_space<vmem>>, vector<16xf32>,
            tpu.vector_store %arg19[%swap3A_475, %swap3A_476], %max3A_474 {strides = array<i32>} : memref<328x128xf32, #tpu.memory_space<vmem>>, vector<16xf32>,
            %get3A_478 = arith.index_cast %min3A_416 : i32 to index
            %get3A_479 = arith.constant 48 : index
            %get3A_480 = tpu.vector_load %arg20[%get3A_478, %get3A_479] {strides = array<i32>} : memref<328x128xf32, #tpu.memory_space<vmem>>, vector<16xf32>,
            %add3A_481 = arith.addf %get3A_480, %get3A_470 : vector<16xf32>
            %swap3A_482 = arith.index_cast %min3A_416 : i32 to index
            %swap3A_483 = arith.constant 48 : index
            %swap3A_484 = tpu.vector_load %arg20[%swap3A_482, %swap3A_483] {strides = array<i32>} : memref<328x128xf32, #tpu.memory_space<vmem>>, vector<16xf32>,
            tpu.vector_store %arg20[%swap3A_482, %swap3A_483], %add3A_481 {strides = array<i32>} : memref<328x128xf32, #tpu.memory_space<vmem>>, vector<16xf32>,
            %get3A_485 = arith.index_cast %add3A_373 : i32 to index
            %get3A_486 = arith.constant 64 : index
            %get3A_487 = tpu.vector_load %arg17[%get3A_485, %get3A_486] {strides = array<i32>} : memref<48x128xf32, #tpu.memory_space<vmem>>, vector<16xf32>,
            %get3A_488 = arith.index_cast %min3A_416 : i32 to index
            %get3A_489 = arith.constant 64 : index
            %get3A_490 = tpu.vector_load %arg19[%get3A_488, %get3A_489] {strides = array<i32>} : memref<328x128xf32, #tpu.memory_space<vmem>>, vector<16xf32>,
            %max3A_491 = arith.maximumf %get3A_490, %get3A_487 : vector<16xf32>
            %swap3A_492 = arith.index_cast %min3A_416 : i32 to index
            %swap3A_493 = arith.constant 64 : index
            %swap3A_494 = tpu.vector_load %arg19[%swap3A_492, %swap3A_493] {strides = array<i32>} : memref<328x128xf32, #tpu.memory_space<vmem>>, vector<16xf32>,
            tpu.vector_store %arg19[%swap3A_492, %swap3A_493], %max3A_491 {strides = array<i32>} : memref<328x128xf32, #tpu.memory_space<vmem>>, vector<16xf32>,
            %get3A_495 = arith.index_cast %min3A_416 : i32 to index
            %get3A_496 = arith.constant 64 : index
            %get3A_497 = tpu.vector_load %arg20[%get3A_495, %get3A_496] {strides = array<i32>} : memref<328x128xf32, #tpu.memory_space<vmem>>, vector<16xf32>,
            %add3A_498 = arith.addf %get3A_497, %get3A_487 : vector<16xf32>
            %swap3A_499 = arith.index_cast %min3A_416 : i32 to index
            %swap3A_500 = arith.constant 64 : index
            %swap3A_501 = tpu.vector_load %arg20[%swap3A_499, %swap3A_500] {strides = array<i32>} : memref<328x128xf32, #tpu.memory_space<vmem>>, vector<16xf32>,
            tpu.vector_store %arg20[%swap3A_499, %swap3A_500], %add3A_498 {strides = array<i32>} : memref<328x128xf32, #tpu.memory_space<vmem>>, vector<16xf32>,
            %get3A_502 = arith.index_cast %add3A_373 : i32 to index
            %get3A_503 = arith.constant 80 : index
            %get3A_504 = tpu.vector_load %arg17[%get3A_502, %get3A_503] {strides = array<i32>} : memref<48x128xf32, #tpu.memory_space<vmem>>, vector<16xf32>,
            %get3A_505 = arith.index_cast %min3A_416 : i32 to index
            %get3A_506 = arith.constant 80 : index
            %get3A_507 = tpu.vector_load %arg19[%get3A_505, %get3A_506] {strides = array<i32>} : memref<328x128xf32, #tpu.memory_space<vmem>>, vector<16xf32>,
            %max3A_508 = arith.maximumf %get3A_507, %get3A_504 : vector<16xf32>
            %swap3A_509 = arith.index_cast %min3A_416 : i32 to index
            %swap3A_510 = arith.constant 80 : index
            %swap3A_511 = tpu.vector_load %arg19[%swap3A_509, %swap3A_510] {strides = array<i32>} : memref<328x128xf32, #tpu.memory_space<vmem>>, vector<16xf32>,
            tpu.vector_store %arg19[%swap3A_509, %swap3A_510], %max3A_508 {strides = array<i32>} : memref<328x128xf32, #tpu.memory_space<vmem>>, vector<16xf32>,
            %get3A_512 = arith.index_cast %min3A_416 : i32 to index
            %get3A_513 = arith.constant 80 : index
            %get3A_514 = tpu.vector_load %arg20[%get3A_512, %get3A_513] {strides = array<i32>} : memref<328x128xf32, #tpu.memory_space<vmem>>, vector<16xf32>,
            %add3A_515 = arith.addf %get3A_514, %get3A_504 : vector<16xf32>
            %swap3A_516 = arith.index_cast %min3A_416 : i32 to index
            %swap3A_517 = arith.constant 80 : index
            %swap3A_518 = tpu.vector_load %arg20[%swap3A_516, %swap3A_517] {strides = array<i32>} : memref<328x128xf32, #tpu.memory_space<vmem>>, vector<16xf32>,
            tpu.vector_store %arg20[%swap3A_516, %swap3A_517], %add3A_515 {strides = array<i32>} : memref<328x128xf32, #tpu.memory_space<vmem>>, vector<16xf32>,
            %get3A_519 = arith.index_cast %add3A_373 : i32 to index
            %get3A_520 = arith.constant 96 : index
            %get3A_521 = tpu.vector_load %arg17[%get3A_519, %get3A_520] {strides = array<i32>} : memref<48x128xf32, #tpu.memory_space<vmem>>, vector<16xf32>,
            %get3A_522 = arith.index_cast %min3A_416 : i32 to index
            %get3A_523 = arith.constant 96 : index
            %get3A_524 = tpu.vector_load %arg19[%get3A_522, %get3A_523] {strides = array<i32>} : memref<328x128xf32, #tpu.memory_space<vmem>>, vector<16xf32>,
            %max3A_525 = arith.maximumf %get3A_524, %get3A_521 : vector<16xf32>
            %swap3A_526 = arith.index_cast %min3A_416 : i32 to index
            %swap3A_527 = arith.constant 96 : index
            %swap3A_528 = tpu.vector_load %arg19[%swap3A_526, %swap3A_527] {strides = array<i32>} : memref<328x128xf32, #tpu.memory_space<vmem>>, vector<16xf32>,
            tpu.vector_store %arg19[%swap3A_526, %swap3A_527], %max3A_525 {strides = array<i32>} : memref<328x128xf32, #tpu.memory_space<vmem>>, vector<16xf32>,
            %get3A_529 = arith.index_cast %min3A_416 : i32 to index
            %get3A_530 = arith.constant 96 : index
            %get3A_531 = tpu.vector_load %arg20[%get3A_529, %get3A_530] {strides = array<i32>} : memref<328x128xf32, #tpu.memory_space<vmem>>, vector<16xf32>,
            %add3A_532 = arith.addf %get3A_531, %get3A_521 : vector<16xf32>
            %swap3A_533 = arith.index_cast %min3A_416 : i32 to index
            %swap3A_534 = arith.constant 96 : index
            %swap3A_535 = tpu.vector_load %arg20[%swap3A_533, %swap3A_534] {strides = array<i32>} : memref<328x128xf32, #tpu.memory_space<vmem>>, vector<16xf32>,
            tpu.vector_store %arg20[%swap3A_533, %swap3A_534], %add3A_532 {strides = array<i32>} : memref<328x128xf32, #tpu.memory_space<vmem>>, vector<16xf32>,
            %get3A_536 = arith.index_cast %add3A_373 : i32 to index
            %get3A_537 = arith.constant 112 : index
            %get3A_538 = tpu.vector_load %arg17[%get3A_536, %get3A_537] {strides = array<i32>} : memref<48x128xf32, #tpu.memory_space<vmem>>, vector<16xf32>,
            %get3A_539 = arith.index_cast %min3A_416 : i32 to index
            %get3A_540 = arith.constant 112 : index
            %get3A_541 = tpu.vector_load %arg19[%get3A_539, %get3A_540] {strides = array<i32>} : memref<328x128xf32, #tpu.memory_space<vmem>>, vector<16xf32>,
            %max3A_542 = arith.maximumf %get3A_541, %get3A_538 : vector<16xf32>
            %swap3A_543 = arith.index_cast %min3A_416 : i32 to index
            %swap3A_544 = arith.constant 112 : index
            %swap3A_545 = tpu.vector_load %arg19[%swap3A_543, %swap3A_544] {strides = array<i32>} : memref<328x128xf32, #tpu.memory_space<vmem>>, vector<16xf32>,
            tpu.vector_store %arg19[%swap3A_543, %swap3A_544], %max3A_542 {strides = array<i32>} : memref<328x128xf32, #tpu.memory_space<vmem>>, vector<16xf32>,
            %get3A_546 = arith.index_cast %min3A_416 : i32 to index
            %get3A_547 = arith.constant 112 : index
            %get3A_548 = tpu.vector_load %arg20[%get3A_546, %get3A_547] {strides = array<i32>} : memref<328x128xf32, #tpu.memory_space<vmem>>, vector<16xf32>,
            %add3A_549 = arith.addf %get3A_548, %get3A_538 : vector<16xf32>
            %swap3A_550 = arith.index_cast %min3A_416 : i32 to index
            %swap3A_551 = arith.constant 112 : index
            %swap3A_552 = tpu.vector_load %arg20[%swap3A_550, %swap3A_551] {strides = array<i32>} : memref<328x128xf32, #tpu.memory_space<vmem>>, vector<16xf32>,
            tpu.vector_store %arg20[%swap3A_550, %swap3A_551], %add3A_549 {strides = array<i32>} : memref<328x128xf32, #tpu.memory_space<vmem>>, vector<16xf32>,
          }
          %scan3A_187 = arith.constant 48 : i32
        } else {
        }
        %mul3A_166 = arith.constant 2 : i32
        %mul3A_167 = arith.muli %mul3A_166, %while3A_157 : i32
        %add3A_168 = arith.constant 1 : i32
        %add3A_169 = arith.addi %mul3A_167, %add3A_168 : i32
        %lt3A_170 = arith.cmpi slt, %add3A_169, %select_n3A : i32
        %convert_element_type3A_171 = arith.extui %lt3A_170 : i1 to i32
        %cond3A_172 = arith.constant 0 : i32
        %cond3A_173 = arith.cmpi ne, %convert_element_type3A_171, %cond3A_172 : i32
        scf.if %cond3A_173 {
          %dma_wait3A_174 = arith.constant 0 : i32
          %dma_wait3A_175 = arith.constant 0 : i32
          %dma_wait3A_176 = tpu.memref_slice %arg2[%dma_wait3A_174, %dma_wait3A_175] : memref<10000x128xf32, #tpu.memory_space<hbm>> -> memref<10000x128xf32, #tpu.memory_space<hbm>>
          tpu.wait_indirect_dma semaphore(%arg24 : memref<!tpu.dma_semaphore, #tpu.memory_space<semaphore_mem>>) src(%dma_wait3A_176 : memref<10000x128xf32, #tpu.memory_space<hbm>>) dst(%arg18 : memref<48x128xf32, #tpu.memory_space<vmem>>)
          %add3A_177 = arith.constant 1 : i32
          %add3A_178 = arith.addi %add3A_169, %add3A_177 : i32
          %lt3A_179 = arith.cmpi slt, %add3A_178, %select_n3A : i32
          %convert_element_type3A_180 = arith.extui %lt3A_179 : i1 to i32
          %cond3A_181 = arith.constant 0 : i32
          %cond3A_182 = arith.cmpi ne, %convert_element_type3A_180, %cond3A_181 : i32
          scf.if %cond3A_182 {
            %add3A_188 = arith.constant 1 : i32
            %add3A_189 = arith.addi %add3A_169, %add3A_188 : i32
            %mul3A_190 = arith.constant 48 : i32
            %mul3A_191 = arith.muli %add3A_189, %mul3A_190 : i32
            %add3A_192 = arith.constant 0 : i32
            %add3A_193 = arith.addi %mul3A_191, %add3A_192 : i32
            %get3A = arith.index_cast %add3A_193 : i32 to index
            %get3A_194 = tpu.vector_load %arg13[%get3A] {strides = array<i32>} : memref<3296xi32, #tpu.memory_space<vmem>>, vector<16xi32>,
            %swap3A_195 = arith.constant 0 : index
            %swap3A_196 = tpu.vector_load %arg15[%swap3A_195] {strides = array<i32>} : memref<48xi32, #tpu.memory_space<vmem>>, vector<16xi32>,
            tpu.vector_store %arg15[%swap3A_195], %get3A_194 {strides = array<i32>} : memref<48xi32, #tpu.memory_space<vmem>>, vector<16xi32>,
            %add3A_197 = arith.constant 0 : i32
            %add3A_198 = arith.addi %mul3A_191, %add3A_197 : i32
            %get3A_199 = arith.index_cast %add3A_198 : i32 to index
            %get3A_200 = tpu.vector_load %arg14[%get3A_199] {strides = array<i32>} : memref<3296xi32, #tpu.memory_space<vmem>>, vector<16xi32>,
            %min3A_201 = arith.constant 335 : i32
            %min3A_202 = vector.broadcast %min3A_201 : i32 to vector<16xi32>
            %min3A_203 = arith.minsi %get3A_200, %min3A_202 : vector<16xi32>
            %lt3A_204 = arith.constant 320 : i32
            %lt3A_205 = vector.broadcast %lt3A_204 : i32 to vector<16xi32>
            %lt3A_206 = arith.cmpi slt, %get3A_200, %lt3A_205 : vector<16xi32>
            tpu.vector_store_idx %arg21[%min3A_203], %broadcast_in_dim3A_5 masked %lt3A_206 {add = true} : memref<336xf32, #tpu.memory_space<vmem>>[vector<16xi32>], vector<16xf32>, vector<16xi1>
            %add3A_207 = arith.constant 16 : i32
            %add3A_208 = arith.addi %mul3A_191, %add3A_207 : i32
            %get3A_209 = arith.index_cast %add3A_208 : i32 to index
            %get3A_210 = tpu.vector_load %arg13[%get3A_209] {strides = array<i32>} : memref<3296xi32, #tpu.memory_space<vmem>>, vector<16xi32>,
            %swap3A_211 = arith.constant 16 : index
            %swap3A_212 = tpu.vector_load %arg15[%swap3A_211] {strides = array<i32>} : memref<48xi32, #tpu.memory_space<vmem>>, vector<16xi32>,
            tpu.vector_store %arg15[%swap3A_211], %get3A_210 {strides = array<i32>} : memref<48xi32, #tpu.memory_space<vmem>>, vector<16xi32>,
            %add3A_213 = arith.constant 16 : i32
            %add3A_214 = arith.addi %mul3A_191, %add3A_213 : i32
            %get3A_215 = arith.index_cast %add3A_214 : i32 to index
            %get3A_216 = tpu.vector_load %arg14[%get3A_215] {strides = array<i32>} : memref<3296xi32, #tpu.memory_space<vmem>>, vector<16xi32>,
            %min3A_217 = arith.constant 335 : i32
            %min3A_218 = vector.broadcast %min3A_217 : i32 to vector<16xi32>
            %min3A_219 = arith.minsi %get3A_216, %min3A_218 : vector<16xi32>
            %lt3A_220 = arith.constant 320 : i32
            %lt3A_221 = vector.broadcast %lt3A_220 : i32 to vector<16xi32>
            %lt3A_222 = arith.cmpi slt, %get3A_216, %lt3A_221 : vector<16xi32>
            tpu.vector_store_idx %arg21[%min3A_219], %broadcast_in_dim3A_5 masked %lt3A_222 {add = true} : memref<336xf32, #tpu.memory_space<vmem>>[vector<16xi32>], vector<16xf32>, vector<16xi1>
            %add3A_223 = arith.constant 32 : i32
            %add3A_224 = arith.addi %mul3A_191, %add3A_223 : i32
            %get3A_225 = arith.index_cast %add3A_224 : i32 to index
            %get3A_226 = tpu.vector_load %arg13[%get3A_225] {strides = array<i32>} : memref<3296xi32, #tpu.memory_space<vmem>>, vector<16xi32>,
            %swap3A_227 = arith.constant 32 : index
            %swap3A_228 = tpu.vector_load %arg15[%swap3A_227] {strides = array<i32>} : memref<48xi32, #tpu.memory_space<vmem>>, vector<16xi32>,
            tpu.vector_store %arg15[%swap3A_227], %get3A_226 {strides = array<i32>} : memref<48xi32, #tpu.memory_space<vmem>>, vector<16xi32>,
            %add3A_229 = arith.constant 32 : i32
            %add3A_230 = arith.addi %mul3A_191, %add3A_229 : i32
            %get3A_231 = arith.index_cast %add3A_230 : i32 to index
            %get3A_232 = tpu.vector_load %arg14[%get3A_231] {strides = array<i32>} : memref<3296xi32, #tpu.memory_space<vmem>>, vector<16xi32>,
            %min3A_233 = arith.constant 335 : i32
            %min3A_234 = vector.broadcast %min3A_233 : i32 to vector<16xi32>
            %min3A_235 = arith.minsi %get3A_232, %min3A_234 : vector<16xi32>
            %lt3A_236 = arith.constant 320 : i32
            %lt3A_237 = vector.broadcast %lt3A_236 : i32 to vector<16xi32>
            %lt3A_238 = arith.cmpi slt, %get3A_232, %lt3A_237 : vector<16xi32>
            tpu.vector_store_idx %arg21[%min3A_235], %broadcast_in_dim3A_5 masked %lt3A_238 {add = true} : memref<336xf32, #tpu.memory_space<vmem>>[vector<16xi32>], vector<16xf32>, vector<16xi1>
            %dma_start3A_239 = arith.constant 0 : i32
            %dma_start3A_240 = arith.constant 0 : i32
            %dma_start3A_241 = tpu.memref_slice %arg2[%dma_start3A_239, %dma_start3A_240] : memref<10000x128xf32, #tpu.memory_space<hbm>> -> memref<10000x128xf32, #tpu.memory_space<hbm>>
            tpu.enqueue_indirect_dma source(%dma_start3A_241 : memref<10000x128xf32, #tpu.memory_space<hbm>>) target(%arg17 : memref<48x128xf32, #tpu.memory_space<vmem>>) offsets(%arg15 : memref<48xi32, #tpu.memory_space<vmem>>) semaphore(%arg23 : memref<!tpu.dma_semaphore, #tpu.memory_space<semaphore_mem>>)
          } else {
          }
          %scan3A_183 = arith.constant 0 : i32
          %scan3A_184 = arith.constant 48 : i32
          %scan3A_185 = arith.addi %scan3A_183, %scan3A_184 : i32
          %scan3A_186 = arith.constant 2 : i32
          scf.for %scan3A_188 = %scan3A_183 to %scan3A_185 step %scan3A_186  : i32 {
            %mul3A_189 = arith.constant 1 : i32
            %mul3A_190 = arith.muli %scan3A_188, %mul3A_189 : i32
            %add3A_191 = arith.constant 0 : i32
            %add3A_192 = arith.addi %add3A_191, %mul3A_190 : i32
            %jit3A_193 = arith.constant 16 : i32
            %div3A_194 = arith.divsi %add3A_192, %jit3A_193 : i32
            %sign3A_195 = arith.constant 0 : i32
            %sign3A_196 = arith.cmpi sgt, %add3A_192, %sign3A_195 : i32
            %sign3A_197 = arith.extui %sign3A_196 : i1 to i32
            %sign3A_198 = arith.constant 0 : i32
            %sign3A_199 = arith.cmpi slt, %add3A_192, %sign3A_198 : i32
            %sign3A_200 = arith.extui %sign3A_199 : i1 to i32
            %sign3A_201 = arith.subi %sign3A_197, %sign3A_200 : i32
            %sign3A_202 = arith.constant 0 : i32
            %sign3A_203 = arith.cmpi sgt, %jit3A_193, %sign3A_202 : i32
            %sign3A_204 = arith.extui %sign3A_203 : i1 to i32
            %sign3A_205 = arith.constant 0 : i32
            %sign3A_206 = arith.cmpi slt, %jit3A_193, %sign3A_205 : i32
            %sign3A_207 = arith.extui %sign3A_206 : i1 to i32
            %sign3A_208 = arith.subi %sign3A_204, %sign3A_207 : i32
            %ne3A_209 = arith.cmpi ne, %sign3A_201, %sign3A_208 : i32
            %rem3A_210 = arith.remsi %add3A_192, %jit3A_193 : i32
            %ne3A_211 = arith.constant 0 : i32
            %ne3A_212 = arith.cmpi ne, %rem3A_210, %ne3A_211 : i32
            %and3A_213 = arith.andi %ne3A_209, %ne3A_212 : i1
            %sub3A_214 = arith.constant 1 : i32
            %sub3A_215 = arith.subi %div3A_194, %sub3A_214 : i32
            %select_n3A_216 = arith.select %and3A_213, %sub3A_215, %div3A_194 : i32
            %mul3A_217 = arith.constant 16 : i32
            %mul3A_218 = arith.muli %select_n3A_216, %mul3A_217 : i32
            %mul3A_219 = arith.constant 48 : i32
            %mul3A_220 = arith.muli %add3A_169, %mul3A_219 : i32
            %add3A_221 = arith.addi %mul3A_220, %mul3A_218 : i32
            %get3A = arith.index_cast %add3A_221 : i32 to index
            %get3A_222 = tpu.vector_load %arg14[%get3A] {strides = array<i32>} : memref<3296xi32, #tpu.memory_space<vmem>>, vector<16xi32>,
            %sub3A_223 = arith.subi %add3A_192, %mul3A_218 : i32
            %eq3A = vector.broadcast %sub3A_223 : i32 to vector<16xi32>
            %eq3A_224 = arith.cmpi eq, %iota3A, %eq3A : vector<16xi32>
            %jit3A_225 = arith.constant 0 : i32
            %broadcast_in_dim3A_226 = vector.broadcast %jit3A_225 : i32 to vector<16xi32>
            %select_n3A_227 = arith.select %eq3A_224, %get3A_222, %broadcast_in_dim3A_226 : vector<16xi1>, vector<16xi32>
            %reduce_sum3A = arith.constant true
            %reduce_sum3A_228 = vector.broadcast %reduce_sum3A : i1 to vector<16xi1>
            %reduce_sum3A_229 = tpu.scan <sum>, %select_n3A_227 masked %reduce_sum3A_228 : vector<16xi32>, vector<16xi1> -> vector<16xi32>
            %reduce_sum3A_230 = vector.extract %reduce_sum3A_229[15] : i32 from vector<16xi32>
            %min3A_231 = arith.constant 327 : i32
            %min3A_232 = arith.minsi %reduce_sum3A_230, %min3A_231 : i32
            %get3A_233 = arith.index_cast %add3A_192 : i32 to index
            %get3A_234 = arith.constant 0 : index
            %get3A_235 = tpu.vector_load %arg18[%get3A_233, %get3A_234] {strides = array<i32>} : memref<48x128xf32, #tpu.memory_space<vmem>>, vector<16xf32>,
            %get3A_236 = arith.index_cast %min3A_232 : i32 to index
            %get3A_237 = arith.constant 0 : index
            %get3A_238 = tpu.vector_load %arg19[%get3A_236, %get3A_237] {strides = array<i32>} : memref<328x128xf32, #tpu.memory_space<vmem>>, vector<16xf32>,
            %max3A = arith.maximumf %get3A_238, %get3A_235 : vector<16xf32>
            %swap3A_239 = arith.index_cast %min3A_232 : i32 to index
            %swap3A_240 = arith.constant 0 : index
            %swap3A_241 = tpu.vector_load %arg19[%swap3A_239, %swap3A_240] {strides = array<i32>} : memref<328x128xf32, #tpu.memory_space<vmem>>, vector<16xf32>,
            tpu.vector_store %arg19[%swap3A_239, %swap3A_240], %max3A {strides = array<i32>} : memref<328x128xf32, #tpu.memory_space<vmem>>, vector<16xf32>,
            %get3A_242 = arith.index_cast %min3A_232 : i32 to index
            %get3A_243 = arith.constant 0 : index
            %get3A_244 = tpu.vector_load %arg20[%get3A_242, %get3A_243] {strides = array<i32>} : memref<328x128xf32, #tpu.memory_space<vmem>>, vector<16xf32>,
            %add3A_245 = arith.addf %get3A_244, %get3A_235 : vector<16xf32>
            %swap3A_246 = arith.index_cast %min3A_232 : i32 to index
            %swap3A_247 = arith.constant 0 : index
            %swap3A_248 = tpu.vector_load %arg20[%swap3A_246, %swap3A_247] {strides = array<i32>} : memref<328x128xf32, #tpu.memory_space<vmem>>, vector<16xf32>,
            tpu.vector_store %arg20[%swap3A_246, %swap3A_247], %add3A_245 {strides = array<i32>} : memref<328x128xf32, #tpu.memory_space<vmem>>, vector<16xf32>,
            %get3A_249 = arith.index_cast %add3A_192 : i32 to index
            %get3A_250 = arith.constant 16 : index
            %get3A_251 = tpu.vector_load %arg18[%get3A_249, %get3A_250] {strides = array<i32>} : memref<48x128xf32, #tpu.memory_space<vmem>>, vector<16xf32>,
            %get3A_252 = arith.index_cast %min3A_232 : i32 to index
            %get3A_253 = arith.constant 16 : index
            %get3A_254 = tpu.vector_load %arg19[%get3A_252, %get3A_253] {strides = array<i32>} : memref<328x128xf32, #tpu.memory_space<vmem>>, vector<16xf32>,
            %max3A_255 = arith.maximumf %get3A_254, %get3A_251 : vector<16xf32>
            %swap3A_256 = arith.index_cast %min3A_232 : i32 to index
            %swap3A_257 = arith.constant 16 : index
            %swap3A_258 = tpu.vector_load %arg19[%swap3A_256, %swap3A_257] {strides = array<i32>} : memref<328x128xf32, #tpu.memory_space<vmem>>, vector<16xf32>,
            tpu.vector_store %arg19[%swap3A_256, %swap3A_257], %max3A_255 {strides = array<i32>} : memref<328x128xf32, #tpu.memory_space<vmem>>, vector<16xf32>,
            %get3A_259 = arith.index_cast %min3A_232 : i32 to index
            %get3A_260 = arith.constant 16 : index
            %get3A_261 = tpu.vector_load %arg20[%get3A_259, %get3A_260] {strides = array<i32>} : memref<328x128xf32, #tpu.memory_space<vmem>>, vector<16xf32>,
            %add3A_262 = arith.addf %get3A_261, %get3A_251 : vector<16xf32>
            %swap3A_263 = arith.index_cast %min3A_232 : i32 to index
            %swap3A_264 = arith.constant 16 : index
            %swap3A_265 = tpu.vector_load %arg20[%swap3A_263, %swap3A_264] {strides = array<i32>} : memref<328x128xf32, #tpu.memory_space<vmem>>, vector<16xf32>,
            tpu.vector_store %arg20[%swap3A_263, %swap3A_264], %add3A_262 {strides = array<i32>} : memref<328x128xf32, #tpu.memory_space<vmem>>, vector<16xf32>,
            %get3A_266 = arith.index_cast %add3A_192 : i32 to index
            %get3A_267 = arith.constant 32 : index
            %get3A_268 = tpu.vector_load %arg18[%get3A_266, %get3A_267] {strides = array<i32>} : memref<48x128xf32, #tpu.memory_space<vmem>>, vector<16xf32>,
            %get3A_269 = arith.index_cast %min3A_232 : i32 to index
            %get3A_270 = arith.constant 32 : index
            %get3A_271 = tpu.vector_load %arg19[%get3A_269, %get3A_270] {strides = array<i32>} : memref<328x128xf32, #tpu.memory_space<vmem>>, vector<16xf32>,
            %max3A_272 = arith.maximumf %get3A_271, %get3A_268 : vector<16xf32>
            %swap3A_273 = arith.index_cast %min3A_232 : i32 to index
            %swap3A_274 = arith.constant 32 : index
            %swap3A_275 = tpu.vector_load %arg19[%swap3A_273, %swap3A_274] {strides = array<i32>} : memref<328x128xf32, #tpu.memory_space<vmem>>, vector<16xf32>,
            tpu.vector_store %arg19[%swap3A_273, %swap3A_274], %max3A_272 {strides = array<i32>} : memref<328x128xf32, #tpu.memory_space<vmem>>, vector<16xf32>,
            %get3A_276 = arith.index_cast %min3A_232 : i32 to index
            %get3A_277 = arith.constant 32 : index
            %get3A_278 = tpu.vector_load %arg20[%get3A_276, %get3A_277] {strides = array<i32>} : memref<328x128xf32, #tpu.memory_space<vmem>>, vector<16xf32>,
            %add3A_279 = arith.addf %get3A_278, %get3A_268 : vector<16xf32>
            %swap3A_280 = arith.index_cast %min3A_232 : i32 to index
            %swap3A_281 = arith.constant 32 : index
            %swap3A_282 = tpu.vector_load %arg20[%swap3A_280, %swap3A_281] {strides = array<i32>} : memref<328x128xf32, #tpu.memory_space<vmem>>, vector<16xf32>,
            tpu.vector_store %arg20[%swap3A_280, %swap3A_281], %add3A_279 {strides = array<i32>} : memref<328x128xf32, #tpu.memory_space<vmem>>, vector<16xf32>,
            %get3A_283 = arith.index_cast %add3A_192 : i32 to index
            %get3A_284 = arith.constant 48 : index
            %get3A_285 = tpu.vector_load %arg18[%get3A_283, %get3A_284] {strides = array<i32>} : memref<48x128xf32, #tpu.memory_space<vmem>>, vector<16xf32>,
            %get3A_286 = arith.index_cast %min3A_232 : i32 to index
            %get3A_287 = arith.constant 48 : index
            %get3A_288 = tpu.vector_load %arg19[%get3A_286, %get3A_287] {strides = array<i32>} : memref<328x128xf32, #tpu.memory_space<vmem>>, vector<16xf32>,
            %max3A_289 = arith.maximumf %get3A_288, %get3A_285 : vector<16xf32>
            %swap3A_290 = arith.index_cast %min3A_232 : i32 to index
            %swap3A_291 = arith.constant 48 : index
            %swap3A_292 = tpu.vector_load %arg19[%swap3A_290, %swap3A_291] {strides = array<i32>} : memref<328x128xf32, #tpu.memory_space<vmem>>, vector<16xf32>,
            tpu.vector_store %arg19[%swap3A_290, %swap3A_291], %max3A_289 {strides = array<i32>} : memref<328x128xf32, #tpu.memory_space<vmem>>, vector<16xf32>,
            %get3A_293 = arith.index_cast %min3A_232 : i32 to index
            %get3A_294 = arith.constant 48 : index
            %get3A_295 = tpu.vector_load %arg20[%get3A_293, %get3A_294] {strides = array<i32>} : memref<328x128xf32, #tpu.memory_space<vmem>>, vector<16xf32>,
            %add3A_296 = arith.addf %get3A_295, %get3A_285 : vector<16xf32>
            %swap3A_297 = arith.index_cast %min3A_232 : i32 to index
            %swap3A_298 = arith.constant 48 : index
            %swap3A_299 = tpu.vector_load %arg20[%swap3A_297, %swap3A_298] {strides = array<i32>} : memref<328x128xf32, #tpu.memory_space<vmem>>, vector<16xf32>,
            tpu.vector_store %arg20[%swap3A_297, %swap3A_298], %add3A_296 {strides = array<i32>} : memref<328x128xf32, #tpu.memory_space<vmem>>, vector<16xf32>,
            %get3A_300 = arith.index_cast %add3A_192 : i32 to index
            %get3A_301 = arith.constant 64 : index
            %get3A_302 = tpu.vector_load %arg18[%get3A_300, %get3A_301] {strides = array<i32>} : memref<48x128xf32, #tpu.memory_space<vmem>>, vector<16xf32>,
            %get3A_303 = arith.index_cast %min3A_232 : i32 to index
            %get3A_304 = arith.constant 64 : index
            %get3A_305 = tpu.vector_load %arg19[%get3A_303, %get3A_304] {strides = array<i32>} : memref<328x128xf32, #tpu.memory_space<vmem>>, vector<16xf32>,
            %max3A_306 = arith.maximumf %get3A_305, %get3A_302 : vector<16xf32>
            %swap3A_307 = arith.index_cast %min3A_232 : i32 to index
            %swap3A_308 = arith.constant 64 : index
            %swap3A_309 = tpu.vector_load %arg19[%swap3A_307, %swap3A_308] {strides = array<i32>} : memref<328x128xf32, #tpu.memory_space<vmem>>, vector<16xf32>,
            tpu.vector_store %arg19[%swap3A_307, %swap3A_308], %max3A_306 {strides = array<i32>} : memref<328x128xf32, #tpu.memory_space<vmem>>, vector<16xf32>,
            %get3A_310 = arith.index_cast %min3A_232 : i32 to index
            %get3A_311 = arith.constant 64 : index
            %get3A_312 = tpu.vector_load %arg20[%get3A_310, %get3A_311] {strides = array<i32>} : memref<328x128xf32, #tpu.memory_space<vmem>>, vector<16xf32>,
            %add3A_313 = arith.addf %get3A_312, %get3A_302 : vector<16xf32>
            %swap3A_314 = arith.index_cast %min3A_232 : i32 to index
            %swap3A_315 = arith.constant 64 : index
            %swap3A_316 = tpu.vector_load %arg20[%swap3A_314, %swap3A_315] {strides = array<i32>} : memref<328x128xf32, #tpu.memory_space<vmem>>, vector<16xf32>,
            tpu.vector_store %arg20[%swap3A_314, %swap3A_315], %add3A_313 {strides = array<i32>} : memref<328x128xf32, #tpu.memory_space<vmem>>, vector<16xf32>,
            %get3A_317 = arith.index_cast %add3A_192 : i32 to index
            %get3A_318 = arith.constant 80 : index
            %get3A_319 = tpu.vector_load %arg18[%get3A_317, %get3A_318] {strides = array<i32>} : memref<48x128xf32, #tpu.memory_space<vmem>>, vector<16xf32>,
            %get3A_320 = arith.index_cast %min3A_232 : i32 to index
            %get3A_321 = arith.constant 80 : index
            %get3A_322 = tpu.vector_load %arg19[%get3A_320, %get3A_321] {strides = array<i32>} : memref<328x128xf32, #tpu.memory_space<vmem>>, vector<16xf32>,
            %max3A_323 = arith.maximumf %get3A_322, %get3A_319 : vector<16xf32>
            %swap3A_324 = arith.index_cast %min3A_232 : i32 to index
            %swap3A_325 = arith.constant 80 : index
            %swap3A_326 = tpu.vector_load %arg19[%swap3A_324, %swap3A_325] {strides = array<i32>} : memref<328x128xf32, #tpu.memory_space<vmem>>, vector<16xf32>,
            tpu.vector_store %arg19[%swap3A_324, %swap3A_325], %max3A_323 {strides = array<i32>} : memref<328x128xf32, #tpu.memory_space<vmem>>, vector<16xf32>,
            %get3A_327 = arith.index_cast %min3A_232 : i32 to index
            %get3A_328 = arith.constant 80 : index
            %get3A_329 = tpu.vector_load %arg20[%get3A_327, %get3A_328] {strides = array<i32>} : memref<328x128xf32, #tpu.memory_space<vmem>>, vector<16xf32>,
            %add3A_330 = arith.addf %get3A_329, %get3A_319 : vector<16xf32>
            %swap3A_331 = arith.index_cast %min3A_232 : i32 to index
            %swap3A_332 = arith.constant 80 : index
            %swap3A_333 = tpu.vector_load %arg20[%swap3A_331, %swap3A_332] {strides = array<i32>} : memref<328x128xf32, #tpu.memory_space<vmem>>, vector<16xf32>,
            tpu.vector_store %arg20[%swap3A_331, %swap3A_332], %add3A_330 {strides = array<i32>} : memref<328x128xf32, #tpu.memory_space<vmem>>, vector<16xf32>,
            %get3A_334 = arith.index_cast %add3A_192 : i32 to index
            %get3A_335 = arith.constant 96 : index
            %get3A_336 = tpu.vector_load %arg18[%get3A_334, %get3A_335] {strides = array<i32>} : memref<48x128xf32, #tpu.memory_space<vmem>>, vector<16xf32>,
            %get3A_337 = arith.index_cast %min3A_232 : i32 to index
            %get3A_338 = arith.constant 96 : index
            %get3A_339 = tpu.vector_load %arg19[%get3A_337, %get3A_338] {strides = array<i32>} : memref<328x128xf32, #tpu.memory_space<vmem>>, vector<16xf32>,
            %max3A_340 = arith.maximumf %get3A_339, %get3A_336 : vector<16xf32>
            %swap3A_341 = arith.index_cast %min3A_232 : i32 to index
            %swap3A_342 = arith.constant 96 : index
            %swap3A_343 = tpu.vector_load %arg19[%swap3A_341, %swap3A_342] {strides = array<i32>} : memref<328x128xf32, #tpu.memory_space<vmem>>, vector<16xf32>,
            tpu.vector_store %arg19[%swap3A_341, %swap3A_342], %max3A_340 {strides = array<i32>} : memref<328x128xf32, #tpu.memory_space<vmem>>, vector<16xf32>,
            %get3A_344 = arith.index_cast %min3A_232 : i32 to index
            %get3A_345 = arith.constant 96 : index
            %get3A_346 = tpu.vector_load %arg20[%get3A_344, %get3A_345] {strides = array<i32>} : memref<328x128xf32, #tpu.memory_space<vmem>>, vector<16xf32>,
            %add3A_347 = arith.addf %get3A_346, %get3A_336 : vector<16xf32>
            %swap3A_348 = arith.index_cast %min3A_232 : i32 to index
            %swap3A_349 = arith.constant 96 : index
            %swap3A_350 = tpu.vector_load %arg20[%swap3A_348, %swap3A_349] {strides = array<i32>} : memref<328x128xf32, #tpu.memory_space<vmem>>, vector<16xf32>,
            tpu.vector_store %arg20[%swap3A_348, %swap3A_349], %add3A_347 {strides = array<i32>} : memref<328x128xf32, #tpu.memory_space<vmem>>, vector<16xf32>,
            %get3A_351 = arith.index_cast %add3A_192 : i32 to index
            %get3A_352 = arith.constant 112 : index
            %get3A_353 = tpu.vector_load %arg18[%get3A_351, %get3A_352] {strides = array<i32>} : memref<48x128xf32, #tpu.memory_space<vmem>>, vector<16xf32>,
            %get3A_354 = arith.index_cast %min3A_232 : i32 to index
            %get3A_355 = arith.constant 112 : index
            %get3A_356 = tpu.vector_load %arg19[%get3A_354, %get3A_355] {strides = array<i32>} : memref<328x128xf32, #tpu.memory_space<vmem>>, vector<16xf32>,
            %max3A_357 = arith.maximumf %get3A_356, %get3A_353 : vector<16xf32>
            %swap3A_358 = arith.index_cast %min3A_232 : i32 to index
            %swap3A_359 = arith.constant 112 : index
            %swap3A_360 = tpu.vector_load %arg19[%swap3A_358, %swap3A_359] {strides = array<i32>} : memref<328x128xf32, #tpu.memory_space<vmem>>, vector<16xf32>,
            tpu.vector_store %arg19[%swap3A_358, %swap3A_359], %max3A_357 {strides = array<i32>} : memref<328x128xf32, #tpu.memory_space<vmem>>, vector<16xf32>,
            %get3A_361 = arith.index_cast %min3A_232 : i32 to index
            %get3A_362 = arith.constant 112 : index
            %get3A_363 = tpu.vector_load %arg20[%get3A_361, %get3A_362] {strides = array<i32>} : memref<328x128xf32, #tpu.memory_space<vmem>>, vector<16xf32>,
            %add3A_364 = arith.addf %get3A_363, %get3A_353 : vector<16xf32>
            %swap3A_365 = arith.index_cast %min3A_232 : i32 to index
            %swap3A_366 = arith.constant 112 : index
            %swap3A_367 = tpu.vector_load %arg20[%swap3A_365, %swap3A_366] {strides = array<i32>} : memref<328x128xf32, #tpu.memory_space<vmem>>, vector<16xf32>,
            tpu.vector_store %arg20[%swap3A_365, %swap3A_366], %add3A_364 {strides = array<i32>} : memref<328x128xf32, #tpu.memory_space<vmem>>, vector<16xf32>,
            %scan3A_368 = arith.constant 1 : i32
            %scan3A_369 = arith.addi %scan3A_188, %scan3A_368 : i32
            %mul3A_370 = arith.constant 1 : i32
            %mul3A_371 = arith.muli %scan3A_369, %mul3A_370 : i32
            %add3A_372 = arith.constant 0 : i32
            %add3A_373 = arith.addi %add3A_372, %mul3A_371 : i32
            %jit3A_374 = arith.constant 16 : i32
            %div3A_375 = arith.divsi %add3A_373, %jit3A_374 : i32
            %sign3A_376 = arith.constant 0 : i32
            %sign3A_377 = arith.cmpi sgt, %add3A_373, %sign3A_376 : i32
            %sign3A_378 = arith.extui %sign3A_377 : i1 to i32
            %sign3A_379 = arith.constant 0 : i32
            %sign3A_380 = arith.cmpi slt, %add3A_373, %sign3A_379 : i32
            %sign3A_381 = arith.extui %sign3A_380 : i1 to i32
            %sign3A_382 = arith.subi %sign3A_378, %sign3A_381 : i32
            %sign3A_383 = arith.constant 0 : i32
            %sign3A_384 = arith.cmpi sgt, %jit3A_374, %sign3A_383 : i32
            %sign3A_385 = arith.extui %sign3A_384 : i1 to i32
            %sign3A_386 = arith.constant 0 : i32
            %sign3A_387 = arith.cmpi slt, %jit3A_374, %sign3A_386 : i32
            %sign3A_388 = arith.extui %sign3A_387 : i1 to i32
            %sign3A_389 = arith.subi %sign3A_385, %sign3A_388 : i32
            %ne3A_390 = arith.cmpi ne, %sign3A_382, %sign3A_389 : i32
            %rem3A_391 = arith.remsi %add3A_373, %jit3A_374 : i32
            %ne3A_392 = arith.constant 0 : i32
            %ne3A_393 = arith.cmpi ne, %rem3A_391, %ne3A_392 : i32
            %and3A_394 = arith.andi %ne3A_390, %ne3A_393 : i1
            %sub3A_395 = arith.constant 1 : i32
            %sub3A_396 = arith.subi %div3A_375, %sub3A_395 : i32
            %select_n3A_397 = arith.select %and3A_394, %sub3A_396, %div3A_375 : i32
            %mul3A_398 = arith.constant 16 : i32
            %mul3A_399 = arith.muli %select_n3A_397, %mul3A_398 : i32
            %mul3A_400 = arith.constant 48 : i32
            %mul3A_401 = arith.muli %add3A_169, %mul3A_400 : i32
            %add3A_402 = arith.addi %mul3A_401, %mul3A_399 : i32
            %get3A_403 = arith.index_cast %add3A_402 : i32 to index
            %get3A_404 = tpu.vector_load %arg14[%get3A_403] {strides = array<i32>} : memref<3296xi32, #tpu.memory_space<vmem>>, vector<16xi32>,
            %sub3A_405 = arith.subi %add3A_373, %mul3A_399 : i32
            %eq3A_406 = vector.broadcast %sub3A_405 : i32 to vector<16xi32>
            %eq3A_407 = arith.cmpi eq, %iota3A, %eq3A_406 : vector<16xi32>
            %jit3A_408 = arith.constant 0 : i32
            %broadcast_in_dim3A_409 = vector.broadcast %jit3A_408 : i32 to vector<16xi32>
            %select_n3A_410 = arith.select %eq3A_407, %get3A_404, %broadcast_in_dim3A_409 : vector<16xi1>, vector<16xi32>
            %reduce_sum3A_411 = arith.constant true
            %reduce_sum3A_412 = vector.broadcast %reduce_sum3A_411 : i1 to vector<16xi1>
            %reduce_sum3A_413 = tpu.scan <sum>, %select_n3A_410 masked %reduce_sum3A_412 : vector<16xi32>, vector<16xi1> -> vector<16xi32>
            %reduce_sum3A_414 = vector.extract %reduce_sum3A_413[15] : i32 from vector<16xi32>
            %min3A_415 = arith.constant 327 : i32
            %min3A_416 = arith.minsi %reduce_sum3A_414, %min3A_415 : i32
            %get3A_417 = arith.index_cast %add3A_373 : i32 to index
            %get3A_418 = arith.constant 0 : index
            %get3A_419 = tpu.vector_load %arg18[%get3A_417, %get3A_418] {strides = array<i32>} : memref<48x128xf32, #tpu.memory_space<vmem>>, vector<16xf32>,
            %get3A_420 = arith.index_cast %min3A_416 : i32 to index
            %get3A_421 = arith.constant 0 : index
            %get3A_422 = tpu.vector_load %arg19[%get3A_420, %get3A_421] {strides = array<i32>} : memref<328x128xf32, #tpu.memory_space<vmem>>, vector<16xf32>,
            %max3A_423 = arith.maximumf %get3A_422, %get3A_419 : vector<16xf32>
            %swap3A_424 = arith.index_cast %min3A_416 : i32 to index
            %swap3A_425 = arith.constant 0 : index
            %swap3A_426 = tpu.vector_load %arg19[%swap3A_424, %swap3A_425] {strides = array<i32>} : memref<328x128xf32, #tpu.memory_space<vmem>>, vector<16xf32>,
            tpu.vector_store %arg19[%swap3A_424, %swap3A_425], %max3A_423 {strides = array<i32>} : memref<328x128xf32, #tpu.memory_space<vmem>>, vector<16xf32>,
            %get3A_427 = arith.index_cast %min3A_416 : i32 to index
            %get3A_428 = arith.constant 0 : index
            %get3A_429 = tpu.vector_load %arg20[%get3A_427, %get3A_428] {strides = array<i32>} : memref<328x128xf32, #tpu.memory_space<vmem>>, vector<16xf32>,
            %add3A_430 = arith.addf %get3A_429, %get3A_419 : vector<16xf32>
            %swap3A_431 = arith.index_cast %min3A_416 : i32 to index
            %swap3A_432 = arith.constant 0 : index
            %swap3A_433 = tpu.vector_load %arg20[%swap3A_431, %swap3A_432] {strides = array<i32>} : memref<328x128xf32, #tpu.memory_space<vmem>>, vector<16xf32>,
            tpu.vector_store %arg20[%swap3A_431, %swap3A_432], %add3A_430 {strides = array<i32>} : memref<328x128xf32, #tpu.memory_space<vmem>>, vector<16xf32>,
            %get3A_434 = arith.index_cast %add3A_373 : i32 to index
            %get3A_435 = arith.constant 16 : index
            %get3A_436 = tpu.vector_load %arg18[%get3A_434, %get3A_435] {strides = array<i32>} : memref<48x128xf32, #tpu.memory_space<vmem>>, vector<16xf32>,
            %get3A_437 = arith.index_cast %min3A_416 : i32 to index
            %get3A_438 = arith.constant 16 : index
            %get3A_439 = tpu.vector_load %arg19[%get3A_437, %get3A_438] {strides = array<i32>} : memref<328x128xf32, #tpu.memory_space<vmem>>, vector<16xf32>,
            %max3A_440 = arith.maximumf %get3A_439, %get3A_436 : vector<16xf32>
            %swap3A_441 = arith.index_cast %min3A_416 : i32 to index
            %swap3A_442 = arith.constant 16 : index
            %swap3A_443 = tpu.vector_load %arg19[%swap3A_441, %swap3A_442] {strides = array<i32>} : memref<328x128xf32, #tpu.memory_space<vmem>>, vector<16xf32>,
            tpu.vector_store %arg19[%swap3A_441, %swap3A_442], %max3A_440 {strides = array<i32>} : memref<328x128xf32, #tpu.memory_space<vmem>>, vector<16xf32>,
            %get3A_444 = arith.index_cast %min3A_416 : i32 to index
            %get3A_445 = arith.constant 16 : index
            %get3A_446 = tpu.vector_load %arg20[%get3A_444, %get3A_445] {strides = array<i32>} : memref<328x128xf32, #tpu.memory_space<vmem>>, vector<16xf32>,
            %add3A_447 = arith.addf %get3A_446, %get3A_436 : vector<16xf32>
            %swap3A_448 = arith.index_cast %min3A_416 : i32 to index
            %swap3A_449 = arith.constant 16 : index
            %swap3A_450 = tpu.vector_load %arg20[%swap3A_448, %swap3A_449] {strides = array<i32>} : memref<328x128xf32, #tpu.memory_space<vmem>>, vector<16xf32>,
            tpu.vector_store %arg20[%swap3A_448, %swap3A_449], %add3A_447 {strides = array<i32>} : memref<328x128xf32, #tpu.memory_space<vmem>>, vector<16xf32>,
            %get3A_451 = arith.index_cast %add3A_373 : i32 to index
            %get3A_452 = arith.constant 32 : index
            %get3A_453 = tpu.vector_load %arg18[%get3A_451, %get3A_452] {strides = array<i32>} : memref<48x128xf32, #tpu.memory_space<vmem>>, vector<16xf32>,
            %get3A_454 = arith.index_cast %min3A_416 : i32 to index
            %get3A_455 = arith.constant 32 : index
            %get3A_456 = tpu.vector_load %arg19[%get3A_454, %get3A_455] {strides = array<i32>} : memref<328x128xf32, #tpu.memory_space<vmem>>, vector<16xf32>,
            %max3A_457 = arith.maximumf %get3A_456, %get3A_453 : vector<16xf32>
            %swap3A_458 = arith.index_cast %min3A_416 : i32 to index
            %swap3A_459 = arith.constant 32 : index
            %swap3A_460 = tpu.vector_load %arg19[%swap3A_458, %swap3A_459] {strides = array<i32>} : memref<328x128xf32, #tpu.memory_space<vmem>>, vector<16xf32>,
            tpu.vector_store %arg19[%swap3A_458, %swap3A_459], %max3A_457 {strides = array<i32>} : memref<328x128xf32, #tpu.memory_space<vmem>>, vector<16xf32>,
            %get3A_461 = arith.index_cast %min3A_416 : i32 to index
            %get3A_462 = arith.constant 32 : index
            %get3A_463 = tpu.vector_load %arg20[%get3A_461, %get3A_462] {strides = array<i32>} : memref<328x128xf32, #tpu.memory_space<vmem>>, vector<16xf32>,
            %add3A_464 = arith.addf %get3A_463, %get3A_453 : vector<16xf32>
            %swap3A_465 = arith.index_cast %min3A_416 : i32 to index
            %swap3A_466 = arith.constant 32 : index
            %swap3A_467 = tpu.vector_load %arg20[%swap3A_465, %swap3A_466] {strides = array<i32>} : memref<328x128xf32, #tpu.memory_space<vmem>>, vector<16xf32>,
            tpu.vector_store %arg20[%swap3A_465, %swap3A_466], %add3A_464 {strides = array<i32>} : memref<328x128xf32, #tpu.memory_space<vmem>>, vector<16xf32>,
            %get3A_468 = arith.index_cast %add3A_373 : i32 to index
            %get3A_469 = arith.constant 48 : index
            %get3A_470 = tpu.vector_load %arg18[%get3A_468, %get3A_469] {strides = array<i32>} : memref<48x128xf32, #tpu.memory_space<vmem>>, vector<16xf32>,
            %get3A_471 = arith.index_cast %min3A_416 : i32 to index
            %get3A_472 = arith.constant 48 : index
            %get3A_473 = tpu.vector_load %arg19[%get3A_471, %get3A_472] {strides = array<i32>} : memref<328x128xf32, #tpu.memory_space<vmem>>, vector<16xf32>,
            %max3A_474 = arith.maximumf %get3A_473, %get3A_470 : vector<16xf32>
            %swap3A_475 = arith.index_cast %min3A_416 : i32 to index
            %swap3A_476 = arith.constant 48 : index
            %swap3A_477 = tpu.vector_load %arg19[%swap3A_475, %swap3A_476] {strides = array<i32>} : memref<328x128xf32, #tpu.memory_space<vmem>>, vector<16xf32>,
            tpu.vector_store %arg19[%swap3A_475, %swap3A_476], %max3A_474 {strides = array<i32>} : memref<328x128xf32, #tpu.memory_space<vmem>>, vector<16xf32>,
            %get3A_478 = arith.index_cast %min3A_416 : i32 to index
            %get3A_479 = arith.constant 48 : index
            %get3A_480 = tpu.vector_load %arg20[%get3A_478, %get3A_479] {strides = array<i32>} : memref<328x128xf32, #tpu.memory_space<vmem>>, vector<16xf32>,
            %add3A_481 = arith.addf %get3A_480, %get3A_470 : vector<16xf32>
            %swap3A_482 = arith.index_cast %min3A_416 : i32 to index
            %swap3A_483 = arith.constant 48 : index
            %swap3A_484 = tpu.vector_load %arg20[%swap3A_482, %swap3A_483] {strides = array<i32>} : memref<328x128xf32, #tpu.memory_space<vmem>>, vector<16xf32>,
            tpu.vector_store %arg20[%swap3A_482, %swap3A_483], %add3A_481 {strides = array<i32>} : memref<328x128xf32, #tpu.memory_space<vmem>>, vector<16xf32>,
            %get3A_485 = arith.index_cast %add3A_373 : i32 to index
            %get3A_486 = arith.constant 64 : index
            %get3A_487 = tpu.vector_load %arg18[%get3A_485, %get3A_486] {strides = array<i32>} : memref<48x128xf32, #tpu.memory_space<vmem>>, vector<16xf32>,
            %get3A_488 = arith.index_cast %min3A_416 : i32 to index
            %get3A_489 = arith.constant 64 : index
            %get3A_490 = tpu.vector_load %arg19[%get3A_488, %get3A_489] {strides = array<i32>} : memref<328x128xf32, #tpu.memory_space<vmem>>, vector<16xf32>,
            %max3A_491 = arith.maximumf %get3A_490, %get3A_487 : vector<16xf32>
            %swap3A_492 = arith.index_cast %min3A_416 : i32 to index
            %swap3A_493 = arith.constant 64 : index
            %swap3A_494 = tpu.vector_load %arg19[%swap3A_492, %swap3A_493] {strides = array<i32>} : memref<328x128xf32, #tpu.memory_space<vmem>>, vector<16xf32>,
            tpu.vector_store %arg19[%swap3A_492, %swap3A_493], %max3A_491 {strides = array<i32>} : memref<328x128xf32, #tpu.memory_space<vmem>>, vector<16xf32>,
            %get3A_495 = arith.index_cast %min3A_416 : i32 to index
            %get3A_496 = arith.constant 64 : index
            %get3A_497 = tpu.vector_load %arg20[%get3A_495, %get3A_496] {strides = array<i32>} : memref<328x128xf32, #tpu.memory_space<vmem>>, vector<16xf32>,
            %add3A_498 = arith.addf %get3A_497, %get3A_487 : vector<16xf32>
            %swap3A_499 = arith.index_cast %min3A_416 : i32 to index
            %swap3A_500 = arith.constant 64 : index
            %swap3A_501 = tpu.vector_load %arg20[%swap3A_499, %swap3A_500] {strides = array<i32>} : memref<328x128xf32, #tpu.memory_space<vmem>>, vector<16xf32>,
            tpu.vector_store %arg20[%swap3A_499, %swap3A_500], %add3A_498 {strides = array<i32>} : memref<328x128xf32, #tpu.memory_space<vmem>>, vector<16xf32>,
            %get3A_502 = arith.index_cast %add3A_373 : i32 to index
            %get3A_503 = arith.constant 80 : index
            %get3A_504 = tpu.vector_load %arg18[%get3A_502, %get3A_503] {strides = array<i32>} : memref<48x128xf32, #tpu.memory_space<vmem>>, vector<16xf32>,
            %get3A_505 = arith.index_cast %min3A_416 : i32 to index
            %get3A_506 = arith.constant 80 : index
            %get3A_507 = tpu.vector_load %arg19[%get3A_505, %get3A_506] {strides = array<i32>} : memref<328x128xf32, #tpu.memory_space<vmem>>, vector<16xf32>,
            %max3A_508 = arith.maximumf %get3A_507, %get3A_504 : vector<16xf32>
            %swap3A_509 = arith.index_cast %min3A_416 : i32 to index
            %swap3A_510 = arith.constant 80 : index
            %swap3A_511 = tpu.vector_load %arg19[%swap3A_509, %swap3A_510] {strides = array<i32>} : memref<328x128xf32, #tpu.memory_space<vmem>>, vector<16xf32>,
            tpu.vector_store %arg19[%swap3A_509, %swap3A_510], %max3A_508 {strides = array<i32>} : memref<328x128xf32, #tpu.memory_space<vmem>>, vector<16xf32>,
            %get3A_512 = arith.index_cast %min3A_416 : i32 to index
            %get3A_513 = arith.constant 80 : index
            %get3A_514 = tpu.vector_load %arg20[%get3A_512, %get3A_513] {strides = array<i32>} : memref<328x128xf32, #tpu.memory_space<vmem>>, vector<16xf32>,
            %add3A_515 = arith.addf %get3A_514, %get3A_504 : vector<16xf32>
            %swap3A_516 = arith.index_cast %min3A_416 : i32 to index
            %swap3A_517 = arith.constant 80 : index
            %swap3A_518 = tpu.vector_load %arg20[%swap3A_516, %swap3A_517] {strides = array<i32>} : memref<328x128xf32, #tpu.memory_space<vmem>>, vector<16xf32>,
            tpu.vector_store %arg20[%swap3A_516, %swap3A_517], %add3A_515 {strides = array<i32>} : memref<328x128xf32, #tpu.memory_space<vmem>>, vector<16xf32>,
            %get3A_519 = arith.index_cast %add3A_373 : i32 to index
            %get3A_520 = arith.constant 96 : index
            %get3A_521 = tpu.vector_load %arg18[%get3A_519, %get3A_520] {strides = array<i32>} : memref<48x128xf32, #tpu.memory_space<vmem>>, vector<16xf32>,
            %get3A_522 = arith.index_cast %min3A_416 : i32 to index
            %get3A_523 = arith.constant 96 : index
            %get3A_524 = tpu.vector_load %arg19[%get3A_522, %get3A_523] {strides = array<i32>} : memref<328x128xf32, #tpu.memory_space<vmem>>, vector<16xf32>,
            %max3A_525 = arith.maximumf %get3A_524, %get3A_521 : vector<16xf32>
            %swap3A_526 = arith.index_cast %min3A_416 : i32 to index
            %swap3A_527 = arith.constant 96 : index
            %swap3A_528 = tpu.vector_load %arg19[%swap3A_526, %swap3A_527] {strides = array<i32>} : memref<328x128xf32, #tpu.memory_space<vmem>>, vector<16xf32>,
            tpu.vector_store %arg19[%swap3A_526, %swap3A_527], %max3A_525 {strides = array<i32>} : memref<328x128xf32, #tpu.memory_space<vmem>>, vector<16xf32>,
            %get3A_529 = arith.index_cast %min3A_416 : i32 to index
            %get3A_530 = arith.constant 96 : index
            %get3A_531 = tpu.vector_load %arg20[%get3A_529, %get3A_530] {strides = array<i32>} : memref<328x128xf32, #tpu.memory_space<vmem>>, vector<16xf32>,
            %add3A_532 = arith.addf %get3A_531, %get3A_521 : vector<16xf32>
            %swap3A_533 = arith.index_cast %min3A_416 : i32 to index
            %swap3A_534 = arith.constant 96 : index
            %swap3A_535 = tpu.vector_load %arg20[%swap3A_533, %swap3A_534] {strides = array<i32>} : memref<328x128xf32, #tpu.memory_space<vmem>>, vector<16xf32>,
            tpu.vector_store %arg20[%swap3A_533, %swap3A_534], %add3A_532 {strides = array<i32>} : memref<328x128xf32, #tpu.memory_space<vmem>>, vector<16xf32>,
            %get3A_536 = arith.index_cast %add3A_373 : i32 to index
            %get3A_537 = arith.constant 112 : index
            %get3A_538 = tpu.vector_load %arg18[%get3A_536, %get3A_537] {strides = array<i32>} : memref<48x128xf32, #tpu.memory_space<vmem>>, vector<16xf32>,
            %get3A_539 = arith.index_cast %min3A_416 : i32 to index
            %get3A_540 = arith.constant 112 : index
            %get3A_541 = tpu.vector_load %arg19[%get3A_539, %get3A_540] {strides = array<i32>} : memref<328x128xf32, #tpu.memory_space<vmem>>, vector<16xf32>,
            %max3A_542 = arith.maximumf %get3A_541, %get3A_538 : vector<16xf32>
            %swap3A_543 = arith.index_cast %min3A_416 : i32 to index
            %swap3A_544 = arith.constant 112 : index
            %swap3A_545 = tpu.vector_load %arg19[%swap3A_543, %swap3A_544] {strides = array<i32>} : memref<328x128xf32, #tpu.memory_space<vmem>>, vector<16xf32>,
            tpu.vector_store %arg19[%swap3A_543, %swap3A_544], %max3A_542 {strides = array<i32>} : memref<328x128xf32, #tpu.memory_space<vmem>>, vector<16xf32>,
            %get3A_546 = arith.index_cast %min3A_416 : i32 to index
            %get3A_547 = arith.constant 112 : index
            %get3A_548 = tpu.vector_load %arg20[%get3A_546, %get3A_547] {strides = array<i32>} : memref<328x128xf32, #tpu.memory_space<vmem>>, vector<16xf32>,
            %add3A_549 = arith.addf %get3A_548, %get3A_538 : vector<16xf32>
            %swap3A_550 = arith.index_cast %min3A_416 : i32 to index
            %swap3A_551 = arith.constant 112 : index
            %swap3A_552 = tpu.vector_load %arg20[%swap3A_550, %swap3A_551] {strides = array<i32>} : memref<328x128xf32, #tpu.memory_space<vmem>>, vector<16xf32>,
            tpu.vector_store %arg20[%swap3A_550, %swap3A_551], %add3A_549 {strides = array<i32>} : memref<328x128xf32, #tpu.memory_space<vmem>>, vector<16xf32>,
          }
          %scan3A_187 = arith.constant 48 : i32
        } else {
        }
      }
      %while3A_156 = arith.constant 1 : i32
      scf.for %while3A_157 = %while3A_154 to %while3A_150 step %while3A_156  : i32 {
        %mul3A_158 = arith.constant 2 : i32
        %mul3A_159 = arith.muli %mul3A_158, %while3A_157 : i32
        %add3A_160 = arith.constant 0 : i32
        %add3A_161 = arith.addi %mul3A_159, %add3A_160 : i32
        %lt3A_162 = arith.cmpi slt, %add3A_161, %select_n3A : i32
        %convert_element_type3A_163 = arith.extui %lt3A_162 : i1 to i32
        %cond3A_164 = arith.constant 0 : i32
        %cond3A_165 = arith.cmpi ne, %convert_element_type3A_163, %cond3A_164 : i32
        scf.if %cond3A_165 {
          %dma_wait3A_174 = arith.constant 0 : i32
          %dma_wait3A_175 = arith.constant 0 : i32
          %dma_wait3A_176 = tpu.memref_slice %arg2[%dma_wait3A_174, %dma_wait3A_175] : memref<10000x128xf32, #tpu.memory_space<hbm>> -> memref<10000x128xf32, #tpu.memory_space<hbm>>
          tpu.wait_indirect_dma semaphore(%arg23 : memref<!tpu.dma_semaphore, #tpu.memory_space<semaphore_mem>>) src(%dma_wait3A_176 : memref<10000x128xf32, #tpu.memory_space<hbm>>) dst(%arg17 : memref<48x128xf32, #tpu.memory_space<vmem>>)
          %add3A_177 = arith.constant 1 : i32
          %add3A_178 = arith.addi %add3A_161, %add3A_177 : i32
          %lt3A_179 = arith.cmpi slt, %add3A_178, %select_n3A : i32
          %convert_element_type3A_180 = arith.extui %lt3A_179 : i1 to i32
          %cond3A_181 = arith.constant 0 : i32
          %cond3A_182 = arith.cmpi ne, %convert_element_type3A_180, %cond3A_181 : i32
          scf.if %cond3A_182 {
            %add3A_188 = arith.constant 1 : i32
            %add3A_189 = arith.addi %add3A_161, %add3A_188 : i32
            %mul3A_190 = arith.constant 48 : i32
            %mul3A_191 = arith.muli %add3A_189, %mul3A_190 : i32
            %add3A_192 = arith.constant 0 : i32
            %add3A_193 = arith.addi %mul3A_191, %add3A_192 : i32
            %get3A = arith.index_cast %add3A_193 : i32 to index
            %get3A_194 = tpu.vector_load %arg13[%get3A] {strides = array<i32>} : memref<3296xi32, #tpu.memory_space<vmem>>, vector<16xi32>,
            %swap3A_195 = arith.constant 0 : index
            %swap3A_196 = tpu.vector_load %arg16[%swap3A_195] {strides = array<i32>} : memref<48xi32, #tpu.memory_space<vmem>>, vector<16xi32>,
            tpu.vector_store %arg16[%swap3A_195], %get3A_194 {strides = array<i32>} : memref<48xi32, #tpu.memory_space<vmem>>, vector<16xi32>,
            %add3A_197 = arith.constant 0 : i32
            %add3A_198 = arith.addi %mul3A_191, %add3A_197 : i32
            %get3A_199 = arith.index_cast %add3A_198 : i32 to index
            %get3A_200 = tpu.vector_load %arg14[%get3A_199] {strides = array<i32>} : memref<3296xi32, #tpu.memory_space<vmem>>, vector<16xi32>,
            %min3A_201 = arith.constant 335 : i32
            %min3A_202 = vector.broadcast %min3A_201 : i32 to vector<16xi32>
            %min3A_203 = arith.minsi %get3A_200, %min3A_202 : vector<16xi32>
            %lt3A_204 = arith.constant 320 : i32
            %lt3A_205 = vector.broadcast %lt3A_204 : i32 to vector<16xi32>
            %lt3A_206 = arith.cmpi slt, %get3A_200, %lt3A_205 : vector<16xi32>
            tpu.vector_store_idx %arg21[%min3A_203], %broadcast_in_dim3A_5 masked %lt3A_206 {add = true} : memref<336xf32, #tpu.memory_space<vmem>>[vector<16xi32>], vector<16xf32>, vector<16xi1>
            %add3A_207 = arith.constant 16 : i32
            %add3A_208 = arith.addi %mul3A_191, %add3A_207 : i32
            %get3A_209 = arith.index_cast %add3A_208 : i32 to index
            %get3A_210 = tpu.vector_load %arg13[%get3A_209] {strides = array<i32>} : memref<3296xi32, #tpu.memory_space<vmem>>, vector<16xi32>,
            %swap3A_211 = arith.constant 16 : index
            %swap3A_212 = tpu.vector_load %arg16[%swap3A_211] {strides = array<i32>} : memref<48xi32, #tpu.memory_space<vmem>>, vector<16xi32>,
            tpu.vector_store %arg16[%swap3A_211], %get3A_210 {strides = array<i32>} : memref<48xi32, #tpu.memory_space<vmem>>, vector<16xi32>,
            %add3A_213 = arith.constant 16 : i32
            %add3A_214 = arith.addi %mul3A_191, %add3A_213 : i32
            %get3A_215 = arith.index_cast %add3A_214 : i32 to index
            %get3A_216 = tpu.vector_load %arg14[%get3A_215] {strides = array<i32>} : memref<3296xi32, #tpu.memory_space<vmem>>, vector<16xi32>,
            %min3A_217 = arith.constant 335 : i32
            %min3A_218 = vector.broadcast %min3A_217 : i32 to vector<16xi32>
            %min3A_219 = arith.minsi %get3A_216, %min3A_218 : vector<16xi32>
            %lt3A_220 = arith.constant 320 : i32
            %lt3A_221 = vector.broadcast %lt3A_220 : i32 to vector<16xi32>
            %lt3A_222 = arith.cmpi slt, %get3A_216, %lt3A_221 : vector<16xi32>
            tpu.vector_store_idx %arg21[%min3A_219], %broadcast_in_dim3A_5 masked %lt3A_222 {add = true} : memref<336xf32, #tpu.memory_space<vmem>>[vector<16xi32>], vector<16xf32>, vector<16xi1>
            %add3A_223 = arith.constant 32 : i32
            %add3A_224 = arith.addi %mul3A_191, %add3A_223 : i32
            %get3A_225 = arith.index_cast %add3A_224 : i32 to index
            %get3A_226 = tpu.vector_load %arg13[%get3A_225] {strides = array<i32>} : memref<3296xi32, #tpu.memory_space<vmem>>, vector<16xi32>,
            %swap3A_227 = arith.constant 32 : index
            %swap3A_228 = tpu.vector_load %arg16[%swap3A_227] {strides = array<i32>} : memref<48xi32, #tpu.memory_space<vmem>>, vector<16xi32>,
            tpu.vector_store %arg16[%swap3A_227], %get3A_226 {strides = array<i32>} : memref<48xi32, #tpu.memory_space<vmem>>, vector<16xi32>,
            %add3A_229 = arith.constant 32 : i32
            %add3A_230 = arith.addi %mul3A_191, %add3A_229 : i32
            %get3A_231 = arith.index_cast %add3A_230 : i32 to index
            %get3A_232 = tpu.vector_load %arg14[%get3A_231] {strides = array<i32>} : memref<3296xi32, #tpu.memory_space<vmem>>, vector<16xi32>,
            %min3A_233 = arith.constant 335 : i32
            %min3A_234 = vector.broadcast %min3A_233 : i32 to vector<16xi32>
            %min3A_235 = arith.minsi %get3A_232, %min3A_234 : vector<16xi32>
            %lt3A_236 = arith.constant 320 : i32
            %lt3A_237 = vector.broadcast %lt3A_236 : i32 to vector<16xi32>
            %lt3A_238 = arith.cmpi slt, %get3A_232, %lt3A_237 : vector<16xi32>
            tpu.vector_store_idx %arg21[%min3A_235], %broadcast_in_dim3A_5 masked %lt3A_238 {add = true} : memref<336xf32, #tpu.memory_space<vmem>>[vector<16xi32>], vector<16xf32>, vector<16xi1>
            %dma_start3A_239 = arith.constant 0 : i32
            %dma_start3A_240 = arith.constant 0 : i32
            %dma_start3A_241 = tpu.memref_slice %arg2[%dma_start3A_239, %dma_start3A_240] : memref<10000x128xf32, #tpu.memory_space<hbm>> -> memref<10000x128xf32, #tpu.memory_space<hbm>>
            tpu.enqueue_indirect_dma source(%dma_start3A_241 : memref<10000x128xf32, #tpu.memory_space<hbm>>) target(%arg18 : memref<48x128xf32, #tpu.memory_space<vmem>>) offsets(%arg16 : memref<48xi32, #tpu.memory_space<vmem>>) semaphore(%arg24 : memref<!tpu.dma_semaphore, #tpu.memory_space<semaphore_mem>>)
          } else {
          }
          %scan3A_183 = arith.constant 0 : i32
          %scan3A_184 = arith.constant 48 : i32
          %scan3A_185 = arith.addi %scan3A_183, %scan3A_184 : i32
          %scan3A_186 = arith.constant 2 : i32
          scf.for %scan3A_188 = %scan3A_183 to %scan3A_185 step %scan3A_186  : i32 {
            %mul3A_189 = arith.constant 1 : i32
            %mul3A_190 = arith.muli %scan3A_188, %mul3A_189 : i32
            %add3A_191 = arith.constant 0 : i32
            %add3A_192 = arith.addi %add3A_191, %mul3A_190 : i32
            %jit3A_193 = arith.constant 16 : i32
            %div3A_194 = arith.divsi %add3A_192, %jit3A_193 : i32
            %sign3A_195 = arith.constant 0 : i32
            %sign3A_196 = arith.cmpi sgt, %add3A_192, %sign3A_195 : i32
            %sign3A_197 = arith.extui %sign3A_196 : i1 to i32
            %sign3A_198 = arith.constant 0 : i32
            %sign3A_199 = arith.cmpi slt, %add3A_192, %sign3A_198 : i32
            %sign3A_200 = arith.extui %sign3A_199 : i1 to i32
            %sign3A_201 = arith.subi %sign3A_197, %sign3A_200 : i32
            %sign3A_202 = arith.constant 0 : i32
            %sign3A_203 = arith.cmpi sgt, %jit3A_193, %sign3A_202 : i32
            %sign3A_204 = arith.extui %sign3A_203 : i1 to i32
            %sign3A_205 = arith.constant 0 : i32
            %sign3A_206 = arith.cmpi slt, %jit3A_193, %sign3A_205 : i32
            %sign3A_207 = arith.extui %sign3A_206 : i1 to i32
            %sign3A_208 = arith.subi %sign3A_204, %sign3A_207 : i32
            %ne3A_209 = arith.cmpi ne, %sign3A_201, %sign3A_208 : i32
            %rem3A_210 = arith.remsi %add3A_192, %jit3A_193 : i32
            %ne3A_211 = arith.constant 0 : i32
            %ne3A_212 = arith.cmpi ne, %rem3A_210, %ne3A_211 : i32
            %and3A_213 = arith.andi %ne3A_209, %ne3A_212 : i1
            %sub3A_214 = arith.constant 1 : i32
            %sub3A_215 = arith.subi %div3A_194, %sub3A_214 : i32
            %select_n3A_216 = arith.select %and3A_213, %sub3A_215, %div3A_194 : i32
            %mul3A_217 = arith.constant 16 : i32
            %mul3A_218 = arith.muli %select_n3A_216, %mul3A_217 : i32
            %mul3A_219 = arith.constant 48 : i32
            %mul3A_220 = arith.muli %add3A_161, %mul3A_219 : i32
            %add3A_221 = arith.addi %mul3A_220, %mul3A_218 : i32
            %get3A = arith.index_cast %add3A_221 : i32 to index
            %get3A_222 = tpu.vector_load %arg14[%get3A] {strides = array<i32>} : memref<3296xi32, #tpu.memory_space<vmem>>, vector<16xi32>,
            %sub3A_223 = arith.subi %add3A_192, %mul3A_218 : i32
            %eq3A = vector.broadcast %sub3A_223 : i32 to vector<16xi32>
            %eq3A_224 = arith.cmpi eq, %iota3A, %eq3A : vector<16xi32>
            %jit3A_225 = arith.constant 0 : i32
            %broadcast_in_dim3A_226 = vector.broadcast %jit3A_225 : i32 to vector<16xi32>
            %select_n3A_227 = arith.select %eq3A_224, %get3A_222, %broadcast_in_dim3A_226 : vector<16xi1>, vector<16xi32>
            %reduce_sum3A = arith.constant true
            %reduce_sum3A_228 = vector.broadcast %reduce_sum3A : i1 to vector<16xi1>
            %reduce_sum3A_229 = tpu.scan <sum>, %select_n3A_227 masked %reduce_sum3A_228 : vector<16xi32>, vector<16xi1> -> vector<16xi32>
            %reduce_sum3A_230 = vector.extract %reduce_sum3A_229[15] : i32 from vector<16xi32>
            %min3A_231 = arith.constant 327 : i32
            %min3A_232 = arith.minsi %reduce_sum3A_230, %min3A_231 : i32
            %get3A_233 = arith.index_cast %add3A_192 : i32 to index
            %get3A_234 = arith.constant 0 : index
            %get3A_235 = tpu.vector_load %arg17[%get3A_233, %get3A_234] {strides = array<i32>} : memref<48x128xf32, #tpu.memory_space<vmem>>, vector<16xf32>,
            %get3A_236 = arith.index_cast %min3A_232 : i32 to index
            %get3A_237 = arith.constant 0 : index
            %get3A_238 = tpu.vector_load %arg19[%get3A_236, %get3A_237] {strides = array<i32>} : memref<328x128xf32, #tpu.memory_space<vmem>>, vector<16xf32>,
            %max3A = arith.maximumf %get3A_238, %get3A_235 : vector<16xf32>
            %swap3A_239 = arith.index_cast %min3A_232 : i32 to index
            %swap3A_240 = arith.constant 0 : index
            %swap3A_241 = tpu.vector_load %arg19[%swap3A_239, %swap3A_240] {strides = array<i32>} : memref<328x128xf32, #tpu.memory_space<vmem>>, vector<16xf32>,
            tpu.vector_store %arg19[%swap3A_239, %swap3A_240], %max3A {strides = array<i32>} : memref<328x128xf32, #tpu.memory_space<vmem>>, vector<16xf32>,
            %get3A_242 = arith.index_cast %min3A_232 : i32 to index
            %get3A_243 = arith.constant 0 : index
            %get3A_244 = tpu.vector_load %arg20[%get3A_242, %get3A_243] {strides = array<i32>} : memref<328x128xf32, #tpu.memory_space<vmem>>, vector<16xf32>,
            %add3A_245 = arith.addf %get3A_244, %get3A_235 : vector<16xf32>
            %swap3A_246 = arith.index_cast %min3A_232 : i32 to index
            %swap3A_247 = arith.constant 0 : index
            %swap3A_248 = tpu.vector_load %arg20[%swap3A_246, %swap3A_247] {strides = array<i32>} : memref<328x128xf32, #tpu.memory_space<vmem>>, vector<16xf32>,
            tpu.vector_store %arg20[%swap3A_246, %swap3A_247], %add3A_245 {strides = array<i32>} : memref<328x128xf32, #tpu.memory_space<vmem>>, vector<16xf32>,
            %get3A_249 = arith.index_cast %add3A_192 : i32 to index
            %get3A_250 = arith.constant 16 : index
            %get3A_251 = tpu.vector_load %arg17[%get3A_249, %get3A_250] {strides = array<i32>} : memref<48x128xf32, #tpu.memory_space<vmem>>, vector<16xf32>,
            %get3A_252 = arith.index_cast %min3A_232 : i32 to index
            %get3A_253 = arith.constant 16 : index
            %get3A_254 = tpu.vector_load %arg19[%get3A_252, %get3A_253] {strides = array<i32>} : memref<328x128xf32, #tpu.memory_space<vmem>>, vector<16xf32>,
            %max3A_255 = arith.maximumf %get3A_254, %get3A_251 : vector<16xf32>
            %swap3A_256 = arith.index_cast %min3A_232 : i32 to index
            %swap3A_257 = arith.constant 16 : index
            %swap3A_258 = tpu.vector_load %arg19[%swap3A_256, %swap3A_257] {strides = array<i32>} : memref<328x128xf32, #tpu.memory_space<vmem>>, vector<16xf32>,
            tpu.vector_store %arg19[%swap3A_256, %swap3A_257], %max3A_255 {strides = array<i32>} : memref<328x128xf32, #tpu.memory_space<vmem>>, vector<16xf32>,
            %get3A_259 = arith.index_cast %min3A_232 : i32 to index
            %get3A_260 = arith.constant 16 : index
            %get3A_261 = tpu.vector_load %arg20[%get3A_259, %get3A_260] {strides = array<i32>} : memref<328x128xf32, #tpu.memory_space<vmem>>, vector<16xf32>,
            %add3A_262 = arith.addf %get3A_261, %get3A_251 : vector<16xf32>
            %swap3A_263 = arith.index_cast %min3A_232 : i32 to index
            %swap3A_264 = arith.constant 16 : index
            %swap3A_265 = tpu.vector_load %arg20[%swap3A_263, %swap3A_264] {strides = array<i32>} : memref<328x128xf32, #tpu.memory_space<vmem>>, vector<16xf32>,
            tpu.vector_store %arg20[%swap3A_263, %swap3A_264], %add3A_262 {strides = array<i32>} : memref<328x128xf32, #tpu.memory_space<vmem>>, vector<16xf32>,
            %get3A_266 = arith.index_cast %add3A_192 : i32 to index
            %get3A_267 = arith.constant 32 : index
            %get3A_268 = tpu.vector_load %arg17[%get3A_266, %get3A_267] {strides = array<i32>} : memref<48x128xf32, #tpu.memory_space<vmem>>, vector<16xf32>,
            %get3A_269 = arith.index_cast %min3A_232 : i32 to index
            %get3A_270 = arith.constant 32 : index
            %get3A_271 = tpu.vector_load %arg19[%get3A_269, %get3A_270] {strides = array<i32>} : memref<328x128xf32, #tpu.memory_space<vmem>>, vector<16xf32>,
            %max3A_272 = arith.maximumf %get3A_271, %get3A_268 : vector<16xf32>
            %swap3A_273 = arith.index_cast %min3A_232 : i32 to index
            %swap3A_274 = arith.constant 32 : index
            %swap3A_275 = tpu.vector_load %arg19[%swap3A_273, %swap3A_274] {strides = array<i32>} : memref<328x128xf32, #tpu.memory_space<vmem>>, vector<16xf32>,
            tpu.vector_store %arg19[%swap3A_273, %swap3A_274], %max3A_272 {strides = array<i32>} : memref<328x128xf32, #tpu.memory_space<vmem>>, vector<16xf32>,
            %get3A_276 = arith.index_cast %min3A_232 : i32 to index
            %get3A_277 = arith.constant 32 : index
            %get3A_278 = tpu.vector_load %arg20[%get3A_276, %get3A_277] {strides = array<i32>} : memref<328x128xf32, #tpu.memory_space<vmem>>, vector<16xf32>,
            %add3A_279 = arith.addf %get3A_278, %get3A_268 : vector<16xf32>
            %swap3A_280 = arith.index_cast %min3A_232 : i32 to index
            %swap3A_281 = arith.constant 32 : index
            %swap3A_282 = tpu.vector_load %arg20[%swap3A_280, %swap3A_281] {strides = array<i32>} : memref<328x128xf32, #tpu.memory_space<vmem>>, vector<16xf32>,
            tpu.vector_store %arg20[%swap3A_280, %swap3A_281], %add3A_279 {strides = array<i32>} : memref<328x128xf32, #tpu.memory_space<vmem>>, vector<16xf32>,
            %get3A_283 = arith.index_cast %add3A_192 : i32 to index
            %get3A_284 = arith.constant 48 : index
            %get3A_285 = tpu.vector_load %arg17[%get3A_283, %get3A_284] {strides = array<i32>} : memref<48x128xf32, #tpu.memory_space<vmem>>, vector<16xf32>,
            %get3A_286 = arith.index_cast %min3A_232 : i32 to index
            %get3A_287 = arith.constant 48 : index
            %get3A_288 = tpu.vector_load %arg19[%get3A_286, %get3A_287] {strides = array<i32>} : memref<328x128xf32, #tpu.memory_space<vmem>>, vector<16xf32>,
            %max3A_289 = arith.maximumf %get3A_288, %get3A_285 : vector<16xf32>
            %swap3A_290 = arith.index_cast %min3A_232 : i32 to index
            %swap3A_291 = arith.constant 48 : index
            %swap3A_292 = tpu.vector_load %arg19[%swap3A_290, %swap3A_291] {strides = array<i32>} : memref<328x128xf32, #tpu.memory_space<vmem>>, vector<16xf32>,
            tpu.vector_store %arg19[%swap3A_290, %swap3A_291], %max3A_289 {strides = array<i32>} : memref<328x128xf32, #tpu.memory_space<vmem>>, vector<16xf32>,
            %get3A_293 = arith.index_cast %min3A_232 : i32 to index
            %get3A_294 = arith.constant 48 : index
            %get3A_295 = tpu.vector_load %arg20[%get3A_293, %get3A_294] {strides = array<i32>} : memref<328x128xf32, #tpu.memory_space<vmem>>, vector<16xf32>,
            %add3A_296 = arith.addf %get3A_295, %get3A_285 : vector<16xf32>
            %swap3A_297 = arith.index_cast %min3A_232 : i32 to index
            %swap3A_298 = arith.constant 48 : index
            %swap3A_299 = tpu.vector_load %arg20[%swap3A_297, %swap3A_298] {strides = array<i32>} : memref<328x128xf32, #tpu.memory_space<vmem>>, vector<16xf32>,
            tpu.vector_store %arg20[%swap3A_297, %swap3A_298], %add3A_296 {strides = array<i32>} : memref<328x128xf32, #tpu.memory_space<vmem>>, vector<16xf32>,
            %get3A_300 = arith.index_cast %add3A_192 : i32 to index
            %get3A_301 = arith.constant 64 : index
            %get3A_302 = tpu.vector_load %arg17[%get3A_300, %get3A_301] {strides = array<i32>} : memref<48x128xf32, #tpu.memory_space<vmem>>, vector<16xf32>,
            %get3A_303 = arith.index_cast %min3A_232 : i32 to index
            %get3A_304 = arith.constant 64 : index
            %get3A_305 = tpu.vector_load %arg19[%get3A_303, %get3A_304] {strides = array<i32>} : memref<328x128xf32, #tpu.memory_space<vmem>>, vector<16xf32>,
            %max3A_306 = arith.maximumf %get3A_305, %get3A_302 : vector<16xf32>
            %swap3A_307 = arith.index_cast %min3A_232 : i32 to index
            %swap3A_308 = arith.constant 64 : index
            %swap3A_309 = tpu.vector_load %arg19[%swap3A_307, %swap3A_308] {strides = array<i32>} : memref<328x128xf32, #tpu.memory_space<vmem>>, vector<16xf32>,
            tpu.vector_store %arg19[%swap3A_307, %swap3A_308], %max3A_306 {strides = array<i32>} : memref<328x128xf32, #tpu.memory_space<vmem>>, vector<16xf32>,
            %get3A_310 = arith.index_cast %min3A_232 : i32 to index
            %get3A_311 = arith.constant 64 : index
            %get3A_312 = tpu.vector_load %arg20[%get3A_310, %get3A_311] {strides = array<i32>} : memref<328x128xf32, #tpu.memory_space<vmem>>, vector<16xf32>,
            %add3A_313 = arith.addf %get3A_312, %get3A_302 : vector<16xf32>
            %swap3A_314 = arith.index_cast %min3A_232 : i32 to index
            %swap3A_315 = arith.constant 64 : index
            %swap3A_316 = tpu.vector_load %arg20[%swap3A_314, %swap3A_315] {strides = array<i32>} : memref<328x128xf32, #tpu.memory_space<vmem>>, vector<16xf32>,
            tpu.vector_store %arg20[%swap3A_314, %swap3A_315], %add3A_313 {strides = array<i32>} : memref<328x128xf32, #tpu.memory_space<vmem>>, vector<16xf32>,
            %get3A_317 = arith.index_cast %add3A_192 : i32 to index
            %get3A_318 = arith.constant 80 : index
            %get3A_319 = tpu.vector_load %arg17[%get3A_317, %get3A_318] {strides = array<i32>} : memref<48x128xf32, #tpu.memory_space<vmem>>, vector<16xf32>,
            %get3A_320 = arith.index_cast %min3A_232 : i32 to index
            %get3A_321 = arith.constant 80 : index
            %get3A_322 = tpu.vector_load %arg19[%get3A_320, %get3A_321] {strides = array<i32>} : memref<328x128xf32, #tpu.memory_space<vmem>>, vector<16xf32>,
            %max3A_323 = arith.maximumf %get3A_322, %get3A_319 : vector<16xf32>
            %swap3A_324 = arith.index_cast %min3A_232 : i32 to index
            %swap3A_325 = arith.constant 80 : index
            %swap3A_326 = tpu.vector_load %arg19[%swap3A_324, %swap3A_325] {strides = array<i32>} : memref<328x128xf32, #tpu.memory_space<vmem>>, vector<16xf32>,
            tpu.vector_store %arg19[%swap3A_324, %swap3A_325], %max3A_323 {strides = array<i32>} : memref<328x128xf32, #tpu.memory_space<vmem>>, vector<16xf32>,
            %get3A_327 = arith.index_cast %min3A_232 : i32 to index
            %get3A_328 = arith.constant 80 : index
            %get3A_329 = tpu.vector_load %arg20[%get3A_327, %get3A_328] {strides = array<i32>} : memref<328x128xf32, #tpu.memory_space<vmem>>, vector<16xf32>,
            %add3A_330 = arith.addf %get3A_329, %get3A_319 : vector<16xf32>
            %swap3A_331 = arith.index_cast %min3A_232 : i32 to index
            %swap3A_332 = arith.constant 80 : index
            %swap3A_333 = tpu.vector_load %arg20[%swap3A_331, %swap3A_332] {strides = array<i32>} : memref<328x128xf32, #tpu.memory_space<vmem>>, vector<16xf32>,
            tpu.vector_store %arg20[%swap3A_331, %swap3A_332], %add3A_330 {strides = array<i32>} : memref<328x128xf32, #tpu.memory_space<vmem>>, vector<16xf32>,
            %get3A_334 = arith.index_cast %add3A_192 : i32 to index
            %get3A_335 = arith.constant 96 : index
            %get3A_336 = tpu.vector_load %arg17[%get3A_334, %get3A_335] {strides = array<i32>} : memref<48x128xf32, #tpu.memory_space<vmem>>, vector<16xf32>,
            %get3A_337 = arith.index_cast %min3A_232 : i32 to index
            %get3A_338 = arith.constant 96 : index
            %get3A_339 = tpu.vector_load %arg19[%get3A_337, %get3A_338] {strides = array<i32>} : memref<328x128xf32, #tpu.memory_space<vmem>>, vector<16xf32>,
            %max3A_340 = arith.maximumf %get3A_339, %get3A_336 : vector<16xf32>
            %swap3A_341 = arith.index_cast %min3A_232 : i32 to index
            %swap3A_342 = arith.constant 96 : index
            %swap3A_343 = tpu.vector_load %arg19[%swap3A_341, %swap3A_342] {strides = array<i32>} : memref<328x128xf32, #tpu.memory_space<vmem>>, vector<16xf32>,
            tpu.vector_store %arg19[%swap3A_341, %swap3A_342], %max3A_340 {strides = array<i32>} : memref<328x128xf32, #tpu.memory_space<vmem>>, vector<16xf32>,
            %get3A_344 = arith.index_cast %min3A_232 : i32 to index
            %get3A_345 = arith.constant 96 : index
            %get3A_346 = tpu.vector_load %arg20[%get3A_344, %get3A_345] {strides = array<i32>} : memref<328x128xf32, #tpu.memory_space<vmem>>, vector<16xf32>,
            %add3A_347 = arith.addf %get3A_346, %get3A_336 : vector<16xf32>
            %swap3A_348 = arith.index_cast %min3A_232 : i32 to index
            %swap3A_349 = arith.constant 96 : index
            %swap3A_350 = tpu.vector_load %arg20[%swap3A_348, %swap3A_349] {strides = array<i32>} : memref<328x128xf32, #tpu.memory_space<vmem>>, vector<16xf32>,
            tpu.vector_store %arg20[%swap3A_348, %swap3A_349], %add3A_347 {strides = array<i32>} : memref<328x128xf32, #tpu.memory_space<vmem>>, vector<16xf32>,
            %get3A_351 = arith.index_cast %add3A_192 : i32 to index
            %get3A_352 = arith.constant 112 : index
            %get3A_353 = tpu.vector_load %arg17[%get3A_351, %get3A_352] {strides = array<i32>} : memref<48x128xf32, #tpu.memory_space<vmem>>, vector<16xf32>,
            %get3A_354 = arith.index_cast %min3A_232 : i32 to index
            %get3A_355 = arith.constant 112 : index
            %get3A_356 = tpu.vector_load %arg19[%get3A_354, %get3A_355] {strides = array<i32>} : memref<328x128xf32, #tpu.memory_space<vmem>>, vector<16xf32>,
            %max3A_357 = arith.maximumf %get3A_356, %get3A_353 : vector<16xf32>
            %swap3A_358 = arith.index_cast %min3A_232 : i32 to index
            %swap3A_359 = arith.constant 112 : index
            %swap3A_360 = tpu.vector_load %arg19[%swap3A_358, %swap3A_359] {strides = array<i32>} : memref<328x128xf32, #tpu.memory_space<vmem>>, vector<16xf32>,
            tpu.vector_store %arg19[%swap3A_358, %swap3A_359], %max3A_357 {strides = array<i32>} : memref<328x128xf32, #tpu.memory_space<vmem>>, vector<16xf32>,
            %get3A_361 = arith.index_cast %min3A_232 : i32 to index
            %get3A_362 = arith.constant 112 : index
            %get3A_363 = tpu.vector_load %arg20[%get3A_361, %get3A_362] {strides = array<i32>} : memref<328x128xf32, #tpu.memory_space<vmem>>, vector<16xf32>,
            %add3A_364 = arith.addf %get3A_363, %get3A_353 : vector<16xf32>
            %swap3A_365 = arith.index_cast %min3A_232 : i32 to index
            %swap3A_366 = arith.constant 112 : index
            %swap3A_367 = tpu.vector_load %arg20[%swap3A_365, %swap3A_366] {strides = array<i32>} : memref<328x128xf32, #tpu.memory_space<vmem>>, vector<16xf32>,
            tpu.vector_store %arg20[%swap3A_365, %swap3A_366], %add3A_364 {strides = array<i32>} : memref<328x128xf32, #tpu.memory_space<vmem>>, vector<16xf32>,
            %scan3A_368 = arith.constant 1 : i32
            %scan3A_369 = arith.addi %scan3A_188, %scan3A_368 : i32
            %mul3A_370 = arith.constant 1 : i32
            %mul3A_371 = arith.muli %scan3A_369, %mul3A_370 : i32
            %add3A_372 = arith.constant 0 : i32
            %add3A_373 = arith.addi %add3A_372, %mul3A_371 : i32
            %jit3A_374 = arith.constant 16 : i32
            %div3A_375 = arith.divsi %add3A_373, %jit3A_374 : i32
            %sign3A_376 = arith.constant 0 : i32
            %sign3A_377 = arith.cmpi sgt, %add3A_373, %sign3A_376 : i32
            %sign3A_378 = arith.extui %sign3A_377 : i1 to i32
            %sign3A_379 = arith.constant 0 : i32
            %sign3A_380 = arith.cmpi slt, %add3A_373, %sign3A_379 : i32
            %sign3A_381 = arith.extui %sign3A_380 : i1 to i32
            %sign3A_382 = arith.subi %sign3A_378, %sign3A_381 : i32
            %sign3A_383 = arith.constant 0 : i32
            %sign3A_384 = arith.cmpi sgt, %jit3A_374, %sign3A_383 : i32
            %sign3A_385 = arith.extui %sign3A_384 : i1 to i32
            %sign3A_386 = arith.constant 0 : i32
            %sign3A_387 = arith.cmpi slt, %jit3A_374, %sign3A_386 : i32
            %sign3A_388 = arith.extui %sign3A_387 : i1 to i32
            %sign3A_389 = arith.subi %sign3A_385, %sign3A_388 : i32
            %ne3A_390 = arith.cmpi ne, %sign3A_382, %sign3A_389 : i32
            %rem3A_391 = arith.remsi %add3A_373, %jit3A_374 : i32
            %ne3A_392 = arith.constant 0 : i32
            %ne3A_393 = arith.cmpi ne, %rem3A_391, %ne3A_392 : i32
            %and3A_394 = arith.andi %ne3A_390, %ne3A_393 : i1
            %sub3A_395 = arith.constant 1 : i32
            %sub3A_396 = arith.subi %div3A_375, %sub3A_395 : i32
            %select_n3A_397 = arith.select %and3A_394, %sub3A_396, %div3A_375 : i32
            %mul3A_398 = arith.constant 16 : i32
            %mul3A_399 = arith.muli %select_n3A_397, %mul3A_398 : i32
            %mul3A_400 = arith.constant 48 : i32
            %mul3A_401 = arith.muli %add3A_161, %mul3A_400 : i32
            %add3A_402 = arith.addi %mul3A_401, %mul3A_399 : i32
            %get3A_403 = arith.index_cast %add3A_402 : i32 to index
            %get3A_404 = tpu.vector_load %arg14[%get3A_403] {strides = array<i32>} : memref<3296xi32, #tpu.memory_space<vmem>>, vector<16xi32>,
            %sub3A_405 = arith.subi %add3A_373, %mul3A_399 : i32
            %eq3A_406 = vector.broadcast %sub3A_405 : i32 to vector<16xi32>
            %eq3A_407 = arith.cmpi eq, %iota3A, %eq3A_406 : vector<16xi32>
            %jit3A_408 = arith.constant 0 : i32
            %broadcast_in_dim3A_409 = vector.broadcast %jit3A_408 : i32 to vector<16xi32>
            %select_n3A_410 = arith.select %eq3A_407, %get3A_404, %broadcast_in_dim3A_409 : vector<16xi1>, vector<16xi32>
            %reduce_sum3A_411 = arith.constant true
            %reduce_sum3A_412 = vector.broadcast %reduce_sum3A_411 : i1 to vector<16xi1>
            %reduce_sum3A_413 = tpu.scan <sum>, %select_n3A_410 masked %reduce_sum3A_412 : vector<16xi32>, vector<16xi1> -> vector<16xi32>
            %reduce_sum3A_414 = vector.extract %reduce_sum3A_413[15] : i32 from vector<16xi32>
            %min3A_415 = arith.constant 327 : i32
            %min3A_416 = arith.minsi %reduce_sum3A_414, %min3A_415 : i32
            %get3A_417 = arith.index_cast %add3A_373 : i32 to index
            %get3A_418 = arith.constant 0 : index
            %get3A_419 = tpu.vector_load %arg17[%get3A_417, %get3A_418] {strides = array<i32>} : memref<48x128xf32, #tpu.memory_space<vmem>>, vector<16xf32>,
            %get3A_420 = arith.index_cast %min3A_416 : i32 to index
            %get3A_421 = arith.constant 0 : index
            %get3A_422 = tpu.vector_load %arg19[%get3A_420, %get3A_421] {strides = array<i32>} : memref<328x128xf32, #tpu.memory_space<vmem>>, vector<16xf32>,
            %max3A_423 = arith.maximumf %get3A_422, %get3A_419 : vector<16xf32>
            %swap3A_424 = arith.index_cast %min3A_416 : i32 to index
            %swap3A_425 = arith.constant 0 : index
            %swap3A_426 = tpu.vector_load %arg19[%swap3A_424, %swap3A_425] {strides = array<i32>} : memref<328x128xf32, #tpu.memory_space<vmem>>, vector<16xf32>,
            tpu.vector_store %arg19[%swap3A_424, %swap3A_425], %max3A_423 {strides = array<i32>} : memref<328x128xf32, #tpu.memory_space<vmem>>, vector<16xf32>,
            %get3A_427 = arith.index_cast %min3A_416 : i32 to index
            %get3A_428 = arith.constant 0 : index
            %get3A_429 = tpu.vector_load %arg20[%get3A_427, %get3A_428] {strides = array<i32>} : memref<328x128xf32, #tpu.memory_space<vmem>>, vector<16xf32>,
            %add3A_430 = arith.addf %get3A_429, %get3A_419 : vector<16xf32>
            %swap3A_431 = arith.index_cast %min3A_416 : i32 to index
            %swap3A_432 = arith.constant 0 : index
            %swap3A_433 = tpu.vector_load %arg20[%swap3A_431, %swap3A_432] {strides = array<i32>} : memref<328x128xf32, #tpu.memory_space<vmem>>, vector<16xf32>,
            tpu.vector_store %arg20[%swap3A_431, %swap3A_432], %add3A_430 {strides = array<i32>} : memref<328x128xf32, #tpu.memory_space<vmem>>, vector<16xf32>,
            %get3A_434 = arith.index_cast %add3A_373 : i32 to index
            %get3A_435 = arith.constant 16 : index
            %get3A_436 = tpu.vector_load %arg17[%get3A_434, %get3A_435] {strides = array<i32>} : memref<48x128xf32, #tpu.memory_space<vmem>>, vector<16xf32>,
            %get3A_437 = arith.index_cast %min3A_416 : i32 to index
            %get3A_438 = arith.constant 16 : index
            %get3A_439 = tpu.vector_load %arg19[%get3A_437, %get3A_438] {strides = array<i32>} : memref<328x128xf32, #tpu.memory_space<vmem>>, vector<16xf32>,
            %max3A_440 = arith.maximumf %get3A_439, %get3A_436 : vector<16xf32>
            %swap3A_441 = arith.index_cast %min3A_416 : i32 to index
            %swap3A_442 = arith.constant 16 : index
            %swap3A_443 = tpu.vector_load %arg19[%swap3A_441, %swap3A_442] {strides = array<i32>} : memref<328x128xf32, #tpu.memory_space<vmem>>, vector<16xf32>,
            tpu.vector_store %arg19[%swap3A_441, %swap3A_442], %max3A_440 {strides = array<i32>} : memref<328x128xf32, #tpu.memory_space<vmem>>, vector<16xf32>,
            %get3A_444 = arith.index_cast %min3A_416 : i32 to index
            %get3A_445 = arith.constant 16 : index
            %get3A_446 = tpu.vector_load %arg20[%get3A_444, %get3A_445] {strides = array<i32>} : memref<328x128xf32, #tpu.memory_space<vmem>>, vector<16xf32>,
            %add3A_447 = arith.addf %get3A_446, %get3A_436 : vector<16xf32>
            %swap3A_448 = arith.index_cast %min3A_416 : i32 to index
            %swap3A_449 = arith.constant 16 : index
            %swap3A_450 = tpu.vector_load %arg20[%swap3A_448, %swap3A_449] {strides = array<i32>} : memref<328x128xf32, #tpu.memory_space<vmem>>, vector<16xf32>,
            tpu.vector_store %arg20[%swap3A_448, %swap3A_449], %add3A_447 {strides = array<i32>} : memref<328x128xf32, #tpu.memory_space<vmem>>, vector<16xf32>,
            %get3A_451 = arith.index_cast %add3A_373 : i32 to index
            %get3A_452 = arith.constant 32 : index
            %get3A_453 = tpu.vector_load %arg17[%get3A_451, %get3A_452] {strides = array<i32>} : memref<48x128xf32, #tpu.memory_space<vmem>>, vector<16xf32>,
            %get3A_454 = arith.index_cast %min3A_416 : i32 to index
            %get3A_455 = arith.constant 32 : index
            %get3A_456 = tpu.vector_load %arg19[%get3A_454, %get3A_455] {strides = array<i32>} : memref<328x128xf32, #tpu.memory_space<vmem>>, vector<16xf32>,
            %max3A_457 = arith.maximumf %get3A_456, %get3A_453 : vector<16xf32>
            %swap3A_458 = arith.index_cast %min3A_416 : i32 to index
            %swap3A_459 = arith.constant 32 : index
            %swap3A_460 = tpu.vector_load %arg19[%swap3A_458, %swap3A_459] {strides = array<i32>} : memref<328x128xf32, #tpu.memory_space<vmem>>, vector<16xf32>,
            tpu.vector_store %arg19[%swap3A_458, %swap3A_459], %max3A_457 {strides = array<i32>} : memref<328x128xf32, #tpu.memory_space<vmem>>, vector<16xf32>,
            %get3A_461 = arith.index_cast %min3A_416 : i32 to index
            %get3A_462 = arith.constant 32 : index
            %get3A_463 = tpu.vector_load %arg20[%get3A_461, %get3A_462] {strides = array<i32>} : memref<328x128xf32, #tpu.memory_space<vmem>>, vector<16xf32>,
            %add3A_464 = arith.addf %get3A_463, %get3A_453 : vector<16xf32>
            %swap3A_465 = arith.index_cast %min3A_416 : i32 to index
            %swap3A_466 = arith.constant 32 : index
            %swap3A_467 = tpu.vector_load %arg20[%swap3A_465, %swap3A_466] {strides = array<i32>} : memref<328x128xf32, #tpu.memory_space<vmem>>, vector<16xf32>,
            tpu.vector_store %arg20[%swap3A_465, %swap3A_466], %add3A_464 {strides = array<i32>} : memref<328x128xf32, #tpu.memory_space<vmem>>, vector<16xf32>,
            %get3A_468 = arith.index_cast %add3A_373 : i32 to index
            %get3A_469 = arith.constant 48 : index
            %get3A_470 = tpu.vector_load %arg17[%get3A_468, %get3A_469] {strides = array<i32>} : memref<48x128xf32, #tpu.memory_space<vmem>>, vector<16xf32>,
            %get3A_471 = arith.index_cast %min3A_416 : i32 to index
            %get3A_472 = arith.constant 48 : index
            %get3A_473 = tpu.vector_load %arg19[%get3A_471, %get3A_472] {strides = array<i32>} : memref<328x128xf32, #tpu.memory_space<vmem>>, vector<16xf32>,
            %max3A_474 = arith.maximumf %get3A_473, %get3A_470 : vector<16xf32>
            %swap3A_475 = arith.index_cast %min3A_416 : i32 to index
            %swap3A_476 = arith.constant 48 : index
            %swap3A_477 = tpu.vector_load %arg19[%swap3A_475, %swap3A_476] {strides = array<i32>} : memref<328x128xf32, #tpu.memory_space<vmem>>, vector<16xf32>,
            tpu.vector_store %arg19[%swap3A_475, %swap3A_476], %max3A_474 {strides = array<i32>} : memref<328x128xf32, #tpu.memory_space<vmem>>, vector<16xf32>,
            %get3A_478 = arith.index_cast %min3A_416 : i32 to index
            %get3A_479 = arith.constant 48 : index
            %get3A_480 = tpu.vector_load %arg20[%get3A_478, %get3A_479] {strides = array<i32>} : memref<328x128xf32, #tpu.memory_space<vmem>>, vector<16xf32>,
            %add3A_481 = arith.addf %get3A_480, %get3A_470 : vector<16xf32>
            %swap3A_482 = arith.index_cast %min3A_416 : i32 to index
            %swap3A_483 = arith.constant 48 : index
            %swap3A_484 = tpu.vector_load %arg20[%swap3A_482, %swap3A_483] {strides = array<i32>} : memref<328x128xf32, #tpu.memory_space<vmem>>, vector<16xf32>,
            tpu.vector_store %arg20[%swap3A_482, %swap3A_483], %add3A_481 {strides = array<i32>} : memref<328x128xf32, #tpu.memory_space<vmem>>, vector<16xf32>,
            %get3A_485 = arith.index_cast %add3A_373 : i32 to index
            %get3A_486 = arith.constant 64 : index
            %get3A_487 = tpu.vector_load %arg17[%get3A_485, %get3A_486] {strides = array<i32>} : memref<48x128xf32, #tpu.memory_space<vmem>>, vector<16xf32>,
            %get3A_488 = arith.index_cast %min3A_416 : i32 to index
            %get3A_489 = arith.constant 64 : index
            %get3A_490 = tpu.vector_load %arg19[%get3A_488, %get3A_489] {strides = array<i32>} : memref<328x128xf32, #tpu.memory_space<vmem>>, vector<16xf32>,
            %max3A_491 = arith.maximumf %get3A_490, %get3A_487 : vector<16xf32>
            %swap3A_492 = arith.index_cast %min3A_416 : i32 to index
            %swap3A_493 = arith.constant 64 : index
            %swap3A_494 = tpu.vector_load %arg19[%swap3A_492, %swap3A_493] {strides = array<i32>} : memref<328x128xf32, #tpu.memory_space<vmem>>, vector<16xf32>,
            tpu.vector_store %arg19[%swap3A_492, %swap3A_493], %max3A_491 {strides = array<i32>} : memref<328x128xf32, #tpu.memory_space<vmem>>, vector<16xf32>,
            %get3A_495 = arith.index_cast %min3A_416 : i32 to index
            %get3A_496 = arith.constant 64 : index
            %get3A_497 = tpu.vector_load %arg20[%get3A_495, %get3A_496] {strides = array<i32>} : memref<328x128xf32, #tpu.memory_space<vmem>>, vector<16xf32>,
            %add3A_498 = arith.addf %get3A_497, %get3A_487 : vector<16xf32>
            %swap3A_499 = arith.index_cast %min3A_416 : i32 to index
            %swap3A_500 = arith.constant 64 : index
            %swap3A_501 = tpu.vector_load %arg20[%swap3A_499, %swap3A_500] {strides = array<i32>} : memref<328x128xf32, #tpu.memory_space<vmem>>, vector<16xf32>,
            tpu.vector_store %arg20[%swap3A_499, %swap3A_500], %add3A_498 {strides = array<i32>} : memref<328x128xf32, #tpu.memory_space<vmem>>, vector<16xf32>,
            %get3A_502 = arith.index_cast %add3A_373 : i32 to index
            %get3A_503 = arith.constant 80 : index
            %get3A_504 = tpu.vector_load %arg17[%get3A_502, %get3A_503] {strides = array<i32>} : memref<48x128xf32, #tpu.memory_space<vmem>>, vector<16xf32>,
            %get3A_505 = arith.index_cast %min3A_416 : i32 to index
            %get3A_506 = arith.constant 80 : index
            %get3A_507 = tpu.vector_load %arg19[%get3A_505, %get3A_506] {strides = array<i32>} : memref<328x128xf32, #tpu.memory_space<vmem>>, vector<16xf32>,
            %max3A_508 = arith.maximumf %get3A_507, %get3A_504 : vector<16xf32>
            %swap3A_509 = arith.index_cast %min3A_416 : i32 to index
            %swap3A_510 = arith.constant 80 : index
            %swap3A_511 = tpu.vector_load %arg19[%swap3A_509, %swap3A_510] {strides = array<i32>} : memref<328x128xf32, #tpu.memory_space<vmem>>, vector<16xf32>,
            tpu.vector_store %arg19[%swap3A_509, %swap3A_510], %max3A_508 {strides = array<i32>} : memref<328x128xf32, #tpu.memory_space<vmem>>, vector<16xf32>,
            %get3A_512 = arith.index_cast %min3A_416 : i32 to index
            %get3A_513 = arith.constant 80 : index
            %get3A_514 = tpu.vector_load %arg20[%get3A_512, %get3A_513] {strides = array<i32>} : memref<328x128xf32, #tpu.memory_space<vmem>>, vector<16xf32>,
            %add3A_515 = arith.addf %get3A_514, %get3A_504 : vector<16xf32>
            %swap3A_516 = arith.index_cast %min3A_416 : i32 to index
            %swap3A_517 = arith.constant 80 : index
            %swap3A_518 = tpu.vector_load %arg20[%swap3A_516, %swap3A_517] {strides = array<i32>} : memref<328x128xf32, #tpu.memory_space<vmem>>, vector<16xf32>,
            tpu.vector_store %arg20[%swap3A_516, %swap3A_517], %add3A_515 {strides = array<i32>} : memref<328x128xf32, #tpu.memory_space<vmem>>, vector<16xf32>,
            %get3A_519 = arith.index_cast %add3A_373 : i32 to index
            %get3A_520 = arith.constant 96 : index
            %get3A_521 = tpu.vector_load %arg17[%get3A_519, %get3A_520] {strides = array<i32>} : memref<48x128xf32, #tpu.memory_space<vmem>>, vector<16xf32>,
            %get3A_522 = arith.index_cast %min3A_416 : i32 to index
            %get3A_523 = arith.constant 96 : index
            %get3A_524 = tpu.vector_load %arg19[%get3A_522, %get3A_523] {strides = array<i32>} : memref<328x128xf32, #tpu.memory_space<vmem>>, vector<16xf32>,
            %max3A_525 = arith.maximumf %get3A_524, %get3A_521 : vector<16xf32>
            %swap3A_526 = arith.index_cast %min3A_416 : i32 to index
            %swap3A_527 = arith.constant 96 : index
            %swap3A_528 = tpu.vector_load %arg19[%swap3A_526, %swap3A_527] {strides = array<i32>} : memref<328x128xf32, #tpu.memory_space<vmem>>, vector<16xf32>,
            tpu.vector_store %arg19[%swap3A_526, %swap3A_527], %max3A_525 {strides = array<i32>} : memref<328x128xf32, #tpu.memory_space<vmem>>, vector<16xf32>,
            %get3A_529 = arith.index_cast %min3A_416 : i32 to index
            %get3A_530 = arith.constant 96 : index
            %get3A_531 = tpu.vector_load %arg20[%get3A_529, %get3A_530] {strides = array<i32>} : memref<328x128xf32, #tpu.memory_space<vmem>>, vector<16xf32>,
            %add3A_532 = arith.addf %get3A_531, %get3A_521 : vector<16xf32>
            %swap3A_533 = arith.index_cast %min3A_416 : i32 to index
            %swap3A_534 = arith.constant 96 : index
            %swap3A_535 = tpu.vector_load %arg20[%swap3A_533, %swap3A_534] {strides = array<i32>} : memref<328x128xf32, #tpu.memory_space<vmem>>, vector<16xf32>,
            tpu.vector_store %arg20[%swap3A_533, %swap3A_534], %add3A_532 {strides = array<i32>} : memref<328x128xf32, #tpu.memory_space<vmem>>, vector<16xf32>,
            %get3A_536 = arith.index_cast %add3A_373 : i32 to index
            %get3A_537 = arith.constant 112 : index
            %get3A_538 = tpu.vector_load %arg17[%get3A_536, %get3A_537] {strides = array<i32>} : memref<48x128xf32, #tpu.memory_space<vmem>>, vector<16xf32>,
            %get3A_539 = arith.index_cast %min3A_416 : i32 to index
            %get3A_540 = arith.constant 112 : index
            %get3A_541 = tpu.vector_load %arg19[%get3A_539, %get3A_540] {strides = array<i32>} : memref<328x128xf32, #tpu.memory_space<vmem>>, vector<16xf32>,
            %max3A_542 = arith.maximumf %get3A_541, %get3A_538 : vector<16xf32>
            %swap3A_543 = arith.index_cast %min3A_416 : i32 to index
            %swap3A_544 = arith.constant 112 : index
            %swap3A_545 = tpu.vector_load %arg19[%swap3A_543, %swap3A_544] {strides = array<i32>} : memref<328x128xf32, #tpu.memory_space<vmem>>, vector<16xf32>,
            tpu.vector_store %arg19[%swap3A_543, %swap3A_544], %max3A_542 {strides = array<i32>} : memref<328x128xf32, #tpu.memory_space<vmem>>, vector<16xf32>,
            %get3A_546 = arith.index_cast %min3A_416 : i32 to index
            %get3A_547 = arith.constant 112 : index
            %get3A_548 = tpu.vector_load %arg20[%get3A_546, %get3A_547] {strides = array<i32>} : memref<328x128xf32, #tpu.memory_space<vmem>>, vector<16xf32>,
            %add3A_549 = arith.addf %get3A_548, %get3A_538 : vector<16xf32>
            %swap3A_550 = arith.index_cast %min3A_416 : i32 to index
            %swap3A_551 = arith.constant 112 : index
            %swap3A_552 = tpu.vector_load %arg20[%swap3A_550, %swap3A_551] {strides = array<i32>} : memref<328x128xf32, #tpu.memory_space<vmem>>, vector<16xf32>,
            tpu.vector_store %arg20[%swap3A_550, %swap3A_551], %add3A_549 {strides = array<i32>} : memref<328x128xf32, #tpu.memory_space<vmem>>, vector<16xf32>,
          }
          %scan3A_187 = arith.constant 48 : i32
        } else {
        }
        %mul3A_166 = arith.constant 2 : i32
        %mul3A_167 = arith.muli %mul3A_166, %while3A_157 : i32
        %add3A_168 = arith.constant 1 : i32
        %add3A_169 = arith.addi %mul3A_167, %add3A_168 : i32
        %lt3A_170 = arith.cmpi slt, %add3A_169, %select_n3A : i32
        %convert_element_type3A_171 = arith.extui %lt3A_170 : i1 to i32
        %cond3A_172 = arith.constant 0 : i32
        %cond3A_173 = arith.cmpi ne, %convert_element_type3A_171, %cond3A_172 : i32
        scf.if %cond3A_173 {
          %dma_wait3A_174 = arith.constant 0 : i32
          %dma_wait3A_175 = arith.constant 0 : i32
          %dma_wait3A_176 = tpu.memref_slice %arg2[%dma_wait3A_174, %dma_wait3A_175] : memref<10000x128xf32, #tpu.memory_space<hbm>> -> memref<10000x128xf32, #tpu.memory_space<hbm>>
          tpu.wait_indirect_dma semaphore(%arg24 : memref<!tpu.dma_semaphore, #tpu.memory_space<semaphore_mem>>) src(%dma_wait3A_176 : memref<10000x128xf32, #tpu.memory_space<hbm>>) dst(%arg18 : memref<48x128xf32, #tpu.memory_space<vmem>>)
          %add3A_177 = arith.constant 1 : i32
          %add3A_178 = arith.addi %add3A_169, %add3A_177 : i32
          %lt3A_179 = arith.cmpi slt, %add3A_178, %select_n3A : i32
          %convert_element_type3A_180 = arith.extui %lt3A_179 : i1 to i32
          %cond3A_181 = arith.constant 0 : i32
          %cond3A_182 = arith.cmpi ne, %convert_element_type3A_180, %cond3A_181 : i32
          scf.if %cond3A_182 {
            %add3A_188 = arith.constant 1 : i32
            %add3A_189 = arith.addi %add3A_169, %add3A_188 : i32
            %mul3A_190 = arith.constant 48 : i32
            %mul3A_191 = arith.muli %add3A_189, %mul3A_190 : i32
            %add3A_192 = arith.constant 0 : i32
            %add3A_193 = arith.addi %mul3A_191, %add3A_192 : i32
            %get3A = arith.index_cast %add3A_193 : i32 to index
            %get3A_194 = tpu.vector_load %arg13[%get3A] {strides = array<i32>} : memref<3296xi32, #tpu.memory_space<vmem>>, vector<16xi32>,
            %swap3A_195 = arith.constant 0 : index
            %swap3A_196 = tpu.vector_load %arg15[%swap3A_195] {strides = array<i32>} : memref<48xi32, #tpu.memory_space<vmem>>, vector<16xi32>,
            tpu.vector_store %arg15[%swap3A_195], %get3A_194 {strides = array<i32>} : memref<48xi32, #tpu.memory_space<vmem>>, vector<16xi32>,
            %add3A_197 = arith.constant 0 : i32
            %add3A_198 = arith.addi %mul3A_191, %add3A_197 : i32
            %get3A_199 = arith.index_cast %add3A_198 : i32 to index
            %get3A_200 = tpu.vector_load %arg14[%get3A_199] {strides = array<i32>} : memref<3296xi32, #tpu.memory_space<vmem>>, vector<16xi32>,
            %min3A_201 = arith.constant 335 : i32
            %min3A_202 = vector.broadcast %min3A_201 : i32 to vector<16xi32>
            %min3A_203 = arith.minsi %get3A_200, %min3A_202 : vector<16xi32>
            %lt3A_204 = arith.constant 320 : i32
            %lt3A_205 = vector.broadcast %lt3A_204 : i32 to vector<16xi32>
            %lt3A_206 = arith.cmpi slt, %get3A_200, %lt3A_205 : vector<16xi32>
            tpu.vector_store_idx %arg21[%min3A_203], %broadcast_in_dim3A_5 masked %lt3A_206 {add = true} : memref<336xf32, #tpu.memory_space<vmem>>[vector<16xi32>], vector<16xf32>, vector<16xi1>
            %add3A_207 = arith.constant 16 : i32
            %add3A_208 = arith.addi %mul3A_191, %add3A_207 : i32
            %get3A_209 = arith.index_cast %add3A_208 : i32 to index
            %get3A_210 = tpu.vector_load %arg13[%get3A_209] {strides = array<i32>} : memref<3296xi32, #tpu.memory_space<vmem>>, vector<16xi32>,
            %swap3A_211 = arith.constant 16 : index
            %swap3A_212 = tpu.vector_load %arg15[%swap3A_211] {strides = array<i32>} : memref<48xi32, #tpu.memory_space<vmem>>, vector<16xi32>,
            tpu.vector_store %arg15[%swap3A_211], %get3A_210 {strides = array<i32>} : memref<48xi32, #tpu.memory_space<vmem>>, vector<16xi32>,
            %add3A_213 = arith.constant 16 : i32
            %add3A_214 = arith.addi %mul3A_191, %add3A_213 : i32
            %get3A_215 = arith.index_cast %add3A_214 : i32 to index
            %get3A_216 = tpu.vector_load %arg14[%get3A_215] {strides = array<i32>} : memref<3296xi32, #tpu.memory_space<vmem>>, vector<16xi32>,
            %min3A_217 = arith.constant 335 : i32
            %min3A_218 = vector.broadcast %min3A_217 : i32 to vector<16xi32>
            %min3A_219 = arith.minsi %get3A_216, %min3A_218 : vector<16xi32>
            %lt3A_220 = arith.constant 320 : i32
            %lt3A_221 = vector.broadcast %lt3A_220 : i32 to vector<16xi32>
            %lt3A_222 = arith.cmpi slt, %get3A_216, %lt3A_221 : vector<16xi32>
            tpu.vector_store_idx %arg21[%min3A_219], %broadcast_in_dim3A_5 masked %lt3A_222 {add = true} : memref<336xf32, #tpu.memory_space<vmem>>[vector<16xi32>], vector<16xf32>, vector<16xi1>
            %add3A_223 = arith.constant 32 : i32
            %add3A_224 = arith.addi %mul3A_191, %add3A_223 : i32
            %get3A_225 = arith.index_cast %add3A_224 : i32 to index
            %get3A_226 = tpu.vector_load %arg13[%get3A_225] {strides = array<i32>} : memref<3296xi32, #tpu.memory_space<vmem>>, vector<16xi32>,
            %swap3A_227 = arith.constant 32 : index
            %swap3A_228 = tpu.vector_load %arg15[%swap3A_227] {strides = array<i32>} : memref<48xi32, #tpu.memory_space<vmem>>, vector<16xi32>,
            tpu.vector_store %arg15[%swap3A_227], %get3A_226 {strides = array<i32>} : memref<48xi32, #tpu.memory_space<vmem>>, vector<16xi32>,
            %add3A_229 = arith.constant 32 : i32
            %add3A_230 = arith.addi %mul3A_191, %add3A_229 : i32
            %get3A_231 = arith.index_cast %add3A_230 : i32 to index
            %get3A_232 = tpu.vector_load %arg14[%get3A_231] {strides = array<i32>} : memref<3296xi32, #tpu.memory_space<vmem>>, vector<16xi32>,
            %min3A_233 = arith.constant 335 : i32
            %min3A_234 = vector.broadcast %min3A_233 : i32 to vector<16xi32>
            %min3A_235 = arith.minsi %get3A_232, %min3A_234 : vector<16xi32>
            %lt3A_236 = arith.constant 320 : i32
            %lt3A_237 = vector.broadcast %lt3A_236 : i32 to vector<16xi32>
            %lt3A_238 = arith.cmpi slt, %get3A_232, %lt3A_237 : vector<16xi32>
            tpu.vector_store_idx %arg21[%min3A_235], %broadcast_in_dim3A_5 masked %lt3A_238 {add = true} : memref<336xf32, #tpu.memory_space<vmem>>[vector<16xi32>], vector<16xf32>, vector<16xi1>
            %dma_start3A_239 = arith.constant 0 : i32
            %dma_start3A_240 = arith.constant 0 : i32
            %dma_start3A_241 = tpu.memref_slice %arg2[%dma_start3A_239, %dma_start3A_240] : memref<10000x128xf32, #tpu.memory_space<hbm>> -> memref<10000x128xf32, #tpu.memory_space<hbm>>
            tpu.enqueue_indirect_dma source(%dma_start3A_241 : memref<10000x128xf32, #tpu.memory_space<hbm>>) target(%arg17 : memref<48x128xf32, #tpu.memory_space<vmem>>) offsets(%arg15 : memref<48xi32, #tpu.memory_space<vmem>>) semaphore(%arg23 : memref<!tpu.dma_semaphore, #tpu.memory_space<semaphore_mem>>)
          } else {
          }
          %scan3A_183 = arith.constant 0 : i32
          %scan3A_184 = arith.constant 48 : i32
          %scan3A_185 = arith.addi %scan3A_183, %scan3A_184 : i32
          %scan3A_186 = arith.constant 2 : i32
          scf.for %scan3A_188 = %scan3A_183 to %scan3A_185 step %scan3A_186  : i32 {
            %mul3A_189 = arith.constant 1 : i32
            %mul3A_190 = arith.muli %scan3A_188, %mul3A_189 : i32
            %add3A_191 = arith.constant 0 : i32
            %add3A_192 = arith.addi %add3A_191, %mul3A_190 : i32
            %jit3A_193 = arith.constant 16 : i32
            %div3A_194 = arith.divsi %add3A_192, %jit3A_193 : i32
            %sign3A_195 = arith.constant 0 : i32
            %sign3A_196 = arith.cmpi sgt, %add3A_192, %sign3A_195 : i32
            %sign3A_197 = arith.extui %sign3A_196 : i1 to i32
            %sign3A_198 = arith.constant 0 : i32
            %sign3A_199 = arith.cmpi slt, %add3A_192, %sign3A_198 : i32
            %sign3A_200 = arith.extui %sign3A_199 : i1 to i32
            %sign3A_201 = arith.subi %sign3A_197, %sign3A_200 : i32
            %sign3A_202 = arith.constant 0 : i32
            %sign3A_203 = arith.cmpi sgt, %jit3A_193, %sign3A_202 : i32
            %sign3A_204 = arith.extui %sign3A_203 : i1 to i32
            %sign3A_205 = arith.constant 0 : i32
            %sign3A_206 = arith.cmpi slt, %jit3A_193, %sign3A_205 : i32
            %sign3A_207 = arith.extui %sign3A_206 : i1 to i32
            %sign3A_208 = arith.subi %sign3A_204, %sign3A_207 : i32
            %ne3A_209 = arith.cmpi ne, %sign3A_201, %sign3A_208 : i32
            %rem3A_210 = arith.remsi %add3A_192, %jit3A_193 : i32
            %ne3A_211 = arith.constant 0 : i32
            %ne3A_212 = arith.cmpi ne, %rem3A_210, %ne3A_211 : i32
            %and3A_213 = arith.andi %ne3A_209, %ne3A_212 : i1
            %sub3A_214 = arith.constant 1 : i32
            %sub3A_215 = arith.subi %div3A_194, %sub3A_214 : i32
            %select_n3A_216 = arith.select %and3A_213, %sub3A_215, %div3A_194 : i32
            %mul3A_217 = arith.constant 16 : i32
            %mul3A_218 = arith.muli %select_n3A_216, %mul3A_217 : i32
            %mul3A_219 = arith.constant 48 : i32
            %mul3A_220 = arith.muli %add3A_169, %mul3A_219 : i32
            %add3A_221 = arith.addi %mul3A_220, %mul3A_218 : i32
            %get3A = arith.index_cast %add3A_221 : i32 to index
            %get3A_222 = tpu.vector_load %arg14[%get3A] {strides = array<i32>} : memref<3296xi32, #tpu.memory_space<vmem>>, vector<16xi32>,
            %sub3A_223 = arith.subi %add3A_192, %mul3A_218 : i32
            %eq3A = vector.broadcast %sub3A_223 : i32 to vector<16xi32>
            %eq3A_224 = arith.cmpi eq, %iota3A, %eq3A : vector<16xi32>
            %jit3A_225 = arith.constant 0 : i32
            %broadcast_in_dim3A_226 = vector.broadcast %jit3A_225 : i32 to vector<16xi32>
            %select_n3A_227 = arith.select %eq3A_224, %get3A_222, %broadcast_in_dim3A_226 : vector<16xi1>, vector<16xi32>
            %reduce_sum3A = arith.constant true
            %reduce_sum3A_228 = vector.broadcast %reduce_sum3A : i1 to vector<16xi1>
            %reduce_sum3A_229 = tpu.scan <sum>, %select_n3A_227 masked %reduce_sum3A_228 : vector<16xi32>, vector<16xi1> -> vector<16xi32>
            %reduce_sum3A_230 = vector.extract %reduce_sum3A_229[15] : i32 from vector<16xi32>
            %min3A_231 = arith.constant 327 : i32
            %min3A_232 = arith.minsi %reduce_sum3A_230, %min3A_231 : i32
            %get3A_233 = arith.index_cast %add3A_192 : i32 to index
            %get3A_234 = arith.constant 0 : index
            %get3A_235 = tpu.vector_load %arg18[%get3A_233, %get3A_234] {strides = array<i32>} : memref<48x128xf32, #tpu.memory_space<vmem>>, vector<16xf32>,
            %get3A_236 = arith.index_cast %min3A_232 : i32 to index
            %get3A_237 = arith.constant 0 : index
            %get3A_238 = tpu.vector_load %arg19[%get3A_236, %get3A_237] {strides = array<i32>} : memref<328x128xf32, #tpu.memory_space<vmem>>, vector<16xf32>,
            %max3A = arith.maximumf %get3A_238, %get3A_235 : vector<16xf32>
            %swap3A_239 = arith.index_cast %min3A_232 : i32 to index
            %swap3A_240 = arith.constant 0 : index
            %swap3A_241 = tpu.vector_load %arg19[%swap3A_239, %swap3A_240] {strides = array<i32>} : memref<328x128xf32, #tpu.memory_space<vmem>>, vector<16xf32>,
            tpu.vector_store %arg19[%swap3A_239, %swap3A_240], %max3A {strides = array<i32>} : memref<328x128xf32, #tpu.memory_space<vmem>>, vector<16xf32>,
            %get3A_242 = arith.index_cast %min3A_232 : i32 to index
            %get3A_243 = arith.constant 0 : index
            %get3A_244 = tpu.vector_load %arg20[%get3A_242, %get3A_243] {strides = array<i32>} : memref<328x128xf32, #tpu.memory_space<vmem>>, vector<16xf32>,
            %add3A_245 = arith.addf %get3A_244, %get3A_235 : vector<16xf32>
            %swap3A_246 = arith.index_cast %min3A_232 : i32 to index
            %swap3A_247 = arith.constant 0 : index
            %swap3A_248 = tpu.vector_load %arg20[%swap3A_246, %swap3A_247] {strides = array<i32>} : memref<328x128xf32, #tpu.memory_space<vmem>>, vector<16xf32>,
            tpu.vector_store %arg20[%swap3A_246, %swap3A_247], %add3A_245 {strides = array<i32>} : memref<328x128xf32, #tpu.memory_space<vmem>>, vector<16xf32>,
            %get3A_249 = arith.index_cast %add3A_192 : i32 to index
            %get3A_250 = arith.constant 16 : index
            %get3A_251 = tpu.vector_load %arg18[%get3A_249, %get3A_250] {strides = array<i32>} : memref<48x128xf32, #tpu.memory_space<vmem>>, vector<16xf32>,
            %get3A_252 = arith.index_cast %min3A_232 : i32 to index
            %get3A_253 = arith.constant 16 : index
            %get3A_254 = tpu.vector_load %arg19[%get3A_252, %get3A_253] {strides = array<i32>} : memref<328x128xf32, #tpu.memory_space<vmem>>, vector<16xf32>,
            %max3A_255 = arith.maximumf %get3A_254, %get3A_251 : vector<16xf32>
            %swap3A_256 = arith.index_cast %min3A_232 : i32 to index
            %swap3A_257 = arith.constant 16 : index
            %swap3A_258 = tpu.vector_load %arg19[%swap3A_256, %swap3A_257] {strides = array<i32>} : memref<328x128xf32, #tpu.memory_space<vmem>>, vector<16xf32>,
            tpu.vector_store %arg19[%swap3A_256, %swap3A_257], %max3A_255 {strides = array<i32>} : memref<328x128xf32, #tpu.memory_space<vmem>>, vector<16xf32>,
            %get3A_259 = arith.index_cast %min3A_232 : i32 to index
            %get3A_260 = arith.constant 16 : index
            %get3A_261 = tpu.vector_load %arg20[%get3A_259, %get3A_260] {strides = array<i32>} : memref<328x128xf32, #tpu.memory_space<vmem>>, vector<16xf32>,
            %add3A_262 = arith.addf %get3A_261, %get3A_251 : vector<16xf32>
            %swap3A_263 = arith.index_cast %min3A_232 : i32 to index
            %swap3A_264 = arith.constant 16 : index
            %swap3A_265 = tpu.vector_load %arg20[%swap3A_263, %swap3A_264] {strides = array<i32>} : memref<328x128xf32, #tpu.memory_space<vmem>>, vector<16xf32>,
            tpu.vector_store %arg20[%swap3A_263, %swap3A_264], %add3A_262 {strides = array<i32>} : memref<328x128xf32, #tpu.memory_space<vmem>>, vector<16xf32>,
            %get3A_266 = arith.index_cast %add3A_192 : i32 to index
            %get3A_267 = arith.constant 32 : index
            %get3A_268 = tpu.vector_load %arg18[%get3A_266, %get3A_267] {strides = array<i32>} : memref<48x128xf32, #tpu.memory_space<vmem>>, vector<16xf32>,
            %get3A_269 = arith.index_cast %min3A_232 : i32 to index
            %get3A_270 = arith.constant 32 : index
            %get3A_271 = tpu.vector_load %arg19[%get3A_269, %get3A_270] {strides = array<i32>} : memref<328x128xf32, #tpu.memory_space<vmem>>, vector<16xf32>,
            %max3A_272 = arith.maximumf %get3A_271, %get3A_268 : vector<16xf32>
            %swap3A_273 = arith.index_cast %min3A_232 : i32 to index
            %swap3A_274 = arith.constant 32 : index
            %swap3A_275 = tpu.vector_load %arg19[%swap3A_273, %swap3A_274] {strides = array<i32>} : memref<328x128xf32, #tpu.memory_space<vmem>>, vector<16xf32>,
            tpu.vector_store %arg19[%swap3A_273, %swap3A_274], %max3A_272 {strides = array<i32>} : memref<328x128xf32, #tpu.memory_space<vmem>>, vector<16xf32>,
            %get3A_276 = arith.index_cast %min3A_232 : i32 to index
            %get3A_277 = arith.constant 32 : index
            %get3A_278 = tpu.vector_load %arg20[%get3A_276, %get3A_277] {strides = array<i32>} : memref<328x128xf32, #tpu.memory_space<vmem>>, vector<16xf32>,
            %add3A_279 = arith.addf %get3A_278, %get3A_268 : vector<16xf32>
            %swap3A_280 = arith.index_cast %min3A_232 : i32 to index
            %swap3A_281 = arith.constant 32 : index
            %swap3A_282 = tpu.vector_load %arg20[%swap3A_280, %swap3A_281] {strides = array<i32>} : memref<328x128xf32, #tpu.memory_space<vmem>>, vector<16xf32>,
            tpu.vector_store %arg20[%swap3A_280, %swap3A_281], %add3A_279 {strides = array<i32>} : memref<328x128xf32, #tpu.memory_space<vmem>>, vector<16xf32>,
            %get3A_283 = arith.index_cast %add3A_192 : i32 to index
            %get3A_284 = arith.constant 48 : index
            %get3A_285 = tpu.vector_load %arg18[%get3A_283, %get3A_284] {strides = array<i32>} : memref<48x128xf32, #tpu.memory_space<vmem>>, vector<16xf32>,
            %get3A_286 = arith.index_cast %min3A_232 : i32 to index
            %get3A_287 = arith.constant 48 : index
            %get3A_288 = tpu.vector_load %arg19[%get3A_286, %get3A_287] {strides = array<i32>} : memref<328x128xf32, #tpu.memory_space<vmem>>, vector<16xf32>,
            %max3A_289 = arith.maximumf %get3A_288, %get3A_285 : vector<16xf32>
            %swap3A_290 = arith.index_cast %min3A_232 : i32 to index
            %swap3A_291 = arith.constant 48 : index
            %swap3A_292 = tpu.vector_load %arg19[%swap3A_290, %swap3A_291] {strides = array<i32>} : memref<328x128xf32, #tpu.memory_space<vmem>>, vector<16xf32>,
            tpu.vector_store %arg19[%swap3A_290, %swap3A_291], %max3A_289 {strides = array<i32>} : memref<328x128xf32, #tpu.memory_space<vmem>>, vector<16xf32>,
            %get3A_293 = arith.index_cast %min3A_232 : i32 to index
            %get3A_294 = arith.constant 48 : index
            %get3A_295 = tpu.vector_load %arg20[%get3A_293, %get3A_294] {strides = array<i32>} : memref<328x128xf32, #tpu.memory_space<vmem>>, vector<16xf32>,
            %add3A_296 = arith.addf %get3A_295, %get3A_285 : vector<16xf32>
            %swap3A_297 = arith.index_cast %min3A_232 : i32 to index
            %swap3A_298 = arith.constant 48 : index
            %swap3A_299 = tpu.vector_load %arg20[%swap3A_297, %swap3A_298] {strides = array<i32>} : memref<328x128xf32, #tpu.memory_space<vmem>>, vector<16xf32>,
            tpu.vector_store %arg20[%swap3A_297, %swap3A_298], %add3A_296 {strides = array<i32>} : memref<328x128xf32, #tpu.memory_space<vmem>>, vector<16xf32>,
            %get3A_300 = arith.index_cast %add3A_192 : i32 to index
            %get3A_301 = arith.constant 64 : index
            %get3A_302 = tpu.vector_load %arg18[%get3A_300, %get3A_301] {strides = array<i32>} : memref<48x128xf32, #tpu.memory_space<vmem>>, vector<16xf32>,
            %get3A_303 = arith.index_cast %min3A_232 : i32 to index
            %get3A_304 = arith.constant 64 : index
            %get3A_305 = tpu.vector_load %arg19[%get3A_303, %get3A_304] {strides = array<i32>} : memref<328x128xf32, #tpu.memory_space<vmem>>, vector<16xf32>,
            %max3A_306 = arith.maximumf %get3A_305, %get3A_302 : vector<16xf32>
            %swap3A_307 = arith.index_cast %min3A_232 : i32 to index
            %swap3A_308 = arith.constant 64 : index
            %swap3A_309 = tpu.vector_load %arg19[%swap3A_307, %swap3A_308] {strides = array<i32>} : memref<328x128xf32, #tpu.memory_space<vmem>>, vector<16xf32>,
            tpu.vector_store %arg19[%swap3A_307, %swap3A_308], %max3A_306 {strides = array<i32>} : memref<328x128xf32, #tpu.memory_space<vmem>>, vector<16xf32>,
            %get3A_310 = arith.index_cast %min3A_232 : i32 to index
            %get3A_311 = arith.constant 64 : index
            %get3A_312 = tpu.vector_load %arg20[%get3A_310, %get3A_311] {strides = array<i32>} : memref<328x128xf32, #tpu.memory_space<vmem>>, vector<16xf32>,
            %add3A_313 = arith.addf %get3A_312, %get3A_302 : vector<16xf32>
            %swap3A_314 = arith.index_cast %min3A_232 : i32 to index
            %swap3A_315 = arith.constant 64 : index
            %swap3A_316 = tpu.vector_load %arg20[%swap3A_314, %swap3A_315] {strides = array<i32>} : memref<328x128xf32, #tpu.memory_space<vmem>>, vector<16xf32>,
            tpu.vector_store %arg20[%swap3A_314, %swap3A_315], %add3A_313 {strides = array<i32>} : memref<328x128xf32, #tpu.memory_space<vmem>>, vector<16xf32>,
            %get3A_317 = arith.index_cast %add3A_192 : i32 to index
            %get3A_318 = arith.constant 80 : index
            %get3A_319 = tpu.vector_load %arg18[%get3A_317, %get3A_318] {strides = array<i32>} : memref<48x128xf32, #tpu.memory_space<vmem>>, vector<16xf32>,
            %get3A_320 = arith.index_cast %min3A_232 : i32 to index
            %get3A_321 = arith.constant 80 : index
            %get3A_322 = tpu.vector_load %arg19[%get3A_320, %get3A_321] {strides = array<i32>} : memref<328x128xf32, #tpu.memory_space<vmem>>, vector<16xf32>,
            %max3A_323 = arith.maximumf %get3A_322, %get3A_319 : vector<16xf32>
            %swap3A_324 = arith.index_cast %min3A_232 : i32 to index
            %swap3A_325 = arith.constant 80 : index
            %swap3A_326 = tpu.vector_load %arg19[%swap3A_324, %swap3A_325] {strides = array<i32>} : memref<328x128xf32, #tpu.memory_space<vmem>>, vector<16xf32>,
            tpu.vector_store %arg19[%swap3A_324, %swap3A_325], %max3A_323 {strides = array<i32>} : memref<328x128xf32, #tpu.memory_space<vmem>>, vector<16xf32>,
            %get3A_327 = arith.index_cast %min3A_232 : i32 to index
            %get3A_328 = arith.constant 80 : index
            %get3A_329 = tpu.vector_load %arg20[%get3A_327, %get3A_328] {strides = array<i32>} : memref<328x128xf32, #tpu.memory_space<vmem>>, vector<16xf32>,
            %add3A_330 = arith.addf %get3A_329, %get3A_319 : vector<16xf32>
            %swap3A_331 = arith.index_cast %min3A_232 : i32 to index
            %swap3A_332 = arith.constant 80 : index
            %swap3A_333 = tpu.vector_load %arg20[%swap3A_331, %swap3A_332] {strides = array<i32>} : memref<328x128xf32, #tpu.memory_space<vmem>>, vector<16xf32>,
            tpu.vector_store %arg20[%swap3A_331, %swap3A_332], %add3A_330 {strides = array<i32>} : memref<328x128xf32, #tpu.memory_space<vmem>>, vector<16xf32>,
            %get3A_334 = arith.index_cast %add3A_192 : i32 to index
            %get3A_335 = arith.constant 96 : index
            %get3A_336 = tpu.vector_load %arg18[%get3A_334, %get3A_335] {strides = array<i32>} : memref<48x128xf32, #tpu.memory_space<vmem>>, vector<16xf32>,
            %get3A_337 = arith.index_cast %min3A_232 : i32 to index
            %get3A_338 = arith.constant 96 : index
            %get3A_339 = tpu.vector_load %arg19[%get3A_337, %get3A_338] {strides = array<i32>} : memref<328x128xf32, #tpu.memory_space<vmem>>, vector<16xf32>,
            %max3A_340 = arith.maximumf %get3A_339, %get3A_336 : vector<16xf32>
            %swap3A_341 = arith.index_cast %min3A_232 : i32 to index
            %swap3A_342 = arith.constant 96 : index
            %swap3A_343 = tpu.vector_load %arg19[%swap3A_341, %swap3A_342] {strides = array<i32>} : memref<328x128xf32, #tpu.memory_space<vmem>>, vector<16xf32>,
            tpu.vector_store %arg19[%swap3A_341, %swap3A_342], %max3A_340 {strides = array<i32>} : memref<328x128xf32, #tpu.memory_space<vmem>>, vector<16xf32>,
            %get3A_344 = arith.index_cast %min3A_232 : i32 to index
            %get3A_345 = arith.constant 96 : index
            %get3A_346 = tpu.vector_load %arg20[%get3A_344, %get3A_345] {strides = array<i32>} : memref<328x128xf32, #tpu.memory_space<vmem>>, vector<16xf32>,
            %add3A_347 = arith.addf %get3A_346, %get3A_336 : vector<16xf32>
            %swap3A_348 = arith.index_cast %min3A_232 : i32 to index
            %swap3A_349 = arith.constant 96 : index
            %swap3A_350 = tpu.vector_load %arg20[%swap3A_348, %swap3A_349] {strides = array<i32>} : memref<328x128xf32, #tpu.memory_space<vmem>>, vector<16xf32>,
            tpu.vector_store %arg20[%swap3A_348, %swap3A_349], %add3A_347 {strides = array<i32>} : memref<328x128xf32, #tpu.memory_space<vmem>>, vector<16xf32>,
            %get3A_351 = arith.index_cast %add3A_192 : i32 to index
            %get3A_352 = arith.constant 112 : index
            %get3A_353 = tpu.vector_load %arg18[%get3A_351, %get3A_352] {strides = array<i32>} : memref<48x128xf32, #tpu.memory_space<vmem>>, vector<16xf32>,
            %get3A_354 = arith.index_cast %min3A_232 : i32 to index
            %get3A_355 = arith.constant 112 : index
            %get3A_356 = tpu.vector_load %arg19[%get3A_354, %get3A_355] {strides = array<i32>} : memref<328x128xf32, #tpu.memory_space<vmem>>, vector<16xf32>,
            %max3A_357 = arith.maximumf %get3A_356, %get3A_353 : vector<16xf32>
            %swap3A_358 = arith.index_cast %min3A_232 : i32 to index
            %swap3A_359 = arith.constant 112 : index
            %swap3A_360 = tpu.vector_load %arg19[%swap3A_358, %swap3A_359] {strides = array<i32>} : memref<328x128xf32, #tpu.memory_space<vmem>>, vector<16xf32>,
            tpu.vector_store %arg19[%swap3A_358, %swap3A_359], %max3A_357 {strides = array<i32>} : memref<328x128xf32, #tpu.memory_space<vmem>>, vector<16xf32>,
            %get3A_361 = arith.index_cast %min3A_232 : i32 to index
            %get3A_362 = arith.constant 112 : index
            %get3A_363 = tpu.vector_load %arg20[%get3A_361, %get3A_362] {strides = array<i32>} : memref<328x128xf32, #tpu.memory_space<vmem>>, vector<16xf32>,
            %add3A_364 = arith.addf %get3A_363, %get3A_353 : vector<16xf32>
            %swap3A_365 = arith.index_cast %min3A_232 : i32 to index
            %swap3A_366 = arith.constant 112 : index
            %swap3A_367 = tpu.vector_load %arg20[%swap3A_365, %swap3A_366] {strides = array<i32>} : memref<328x128xf32, #tpu.memory_space<vmem>>, vector<16xf32>,
            tpu.vector_store %arg20[%swap3A_365, %swap3A_366], %add3A_364 {strides = array<i32>} : memref<328x128xf32, #tpu.memory_space<vmem>>, vector<16xf32>,
            %scan3A_368 = arith.constant 1 : i32
            %scan3A_369 = arith.addi %scan3A_188, %scan3A_368 : i32
            %mul3A_370 = arith.constant 1 : i32
            %mul3A_371 = arith.muli %scan3A_369, %mul3A_370 : i32
            %add3A_372 = arith.constant 0 : i32
            %add3A_373 = arith.addi %add3A_372, %mul3A_371 : i32
            %jit3A_374 = arith.constant 16 : i32
            %div3A_375 = arith.divsi %add3A_373, %jit3A_374 : i32
            %sign3A_376 = arith.constant 0 : i32
            %sign3A_377 = arith.cmpi sgt, %add3A_373, %sign3A_376 : i32
            %sign3A_378 = arith.extui %sign3A_377 : i1 to i32
            %sign3A_379 = arith.constant 0 : i32
            %sign3A_380 = arith.cmpi slt, %add3A_373, %sign3A_379 : i32
            %sign3A_381 = arith.extui %sign3A_380 : i1 to i32
            %sign3A_382 = arith.subi %sign3A_378, %sign3A_381 : i32
            %sign3A_383 = arith.constant 0 : i32
            %sign3A_384 = arith.cmpi sgt, %jit3A_374, %sign3A_383 : i32
            %sign3A_385 = arith.extui %sign3A_384 : i1 to i32
            %sign3A_386 = arith.constant 0 : i32
            %sign3A_387 = arith.cmpi slt, %jit3A_374, %sign3A_386 : i32
            %sign3A_388 = arith.extui %sign3A_387 : i1 to i32
            %sign3A_389 = arith.subi %sign3A_385, %sign3A_388 : i32
            %ne3A_390 = arith.cmpi ne, %sign3A_382, %sign3A_389 : i32
            %rem3A_391 = arith.remsi %add3A_373, %jit3A_374 : i32
            %ne3A_392 = arith.constant 0 : i32
            %ne3A_393 = arith.cmpi ne, %rem3A_391, %ne3A_392 : i32
            %and3A_394 = arith.andi %ne3A_390, %ne3A_393 : i1
            %sub3A_395 = arith.constant 1 : i32
            %sub3A_396 = arith.subi %div3A_375, %sub3A_395 : i32
            %select_n3A_397 = arith.select %and3A_394, %sub3A_396, %div3A_375 : i32
            %mul3A_398 = arith.constant 16 : i32
            %mul3A_399 = arith.muli %select_n3A_397, %mul3A_398 : i32
            %mul3A_400 = arith.constant 48 : i32
            %mul3A_401 = arith.muli %add3A_169, %mul3A_400 : i32
            %add3A_402 = arith.addi %mul3A_401, %mul3A_399 : i32
            %get3A_403 = arith.index_cast %add3A_402 : i32 to index
            %get3A_404 = tpu.vector_load %arg14[%get3A_403] {strides = array<i32>} : memref<3296xi32, #tpu.memory_space<vmem>>, vector<16xi32>,
            %sub3A_405 = arith.subi %add3A_373, %mul3A_399 : i32
            %eq3A_406 = vector.broadcast %sub3A_405 : i32 to vector<16xi32>
            %eq3A_407 = arith.cmpi eq, %iota3A, %eq3A_406 : vector<16xi32>
            %jit3A_408 = arith.constant 0 : i32
            %broadcast_in_dim3A_409 = vector.broadcast %jit3A_408 : i32 to vector<16xi32>
            %select_n3A_410 = arith.select %eq3A_407, %get3A_404, %broadcast_in_dim3A_409 : vector<16xi1>, vector<16xi32>
            %reduce_sum3A_411 = arith.constant true
            %reduce_sum3A_412 = vector.broadcast %reduce_sum3A_411 : i1 to vector<16xi1>
            %reduce_sum3A_413 = tpu.scan <sum>, %select_n3A_410 masked %reduce_sum3A_412 : vector<16xi32>, vector<16xi1> -> vector<16xi32>
            %reduce_sum3A_414 = vector.extract %reduce_sum3A_413[15] : i32 from vector<16xi32>
            %min3A_415 = arith.constant 327 : i32
            %min3A_416 = arith.minsi %reduce_sum3A_414, %min3A_415 : i32
            %get3A_417 = arith.index_cast %add3A_373 : i32 to index
            %get3A_418 = arith.constant 0 : index
            %get3A_419 = tpu.vector_load %arg18[%get3A_417, %get3A_418] {strides = array<i32>} : memref<48x128xf32, #tpu.memory_space<vmem>>, vector<16xf32>,
            %get3A_420 = arith.index_cast %min3A_416 : i32 to index
            %get3A_421 = arith.constant 0 : index
            %get3A_422 = tpu.vector_load %arg19[%get3A_420, %get3A_421] {strides = array<i32>} : memref<328x128xf32, #tpu.memory_space<vmem>>, vector<16xf32>,
            %max3A_423 = arith.maximumf %get3A_422, %get3A_419 : vector<16xf32>
            %swap3A_424 = arith.index_cast %min3A_416 : i32 to index
            %swap3A_425 = arith.constant 0 : index
            %swap3A_426 = tpu.vector_load %arg19[%swap3A_424, %swap3A_425] {strides = array<i32>} : memref<328x128xf32, #tpu.memory_space<vmem>>, vector<16xf32>,
            tpu.vector_store %arg19[%swap3A_424, %swap3A_425], %max3A_423 {strides = array<i32>} : memref<328x128xf32, #tpu.memory_space<vmem>>, vector<16xf32>,
            %get3A_427 = arith.index_cast %min3A_416 : i32 to index
            %get3A_428 = arith.constant 0 : index
            %get3A_429 = tpu.vector_load %arg20[%get3A_427, %get3A_428] {strides = array<i32>} : memref<328x128xf32, #tpu.memory_space<vmem>>, vector<16xf32>,
            %add3A_430 = arith.addf %get3A_429, %get3A_419 : vector<16xf32>
            %swap3A_431 = arith.index_cast %min3A_416 : i32 to index
            %swap3A_432 = arith.constant 0 : index
            %swap3A_433 = tpu.vector_load %arg20[%swap3A_431, %swap3A_432] {strides = array<i32>} : memref<328x128xf32, #tpu.memory_space<vmem>>, vector<16xf32>,
            tpu.vector_store %arg20[%swap3A_431, %swap3A_432], %add3A_430 {strides = array<i32>} : memref<328x128xf32, #tpu.memory_space<vmem>>, vector<16xf32>,
            %get3A_434 = arith.index_cast %add3A_373 : i32 to index
            %get3A_435 = arith.constant 16 : index
            %get3A_436 = tpu.vector_load %arg18[%get3A_434, %get3A_435] {strides = array<i32>} : memref<48x128xf32, #tpu.memory_space<vmem>>, vector<16xf32>,
            %get3A_437 = arith.index_cast %min3A_416 : i32 to index
            %get3A_438 = arith.constant 16 : index
            %get3A_439 = tpu.vector_load %arg19[%get3A_437, %get3A_438] {strides = array<i32>} : memref<328x128xf32, #tpu.memory_space<vmem>>, vector<16xf32>,
            %max3A_440 = arith.maximumf %get3A_439, %get3A_436 : vector<16xf32>
            %swap3A_441 = arith.index_cast %min3A_416 : i32 to index
            %swap3A_442 = arith.constant 16 : index
            %swap3A_443 = tpu.vector_load %arg19[%swap3A_441, %swap3A_442] {strides = array<i32>} : memref<328x128xf32, #tpu.memory_space<vmem>>, vector<16xf32>,
            tpu.vector_store %arg19[%swap3A_441, %swap3A_442], %max3A_440 {strides = array<i32>} : memref<328x128xf32, #tpu.memory_space<vmem>>, vector<16xf32>,
            %get3A_444 = arith.index_cast %min3A_416 : i32 to index
            %get3A_445 = arith.constant 16 : index
            %get3A_446 = tpu.vector_load %arg20[%get3A_444, %get3A_445] {strides = array<i32>} : memref<328x128xf32, #tpu.memory_space<vmem>>, vector<16xf32>,
            %add3A_447 = arith.addf %get3A_446, %get3A_436 : vector<16xf32>
            %swap3A_448 = arith.index_cast %min3A_416 : i32 to index
            %swap3A_449 = arith.constant 16 : index
            %swap3A_450 = tpu.vector_load %arg20[%swap3A_448, %swap3A_449] {strides = array<i32>} : memref<328x128xf32, #tpu.memory_space<vmem>>, vector<16xf32>,
            tpu.vector_store %arg20[%swap3A_448, %swap3A_449], %add3A_447 {strides = array<i32>} : memref<328x128xf32, #tpu.memory_space<vmem>>, vector<16xf32>,
            %get3A_451 = arith.index_cast %add3A_373 : i32 to index
            %get3A_452 = arith.constant 32 : index
            %get3A_453 = tpu.vector_load %arg18[%get3A_451, %get3A_452] {strides = array<i32>} : memref<48x128xf32, #tpu.memory_space<vmem>>, vector<16xf32>,
            %get3A_454 = arith.index_cast %min3A_416 : i32 to index
            %get3A_455 = arith.constant 32 : index
            %get3A_456 = tpu.vector_load %arg19[%get3A_454, %get3A_455] {strides = array<i32>} : memref<328x128xf32, #tpu.memory_space<vmem>>, vector<16xf32>,
            %max3A_457 = arith.maximumf %get3A_456, %get3A_453 : vector<16xf32>
            %swap3A_458 = arith.index_cast %min3A_416 : i32 to index
            %swap3A_459 = arith.constant 32 : index
            %swap3A_460 = tpu.vector_load %arg19[%swap3A_458, %swap3A_459] {strides = array<i32>} : memref<328x128xf32, #tpu.memory_space<vmem>>, vector<16xf32>,
            tpu.vector_store %arg19[%swap3A_458, %swap3A_459], %max3A_457 {strides = array<i32>} : memref<328x128xf32, #tpu.memory_space<vmem>>, vector<16xf32>,
            %get3A_461 = arith.index_cast %min3A_416 : i32 to index
            %get3A_462 = arith.constant 32 : index
            %get3A_463 = tpu.vector_load %arg20[%get3A_461, %get3A_462] {strides = array<i32>} : memref<328x128xf32, #tpu.memory_space<vmem>>, vector<16xf32>,
            %add3A_464 = arith.addf %get3A_463, %get3A_453 : vector<16xf32>
            %swap3A_465 = arith.index_cast %min3A_416 : i32 to index
            %swap3A_466 = arith.constant 32 : index
            %swap3A_467 = tpu.vector_load %arg20[%swap3A_465, %swap3A_466] {strides = array<i32>} : memref<328x128xf32, #tpu.memory_space<vmem>>, vector<16xf32>,
            tpu.vector_store %arg20[%swap3A_465, %swap3A_466], %add3A_464 {strides = array<i32>} : memref<328x128xf32, #tpu.memory_space<vmem>>, vector<16xf32>,
            %get3A_468 = arith.index_cast %add3A_373 : i32 to index
            %get3A_469 = arith.constant 48 : index
            %get3A_470 = tpu.vector_load %arg18[%get3A_468, %get3A_469] {strides = array<i32>} : memref<48x128xf32, #tpu.memory_space<vmem>>, vector<16xf32>,
            %get3A_471 = arith.index_cast %min3A_416 : i32 to index
            %get3A_472 = arith.constant 48 : index
            %get3A_473 = tpu.vector_load %arg19[%get3A_471, %get3A_472] {strides = array<i32>} : memref<328x128xf32, #tpu.memory_space<vmem>>, vector<16xf32>,
            %max3A_474 = arith.maximumf %get3A_473, %get3A_470 : vector<16xf32>
            %swap3A_475 = arith.index_cast %min3A_416 : i32 to index
            %swap3A_476 = arith.constant 48 : index
            %swap3A_477 = tpu.vector_load %arg19[%swap3A_475, %swap3A_476] {strides = array<i32>} : memref<328x128xf32, #tpu.memory_space<vmem>>, vector<16xf32>,
            tpu.vector_store %arg19[%swap3A_475, %swap3A_476], %max3A_474 {strides = array<i32>} : memref<328x128xf32, #tpu.memory_space<vmem>>, vector<16xf32>,
            %get3A_478 = arith.index_cast %min3A_416 : i32 to index
            %get3A_479 = arith.constant 48 : index
            %get3A_480 = tpu.vector_load %arg20[%get3A_478, %get3A_479] {strides = array<i32>} : memref<328x128xf32, #tpu.memory_space<vmem>>, vector<16xf32>,
            %add3A_481 = arith.addf %get3A_480, %get3A_470 : vector<16xf32>
            %swap3A_482 = arith.index_cast %min3A_416 : i32 to index
            %swap3A_483 = arith.constant 48 : index
            %swap3A_484 = tpu.vector_load %arg20[%swap3A_482, %swap3A_483] {strides = array<i32>} : memref<328x128xf32, #tpu.memory_space<vmem>>, vector<16xf32>,
            tpu.vector_store %arg20[%swap3A_482, %swap3A_483], %add3A_481 {strides = array<i32>} : memref<328x128xf32, #tpu.memory_space<vmem>>, vector<16xf32>,
            %get3A_485 = arith.index_cast %add3A_373 : i32 to index
            %get3A_486 = arith.constant 64 : index
            %get3A_487 = tpu.vector_load %arg18[%get3A_485, %get3A_486] {strides = array<i32>} : memref<48x128xf32, #tpu.memory_space<vmem>>, vector<16xf32>,
            %get3A_488 = arith.index_cast %min3A_416 : i32 to index
            %get3A_489 = arith.constant 64 : index
            %get3A_490 = tpu.vector_load %arg19[%get3A_488, %get3A_489] {strides = array<i32>} : memref<328x128xf32, #tpu.memory_space<vmem>>, vector<16xf32>,
            %max3A_491 = arith.maximumf %get3A_490, %get3A_487 : vector<16xf32>
            %swap3A_492 = arith.index_cast %min3A_416 : i32 to index
            %swap3A_493 = arith.constant 64 : index
            %swap3A_494 = tpu.vector_load %arg19[%swap3A_492, %swap3A_493] {strides = array<i32>} : memref<328x128xf32, #tpu.memory_space<vmem>>, vector<16xf32>,
            tpu.vector_store %arg19[%swap3A_492, %swap3A_493], %max3A_491 {strides = array<i32>} : memref<328x128xf32, #tpu.memory_space<vmem>>, vector<16xf32>,
            %get3A_495 = arith.index_cast %min3A_416 : i32 to index
            %get3A_496 = arith.constant 64 : index
            %get3A_497 = tpu.vector_load %arg20[%get3A_495, %get3A_496] {strides = array<i32>} : memref<328x128xf32, #tpu.memory_space<vmem>>, vector<16xf32>,
            %add3A_498 = arith.addf %get3A_497, %get3A_487 : vector<16xf32>
            %swap3A_499 = arith.index_cast %min3A_416 : i32 to index
            %swap3A_500 = arith.constant 64 : index
            %swap3A_501 = tpu.vector_load %arg20[%swap3A_499, %swap3A_500] {strides = array<i32>} : memref<328x128xf32, #tpu.memory_space<vmem>>, vector<16xf32>,
            tpu.vector_store %arg20[%swap3A_499, %swap3A_500], %add3A_498 {strides = array<i32>} : memref<328x128xf32, #tpu.memory_space<vmem>>, vector<16xf32>,
            %get3A_502 = arith.index_cast %add3A_373 : i32 to index
            %get3A_503 = arith.constant 80 : index
            %get3A_504 = tpu.vector_load %arg18[%get3A_502, %get3A_503] {strides = array<i32>} : memref<48x128xf32, #tpu.memory_space<vmem>>, vector<16xf32>,
            %get3A_505 = arith.index_cast %min3A_416 : i32 to index
            %get3A_506 = arith.constant 80 : index
            %get3A_507 = tpu.vector_load %arg19[%get3A_505, %get3A_506] {strides = array<i32>} : memref<328x128xf32, #tpu.memory_space<vmem>>, vector<16xf32>,
            %max3A_508 = arith.maximumf %get3A_507, %get3A_504 : vector<16xf32>
            %swap3A_509 = arith.index_cast %min3A_416 : i32 to index
            %swap3A_510 = arith.constant 80 : index
            %swap3A_511 = tpu.vector_load %arg19[%swap3A_509, %swap3A_510] {strides = array<i32>} : memref<328x128xf32, #tpu.memory_space<vmem>>, vector<16xf32>,
            tpu.vector_store %arg19[%swap3A_509, %swap3A_510], %max3A_508 {strides = array<i32>} : memref<328x128xf32, #tpu.memory_space<vmem>>, vector<16xf32>,
            %get3A_512 = arith.index_cast %min3A_416 : i32 to index
            %get3A_513 = arith.constant 80 : index
            %get3A_514 = tpu.vector_load %arg20[%get3A_512, %get3A_513] {strides = array<i32>} : memref<328x128xf32, #tpu.memory_space<vmem>>, vector<16xf32>,
            %add3A_515 = arith.addf %get3A_514, %get3A_504 : vector<16xf32>
            %swap3A_516 = arith.index_cast %min3A_416 : i32 to index
            %swap3A_517 = arith.constant 80 : index
            %swap3A_518 = tpu.vector_load %arg20[%swap3A_516, %swap3A_517] {strides = array<i32>} : memref<328x128xf32, #tpu.memory_space<vmem>>, vector<16xf32>,
            tpu.vector_store %arg20[%swap3A_516, %swap3A_517], %add3A_515 {strides = array<i32>} : memref<328x128xf32, #tpu.memory_space<vmem>>, vector<16xf32>,
            %get3A_519 = arith.index_cast %add3A_373 : i32 to index
            %get3A_520 = arith.constant 96 : index
            %get3A_521 = tpu.vector_load %arg18[%get3A_519, %get3A_520] {strides = array<i32>} : memref<48x128xf32, #tpu.memory_space<vmem>>, vector<16xf32>,
            %get3A_522 = arith.index_cast %min3A_416 : i32 to index
            %get3A_523 = arith.constant 96 : index
            %get3A_524 = tpu.vector_load %arg19[%get3A_522, %get3A_523] {strides = array<i32>} : memref<328x128xf32, #tpu.memory_space<vmem>>, vector<16xf32>,
            %max3A_525 = arith.maximumf %get3A_524, %get3A_521 : vector<16xf32>
            %swap3A_526 = arith.index_cast %min3A_416 : i32 to index
            %swap3A_527 = arith.constant 96 : index
            %swap3A_528 = tpu.vector_load %arg19[%swap3A_526, %swap3A_527] {strides = array<i32>} : memref<328x128xf32, #tpu.memory_space<vmem>>, vector<16xf32>,
            tpu.vector_store %arg19[%swap3A_526, %swap3A_527], %max3A_525 {strides = array<i32>} : memref<328x128xf32, #tpu.memory_space<vmem>>, vector<16xf32>,
            %get3A_529 = arith.index_cast %min3A_416 : i32 to index
            %get3A_530 = arith.constant 96 : index
            %get3A_531 = tpu.vector_load %arg20[%get3A_529, %get3A_530] {strides = array<i32>} : memref<328x128xf32, #tpu.memory_space<vmem>>, vector<16xf32>,
            %add3A_532 = arith.addf %get3A_531, %get3A_521 : vector<16xf32>
            %swap3A_533 = arith.index_cast %min3A_416 : i32 to index
            %swap3A_534 = arith.constant 96 : index
            %swap3A_535 = tpu.vector_load %arg20[%swap3A_533, %swap3A_534] {strides = array<i32>} : memref<328x128xf32, #tpu.memory_space<vmem>>, vector<16xf32>,
            tpu.vector_store %arg20[%swap3A_533, %swap3A_534], %add3A_532 {strides = array<i32>} : memref<328x128xf32, #tpu.memory_space<vmem>>, vector<16xf32>,
            %get3A_536 = arith.index_cast %add3A_373 : i32 to index
            %get3A_537 = arith.constant 112 : index
            %get3A_538 = tpu.vector_load %arg18[%get3A_536, %get3A_537] {strides = array<i32>} : memref<48x128xf32, #tpu.memory_space<vmem>>, vector<16xf32>,
            %get3A_539 = arith.index_cast %min3A_416 : i32 to index
            %get3A_540 = arith.constant 112 : index
            %get3A_541 = tpu.vector_load %arg19[%get3A_539, %get3A_540] {strides = array<i32>} : memref<328x128xf32, #tpu.memory_space<vmem>>, vector<16xf32>,
            %max3A_542 = arith.maximumf %get3A_541, %get3A_538 : vector<16xf32>
            %swap3A_543 = arith.index_cast %min3A_416 : i32 to index
            %swap3A_544 = arith.constant 112 : index
            %swap3A_545 = tpu.vector_load %arg19[%swap3A_543, %swap3A_544] {strides = array<i32>} : memref<328x128xf32, #tpu.memory_space<vmem>>, vector<16xf32>,
            tpu.vector_store %arg19[%swap3A_543, %swap3A_544], %max3A_542 {strides = array<i32>} : memref<328x128xf32, #tpu.memory_space<vmem>>, vector<16xf32>,
            %get3A_546 = arith.index_cast %min3A_416 : i32 to index
            %get3A_547 = arith.constant 112 : index
            %get3A_548 = tpu.vector_load %arg20[%get3A_546, %get3A_547] {strides = array<i32>} : memref<328x128xf32, #tpu.memory_space<vmem>>, vector<16xf32>,
            %add3A_549 = arith.addf %get3A_548, %get3A_538 : vector<16xf32>
            %swap3A_550 = arith.index_cast %min3A_416 : i32 to index
            %swap3A_551 = arith.constant 112 : index
            %swap3A_552 = tpu.vector_load %arg20[%swap3A_550, %swap3A_551] {strides = array<i32>} : memref<328x128xf32, #tpu.memory_space<vmem>>, vector<16xf32>,
            tpu.vector_store %arg20[%swap3A_550, %swap3A_551], %add3A_549 {strides = array<i32>} : memref<328x128xf32, #tpu.memory_space<vmem>>, vector<16xf32>,
          }
          %scan3A_187 = arith.constant 48 : i32
        } else {
        }
      }
    }
    %scan3A_30 = arith.constant 50 : i32
    "tpu.region"() ({
      %run_scoped3A = tpu.sem_alloc : memref<!tpu.dma_semaphore, #tpu.memory_space<semaphore_mem>>
      %dma_start3A_49 = arith.constant 0 : i32
      %dma_start3A_50 = arith.constant 0 : i32
      %dma_start3A_51 = tpu.memref_slice %arg20[%dma_start3A_49, %dma_start3A_50] : memref<328x128xf32, #tpu.memory_space<vmem>> -> memref<320x128xf32, #tpu.memory_space<vmem>>
      %dma_start3A_52 = arith.constant 0 : i32
      %dma_start3A_53 = tpu.memref_slice %arg6[%mul3A_2, %dma_start3A_52] : memref<10240x128xf32, #tpu.memory_space<hbm>> -> memref<320x128xf32, #tpu.memory_space<hbm>>
      %dma_start3A_54 = arith.constant 0 : i32
      %dma_start3A_55 = tpu.memref_slice %arg6[%mul3A_2, %dma_start3A_54] : memref<10240x128xf32, #tpu.memory_space<hbm>> -> memref<320x128xf32, #tpu.memory_space<hbm>>
      %dma_start3A_56 = arith.constant 0 : i32
      %dma_start3A_57 = arith.constant 0 : i32
      %dma_start3A_58 = tpu.memref_slice %arg20[%dma_start3A_56, %dma_start3A_57] : memref<328x128xf32, #tpu.memory_space<vmem>> -> memref<320x128xf32, #tpu.memory_space<vmem>>
      tpu.enqueue_dma source(%dma_start3A_58 : memref<320x128xf32, #tpu.memory_space<vmem>>) target(%dma_start3A_55 : memref<320x128xf32, #tpu.memory_space<hbm>>) target_semaphore(%run_scoped3A : memref<!tpu.dma_semaphore, #tpu.memory_space<semaphore_mem>>)
      %dma_wait3A = arith.constant 0 : i32
      %dma_wait3A_59 = arith.constant 0 : i32
      %dma_wait3A_60 = tpu.memref_slice %arg20[%dma_wait3A, %dma_wait3A_59] : memref<328x128xf32, #tpu.memory_space<vmem>> -> memref<320x128xf32, #tpu.memory_space<vmem>>
      %dma_wait3A_61 = arith.constant 0 : i32
      %dma_wait3A_62 = tpu.memref_slice %arg6[%mul3A_2, %dma_wait3A_61] : memref<10240x128xf32, #tpu.memory_space<hbm>> -> memref<320x128xf32, #tpu.memory_space<hbm>>
      %dma_wait3A_63 = arith.constant 0 : i32
      %dma_wait3A_64 = tpu.memref_slice %arg6[%mul3A_2, %dma_wait3A_63] : memref<10240x128xf32, #tpu.memory_space<hbm>> -> memref<320x128xf32, #tpu.memory_space<hbm>>
      %dma_wait3A_65 = arith.constant 0 : i32
      %dma_wait3A_66 = arith.constant 0 : i32
      %dma_wait3A_67 = tpu.memref_slice %arg20[%dma_wait3A_65, %dma_wait3A_66] : memref<328x128xf32, #tpu.memory_space<vmem>> -> memref<320x128xf32, #tpu.memory_space<vmem>>
      tpu.wait_dma2 semaphore(%run_scoped3A : memref<!tpu.dma_semaphore, #tpu.memory_space<semaphore_mem>>) src(%dma_wait3A_67 : memref<320x128xf32, #tpu.memory_space<vmem>>) dst(%dma_wait3A_64 : memref<320x128xf32, #tpu.memory_space<hbm>>)
      tpu.yield
    }) : () -> ()
    "tpu.region"() ({
      %run_scoped3A = tpu.sem_alloc : memref<!tpu.dma_semaphore, #tpu.memory_space<semaphore_mem>>
      %dma_start3A_49 = arith.constant 0 : i32
      %dma_start3A_50 = arith.constant 0 : i32
      %dma_start3A_51 = tpu.memref_slice %arg19[%dma_start3A_49, %dma_start3A_50] : memref<328x128xf32, #tpu.memory_space<vmem>> -> memref<320x128xf32, #tpu.memory_space<vmem>>
      %dma_start3A_52 = arith.constant 0 : i32
      %dma_start3A_53 = tpu.memref_slice %arg8[%mul3A_2, %dma_start3A_52] : memref<10240x128xf32, #tpu.memory_space<hbm>> -> memref<320x128xf32, #tpu.memory_space<hbm>>
      %dma_start3A_54 = arith.constant 0 : i32
      %dma_start3A_55 = tpu.memref_slice %arg8[%mul3A_2, %dma_start3A_54] : memref<10240x128xf32, #tpu.memory_space<hbm>> -> memref<320x128xf32, #tpu.memory_space<hbm>>
      %dma_start3A_56 = arith.constant 0 : i32
      %dma_start3A_57 = arith.constant 0 : i32
      %dma_start3A_58 = tpu.memref_slice %arg19[%dma_start3A_56, %dma_start3A_57] : memref<328x128xf32, #tpu.memory_space<vmem>> -> memref<320x128xf32, #tpu.memory_space<vmem>>
      tpu.enqueue_dma source(%dma_start3A_58 : memref<320x128xf32, #tpu.memory_space<vmem>>) target(%dma_start3A_55 : memref<320x128xf32, #tpu.memory_space<hbm>>) target_semaphore(%run_scoped3A : memref<!tpu.dma_semaphore, #tpu.memory_space<semaphore_mem>>)
      %dma_wait3A = arith.constant 0 : i32
      %dma_wait3A_59 = arith.constant 0 : i32
      %dma_wait3A_60 = tpu.memref_slice %arg19[%dma_wait3A, %dma_wait3A_59] : memref<328x128xf32, #tpu.memory_space<vmem>> -> memref<320x128xf32, #tpu.memory_space<vmem>>
      %dma_wait3A_61 = arith.constant 0 : i32
      %dma_wait3A_62 = tpu.memref_slice %arg8[%mul3A_2, %dma_wait3A_61] : memref<10240x128xf32, #tpu.memory_space<hbm>> -> memref<320x128xf32, #tpu.memory_space<hbm>>
      %dma_wait3A_63 = arith.constant 0 : i32
      %dma_wait3A_64 = tpu.memref_slice %arg8[%mul3A_2, %dma_wait3A_63] : memref<10240x128xf32, #tpu.memory_space<hbm>> -> memref<320x128xf32, #tpu.memory_space<hbm>>
      %dma_wait3A_65 = arith.constant 0 : i32
      %dma_wait3A_66 = arith.constant 0 : i32
      %dma_wait3A_67 = tpu.memref_slice %arg19[%dma_wait3A_65, %dma_wait3A_66] : memref<328x128xf32, #tpu.memory_space<vmem>> -> memref<320x128xf32, #tpu.memory_space<vmem>>
      tpu.wait_dma2 semaphore(%run_scoped3A : memref<!tpu.dma_semaphore, #tpu.memory_space<semaphore_mem>>) src(%dma_wait3A_67 : memref<320x128xf32, #tpu.memory_space<vmem>>) dst(%dma_wait3A_64 : memref<320x128xf32, #tpu.memory_space<hbm>>)
      tpu.yield
    }) : () -> ()
    %scan3A_31 = arith.constant 0 : i32
    %scan3A_32 = arith.constant 328 : i32
    %scan3A_33 = arith.addi %scan3A_31, %scan3A_32 : i32
    %scan3A_34 = arith.constant 1 : i32
    scf.for %scan3A_49 = %scan3A_31 to %scan3A_33 step %scan3A_34  : i32 {
      %mul3A_50 = arith.constant 1 : i32
      %mul3A_51 = arith.muli %scan3A_49, %mul3A_50 : i32
      %add3A_52 = arith.constant 0 : i32
      %add3A_53 = arith.addi %add3A_52, %mul3A_51 : i32
      %swap3A = arith.index_cast %add3A_53 : i32 to index
      %swap3A_54 = arith.constant 0 : index
      %swap3A_55 = tpu.vector_load %arg19[%swap3A, %swap3A_54] {strides = array<i32>} : memref<328x128xf32, #tpu.memory_space<vmem>>, vector<16xf32>,
      tpu.vector_store %arg19[%swap3A, %swap3A_54], %broadcast_in_dim3A_9 {strides = array<i32>} : memref<328x128xf32, #tpu.memory_space<vmem>>, vector<16xf32>,
      %swap3A_56 = arith.index_cast %add3A_53 : i32 to index
      %swap3A_57 = arith.constant 0 : index
      %swap3A_58 = tpu.vector_load %arg20[%swap3A_56, %swap3A_57] {strides = array<i32>} : memref<328x128xf32, #tpu.memory_space<vmem>>, vector<16xf32>,
      tpu.vector_store %arg20[%swap3A_56, %swap3A_57], %broadcast_in_dim3A_7 {strides = array<i32>} : memref<328x128xf32, #tpu.memory_space<vmem>>, vector<16xf32>,
      %swap3A_59 = arith.index_cast %add3A_53 : i32 to index
      %swap3A_60 = arith.constant 16 : index
      %swap3A_61 = tpu.vector_load %arg19[%swap3A_59, %swap3A_60] {strides = array<i32>} : memref<328x128xf32, #tpu.memory_space<vmem>>, vector<16xf32>,
      tpu.vector_store %arg19[%swap3A_59, %swap3A_60], %broadcast_in_dim3A_9 {strides = array<i32>} : memref<328x128xf32, #tpu.memory_space<vmem>>, vector<16xf32>,
      %swap3A_62 = arith.index_cast %add3A_53 : i32 to index
      %swap3A_63 = arith.constant 16 : index
      %swap3A_64 = tpu.vector_load %arg20[%swap3A_62, %swap3A_63] {strides = array<i32>} : memref<328x128xf32, #tpu.memory_space<vmem>>, vector<16xf32>,
      tpu.vector_store %arg20[%swap3A_62, %swap3A_63], %broadcast_in_dim3A_7 {strides = array<i32>} : memref<328x128xf32, #tpu.memory_space<vmem>>, vector<16xf32>,
      %swap3A_65 = arith.index_cast %add3A_53 : i32 to index
      %swap3A_66 = arith.constant 32 : index
      %swap3A_67 = tpu.vector_load %arg19[%swap3A_65, %swap3A_66] {strides = array<i32>} : memref<328x128xf32, #tpu.memory_space<vmem>>, vector<16xf32>,
      tpu.vector_store %arg19[%swap3A_65, %swap3A_66], %broadcast_in_dim3A_9 {strides = array<i32>} : memref<328x128xf32, #tpu.memory_space<vmem>>, vector<16xf32>,
      %swap3A_68 = arith.index_cast %add3A_53 : i32 to index
      %swap3A_69 = arith.constant 32 : index
      %swap3A_70 = tpu.vector_load %arg20[%swap3A_68, %swap3A_69] {strides = array<i32>} : memref<328x128xf32, #tpu.memory_space<vmem>>, vector<16xf32>,
      tpu.vector_store %arg20[%swap3A_68, %swap3A_69], %broadcast_in_dim3A_7 {strides = array<i32>} : memref<328x128xf32, #tpu.memory_space<vmem>>, vector<16xf32>,
      %swap3A_71 = arith.index_cast %add3A_53 : i32 to index
      %swap3A_72 = arith.constant 48 : index
      %swap3A_73 = tpu.vector_load %arg19[%swap3A_71, %swap3A_72] {strides = array<i32>} : memref<328x128xf32, #tpu.memory_space<vmem>>, vector<16xf32>,
      tpu.vector_store %arg19[%swap3A_71, %swap3A_72], %broadcast_in_dim3A_9 {strides = array<i32>} : memref<328x128xf32, #tpu.memory_space<vmem>>, vector<16xf32>,
      %swap3A_74 = arith.index_cast %add3A_53 : i32 to index
      %swap3A_75 = arith.constant 48 : index
      %swap3A_76 = tpu.vector_load %arg20[%swap3A_74, %swap3A_75] {strides = array<i32>} : memref<328x128xf32, #tpu.memory_space<vmem>>, vector<16xf32>,
      tpu.vector_store %arg20[%swap3A_74, %swap3A_75], %broadcast_in_dim3A_7 {strides = array<i32>} : memref<328x128xf32, #tpu.memory_space<vmem>>, vector<16xf32>,
      %swap3A_77 = arith.index_cast %add3A_53 : i32 to index
      %swap3A_78 = arith.constant 64 : index
      %swap3A_79 = tpu.vector_load %arg19[%swap3A_77, %swap3A_78] {strides = array<i32>} : memref<328x128xf32, #tpu.memory_space<vmem>>, vector<16xf32>,
      tpu.vector_store %arg19[%swap3A_77, %swap3A_78], %broadcast_in_dim3A_9 {strides = array<i32>} : memref<328x128xf32, #tpu.memory_space<vmem>>, vector<16xf32>,
      %swap3A_80 = arith.index_cast %add3A_53 : i32 to index
      %swap3A_81 = arith.constant 64 : index
      %swap3A_82 = tpu.vector_load %arg20[%swap3A_80, %swap3A_81] {strides = array<i32>} : memref<328x128xf32, #tpu.memory_space<vmem>>, vector<16xf32>,
      tpu.vector_store %arg20[%swap3A_80, %swap3A_81], %broadcast_in_dim3A_7 {strides = array<i32>} : memref<328x128xf32, #tpu.memory_space<vmem>>, vector<16xf32>,
      %swap3A_83 = arith.index_cast %add3A_53 : i32 to index
      %swap3A_84 = arith.constant 80 : index
      %swap3A_85 = tpu.vector_load %arg19[%swap3A_83, %swap3A_84] {strides = array<i32>} : memref<328x128xf32, #tpu.memory_space<vmem>>, vector<16xf32>,
      tpu.vector_store %arg19[%swap3A_83, %swap3A_84], %broadcast_in_dim3A_9 {strides = array<i32>} : memref<328x128xf32, #tpu.memory_space<vmem>>, vector<16xf32>,
      %swap3A_86 = arith.index_cast %add3A_53 : i32 to index
      %swap3A_87 = arith.constant 80 : index
      %swap3A_88 = tpu.vector_load %arg20[%swap3A_86, %swap3A_87] {strides = array<i32>} : memref<328x128xf32, #tpu.memory_space<vmem>>, vector<16xf32>,
      tpu.vector_store %arg20[%swap3A_86, %swap3A_87], %broadcast_in_dim3A_7 {strides = array<i32>} : memref<328x128xf32, #tpu.memory_space<vmem>>, vector<16xf32>,
      %swap3A_89 = arith.index_cast %add3A_53 : i32 to index
      %swap3A_90 = arith.constant 96 : index
      %swap3A_91 = tpu.vector_load %arg19[%swap3A_89, %swap3A_90] {strides = array<i32>} : memref<328x128xf32, #tpu.memory_space<vmem>>, vector<16xf32>,
      tpu.vector_store %arg19[%swap3A_89, %swap3A_90], %broadcast_in_dim3A_9 {strides = array<i32>} : memref<328x128xf32, #tpu.memory_space<vmem>>, vector<16xf32>,
      %swap3A_92 = arith.index_cast %add3A_53 : i32 to index
      %swap3A_93 = arith.constant 96 : index
      %swap3A_94 = tpu.vector_load %arg20[%swap3A_92, %swap3A_93] {strides = array<i32>} : memref<328x128xf32, #tpu.memory_space<vmem>>, vector<16xf32>,
      tpu.vector_store %arg20[%swap3A_92, %swap3A_93], %broadcast_in_dim3A_7 {strides = array<i32>} : memref<328x128xf32, #tpu.memory_space<vmem>>, vector<16xf32>,
      %swap3A_95 = arith.index_cast %add3A_53 : i32 to index
      %swap3A_96 = arith.constant 112 : index
      %swap3A_97 = tpu.vector_load %arg19[%swap3A_95, %swap3A_96] {strides = array<i32>} : memref<328x128xf32, #tpu.memory_space<vmem>>, vector<16xf32>,
      tpu.vector_store %arg19[%swap3A_95, %swap3A_96], %broadcast_in_dim3A_9 {strides = array<i32>} : memref<328x128xf32, #tpu.memory_space<vmem>>, vector<16xf32>,
      %swap3A_98 = arith.index_cast %add3A_53 : i32 to index
      %swap3A_99 = arith.constant 112 : index
      %swap3A_100 = tpu.vector_load %arg20[%swap3A_98, %swap3A_99] {strides = array<i32>} : memref<328x128xf32, #tpu.memory_space<vmem>>, vector<16xf32>,
      tpu.vector_store %arg20[%swap3A_98, %swap3A_99], %broadcast_in_dim3A_7 {strides = array<i32>} : memref<328x128xf32, #tpu.memory_space<vmem>>, vector<16xf32>,
    }
    %scan3A_35 = arith.constant 328 : i32
    %dma_start3A_36 = arith.constant 0 : i32
    %dma_start3A_37 = tpu.memref_slice %arg4[%dma_start3A_36] : memref<160000xi32, #tpu.memory_space<hbm>> -> memref<3200xi32, #tpu.memory_space<hbm>>
    %dma_start3A_38 = arith.constant 0 : i32
    %dma_start3A_39 = tpu.memref_slice %arg4[%dma_start3A_38] : memref<160000xi32, #tpu.memory_space<hbm>> -> memref<3200xi32, #tpu.memory_space<hbm>>
    tpu.enqueue_dma source(%dma_start3A_39 : memref<3200xi32, #tpu.memory_space<hbm>>) target(%arg11 : memref<3200xi32, #tpu.memory_space<vmem>>) target_semaphore(%arg22 : memref<!tpu.dma_semaphore, #tpu.memory_space<semaphore_mem>>)
    %dma_start3A_40 = arith.constant 0 : i32
    %dma_start3A_41 = tpu.memref_slice %arg5[%dma_start3A_40] : memref<160000xi32, #tpu.memory_space<hbm>> -> memref<3200xi32, #tpu.memory_space<hbm>>
    %dma_start3A_42 = arith.constant 0 : i32
    %dma_start3A_43 = tpu.memref_slice %arg5[%dma_start3A_42] : memref<160000xi32, #tpu.memory_space<hbm>> -> memref<3200xi32, #tpu.memory_space<hbm>>
    tpu.enqueue_dma source(%dma_start3A_43 : memref<3200xi32, #tpu.memory_space<hbm>>) target(%arg12 : memref<3200xi32, #tpu.memory_space<vmem>>) target_semaphore(%arg22 : memref<!tpu.dma_semaphore, #tpu.memory_space<semaphore_mem>>)
    %scan3A_44 = arith.constant 0 : i32
    %scan3A_45 = arith.constant 50 : i32
    %scan3A_46 = arith.addi %scan3A_44, %scan3A_45 : i32
    %scan3A_47 = arith.constant 1 : i32
    scf.for %scan3A_49 = %scan3A_44 to %scan3A_46 step %scan3A_47  : i32 {
      %mul3A_50 = arith.constant 1 : i32
      %mul3A_51 = arith.muli %scan3A_49, %mul3A_50 : i32
      %add3A_52 = arith.constant 0 : i32
      %add3A_53 = arith.addi %add3A_52, %mul3A_51 : i32
      %dma_wait3A = arith.constant 0 : i32
      %dma_wait3A_54 = tpu.memref_slice %arg4[%dma_wait3A] : memref<160000xi32, #tpu.memory_space<hbm>> -> memref<3200xi32, #tpu.memory_space<hbm>>
      %dma_wait3A_55 = arith.constant 0 : i32
      %dma_wait3A_56 = tpu.memref_slice %arg4[%dma_wait3A_55] : memref<160000xi32, #tpu.memory_space<hbm>> -> memref<3200xi32, #tpu.memory_space<hbm>>
      tpu.wait_dma2 semaphore(%arg22 : memref<!tpu.dma_semaphore, #tpu.memory_space<semaphore_mem>>) src(%dma_wait3A_56 : memref<3200xi32, #tpu.memory_space<hbm>>) dst(%arg11 : memref<3200xi32, #tpu.memory_space<vmem>>)
      %dma_wait3A_57 = arith.constant 0 : i32
      %dma_wait3A_58 = tpu.memref_slice %arg5[%dma_wait3A_57] : memref<160000xi32, #tpu.memory_space<hbm>> -> memref<3200xi32, #tpu.memory_space<hbm>>
      %dma_wait3A_59 = arith.constant 0 : i32
      %dma_wait3A_60 = tpu.memref_slice %arg5[%dma_wait3A_59] : memref<160000xi32, #tpu.memory_space<hbm>> -> memref<3200xi32, #tpu.memory_space<hbm>>
      tpu.wait_dma2 semaphore(%arg22 : memref<!tpu.dma_semaphore, #tpu.memory_space<semaphore_mem>>) src(%dma_wait3A_60 : memref<3200xi32, #tpu.memory_space<hbm>>) dst(%arg12 : memref<3200xi32, #tpu.memory_space<vmem>>)
      %scan3A_61 = arith.constant 0 : i32
      %scan3A_62 = arith.constant 0 : i32
      %scan3A_63 = arith.constant 200 : i32
      %scan3A_64 = arith.addi %scan3A_62, %scan3A_63 : i32
      %scan3A_65 = arith.constant 1 : i32
      %scan3A_66 = scf.for %scan3A_157 = %scan3A_62 to %scan3A_64 step %scan3A_65 iter_args(%scan3A_158 = %scan3A_61) -> (i32)  : i32 {
        %mul3A_159 = arith.constant 16 : i32
        %mul3A_160 = arith.muli %mul3A_159, %scan3A_157 : i32
        %get3A = arith.index_cast %mul3A_160 : i32 to index
        %get3A_161 = tpu.vector_load %arg12[%get3A] {strides = array<i32>} : memref<3200xi32, #tpu.memory_space<vmem>>, vector<16xi32>,
        %mul3A_162 = arith.constant 16 : i32
        %mul3A_163 = arith.muli %mul3A_162, %scan3A_157 : i32
        %get3A_164 = arith.index_cast %mul3A_163 : i32 to index
        %get3A_165 = tpu.vector_load %arg11[%get3A_164] {strides = array<i32>} : memref<3200xi32, #tpu.memory_space<vmem>>, vector<16xi32>,
        %sub3A_166 = vector.broadcast %mul3A_2 : i32 to vector<16xi32>
        %sub3A_167 = arith.subi %get3A_161, %sub3A_166 : vector<16xi32>
        %ge3A = arith.constant 0 : i32
        %ge3A_168 = vector.broadcast %ge3A : i32 to vector<16xi32>
        %ge3A_169 = arith.cmpi sge, %sub3A_167, %ge3A_168 : vector<16xi32>
        %lt3A_170 = vector.broadcast %min3A_4 : i32 to vector<16xi32>
        %lt3A_171 = arith.cmpi slt, %sub3A_167, %lt3A_170 : vector<16xi32>
        %and3A_172 = arith.andi %ge3A_169, %lt3A_171 : vector<16xi1>
        %swap3A_173 = arith.index_cast %scan3A_158 : i32 to index
        %swap3A_174 = tpu.vector_load %arg14[%swap3A_173] masked %and3A_172 {strides = array<i32>} : memref<3296xi32, #tpu.memory_space<vmem>>, vector<16xi32>, vector<16xi1>
        tpu.vector_store %arg14[%swap3A_173], %sub3A_167 masked %and3A_172 {strides = array<i32>} : memref<3296xi32, #tpu.memory_space<vmem>>, vector<16xi32>, vector<16xi1>
        %swap3A_175 = arith.index_cast %scan3A_158 : i32 to index
        %swap3A_176 = tpu.vector_load %arg13[%swap3A_175] masked %and3A_172 {strides = array<i32>} : memref<3296xi32, #tpu.memory_space<vmem>>, vector<16xi32>, vector<16xi1>
        tpu.vector_store %arg13[%swap3A_175], %get3A_165 masked %and3A_172 {strides = array<i32>} : memref<3296xi32, #tpu.memory_space<vmem>>, vector<16xi32>, vector<16xi1>
        %jit3A_177 = arith.constant 1 : i32
        %jit3A_178 = arith.constant 0 : i32
        %broadcast_in_dim3A_179 = vector.broadcast %jit3A_177 : i32 to vector<16xi32>
        %broadcast_in_dim3A_180 = vector.broadcast %jit3A_178 : i32 to vector<16xi32>
        %select_n3A_181 = arith.select %and3A_172, %broadcast_in_dim3A_179, %broadcast_in_dim3A_180 : vector<16xi1>, vector<16xi32>
        %reduce_sum3A = arith.constant true
        %reduce_sum3A_182 = vector.broadcast %reduce_sum3A : i1 to vector<16xi1>
        %reduce_sum3A_183 = tpu.scan <sum>, %select_n3A_181 masked %reduce_sum3A_182 : vector<16xi32>, vector<16xi1> -> vector<16xi32>
        %reduce_sum3A_184 = vector.extract %reduce_sum3A_183[15] : i32 from vector<16xi32>
        %add3A_185 = arith.addi %scan3A_158, %reduce_sum3A_184 : i32
        scf.yield %add3A_185 : i32
      }
      %scan3A_67 = arith.constant 200 : i32
      %add3A_68 = arith.constant 1 : i32
      %add3A_69 = arith.addi %add3A_53, %add3A_68 : i32
      %lt3A = arith.constant 50 : i32
      %lt3A_70 = arith.cmpi slt, %add3A_69, %lt3A : i32
      %convert_element_type3A = arith.extui %lt3A_70 : i1 to i32
      %cond3A = arith.constant 0 : i32
      %cond3A_71 = arith.cmpi ne, %convert_element_type3A, %cond3A : i32
      scf.if %cond3A_71 {
        %add3A_157 = arith.constant 1 : i32
        %add3A_158 = arith.addi %add3A_53, %add3A_157 : i32
        %mul3A_159 = arith.constant 3200 : i32
        %mul3A_160 = arith.muli %add3A_158, %mul3A_159 : i32
        %dma_start3A_161 = tpu.memref_slice %arg4[%mul3A_160] : memref<160000xi32, #tpu.memory_space<hbm>> -> memref<3200xi32, #tpu.memory_space<hbm>>
        %dma_start3A_162 = tpu.memref_slice %arg4[%mul3A_160] : memref<160000xi32, #tpu.memory_space<hbm>> -> memref<3200xi32, #tpu.memory_space<hbm>>
        tpu.enqueue_dma source(%dma_start3A_162 : memref<3200xi32, #tpu.memory_space<hbm>>) target(%arg11 : memref<3200xi32, #tpu.memory_space<vmem>>) target_semaphore(%arg22 : memref<!tpu.dma_semaphore, #tpu.memory_space<semaphore_mem>>)
        %dma_start3A_163 = tpu.memref_slice %arg5[%mul3A_160] : memref<160000xi32, #tpu.memory_space<hbm>> -> memref<3200xi32, #tpu.memory_space<hbm>>
        %dma_start3A_164 = tpu.memref_slice %arg5[%mul3A_160] : memref<160000xi32, #tpu.memory_space<hbm>> -> memref<3200xi32, #tpu.memory_space<hbm>>
        tpu.enqueue_dma source(%dma_start3A_164 : memref<3200xi32, #tpu.memory_space<hbm>>) target(%arg12 : memref<3200xi32, #tpu.memory_space<vmem>>) target_semaphore(%arg22 : memref<!tpu.dma_semaphore, #tpu.memory_space<semaphore_mem>>)
      } else {
      }
      %broadcast_in_dim3A_72 = arith.constant 0 : i32
      %broadcast_in_dim3A_73 = vector.broadcast %broadcast_in_dim3A_72 : i32 to vector<16xi32>
      %broadcast_in_dim3A_74 = arith.constant 1048576 : i32
      %broadcast_in_dim3A_75 = vector.broadcast %broadcast_in_dim3A_74 : i32 to vector<16xi32>
      %add3A_76 = arith.constant 0 : i32
      %add3A_77 = arith.addi %scan3A_66, %add3A_76 : i32
      %swap3A = arith.index_cast %add3A_77 : i32 to index
      %swap3A_78 = tpu.vector_load %arg13[%swap3A] {strides = array<i32>} : memref<3296xi32, #tpu.memory_space<vmem>>, vector<16xi32>,
      tpu.vector_store %arg13[%swap3A], %broadcast_in_dim3A_73 {strides = array<i32>} : memref<3296xi32, #tpu.memory_space<vmem>>, vector<16xi32>,
      %add3A_79 = arith.constant 0 : i32
      %add3A_80 = arith.addi %scan3A_66, %add3A_79 : i32
      %swap3A_81 = arith.index_cast %add3A_80 : i32 to index
      %swap3A_82 = tpu.vector_load %arg14[%swap3A_81] {strides = array<i32>} : memref<3296xi32, #tpu.memory_space<vmem>>, vector<16xi32>,
      tpu.vector_store %arg14[%swap3A_81], %broadcast_in_dim3A_75 {strides = array<i32>} : memref<3296xi32, #tpu.memory_space<vmem>>, vector<16xi32>,
      %add3A_83 = arith.constant 16 : i32
      %add3A_84 = arith.addi %scan3A_66, %add3A_83 : i32
      %swap3A_85 = arith.index_cast %add3A_84 : i32 to index
      %swap3A_86 = tpu.vector_load %arg13[%swap3A_85] {strides = array<i32>} : memref<3296xi32, #tpu.memory_space<vmem>>, vector<16xi32>,
      tpu.vector_store %arg13[%swap3A_85], %broadcast_in_dim3A_73 {strides = array<i32>} : memref<3296xi32, #tpu.memory_space<vmem>>, vector<16xi32>,
      %add3A_87 = arith.constant 16 : i32
      %add3A_88 = arith.addi %scan3A_66, %add3A_87 : i32
      %swap3A_89 = arith.index_cast %add3A_88 : i32 to index
      %swap3A_90 = tpu.vector_load %arg14[%swap3A_89] {strides = array<i32>} : memref<3296xi32, #tpu.memory_space<vmem>>, vector<16xi32>,
      tpu.vector_store %arg14[%swap3A_89], %broadcast_in_dim3A_75 {strides = array<i32>} : memref<3296xi32, #tpu.memory_space<vmem>>, vector<16xi32>,
      %add3A_91 = arith.constant 32 : i32
      %add3A_92 = arith.addi %scan3A_66, %add3A_91 : i32
      %swap3A_93 = arith.index_cast %add3A_92 : i32 to index
      %swap3A_94 = tpu.vector_load %arg13[%swap3A_93] {strides = array<i32>} : memref<3296xi32, #tpu.memory_space<vmem>>, vector<16xi32>,
      tpu.vector_store %arg13[%swap3A_93], %broadcast_in_dim3A_73 {strides = array<i32>} : memref<3296xi32, #tpu.memory_space<vmem>>, vector<16xi32>,
      %add3A_95 = arith.constant 32 : i32
      %add3A_96 = arith.addi %scan3A_66, %add3A_95 : i32
      %swap3A_97 = arith.index_cast %add3A_96 : i32 to index
      %swap3A_98 = tpu.vector_load %arg14[%swap3A_97] {strides = array<i32>} : memref<3296xi32, #tpu.memory_space<vmem>>, vector<16xi32>,
      tpu.vector_store %arg14[%swap3A_97], %broadcast_in_dim3A_75 {strides = array<i32>} : memref<3296xi32, #tpu.memory_space<vmem>>, vector<16xi32>,
      %add3A_99 = arith.constant 47 : i32
      %add3A_100 = arith.addi %scan3A_66, %add3A_99 : i32
      %jit3A = arith.constant 48 : i32
      %div3A = arith.divsi %add3A_100, %jit3A : i32
      %sign3A = arith.constant 0 : i32
      %sign3A_101 = arith.cmpi sgt, %add3A_100, %sign3A : i32
      %sign3A_102 = arith.extui %sign3A_101 : i1 to i32
      %sign3A_103 = arith.constant 0 : i32
      %sign3A_104 = arith.cmpi slt, %add3A_100, %sign3A_103 : i32
      %sign3A_105 = arith.extui %sign3A_104 : i1 to i32
      %sign3A_106 = arith.subi %sign3A_102, %sign3A_105 : i32
      %sign3A_107 = arith.constant 0 : i32
      %sign3A_108 = arith.cmpi sgt, %jit3A, %sign3A_107 : i32
      %sign3A_109 = arith.extui %sign3A_108 : i1 to i32
      %sign3A_110 = arith.constant 0 : i32
      %sign3A_111 = arith.cmpi slt, %jit3A, %sign3A_110 : i32
      %sign3A_112 = arith.extui %sign3A_111 : i1 to i32
      %sign3A_113 = arith.subi %sign3A_109, %sign3A_112 : i32
      %ne3A = arith.cmpi ne, %sign3A_106, %sign3A_113 : i32
      %rem3A = arith.remsi %add3A_100, %jit3A : i32
      %ne3A_114 = arith.constant 0 : i32
      %ne3A_115 = arith.cmpi ne, %rem3A, %ne3A_114 : i32
      %and3A = arith.andi %ne3A, %ne3A_115 : i1
      %sub3A_116 = arith.constant 1 : i32
      %sub3A_117 = arith.subi %div3A, %sub3A_116 : i32
      %select_n3A = arith.select %and3A, %sub3A_117, %div3A : i32
      %gt3A = arith.constant 0 : i32
      %gt3A_118 = arith.cmpi sgt, %select_n3A, %gt3A : i32
      %convert_element_type3A_119 = arith.extui %gt3A_118 : i1 to i32
      %cond3A_120 = arith.constant 0 : i32
      %cond3A_121 = arith.cmpi ne, %convert_element_type3A_119, %cond3A_120 : i32
      scf.if %cond3A_121 {
        %get3A = arith.constant 0 : index
        %get3A_157 = tpu.vector_load %arg13[%get3A] {strides = array<i32>} : memref<3296xi32, #tpu.memory_space<vmem>>, vector<16xi32>,
        %swap3A_158 = arith.constant 0 : index
        %swap3A_159 = tpu.vector_load %arg15[%swap3A_158] {strides = array<i32>} : memref<48xi32, #tpu.memory_space<vmem>>, vector<16xi32>,
        tpu.vector_store %arg15[%swap3A_158], %get3A_157 {strides = array<i32>} : memref<48xi32, #tpu.memory_space<vmem>>, vector<16xi32>,
        %get3A_160 = arith.constant 16 : index
        %get3A_161 = tpu.vector_load %arg13[%get3A_160] {strides = array<i32>} : memref<3296xi32, #tpu.memory_space<vmem>>, vector<16xi32>,
        %swap3A_162 = arith.constant 16 : index
        %swap3A_163 = tpu.vector_load %arg15[%swap3A_162] {strides = array<i32>} : memref<48xi32, #tpu.memory_space<vmem>>, vector<16xi32>,
        tpu.vector_store %arg15[%swap3A_162], %get3A_161 {strides = array<i32>} : memref<48xi32, #tpu.memory_space<vmem>>, vector<16xi32>,
        %get3A_164 = arith.constant 32 : index
        %get3A_165 = tpu.vector_load %arg13[%get3A_164] {strides = array<i32>} : memref<3296xi32, #tpu.memory_space<vmem>>, vector<16xi32>,
        %swap3A_166 = arith.constant 32 : index
        %swap3A_167 = tpu.vector_load %arg15[%swap3A_166] {strides = array<i32>} : memref<48xi32, #tpu.memory_space<vmem>>, vector<16xi32>,
        tpu.vector_store %arg15[%swap3A_166], %get3A_165 {strides = array<i32>} : memref<48xi32, #tpu.memory_space<vmem>>, vector<16xi32>,
        %dma_start3A_168 = arith.constant 0 : i32
        %dma_start3A_169 = arith.constant 0 : i32
        %dma_start3A_170 = tpu.memref_slice %arg3[%dma_start3A_168, %dma_start3A_169] : memref<10000x128xf32, #tpu.memory_space<hbm>> -> memref<10000x128xf32, #tpu.memory_space<hbm>>
        tpu.enqueue_indirect_dma source(%dma_start3A_170 : memref<10000x128xf32, #tpu.memory_space<hbm>>) target(%arg17 : memref<48x128xf32, #tpu.memory_space<vmem>>) offsets(%arg15 : memref<48xi32, #tpu.memory_space<vmem>>) semaphore(%arg23 : memref<!tpu.dma_semaphore, #tpu.memory_space<semaphore_mem>>)
      } else {
      }
      %add3A_122 = arith.constant 1 : i32
      %add3A_123 = arith.addi %select_n3A, %add3A_122 : i32
      %jit3A_124 = arith.constant 2 : i32
      %div3A_125 = arith.divsi %add3A_123, %jit3A_124 : i32
      %sign3A_126 = arith.constant 0 : i32
      %sign3A_127 = arith.cmpi sgt, %add3A_123, %sign3A_126 : i32
      %sign3A_128 = arith.extui %sign3A_127 : i1 to i32
      %sign3A_129 = arith.constant 0 : i32
      %sign3A_130 = arith.cmpi slt, %add3A_123, %sign3A_129 : i32
      %sign3A_131 = arith.extui %sign3A_130 : i1 to i32
      %sign3A_132 = arith.subi %sign3A_128, %sign3A_131 : i32
      %sign3A_133 = arith.constant 0 : i32
      %sign3A_134 = arith.cmpi sgt, %jit3A_124, %sign3A_133 : i32
      %sign3A_135 = arith.extui %sign3A_134 : i1 to i32
      %sign3A_136 = arith.constant 0 : i32
      %sign3A_137 = arith.cmpi slt, %jit3A_124, %sign3A_136 : i32
      %sign3A_138 = arith.extui %sign3A_137 : i1 to i32
      %sign3A_139 = arith.subi %sign3A_135, %sign3A_138 : i32
      %ne3A_140 = arith.cmpi ne, %sign3A_132, %sign3A_139 : i32
      %rem3A_141 = arith.remsi %add3A_123, %jit3A_124 : i32
      %ne3A_142 = arith.constant 0 : i32
      %ne3A_143 = arith.cmpi ne, %rem3A_141, %ne3A_142 : i32
      %and3A_144 = arith.andi %ne3A_140, %ne3A_143 : i1
      %sub3A_145 = arith.constant 1 : i32
      %sub3A_146 = arith.subi %div3A_125, %sub3A_145 : i32
      %select_n3A_147 = arith.select %and3A_144, %sub3A_146, %div3A_125 : i32
      %while3A = arith.constant 0 : i32
      %while3A_148 = arith.constant 0 : i32
      %while3A_149 = arith.subi %select_n3A_147, %while3A_148 : i32
      %while3A_150 = arith.addi %while3A_148, %while3A_149 : i32
      %while3A_151 = arith.constant 1 : i32
      %while3A_152 = arith.divsi %while3A_149, %while3A_151 : i32
      %while3A_153 = arith.muli %while3A_152, %while3A_151 : i32
      %while3A_154 = arith.addi %while3A_148, %while3A_153 : i32
      %while3A_155 = arith.constant 1 : i32
      scf.for %while3A_157 = %while3A_148 to %while3A_154 step %while3A_155  : i32 {
        %mul3A_158 = arith.constant 2 : i32
        %mul3A_159 = arith.muli %mul3A_158, %while3A_157 : i32
        %add3A_160 = arith.constant 0 : i32
        %add3A_161 = arith.addi %mul3A_159, %add3A_160 : i32
        %lt3A_162 = arith.cmpi slt, %add3A_161, %select_n3A : i32
        %convert_element_type3A_163 = arith.extui %lt3A_162 : i1 to i32
        %cond3A_164 = arith.constant 0 : i32
        %cond3A_165 = arith.cmpi ne, %convert_element_type3A_163, %cond3A_164 : i32
        scf.if %cond3A_165 {
          %dma_wait3A_174 = arith.constant 0 : i32
          %dma_wait3A_175 = arith.constant 0 : i32
          %dma_wait3A_176 = tpu.memref_slice %arg3[%dma_wait3A_174, %dma_wait3A_175] : memref<10000x128xf32, #tpu.memory_space<hbm>> -> memref<10000x128xf32, #tpu.memory_space<hbm>>
          tpu.wait_indirect_dma semaphore(%arg23 : memref<!tpu.dma_semaphore, #tpu.memory_space<semaphore_mem>>) src(%dma_wait3A_176 : memref<10000x128xf32, #tpu.memory_space<hbm>>) dst(%arg17 : memref<48x128xf32, #tpu.memory_space<vmem>>)
          %add3A_177 = arith.constant 1 : i32
          %add3A_178 = arith.addi %add3A_161, %add3A_177 : i32
          %lt3A_179 = arith.cmpi slt, %add3A_178, %select_n3A : i32
          %convert_element_type3A_180 = arith.extui %lt3A_179 : i1 to i32
          %cond3A_181 = arith.constant 0 : i32
          %cond3A_182 = arith.cmpi ne, %convert_element_type3A_180, %cond3A_181 : i32
          scf.if %cond3A_182 {
            %add3A_188 = arith.constant 1 : i32
            %add3A_189 = arith.addi %add3A_161, %add3A_188 : i32
            %mul3A_190 = arith.constant 48 : i32
            %mul3A_191 = arith.muli %add3A_189, %mul3A_190 : i32
            %add3A_192 = arith.constant 0 : i32
            %add3A_193 = arith.addi %mul3A_191, %add3A_192 : i32
            %get3A = arith.index_cast %add3A_193 : i32 to index
            %get3A_194 = tpu.vector_load %arg13[%get3A] {strides = array<i32>} : memref<3296xi32, #tpu.memory_space<vmem>>, vector<16xi32>,
            %swap3A_195 = arith.constant 0 : index
            %swap3A_196 = tpu.vector_load %arg16[%swap3A_195] {strides = array<i32>} : memref<48xi32, #tpu.memory_space<vmem>>, vector<16xi32>,
            tpu.vector_store %arg16[%swap3A_195], %get3A_194 {strides = array<i32>} : memref<48xi32, #tpu.memory_space<vmem>>, vector<16xi32>,
            %add3A_197 = arith.constant 16 : i32
            %add3A_198 = arith.addi %mul3A_191, %add3A_197 : i32
            %get3A_199 = arith.index_cast %add3A_198 : i32 to index
            %get3A_200 = tpu.vector_load %arg13[%get3A_199] {strides = array<i32>} : memref<3296xi32, #tpu.memory_space<vmem>>, vector<16xi32>,
            %swap3A_201 = arith.constant 16 : index
            %swap3A_202 = tpu.vector_load %arg16[%swap3A_201] {strides = array<i32>} : memref<48xi32, #tpu.memory_space<vmem>>, vector<16xi32>,
            tpu.vector_store %arg16[%swap3A_201], %get3A_200 {strides = array<i32>} : memref<48xi32, #tpu.memory_space<vmem>>, vector<16xi32>,
            %add3A_203 = arith.constant 32 : i32
            %add3A_204 = arith.addi %mul3A_191, %add3A_203 : i32
            %get3A_205 = arith.index_cast %add3A_204 : i32 to index
            %get3A_206 = tpu.vector_load %arg13[%get3A_205] {strides = array<i32>} : memref<3296xi32, #tpu.memory_space<vmem>>, vector<16xi32>,
            %swap3A_207 = arith.constant 32 : index
            %swap3A_208 = tpu.vector_load %arg16[%swap3A_207] {strides = array<i32>} : memref<48xi32, #tpu.memory_space<vmem>>, vector<16xi32>,
            tpu.vector_store %arg16[%swap3A_207], %get3A_206 {strides = array<i32>} : memref<48xi32, #tpu.memory_space<vmem>>, vector<16xi32>,
            %dma_start3A_209 = arith.constant 0 : i32
            %dma_start3A_210 = arith.constant 0 : i32
            %dma_start3A_211 = tpu.memref_slice %arg3[%dma_start3A_209, %dma_start3A_210] : memref<10000x128xf32, #tpu.memory_space<hbm>> -> memref<10000x128xf32, #tpu.memory_space<hbm>>
            tpu.enqueue_indirect_dma source(%dma_start3A_211 : memref<10000x128xf32, #tpu.memory_space<hbm>>) target(%arg18 : memref<48x128xf32, #tpu.memory_space<vmem>>) offsets(%arg16 : memref<48xi32, #tpu.memory_space<vmem>>) semaphore(%arg24 : memref<!tpu.dma_semaphore, #tpu.memory_space<semaphore_mem>>)
          } else {
          }
          %scan3A_183 = arith.constant 0 : i32
          %scan3A_184 = arith.constant 48 : i32
          %scan3A_185 = arith.addi %scan3A_183, %scan3A_184 : i32
          %scan3A_186 = arith.constant 2 : i32
          scf.for %scan3A_188 = %scan3A_183 to %scan3A_185 step %scan3A_186  : i32 {
            %mul3A_189 = arith.constant 1 : i32
            %mul3A_190 = arith.muli %scan3A_188, %mul3A_189 : i32
            %add3A_191 = arith.constant 0 : i32
            %add3A_192 = arith.addi %add3A_191, %mul3A_190 : i32
            %jit3A_193 = arith.constant 16 : i32
            %div3A_194 = arith.divsi %add3A_192, %jit3A_193 : i32
            %sign3A_195 = arith.constant 0 : i32
            %sign3A_196 = arith.cmpi sgt, %add3A_192, %sign3A_195 : i32
            %sign3A_197 = arith.extui %sign3A_196 : i1 to i32
            %sign3A_198 = arith.constant 0 : i32
            %sign3A_199 = arith.cmpi slt, %add3A_192, %sign3A_198 : i32
            %sign3A_200 = arith.extui %sign3A_199 : i1 to i32
            %sign3A_201 = arith.subi %sign3A_197, %sign3A_200 : i32
            %sign3A_202 = arith.constant 0 : i32
            %sign3A_203 = arith.cmpi sgt, %jit3A_193, %sign3A_202 : i32
            %sign3A_204 = arith.extui %sign3A_203 : i1 to i32
            %sign3A_205 = arith.constant 0 : i32
            %sign3A_206 = arith.cmpi slt, %jit3A_193, %sign3A_205 : i32
            %sign3A_207 = arith.extui %sign3A_206 : i1 to i32
            %sign3A_208 = arith.subi %sign3A_204, %sign3A_207 : i32
            %ne3A_209 = arith.cmpi ne, %sign3A_201, %sign3A_208 : i32
            %rem3A_210 = arith.remsi %add3A_192, %jit3A_193 : i32
            %ne3A_211 = arith.constant 0 : i32
            %ne3A_212 = arith.cmpi ne, %rem3A_210, %ne3A_211 : i32
            %and3A_213 = arith.andi %ne3A_209, %ne3A_212 : i1
            %sub3A_214 = arith.constant 1 : i32
            %sub3A_215 = arith.subi %div3A_194, %sub3A_214 : i32
            %select_n3A_216 = arith.select %and3A_213, %sub3A_215, %div3A_194 : i32
            %mul3A_217 = arith.constant 16 : i32
            %mul3A_218 = arith.muli %select_n3A_216, %mul3A_217 : i32
            %mul3A_219 = arith.constant 48 : i32
            %mul3A_220 = arith.muli %add3A_161, %mul3A_219 : i32
            %add3A_221 = arith.addi %mul3A_220, %mul3A_218 : i32
            %get3A = arith.index_cast %add3A_221 : i32 to index
            %get3A_222 = tpu.vector_load %arg14[%get3A] {strides = array<i32>} : memref<3296xi32, #tpu.memory_space<vmem>>, vector<16xi32>,
            %sub3A_223 = arith.subi %add3A_192, %mul3A_218 : i32
            %eq3A = vector.broadcast %sub3A_223 : i32 to vector<16xi32>
            %eq3A_224 = arith.cmpi eq, %iota3A, %eq3A : vector<16xi32>
            %jit3A_225 = arith.constant 0 : i32
            %broadcast_in_dim3A_226 = vector.broadcast %jit3A_225 : i32 to vector<16xi32>
            %select_n3A_227 = arith.select %eq3A_224, %get3A_222, %broadcast_in_dim3A_226 : vector<16xi1>, vector<16xi32>
            %reduce_sum3A = arith.constant true
            %reduce_sum3A_228 = vector.broadcast %reduce_sum3A : i1 to vector<16xi1>
            %reduce_sum3A_229 = tpu.scan <sum>, %select_n3A_227 masked %reduce_sum3A_228 : vector<16xi32>, vector<16xi1> -> vector<16xi32>
            %reduce_sum3A_230 = vector.extract %reduce_sum3A_229[15] : i32 from vector<16xi32>
            %min3A_231 = arith.constant 327 : i32
            %min3A_232 = arith.minsi %reduce_sum3A_230, %min3A_231 : i32
            %get3A_233 = arith.index_cast %add3A_192 : i32 to index
            %get3A_234 = arith.constant 0 : index
            %get3A_235 = tpu.vector_load %arg17[%get3A_233, %get3A_234] {strides = array<i32>} : memref<48x128xf32, #tpu.memory_space<vmem>>, vector<16xf32>,
            %get3A_236 = arith.index_cast %min3A_232 : i32 to index
            %get3A_237 = arith.constant 0 : index
            %get3A_238 = tpu.vector_load %arg19[%get3A_236, %get3A_237] {strides = array<i32>} : memref<328x128xf32, #tpu.memory_space<vmem>>, vector<16xf32>,
            %max3A = arith.maximumf %get3A_238, %get3A_235 : vector<16xf32>
            %swap3A_239 = arith.index_cast %min3A_232 : i32 to index
            %swap3A_240 = arith.constant 0 : index
            %swap3A_241 = tpu.vector_load %arg19[%swap3A_239, %swap3A_240] {strides = array<i32>} : memref<328x128xf32, #tpu.memory_space<vmem>>, vector<16xf32>,
            tpu.vector_store %arg19[%swap3A_239, %swap3A_240], %max3A {strides = array<i32>} : memref<328x128xf32, #tpu.memory_space<vmem>>, vector<16xf32>,
            %get3A_242 = arith.index_cast %min3A_232 : i32 to index
            %get3A_243 = arith.constant 0 : index
            %get3A_244 = tpu.vector_load %arg20[%get3A_242, %get3A_243] {strides = array<i32>} : memref<328x128xf32, #tpu.memory_space<vmem>>, vector<16xf32>,
            %add3A_245 = arith.addf %get3A_244, %get3A_235 : vector<16xf32>
            %swap3A_246 = arith.index_cast %min3A_232 : i32 to index
            %swap3A_247 = arith.constant 0 : index
            %swap3A_248 = tpu.vector_load %arg20[%swap3A_246, %swap3A_247] {strides = array<i32>} : memref<328x128xf32, #tpu.memory_space<vmem>>, vector<16xf32>,
            tpu.vector_store %arg20[%swap3A_246, %swap3A_247], %add3A_245 {strides = array<i32>} : memref<328x128xf32, #tpu.memory_space<vmem>>, vector<16xf32>,
            %get3A_249 = arith.index_cast %add3A_192 : i32 to index
            %get3A_250 = arith.constant 16 : index
            %get3A_251 = tpu.vector_load %arg17[%get3A_249, %get3A_250] {strides = array<i32>} : memref<48x128xf32, #tpu.memory_space<vmem>>, vector<16xf32>,
            %get3A_252 = arith.index_cast %min3A_232 : i32 to index
            %get3A_253 = arith.constant 16 : index
            %get3A_254 = tpu.vector_load %arg19[%get3A_252, %get3A_253] {strides = array<i32>} : memref<328x128xf32, #tpu.memory_space<vmem>>, vector<16xf32>,
            %max3A_255 = arith.maximumf %get3A_254, %get3A_251 : vector<16xf32>
            %swap3A_256 = arith.index_cast %min3A_232 : i32 to index
            %swap3A_257 = arith.constant 16 : index
            %swap3A_258 = tpu.vector_load %arg19[%swap3A_256, %swap3A_257] {strides = array<i32>} : memref<328x128xf32, #tpu.memory_space<vmem>>, vector<16xf32>,
            tpu.vector_store %arg19[%swap3A_256, %swap3A_257], %max3A_255 {strides = array<i32>} : memref<328x128xf32, #tpu.memory_space<vmem>>, vector<16xf32>,
            %get3A_259 = arith.index_cast %min3A_232 : i32 to index
            %get3A_260 = arith.constant 16 : index
            %get3A_261 = tpu.vector_load %arg20[%get3A_259, %get3A_260] {strides = array<i32>} : memref<328x128xf32, #tpu.memory_space<vmem>>, vector<16xf32>,
            %add3A_262 = arith.addf %get3A_261, %get3A_251 : vector<16xf32>
            %swap3A_263 = arith.index_cast %min3A_232 : i32 to index
            %swap3A_264 = arith.constant 16 : index
            %swap3A_265 = tpu.vector_load %arg20[%swap3A_263, %swap3A_264] {strides = array<i32>} : memref<328x128xf32, #tpu.memory_space<vmem>>, vector<16xf32>,
            tpu.vector_store %arg20[%swap3A_263, %swap3A_264], %add3A_262 {strides = array<i32>} : memref<328x128xf32, #tpu.memory_space<vmem>>, vector<16xf32>,
            %get3A_266 = arith.index_cast %add3A_192 : i32 to index
            %get3A_267 = arith.constant 32 : index
            %get3A_268 = tpu.vector_load %arg17[%get3A_266, %get3A_267] {strides = array<i32>} : memref<48x128xf32, #tpu.memory_space<vmem>>, vector<16xf32>,
            %get3A_269 = arith.index_cast %min3A_232 : i32 to index
            %get3A_270 = arith.constant 32 : index
            %get3A_271 = tpu.vector_load %arg19[%get3A_269, %get3A_270] {strides = array<i32>} : memref<328x128xf32, #tpu.memory_space<vmem>>, vector<16xf32>,
            %max3A_272 = arith.maximumf %get3A_271, %get3A_268 : vector<16xf32>
            %swap3A_273 = arith.index_cast %min3A_232 : i32 to index
            %swap3A_274 = arith.constant 32 : index
            %swap3A_275 = tpu.vector_load %arg19[%swap3A_273, %swap3A_274] {strides = array<i32>} : memref<328x128xf32, #tpu.memory_space<vmem>>, vector<16xf32>,
            tpu.vector_store %arg19[%swap3A_273, %swap3A_274], %max3A_272 {strides = array<i32>} : memref<328x128xf32, #tpu.memory_space<vmem>>, vector<16xf32>,
            %get3A_276 = arith.index_cast %min3A_232 : i32 to index
            %get3A_277 = arith.constant 32 : index
            %get3A_278 = tpu.vector_load %arg20[%get3A_276, %get3A_277] {strides = array<i32>} : memref<328x128xf32, #tpu.memory_space<vmem>>, vector<16xf32>,
            %add3A_279 = arith.addf %get3A_278, %get3A_268 : vector<16xf32>
            %swap3A_280 = arith.index_cast %min3A_232 : i32 to index
            %swap3A_281 = arith.constant 32 : index
            %swap3A_282 = tpu.vector_load %arg20[%swap3A_280, %swap3A_281] {strides = array<i32>} : memref<328x128xf32, #tpu.memory_space<vmem>>, vector<16xf32>,
            tpu.vector_store %arg20[%swap3A_280, %swap3A_281], %add3A_279 {strides = array<i32>} : memref<328x128xf32, #tpu.memory_space<vmem>>, vector<16xf32>,
            %get3A_283 = arith.index_cast %add3A_192 : i32 to index
            %get3A_284 = arith.constant 48 : index
            %get3A_285 = tpu.vector_load %arg17[%get3A_283, %get3A_284] {strides = array<i32>} : memref<48x128xf32, #tpu.memory_space<vmem>>, vector<16xf32>,
            %get3A_286 = arith.index_cast %min3A_232 : i32 to index
            %get3A_287 = arith.constant 48 : index
            %get3A_288 = tpu.vector_load %arg19[%get3A_286, %get3A_287] {strides = array<i32>} : memref<328x128xf32, #tpu.memory_space<vmem>>, vector<16xf32>,
            %max3A_289 = arith.maximumf %get3A_288, %get3A_285 : vector<16xf32>
            %swap3A_290 = arith.index_cast %min3A_232 : i32 to index
            %swap3A_291 = arith.constant 48 : index
            %swap3A_292 = tpu.vector_load %arg19[%swap3A_290, %swap3A_291] {strides = array<i32>} : memref<328x128xf32, #tpu.memory_space<vmem>>, vector<16xf32>,
            tpu.vector_store %arg19[%swap3A_290, %swap3A_291], %max3A_289 {strides = array<i32>} : memref<328x128xf32, #tpu.memory_space<vmem>>, vector<16xf32>,
            %get3A_293 = arith.index_cast %min3A_232 : i32 to index
            %get3A_294 = arith.constant 48 : index
            %get3A_295 = tpu.vector_load %arg20[%get3A_293, %get3A_294] {strides = array<i32>} : memref<328x128xf32, #tpu.memory_space<vmem>>, vector<16xf32>,
            %add3A_296 = arith.addf %get3A_295, %get3A_285 : vector<16xf32>
            %swap3A_297 = arith.index_cast %min3A_232 : i32 to index
            %swap3A_298 = arith.constant 48 : index
            %swap3A_299 = tpu.vector_load %arg20[%swap3A_297, %swap3A_298] {strides = array<i32>} : memref<328x128xf32, #tpu.memory_space<vmem>>, vector<16xf32>,
            tpu.vector_store %arg20[%swap3A_297, %swap3A_298], %add3A_296 {strides = array<i32>} : memref<328x128xf32, #tpu.memory_space<vmem>>, vector<16xf32>,
            %get3A_300 = arith.index_cast %add3A_192 : i32 to index
            %get3A_301 = arith.constant 64 : index
            %get3A_302 = tpu.vector_load %arg17[%get3A_300, %get3A_301] {strides = array<i32>} : memref<48x128xf32, #tpu.memory_space<vmem>>, vector<16xf32>,
            %get3A_303 = arith.index_cast %min3A_232 : i32 to index
            %get3A_304 = arith.constant 64 : index
            %get3A_305 = tpu.vector_load %arg19[%get3A_303, %get3A_304] {strides = array<i32>} : memref<328x128xf32, #tpu.memory_space<vmem>>, vector<16xf32>,
            %max3A_306 = arith.maximumf %get3A_305, %get3A_302 : vector<16xf32>
            %swap3A_307 = arith.index_cast %min3A_232 : i32 to index
            %swap3A_308 = arith.constant 64 : index
            %swap3A_309 = tpu.vector_load %arg19[%swap3A_307, %swap3A_308] {strides = array<i32>} : memref<328x128xf32, #tpu.memory_space<vmem>>, vector<16xf32>,
            tpu.vector_store %arg19[%swap3A_307, %swap3A_308], %max3A_306 {strides = array<i32>} : memref<328x128xf32, #tpu.memory_space<vmem>>, vector<16xf32>,
            %get3A_310 = arith.index_cast %min3A_232 : i32 to index
            %get3A_311 = arith.constant 64 : index
            %get3A_312 = tpu.vector_load %arg20[%get3A_310, %get3A_311] {strides = array<i32>} : memref<328x128xf32, #tpu.memory_space<vmem>>, vector<16xf32>,
            %add3A_313 = arith.addf %get3A_312, %get3A_302 : vector<16xf32>
            %swap3A_314 = arith.index_cast %min3A_232 : i32 to index
            %swap3A_315 = arith.constant 64 : index
            %swap3A_316 = tpu.vector_load %arg20[%swap3A_314, %swap3A_315] {strides = array<i32>} : memref<328x128xf32, #tpu.memory_space<vmem>>, vector<16xf32>,
            tpu.vector_store %arg20[%swap3A_314, %swap3A_315], %add3A_313 {strides = array<i32>} : memref<328x128xf32, #tpu.memory_space<vmem>>, vector<16xf32>,
            %get3A_317 = arith.index_cast %add3A_192 : i32 to index
            %get3A_318 = arith.constant 80 : index
            %get3A_319 = tpu.vector_load %arg17[%get3A_317, %get3A_318] {strides = array<i32>} : memref<48x128xf32, #tpu.memory_space<vmem>>, vector<16xf32>,
            %get3A_320 = arith.index_cast %min3A_232 : i32 to index
            %get3A_321 = arith.constant 80 : index
            %get3A_322 = tpu.vector_load %arg19[%get3A_320, %get3A_321] {strides = array<i32>} : memref<328x128xf32, #tpu.memory_space<vmem>>, vector<16xf32>,
            %max3A_323 = arith.maximumf %get3A_322, %get3A_319 : vector<16xf32>
            %swap3A_324 = arith.index_cast %min3A_232 : i32 to index
            %swap3A_325 = arith.constant 80 : index
            %swap3A_326 = tpu.vector_load %arg19[%swap3A_324, %swap3A_325] {strides = array<i32>} : memref<328x128xf32, #tpu.memory_space<vmem>>, vector<16xf32>,
            tpu.vector_store %arg19[%swap3A_324, %swap3A_325], %max3A_323 {strides = array<i32>} : memref<328x128xf32, #tpu.memory_space<vmem>>, vector<16xf32>,
            %get3A_327 = arith.index_cast %min3A_232 : i32 to index
            %get3A_328 = arith.constant 80 : index
            %get3A_329 = tpu.vector_load %arg20[%get3A_327, %get3A_328] {strides = array<i32>} : memref<328x128xf32, #tpu.memory_space<vmem>>, vector<16xf32>,
            %add3A_330 = arith.addf %get3A_329, %get3A_319 : vector<16xf32>
            %swap3A_331 = arith.index_cast %min3A_232 : i32 to index
            %swap3A_332 = arith.constant 80 : index
            %swap3A_333 = tpu.vector_load %arg20[%swap3A_331, %swap3A_332] {strides = array<i32>} : memref<328x128xf32, #tpu.memory_space<vmem>>, vector<16xf32>,
            tpu.vector_store %arg20[%swap3A_331, %swap3A_332], %add3A_330 {strides = array<i32>} : memref<328x128xf32, #tpu.memory_space<vmem>>, vector<16xf32>,
            %get3A_334 = arith.index_cast %add3A_192 : i32 to index
            %get3A_335 = arith.constant 96 : index
            %get3A_336 = tpu.vector_load %arg17[%get3A_334, %get3A_335] {strides = array<i32>} : memref<48x128xf32, #tpu.memory_space<vmem>>, vector<16xf32>,
            %get3A_337 = arith.index_cast %min3A_232 : i32 to index
            %get3A_338 = arith.constant 96 : index
            %get3A_339 = tpu.vector_load %arg19[%get3A_337, %get3A_338] {strides = array<i32>} : memref<328x128xf32, #tpu.memory_space<vmem>>, vector<16xf32>,
            %max3A_340 = arith.maximumf %get3A_339, %get3A_336 : vector<16xf32>
            %swap3A_341 = arith.index_cast %min3A_232 : i32 to index
            %swap3A_342 = arith.constant 96 : index
            %swap3A_343 = tpu.vector_load %arg19[%swap3A_341, %swap3A_342] {strides = array<i32>} : memref<328x128xf32, #tpu.memory_space<vmem>>, vector<16xf32>,
            tpu.vector_store %arg19[%swap3A_341, %swap3A_342], %max3A_340 {strides = array<i32>} : memref<328x128xf32, #tpu.memory_space<vmem>>, vector<16xf32>,
            %get3A_344 = arith.index_cast %min3A_232 : i32 to index
            %get3A_345 = arith.constant 96 : index
            %get3A_346 = tpu.vector_load %arg20[%get3A_344, %get3A_345] {strides = array<i32>} : memref<328x128xf32, #tpu.memory_space<vmem>>, vector<16xf32>,
            %add3A_347 = arith.addf %get3A_346, %get3A_336 : vector<16xf32>
            %swap3A_348 = arith.index_cast %min3A_232 : i32 to index
            %swap3A_349 = arith.constant 96 : index
            %swap3A_350 = tpu.vector_load %arg20[%swap3A_348, %swap3A_349] {strides = array<i32>} : memref<328x128xf32, #tpu.memory_space<vmem>>, vector<16xf32>,
            tpu.vector_store %arg20[%swap3A_348, %swap3A_349], %add3A_347 {strides = array<i32>} : memref<328x128xf32, #tpu.memory_space<vmem>>, vector<16xf32>,
            %get3A_351 = arith.index_cast %add3A_192 : i32 to index
            %get3A_352 = arith.constant 112 : index
            %get3A_353 = tpu.vector_load %arg17[%get3A_351, %get3A_352] {strides = array<i32>} : memref<48x128xf32, #tpu.memory_space<vmem>>, vector<16xf32>,
            %get3A_354 = arith.index_cast %min3A_232 : i32 to index
            %get3A_355 = arith.constant 112 : index
            %get3A_356 = tpu.vector_load %arg19[%get3A_354, %get3A_355] {strides = array<i32>} : memref<328x128xf32, #tpu.memory_space<vmem>>, vector<16xf32>,
            %max3A_357 = arith.maximumf %get3A_356, %get3A_353 : vector<16xf32>
            %swap3A_358 = arith.index_cast %min3A_232 : i32 to index
            %swap3A_359 = arith.constant 112 : index
            %swap3A_360 = tpu.vector_load %arg19[%swap3A_358, %swap3A_359] {strides = array<i32>} : memref<328x128xf32, #tpu.memory_space<vmem>>, vector<16xf32>,
            tpu.vector_store %arg19[%swap3A_358, %swap3A_359], %max3A_357 {strides = array<i32>} : memref<328x128xf32, #tpu.memory_space<vmem>>, vector<16xf32>,
            %get3A_361 = arith.index_cast %min3A_232 : i32 to index
            %get3A_362 = arith.constant 112 : index
            %get3A_363 = tpu.vector_load %arg20[%get3A_361, %get3A_362] {strides = array<i32>} : memref<328x128xf32, #tpu.memory_space<vmem>>, vector<16xf32>,
            %add3A_364 = arith.addf %get3A_363, %get3A_353 : vector<16xf32>
            %swap3A_365 = arith.index_cast %min3A_232 : i32 to index
            %swap3A_366 = arith.constant 112 : index
            %swap3A_367 = tpu.vector_load %arg20[%swap3A_365, %swap3A_366] {strides = array<i32>} : memref<328x128xf32, #tpu.memory_space<vmem>>, vector<16xf32>,
            tpu.vector_store %arg20[%swap3A_365, %swap3A_366], %add3A_364 {strides = array<i32>} : memref<328x128xf32, #tpu.memory_space<vmem>>, vector<16xf32>,
            %scan3A_368 = arith.constant 1 : i32
            %scan3A_369 = arith.addi %scan3A_188, %scan3A_368 : i32
            %mul3A_370 = arith.constant 1 : i32
            %mul3A_371 = arith.muli %scan3A_369, %mul3A_370 : i32
            %add3A_372 = arith.constant 0 : i32
            %add3A_373 = arith.addi %add3A_372, %mul3A_371 : i32
            %jit3A_374 = arith.constant 16 : i32
            %div3A_375 = arith.divsi %add3A_373, %jit3A_374 : i32
            %sign3A_376 = arith.constant 0 : i32
            %sign3A_377 = arith.cmpi sgt, %add3A_373, %sign3A_376 : i32
            %sign3A_378 = arith.extui %sign3A_377 : i1 to i32
            %sign3A_379 = arith.constant 0 : i32
            %sign3A_380 = arith.cmpi slt, %add3A_373, %sign3A_379 : i32
            %sign3A_381 = arith.extui %sign3A_380 : i1 to i32
            %sign3A_382 = arith.subi %sign3A_378, %sign3A_381 : i32
            %sign3A_383 = arith.constant 0 : i32
            %sign3A_384 = arith.cmpi sgt, %jit3A_374, %sign3A_383 : i32
            %sign3A_385 = arith.extui %sign3A_384 : i1 to i32
            %sign3A_386 = arith.constant 0 : i32
            %sign3A_387 = arith.cmpi slt, %jit3A_374, %sign3A_386 : i32
            %sign3A_388 = arith.extui %sign3A_387 : i1 to i32
            %sign3A_389 = arith.subi %sign3A_385, %sign3A_388 : i32
            %ne3A_390 = arith.cmpi ne, %sign3A_382, %sign3A_389 : i32
            %rem3A_391 = arith.remsi %add3A_373, %jit3A_374 : i32
            %ne3A_392 = arith.constant 0 : i32
            %ne3A_393 = arith.cmpi ne, %rem3A_391, %ne3A_392 : i32
            %and3A_394 = arith.andi %ne3A_390, %ne3A_393 : i1
            %sub3A_395 = arith.constant 1 : i32
            %sub3A_396 = arith.subi %div3A_375, %sub3A_395 : i32
            %select_n3A_397 = arith.select %and3A_394, %sub3A_396, %div3A_375 : i32
            %mul3A_398 = arith.constant 16 : i32
            %mul3A_399 = arith.muli %select_n3A_397, %mul3A_398 : i32
            %mul3A_400 = arith.constant 48 : i32
            %mul3A_401 = arith.muli %add3A_161, %mul3A_400 : i32
            %add3A_402 = arith.addi %mul3A_401, %mul3A_399 : i32
            %get3A_403 = arith.index_cast %add3A_402 : i32 to index
            %get3A_404 = tpu.vector_load %arg14[%get3A_403] {strides = array<i32>} : memref<3296xi32, #tpu.memory_space<vmem>>, vector<16xi32>,
            %sub3A_405 = arith.subi %add3A_373, %mul3A_399 : i32
            %eq3A_406 = vector.broadcast %sub3A_405 : i32 to vector<16xi32>
            %eq3A_407 = arith.cmpi eq, %iota3A, %eq3A_406 : vector<16xi32>
            %jit3A_408 = arith.constant 0 : i32
            %broadcast_in_dim3A_409 = vector.broadcast %jit3A_408 : i32 to vector<16xi32>
            %select_n3A_410 = arith.select %eq3A_407, %get3A_404, %broadcast_in_dim3A_409 : vector<16xi1>, vector<16xi32>
            %reduce_sum3A_411 = arith.constant true
            %reduce_sum3A_412 = vector.broadcast %reduce_sum3A_411 : i1 to vector<16xi1>
            %reduce_sum3A_413 = tpu.scan <sum>, %select_n3A_410 masked %reduce_sum3A_412 : vector<16xi32>, vector<16xi1> -> vector<16xi32>
            %reduce_sum3A_414 = vector.extract %reduce_sum3A_413[15] : i32 from vector<16xi32>
            %min3A_415 = arith.constant 327 : i32
            %min3A_416 = arith.minsi %reduce_sum3A_414, %min3A_415 : i32
            %get3A_417 = arith.index_cast %add3A_373 : i32 to index
            %get3A_418 = arith.constant 0 : index
            %get3A_419 = tpu.vector_load %arg17[%get3A_417, %get3A_418] {strides = array<i32>} : memref<48x128xf32, #tpu.memory_space<vmem>>, vector<16xf32>,
            %get3A_420 = arith.index_cast %min3A_416 : i32 to index
            %get3A_421 = arith.constant 0 : index
            %get3A_422 = tpu.vector_load %arg19[%get3A_420, %get3A_421] {strides = array<i32>} : memref<328x128xf32, #tpu.memory_space<vmem>>, vector<16xf32>,
            %max3A_423 = arith.maximumf %get3A_422, %get3A_419 : vector<16xf32>
            %swap3A_424 = arith.index_cast %min3A_416 : i32 to index
            %swap3A_425 = arith.constant 0 : index
            %swap3A_426 = tpu.vector_load %arg19[%swap3A_424, %swap3A_425] {strides = array<i32>} : memref<328x128xf32, #tpu.memory_space<vmem>>, vector<16xf32>,
            tpu.vector_store %arg19[%swap3A_424, %swap3A_425], %max3A_423 {strides = array<i32>} : memref<328x128xf32, #tpu.memory_space<vmem>>, vector<16xf32>,
            %get3A_427 = arith.index_cast %min3A_416 : i32 to index
            %get3A_428 = arith.constant 0 : index
            %get3A_429 = tpu.vector_load %arg20[%get3A_427, %get3A_428] {strides = array<i32>} : memref<328x128xf32, #tpu.memory_space<vmem>>, vector<16xf32>,
            %add3A_430 = arith.addf %get3A_429, %get3A_419 : vector<16xf32>
            %swap3A_431 = arith.index_cast %min3A_416 : i32 to index
            %swap3A_432 = arith.constant 0 : index
            %swap3A_433 = tpu.vector_load %arg20[%swap3A_431, %swap3A_432] {strides = array<i32>} : memref<328x128xf32, #tpu.memory_space<vmem>>, vector<16xf32>,
            tpu.vector_store %arg20[%swap3A_431, %swap3A_432], %add3A_430 {strides = array<i32>} : memref<328x128xf32, #tpu.memory_space<vmem>>, vector<16xf32>,
            %get3A_434 = arith.index_cast %add3A_373 : i32 to index
            %get3A_435 = arith.constant 16 : index
            %get3A_436 = tpu.vector_load %arg17[%get3A_434, %get3A_435] {strides = array<i32>} : memref<48x128xf32, #tpu.memory_space<vmem>>, vector<16xf32>,
            %get3A_437 = arith.index_cast %min3A_416 : i32 to index
            %get3A_438 = arith.constant 16 : index
            %get3A_439 = tpu.vector_load %arg19[%get3A_437, %get3A_438] {strides = array<i32>} : memref<328x128xf32, #tpu.memory_space<vmem>>, vector<16xf32>,
            %max3A_440 = arith.maximumf %get3A_439, %get3A_436 : vector<16xf32>
            %swap3A_441 = arith.index_cast %min3A_416 : i32 to index
            %swap3A_442 = arith.constant 16 : index
            %swap3A_443 = tpu.vector_load %arg19[%swap3A_441, %swap3A_442] {strides = array<i32>} : memref<328x128xf32, #tpu.memory_space<vmem>>, vector<16xf32>,
            tpu.vector_store %arg19[%swap3A_441, %swap3A_442], %max3A_440 {strides = array<i32>} : memref<328x128xf32, #tpu.memory_space<vmem>>, vector<16xf32>,
            %get3A_444 = arith.index_cast %min3A_416 : i32 to index
            %get3A_445 = arith.constant 16 : index
            %get3A_446 = tpu.vector_load %arg20[%get3A_444, %get3A_445] {strides = array<i32>} : memref<328x128xf32, #tpu.memory_space<vmem>>, vector<16xf32>,
            %add3A_447 = arith.addf %get3A_446, %get3A_436 : vector<16xf32>
            %swap3A_448 = arith.index_cast %min3A_416 : i32 to index
            %swap3A_449 = arith.constant 16 : index
            %swap3A_450 = tpu.vector_load %arg20[%swap3A_448, %swap3A_449] {strides = array<i32>} : memref<328x128xf32, #tpu.memory_space<vmem>>, vector<16xf32>,
            tpu.vector_store %arg20[%swap3A_448, %swap3A_449], %add3A_447 {strides = array<i32>} : memref<328x128xf32, #tpu.memory_space<vmem>>, vector<16xf32>,
            %get3A_451 = arith.index_cast %add3A_373 : i32 to index
            %get3A_452 = arith.constant 32 : index
            %get3A_453 = tpu.vector_load %arg17[%get3A_451, %get3A_452] {strides = array<i32>} : memref<48x128xf32, #tpu.memory_space<vmem>>, vector<16xf32>,
            %get3A_454 = arith.index_cast %min3A_416 : i32 to index
            %get3A_455 = arith.constant 32 : index
            %get3A_456 = tpu.vector_load %arg19[%get3A_454, %get3A_455] {strides = array<i32>} : memref<328x128xf32, #tpu.memory_space<vmem>>, vector<16xf32>,
            %max3A_457 = arith.maximumf %get3A_456, %get3A_453 : vector<16xf32>
            %swap3A_458 = arith.index_cast %min3A_416 : i32 to index
            %swap3A_459 = arith.constant 32 : index
            %swap3A_460 = tpu.vector_load %arg19[%swap3A_458, %swap3A_459] {strides = array<i32>} : memref<328x128xf32, #tpu.memory_space<vmem>>, vector<16xf32>,
            tpu.vector_store %arg19[%swap3A_458, %swap3A_459], %max3A_457 {strides = array<i32>} : memref<328x128xf32, #tpu.memory_space<vmem>>, vector<16xf32>,
            %get3A_461 = arith.index_cast %min3A_416 : i32 to index
            %get3A_462 = arith.constant 32 : index
            %get3A_463 = tpu.vector_load %arg20[%get3A_461, %get3A_462] {strides = array<i32>} : memref<328x128xf32, #tpu.memory_space<vmem>>, vector<16xf32>,
            %add3A_464 = arith.addf %get3A_463, %get3A_453 : vector<16xf32>
            %swap3A_465 = arith.index_cast %min3A_416 : i32 to index
            %swap3A_466 = arith.constant 32 : index
            %swap3A_467 = tpu.vector_load %arg20[%swap3A_465, %swap3A_466] {strides = array<i32>} : memref<328x128xf32, #tpu.memory_space<vmem>>, vector<16xf32>,
            tpu.vector_store %arg20[%swap3A_465, %swap3A_466], %add3A_464 {strides = array<i32>} : memref<328x128xf32, #tpu.memory_space<vmem>>, vector<16xf32>,
            %get3A_468 = arith.index_cast %add3A_373 : i32 to index
            %get3A_469 = arith.constant 48 : index
            %get3A_470 = tpu.vector_load %arg17[%get3A_468, %get3A_469] {strides = array<i32>} : memref<48x128xf32, #tpu.memory_space<vmem>>, vector<16xf32>,
            %get3A_471 = arith.index_cast %min3A_416 : i32 to index
            %get3A_472 = arith.constant 48 : index
            %get3A_473 = tpu.vector_load %arg19[%get3A_471, %get3A_472] {strides = array<i32>} : memref<328x128xf32, #tpu.memory_space<vmem>>, vector<16xf32>,
            %max3A_474 = arith.maximumf %get3A_473, %get3A_470 : vector<16xf32>
            %swap3A_475 = arith.index_cast %min3A_416 : i32 to index
            %swap3A_476 = arith.constant 48 : index
            %swap3A_477 = tpu.vector_load %arg19[%swap3A_475, %swap3A_476] {strides = array<i32>} : memref<328x128xf32, #tpu.memory_space<vmem>>, vector<16xf32>,
            tpu.vector_store %arg19[%swap3A_475, %swap3A_476], %max3A_474 {strides = array<i32>} : memref<328x128xf32, #tpu.memory_space<vmem>>, vector<16xf32>,
            %get3A_478 = arith.index_cast %min3A_416 : i32 to index
            %get3A_479 = arith.constant 48 : index
            %get3A_480 = tpu.vector_load %arg20[%get3A_478, %get3A_479] {strides = array<i32>} : memref<328x128xf32, #tpu.memory_space<vmem>>, vector<16xf32>,
            %add3A_481 = arith.addf %get3A_480, %get3A_470 : vector<16xf32>
            %swap3A_482 = arith.index_cast %min3A_416 : i32 to index
            %swap3A_483 = arith.constant 48 : index
            %swap3A_484 = tpu.vector_load %arg20[%swap3A_482, %swap3A_483] {strides = array<i32>} : memref<328x128xf32, #tpu.memory_space<vmem>>, vector<16xf32>,
            tpu.vector_store %arg20[%swap3A_482, %swap3A_483], %add3A_481 {strides = array<i32>} : memref<328x128xf32, #tpu.memory_space<vmem>>, vector<16xf32>,
            %get3A_485 = arith.index_cast %add3A_373 : i32 to index
            %get3A_486 = arith.constant 64 : index
            %get3A_487 = tpu.vector_load %arg17[%get3A_485, %get3A_486] {strides = array<i32>} : memref<48x128xf32, #tpu.memory_space<vmem>>, vector<16xf32>,
            %get3A_488 = arith.index_cast %min3A_416 : i32 to index
            %get3A_489 = arith.constant 64 : index
            %get3A_490 = tpu.vector_load %arg19[%get3A_488, %get3A_489] {strides = array<i32>} : memref<328x128xf32, #tpu.memory_space<vmem>>, vector<16xf32>,
            %max3A_491 = arith.maximumf %get3A_490, %get3A_487 : vector<16xf32>
            %swap3A_492 = arith.index_cast %min3A_416 : i32 to index
            %swap3A_493 = arith.constant 64 : index
            %swap3A_494 = tpu.vector_load %arg19[%swap3A_492, %swap3A_493] {strides = array<i32>} : memref<328x128xf32, #tpu.memory_space<vmem>>, vector<16xf32>,
            tpu.vector_store %arg19[%swap3A_492, %swap3A_493], %max3A_491 {strides = array<i32>} : memref<328x128xf32, #tpu.memory_space<vmem>>, vector<16xf32>,
            %get3A_495 = arith.index_cast %min3A_416 : i32 to index
            %get3A_496 = arith.constant 64 : index
            %get3A_497 = tpu.vector_load %arg20[%get3A_495, %get3A_496] {strides = array<i32>} : memref<328x128xf32, #tpu.memory_space<vmem>>, vector<16xf32>,
            %add3A_498 = arith.addf %get3A_497, %get3A_487 : vector<16xf32>
            %swap3A_499 = arith.index_cast %min3A_416 : i32 to index
            %swap3A_500 = arith.constant 64 : index
            %swap3A_501 = tpu.vector_load %arg20[%swap3A_499, %swap3A_500] {strides = array<i32>} : memref<328x128xf32, #tpu.memory_space<vmem>>, vector<16xf32>,
            tpu.vector_store %arg20[%swap3A_499, %swap3A_500], %add3A_498 {strides = array<i32>} : memref<328x128xf32, #tpu.memory_space<vmem>>, vector<16xf32>,
            %get3A_502 = arith.index_cast %add3A_373 : i32 to index
            %get3A_503 = arith.constant 80 : index
            %get3A_504 = tpu.vector_load %arg17[%get3A_502, %get3A_503] {strides = array<i32>} : memref<48x128xf32, #tpu.memory_space<vmem>>, vector<16xf32>,
            %get3A_505 = arith.index_cast %min3A_416 : i32 to index
            %get3A_506 = arith.constant 80 : index
            %get3A_507 = tpu.vector_load %arg19[%get3A_505, %get3A_506] {strides = array<i32>} : memref<328x128xf32, #tpu.memory_space<vmem>>, vector<16xf32>,
            %max3A_508 = arith.maximumf %get3A_507, %get3A_504 : vector<16xf32>
            %swap3A_509 = arith.index_cast %min3A_416 : i32 to index
            %swap3A_510 = arith.constant 80 : index
            %swap3A_511 = tpu.vector_load %arg19[%swap3A_509, %swap3A_510] {strides = array<i32>} : memref<328x128xf32, #tpu.memory_space<vmem>>, vector<16xf32>,
            tpu.vector_store %arg19[%swap3A_509, %swap3A_510], %max3A_508 {strides = array<i32>} : memref<328x128xf32, #tpu.memory_space<vmem>>, vector<16xf32>,
            %get3A_512 = arith.index_cast %min3A_416 : i32 to index
            %get3A_513 = arith.constant 80 : index
            %get3A_514 = tpu.vector_load %arg20[%get3A_512, %get3A_513] {strides = array<i32>} : memref<328x128xf32, #tpu.memory_space<vmem>>, vector<16xf32>,
            %add3A_515 = arith.addf %get3A_514, %get3A_504 : vector<16xf32>
            %swap3A_516 = arith.index_cast %min3A_416 : i32 to index
            %swap3A_517 = arith.constant 80 : index
            %swap3A_518 = tpu.vector_load %arg20[%swap3A_516, %swap3A_517] {strides = array<i32>} : memref<328x128xf32, #tpu.memory_space<vmem>>, vector<16xf32>,
            tpu.vector_store %arg20[%swap3A_516, %swap3A_517], %add3A_515 {strides = array<i32>} : memref<328x128xf32, #tpu.memory_space<vmem>>, vector<16xf32>,
            %get3A_519 = arith.index_cast %add3A_373 : i32 to index
            %get3A_520 = arith.constant 96 : index
            %get3A_521 = tpu.vector_load %arg17[%get3A_519, %get3A_520] {strides = array<i32>} : memref<48x128xf32, #tpu.memory_space<vmem>>, vector<16xf32>,
            %get3A_522 = arith.index_cast %min3A_416 : i32 to index
            %get3A_523 = arith.constant 96 : index
            %get3A_524 = tpu.vector_load %arg19[%get3A_522, %get3A_523] {strides = array<i32>} : memref<328x128xf32, #tpu.memory_space<vmem>>, vector<16xf32>,
            %max3A_525 = arith.maximumf %get3A_524, %get3A_521 : vector<16xf32>
            %swap3A_526 = arith.index_cast %min3A_416 : i32 to index
            %swap3A_527 = arith.constant 96 : index
            %swap3A_528 = tpu.vector_load %arg19[%swap3A_526, %swap3A_527] {strides = array<i32>} : memref<328x128xf32, #tpu.memory_space<vmem>>, vector<16xf32>,
            tpu.vector_store %arg19[%swap3A_526, %swap3A_527], %max3A_525 {strides = array<i32>} : memref<328x128xf32, #tpu.memory_space<vmem>>, vector<16xf32>,
            %get3A_529 = arith.index_cast %min3A_416 : i32 to index
            %get3A_530 = arith.constant 96 : index
            %get3A_531 = tpu.vector_load %arg20[%get3A_529, %get3A_530] {strides = array<i32>} : memref<328x128xf32, #tpu.memory_space<vmem>>, vector<16xf32>,
            %add3A_532 = arith.addf %get3A_531, %get3A_521 : vector<16xf32>
            %swap3A_533 = arith.index_cast %min3A_416 : i32 to index
            %swap3A_534 = arith.constant 96 : index
            %swap3A_535 = tpu.vector_load %arg20[%swap3A_533, %swap3A_534] {strides = array<i32>} : memref<328x128xf32, #tpu.memory_space<vmem>>, vector<16xf32>,
            tpu.vector_store %arg20[%swap3A_533, %swap3A_534], %add3A_532 {strides = array<i32>} : memref<328x128xf32, #tpu.memory_space<vmem>>, vector<16xf32>,
            %get3A_536 = arith.index_cast %add3A_373 : i32 to index
            %get3A_537 = arith.constant 112 : index
            %get3A_538 = tpu.vector_load %arg17[%get3A_536, %get3A_537] {strides = array<i32>} : memref<48x128xf32, #tpu.memory_space<vmem>>, vector<16xf32>,
            %get3A_539 = arith.index_cast %min3A_416 : i32 to index
            %get3A_540 = arith.constant 112 : index
            %get3A_541 = tpu.vector_load %arg19[%get3A_539, %get3A_540] {strides = array<i32>} : memref<328x128xf32, #tpu.memory_space<vmem>>, vector<16xf32>,
            %max3A_542 = arith.maximumf %get3A_541, %get3A_538 : vector<16xf32>
            %swap3A_543 = arith.index_cast %min3A_416 : i32 to index
            %swap3A_544 = arith.constant 112 : index
            %swap3A_545 = tpu.vector_load %arg19[%swap3A_543, %swap3A_544] {strides = array<i32>} : memref<328x128xf32, #tpu.memory_space<vmem>>, vector<16xf32>,
            tpu.vector_store %arg19[%swap3A_543, %swap3A_544], %max3A_542 {strides = array<i32>} : memref<328x128xf32, #tpu.memory_space<vmem>>, vector<16xf32>,
            %get3A_546 = arith.index_cast %min3A_416 : i32 to index
            %get3A_547 = arith.constant 112 : index
            %get3A_548 = tpu.vector_load %arg20[%get3A_546, %get3A_547] {strides = array<i32>} : memref<328x128xf32, #tpu.memory_space<vmem>>, vector<16xf32>,
            %add3A_549 = arith.addf %get3A_548, %get3A_538 : vector<16xf32>
            %swap3A_550 = arith.index_cast %min3A_416 : i32 to index
            %swap3A_551 = arith.constant 112 : index
            %swap3A_552 = tpu.vector_load %arg20[%swap3A_550, %swap3A_551] {strides = array<i32>} : memref<328x128xf32, #tpu.memory_space<vmem>>, vector<16xf32>,
            tpu.vector_store %arg20[%swap3A_550, %swap3A_551], %add3A_549 {strides = array<i32>} : memref<328x128xf32, #tpu.memory_space<vmem>>, vector<16xf32>,
          }
          %scan3A_187 = arith.constant 48 : i32
        } else {
        }
        %mul3A_166 = arith.constant 2 : i32
        %mul3A_167 = arith.muli %mul3A_166, %while3A_157 : i32
        %add3A_168 = arith.constant 1 : i32
        %add3A_169 = arith.addi %mul3A_167, %add3A_168 : i32
        %lt3A_170 = arith.cmpi slt, %add3A_169, %select_n3A : i32
        %convert_element_type3A_171 = arith.extui %lt3A_170 : i1 to i32
        %cond3A_172 = arith.constant 0 : i32
        %cond3A_173 = arith.cmpi ne, %convert_element_type3A_171, %cond3A_172 : i32
        scf.if %cond3A_173 {
          %dma_wait3A_174 = arith.constant 0 : i32
          %dma_wait3A_175 = arith.constant 0 : i32
          %dma_wait3A_176 = tpu.memref_slice %arg3[%dma_wait3A_174, %dma_wait3A_175] : memref<10000x128xf32, #tpu.memory_space<hbm>> -> memref<10000x128xf32, #tpu.memory_space<hbm>>
          tpu.wait_indirect_dma semaphore(%arg24 : memref<!tpu.dma_semaphore, #tpu.memory_space<semaphore_mem>>) src(%dma_wait3A_176 : memref<10000x128xf32, #tpu.memory_space<hbm>>) dst(%arg18 : memref<48x128xf32, #tpu.memory_space<vmem>>)
          %add3A_177 = arith.constant 1 : i32
          %add3A_178 = arith.addi %add3A_169, %add3A_177 : i32
          %lt3A_179 = arith.cmpi slt, %add3A_178, %select_n3A : i32
          %convert_element_type3A_180 = arith.extui %lt3A_179 : i1 to i32
          %cond3A_181 = arith.constant 0 : i32
          %cond3A_182 = arith.cmpi ne, %convert_element_type3A_180, %cond3A_181 : i32
          scf.if %cond3A_182 {
            %add3A_188 = arith.constant 1 : i32
            %add3A_189 = arith.addi %add3A_169, %add3A_188 : i32
            %mul3A_190 = arith.constant 48 : i32
            %mul3A_191 = arith.muli %add3A_189, %mul3A_190 : i32
            %add3A_192 = arith.constant 0 : i32
            %add3A_193 = arith.addi %mul3A_191, %add3A_192 : i32
            %get3A = arith.index_cast %add3A_193 : i32 to index
            %get3A_194 = tpu.vector_load %arg13[%get3A] {strides = array<i32>} : memref<3296xi32, #tpu.memory_space<vmem>>, vector<16xi32>,
            %swap3A_195 = arith.constant 0 : index
            %swap3A_196 = tpu.vector_load %arg15[%swap3A_195] {strides = array<i32>} : memref<48xi32, #tpu.memory_space<vmem>>, vector<16xi32>,
            tpu.vector_store %arg15[%swap3A_195], %get3A_194 {strides = array<i32>} : memref<48xi32, #tpu.memory_space<vmem>>, vector<16xi32>,
            %add3A_197 = arith.constant 16 : i32
            %add3A_198 = arith.addi %mul3A_191, %add3A_197 : i32
            %get3A_199 = arith.index_cast %add3A_198 : i32 to index
            %get3A_200 = tpu.vector_load %arg13[%get3A_199] {strides = array<i32>} : memref<3296xi32, #tpu.memory_space<vmem>>, vector<16xi32>,
            %swap3A_201 = arith.constant 16 : index
            %swap3A_202 = tpu.vector_load %arg15[%swap3A_201] {strides = array<i32>} : memref<48xi32, #tpu.memory_space<vmem>>, vector<16xi32>,
            tpu.vector_store %arg15[%swap3A_201], %get3A_200 {strides = array<i32>} : memref<48xi32, #tpu.memory_space<vmem>>, vector<16xi32>,
            %add3A_203 = arith.constant 32 : i32
            %add3A_204 = arith.addi %mul3A_191, %add3A_203 : i32
            %get3A_205 = arith.index_cast %add3A_204 : i32 to index
            %get3A_206 = tpu.vector_load %arg13[%get3A_205] {strides = array<i32>} : memref<3296xi32, #tpu.memory_space<vmem>>, vector<16xi32>,
            %swap3A_207 = arith.constant 32 : index
            %swap3A_208 = tpu.vector_load %arg15[%swap3A_207] {strides = array<i32>} : memref<48xi32, #tpu.memory_space<vmem>>, vector<16xi32>,
            tpu.vector_store %arg15[%swap3A_207], %get3A_206 {strides = array<i32>} : memref<48xi32, #tpu.memory_space<vmem>>, vector<16xi32>,
            %dma_start3A_209 = arith.constant 0 : i32
            %dma_start3A_210 = arith.constant 0 : i32
            %dma_start3A_211 = tpu.memref_slice %arg3[%dma_start3A_209, %dma_start3A_210] : memref<10000x128xf32, #tpu.memory_space<hbm>> -> memref<10000x128xf32, #tpu.memory_space<hbm>>
            tpu.enqueue_indirect_dma source(%dma_start3A_211 : memref<10000x128xf32, #tpu.memory_space<hbm>>) target(%arg17 : memref<48x128xf32, #tpu.memory_space<vmem>>) offsets(%arg15 : memref<48xi32, #tpu.memory_space<vmem>>) semaphore(%arg23 : memref<!tpu.dma_semaphore, #tpu.memory_space<semaphore_mem>>)
          } else {
          }
          %scan3A_183 = arith.constant 0 : i32
          %scan3A_184 = arith.constant 48 : i32
          %scan3A_185 = arith.addi %scan3A_183, %scan3A_184 : i32
          %scan3A_186 = arith.constant 2 : i32
          scf.for %scan3A_188 = %scan3A_183 to %scan3A_185 step %scan3A_186  : i32 {
            %mul3A_189 = arith.constant 1 : i32
            %mul3A_190 = arith.muli %scan3A_188, %mul3A_189 : i32
            %add3A_191 = arith.constant 0 : i32
            %add3A_192 = arith.addi %add3A_191, %mul3A_190 : i32
            %jit3A_193 = arith.constant 16 : i32
            %div3A_194 = arith.divsi %add3A_192, %jit3A_193 : i32
            %sign3A_195 = arith.constant 0 : i32
            %sign3A_196 = arith.cmpi sgt, %add3A_192, %sign3A_195 : i32
            %sign3A_197 = arith.extui %sign3A_196 : i1 to i32
            %sign3A_198 = arith.constant 0 : i32
            %sign3A_199 = arith.cmpi slt, %add3A_192, %sign3A_198 : i32
            %sign3A_200 = arith.extui %sign3A_199 : i1 to i32
            %sign3A_201 = arith.subi %sign3A_197, %sign3A_200 : i32
            %sign3A_202 = arith.constant 0 : i32
            %sign3A_203 = arith.cmpi sgt, %jit3A_193, %sign3A_202 : i32
            %sign3A_204 = arith.extui %sign3A_203 : i1 to i32
            %sign3A_205 = arith.constant 0 : i32
            %sign3A_206 = arith.cmpi slt, %jit3A_193, %sign3A_205 : i32
            %sign3A_207 = arith.extui %sign3A_206 : i1 to i32
            %sign3A_208 = arith.subi %sign3A_204, %sign3A_207 : i32
            %ne3A_209 = arith.cmpi ne, %sign3A_201, %sign3A_208 : i32
            %rem3A_210 = arith.remsi %add3A_192, %jit3A_193 : i32
            %ne3A_211 = arith.constant 0 : i32
            %ne3A_212 = arith.cmpi ne, %rem3A_210, %ne3A_211 : i32
            %and3A_213 = arith.andi %ne3A_209, %ne3A_212 : i1
            %sub3A_214 = arith.constant 1 : i32
            %sub3A_215 = arith.subi %div3A_194, %sub3A_214 : i32
            %select_n3A_216 = arith.select %and3A_213, %sub3A_215, %div3A_194 : i32
            %mul3A_217 = arith.constant 16 : i32
            %mul3A_218 = arith.muli %select_n3A_216, %mul3A_217 : i32
            %mul3A_219 = arith.constant 48 : i32
            %mul3A_220 = arith.muli %add3A_169, %mul3A_219 : i32
            %add3A_221 = arith.addi %mul3A_220, %mul3A_218 : i32
            %get3A = arith.index_cast %add3A_221 : i32 to index
            %get3A_222 = tpu.vector_load %arg14[%get3A] {strides = array<i32>} : memref<3296xi32, #tpu.memory_space<vmem>>, vector<16xi32>,
            %sub3A_223 = arith.subi %add3A_192, %mul3A_218 : i32
            %eq3A = vector.broadcast %sub3A_223 : i32 to vector<16xi32>
            %eq3A_224 = arith.cmpi eq, %iota3A, %eq3A : vector<16xi32>
            %jit3A_225 = arith.constant 0 : i32
            %broadcast_in_dim3A_226 = vector.broadcast %jit3A_225 : i32 to vector<16xi32>
            %select_n3A_227 = arith.select %eq3A_224, %get3A_222, %broadcast_in_dim3A_226 : vector<16xi1>, vector<16xi32>
            %reduce_sum3A = arith.constant true
            %reduce_sum3A_228 = vector.broadcast %reduce_sum3A : i1 to vector<16xi1>
            %reduce_sum3A_229 = tpu.scan <sum>, %select_n3A_227 masked %reduce_sum3A_228 : vector<16xi32>, vector<16xi1> -> vector<16xi32>
            %reduce_sum3A_230 = vector.extract %reduce_sum3A_229[15] : i32 from vector<16xi32>
            %min3A_231 = arith.constant 327 : i32
            %min3A_232 = arith.minsi %reduce_sum3A_230, %min3A_231 : i32
            %get3A_233 = arith.index_cast %add3A_192 : i32 to index
            %get3A_234 = arith.constant 0 : index
            %get3A_235 = tpu.vector_load %arg18[%get3A_233, %get3A_234] {strides = array<i32>} : memref<48x128xf32, #tpu.memory_space<vmem>>, vector<16xf32>,
            %get3A_236 = arith.index_cast %min3A_232 : i32 to index
            %get3A_237 = arith.constant 0 : index
            %get3A_238 = tpu.vector_load %arg19[%get3A_236, %get3A_237] {strides = array<i32>} : memref<328x128xf32, #tpu.memory_space<vmem>>, vector<16xf32>,
            %max3A = arith.maximumf %get3A_238, %get3A_235 : vector<16xf32>
            %swap3A_239 = arith.index_cast %min3A_232 : i32 to index
            %swap3A_240 = arith.constant 0 : index
            %swap3A_241 = tpu.vector_load %arg19[%swap3A_239, %swap3A_240] {strides = array<i32>} : memref<328x128xf32, #tpu.memory_space<vmem>>, vector<16xf32>,
            tpu.vector_store %arg19[%swap3A_239, %swap3A_240], %max3A {strides = array<i32>} : memref<328x128xf32, #tpu.memory_space<vmem>>, vector<16xf32>,
            %get3A_242 = arith.index_cast %min3A_232 : i32 to index
            %get3A_243 = arith.constant 0 : index
            %get3A_244 = tpu.vector_load %arg20[%get3A_242, %get3A_243] {strides = array<i32>} : memref<328x128xf32, #tpu.memory_space<vmem>>, vector<16xf32>,
            %add3A_245 = arith.addf %get3A_244, %get3A_235 : vector<16xf32>
            %swap3A_246 = arith.index_cast %min3A_232 : i32 to index
            %swap3A_247 = arith.constant 0 : index
            %swap3A_248 = tpu.vector_load %arg20[%swap3A_246, %swap3A_247] {strides = array<i32>} : memref<328x128xf32, #tpu.memory_space<vmem>>, vector<16xf32>,
            tpu.vector_store %arg20[%swap3A_246, %swap3A_247], %add3A_245 {strides = array<i32>} : memref<328x128xf32, #tpu.memory_space<vmem>>, vector<16xf32>,
            %get3A_249 = arith.index_cast %add3A_192 : i32 to index
            %get3A_250 = arith.constant 16 : index
            %get3A_251 = tpu.vector_load %arg18[%get3A_249, %get3A_250] {strides = array<i32>} : memref<48x128xf32, #tpu.memory_space<vmem>>, vector<16xf32>,
            %get3A_252 = arith.index_cast %min3A_232 : i32 to index
            %get3A_253 = arith.constant 16 : index
            %get3A_254 = tpu.vector_load %arg19[%get3A_252, %get3A_253] {strides = array<i32>} : memref<328x128xf32, #tpu.memory_space<vmem>>, vector<16xf32>,
            %max3A_255 = arith.maximumf %get3A_254, %get3A_251 : vector<16xf32>
            %swap3A_256 = arith.index_cast %min3A_232 : i32 to index
            %swap3A_257 = arith.constant 16 : index
            %swap3A_258 = tpu.vector_load %arg19[%swap3A_256, %swap3A_257] {strides = array<i32>} : memref<328x128xf32, #tpu.memory_space<vmem>>, vector<16xf32>,
            tpu.vector_store %arg19[%swap3A_256, %swap3A_257], %max3A_255 {strides = array<i32>} : memref<328x128xf32, #tpu.memory_space<vmem>>, vector<16xf32>,
            %get3A_259 = arith.index_cast %min3A_232 : i32 to index
            %get3A_260 = arith.constant 16 : index
            %get3A_261 = tpu.vector_load %arg20[%get3A_259, %get3A_260] {strides = array<i32>} : memref<328x128xf32, #tpu.memory_space<vmem>>, vector<16xf32>,
            %add3A_262 = arith.addf %get3A_261, %get3A_251 : vector<16xf32>
            %swap3A_263 = arith.index_cast %min3A_232 : i32 to index
            %swap3A_264 = arith.constant 16 : index
            %swap3A_265 = tpu.vector_load %arg20[%swap3A_263, %swap3A_264] {strides = array<i32>} : memref<328x128xf32, #tpu.memory_space<vmem>>, vector<16xf32>,
            tpu.vector_store %arg20[%swap3A_263, %swap3A_264], %add3A_262 {strides = array<i32>} : memref<328x128xf32, #tpu.memory_space<vmem>>, vector<16xf32>,
            %get3A_266 = arith.index_cast %add3A_192 : i32 to index
            %get3A_267 = arith.constant 32 : index
            %get3A_268 = tpu.vector_load %arg18[%get3A_266, %get3A_267] {strides = array<i32>} : memref<48x128xf32, #tpu.memory_space<vmem>>, vector<16xf32>,
            %get3A_269 = arith.index_cast %min3A_232 : i32 to index
            %get3A_270 = arith.constant 32 : index
            %get3A_271 = tpu.vector_load %arg19[%get3A_269, %get3A_270] {strides = array<i32>} : memref<328x128xf32, #tpu.memory_space<vmem>>, vector<16xf32>,
            %max3A_272 = arith.maximumf %get3A_271, %get3A_268 : vector<16xf32>
            %swap3A_273 = arith.index_cast %min3A_232 : i32 to index
            %swap3A_274 = arith.constant 32 : index
            %swap3A_275 = tpu.vector_load %arg19[%swap3A_273, %swap3A_274] {strides = array<i32>} : memref<328x128xf32, #tpu.memory_space<vmem>>, vector<16xf32>,
            tpu.vector_store %arg19[%swap3A_273, %swap3A_274], %max3A_272 {strides = array<i32>} : memref<328x128xf32, #tpu.memory_space<vmem>>, vector<16xf32>,
            %get3A_276 = arith.index_cast %min3A_232 : i32 to index
            %get3A_277 = arith.constant 32 : index
            %get3A_278 = tpu.vector_load %arg20[%get3A_276, %get3A_277] {strides = array<i32>} : memref<328x128xf32, #tpu.memory_space<vmem>>, vector<16xf32>,
            %add3A_279 = arith.addf %get3A_278, %get3A_268 : vector<16xf32>
            %swap3A_280 = arith.index_cast %min3A_232 : i32 to index
            %swap3A_281 = arith.constant 32 : index
            %swap3A_282 = tpu.vector_load %arg20[%swap3A_280, %swap3A_281] {strides = array<i32>} : memref<328x128xf32, #tpu.memory_space<vmem>>, vector<16xf32>,
            tpu.vector_store %arg20[%swap3A_280, %swap3A_281], %add3A_279 {strides = array<i32>} : memref<328x128xf32, #tpu.memory_space<vmem>>, vector<16xf32>,
            %get3A_283 = arith.index_cast %add3A_192 : i32 to index
            %get3A_284 = arith.constant 48 : index
            %get3A_285 = tpu.vector_load %arg18[%get3A_283, %get3A_284] {strides = array<i32>} : memref<48x128xf32, #tpu.memory_space<vmem>>, vector<16xf32>,
            %get3A_286 = arith.index_cast %min3A_232 : i32 to index
            %get3A_287 = arith.constant 48 : index
            %get3A_288 = tpu.vector_load %arg19[%get3A_286, %get3A_287] {strides = array<i32>} : memref<328x128xf32, #tpu.memory_space<vmem>>, vector<16xf32>,
            %max3A_289 = arith.maximumf %get3A_288, %get3A_285 : vector<16xf32>
            %swap3A_290 = arith.index_cast %min3A_232 : i32 to index
            %swap3A_291 = arith.constant 48 : index
            %swap3A_292 = tpu.vector_load %arg19[%swap3A_290, %swap3A_291] {strides = array<i32>} : memref<328x128xf32, #tpu.memory_space<vmem>>, vector<16xf32>,
            tpu.vector_store %arg19[%swap3A_290, %swap3A_291], %max3A_289 {strides = array<i32>} : memref<328x128xf32, #tpu.memory_space<vmem>>, vector<16xf32>,
            %get3A_293 = arith.index_cast %min3A_232 : i32 to index
            %get3A_294 = arith.constant 48 : index
            %get3A_295 = tpu.vector_load %arg20[%get3A_293, %get3A_294] {strides = array<i32>} : memref<328x128xf32, #tpu.memory_space<vmem>>, vector<16xf32>,
            %add3A_296 = arith.addf %get3A_295, %get3A_285 : vector<16xf32>
            %swap3A_297 = arith.index_cast %min3A_232 : i32 to index
            %swap3A_298 = arith.constant 48 : index
            %swap3A_299 = tpu.vector_load %arg20[%swap3A_297, %swap3A_298] {strides = array<i32>} : memref<328x128xf32, #tpu.memory_space<vmem>>, vector<16xf32>,
            tpu.vector_store %arg20[%swap3A_297, %swap3A_298], %add3A_296 {strides = array<i32>} : memref<328x128xf32, #tpu.memory_space<vmem>>, vector<16xf32>,
            %get3A_300 = arith.index_cast %add3A_192 : i32 to index
            %get3A_301 = arith.constant 64 : index
            %get3A_302 = tpu.vector_load %arg18[%get3A_300, %get3A_301] {strides = array<i32>} : memref<48x128xf32, #tpu.memory_space<vmem>>, vector<16xf32>,
            %get3A_303 = arith.index_cast %min3A_232 : i32 to index
            %get3A_304 = arith.constant 64 : index
            %get3A_305 = tpu.vector_load %arg19[%get3A_303, %get3A_304] {strides = array<i32>} : memref<328x128xf32, #tpu.memory_space<vmem>>, vector<16xf32>,
            %max3A_306 = arith.maximumf %get3A_305, %get3A_302 : vector<16xf32>
            %swap3A_307 = arith.index_cast %min3A_232 : i32 to index
            %swap3A_308 = arith.constant 64 : index
            %swap3A_309 = tpu.vector_load %arg19[%swap3A_307, %swap3A_308] {strides = array<i32>} : memref<328x128xf32, #tpu.memory_space<vmem>>, vector<16xf32>,
            tpu.vector_store %arg19[%swap3A_307, %swap3A_308], %max3A_306 {strides = array<i32>} : memref<328x128xf32, #tpu.memory_space<vmem>>, vector<16xf32>,
            %get3A_310 = arith.index_cast %min3A_232 : i32 to index
            %get3A_311 = arith.constant 64 : index
            %get3A_312 = tpu.vector_load %arg20[%get3A_310, %get3A_311] {strides = array<i32>} : memref<328x128xf32, #tpu.memory_space<vmem>>, vector<16xf32>,
            %add3A_313 = arith.addf %get3A_312, %get3A_302 : vector<16xf32>
            %swap3A_314 = arith.index_cast %min3A_232 : i32 to index
            %swap3A_315 = arith.constant 64 : index
            %swap3A_316 = tpu.vector_load %arg20[%swap3A_314, %swap3A_315] {strides = array<i32>} : memref<328x128xf32, #tpu.memory_space<vmem>>, vector<16xf32>,
            tpu.vector_store %arg20[%swap3A_314, %swap3A_315], %add3A_313 {strides = array<i32>} : memref<328x128xf32, #tpu.memory_space<vmem>>, vector<16xf32>,
            %get3A_317 = arith.index_cast %add3A_192 : i32 to index
            %get3A_318 = arith.constant 80 : index
            %get3A_319 = tpu.vector_load %arg18[%get3A_317, %get3A_318] {strides = array<i32>} : memref<48x128xf32, #tpu.memory_space<vmem>>, vector<16xf32>,
            %get3A_320 = arith.index_cast %min3A_232 : i32 to index
            %get3A_321 = arith.constant 80 : index
            %get3A_322 = tpu.vector_load %arg19[%get3A_320, %get3A_321] {strides = array<i32>} : memref<328x128xf32, #tpu.memory_space<vmem>>, vector<16xf32>,
            %max3A_323 = arith.maximumf %get3A_322, %get3A_319 : vector<16xf32>
            %swap3A_324 = arith.index_cast %min3A_232 : i32 to index
            %swap3A_325 = arith.constant 80 : index
            %swap3A_326 = tpu.vector_load %arg19[%swap3A_324, %swap3A_325] {strides = array<i32>} : memref<328x128xf32, #tpu.memory_space<vmem>>, vector<16xf32>,
            tpu.vector_store %arg19[%swap3A_324, %swap3A_325], %max3A_323 {strides = array<i32>} : memref<328x128xf32, #tpu.memory_space<vmem>>, vector<16xf32>,
            %get3A_327 = arith.index_cast %min3A_232 : i32 to index
            %get3A_328 = arith.constant 80 : index
            %get3A_329 = tpu.vector_load %arg20[%get3A_327, %get3A_328] {strides = array<i32>} : memref<328x128xf32, #tpu.memory_space<vmem>>, vector<16xf32>,
            %add3A_330 = arith.addf %get3A_329, %get3A_319 : vector<16xf32>
            %swap3A_331 = arith.index_cast %min3A_232 : i32 to index
            %swap3A_332 = arith.constant 80 : index
            %swap3A_333 = tpu.vector_load %arg20[%swap3A_331, %swap3A_332] {strides = array<i32>} : memref<328x128xf32, #tpu.memory_space<vmem>>, vector<16xf32>,
            tpu.vector_store %arg20[%swap3A_331, %swap3A_332], %add3A_330 {strides = array<i32>} : memref<328x128xf32, #tpu.memory_space<vmem>>, vector<16xf32>,
            %get3A_334 = arith.index_cast %add3A_192 : i32 to index
            %get3A_335 = arith.constant 96 : index
            %get3A_336 = tpu.vector_load %arg18[%get3A_334, %get3A_335] {strides = array<i32>} : memref<48x128xf32, #tpu.memory_space<vmem>>, vector<16xf32>,
            %get3A_337 = arith.index_cast %min3A_232 : i32 to index
            %get3A_338 = arith.constant 96 : index
            %get3A_339 = tpu.vector_load %arg19[%get3A_337, %get3A_338] {strides = array<i32>} : memref<328x128xf32, #tpu.memory_space<vmem>>, vector<16xf32>,
            %max3A_340 = arith.maximumf %get3A_339, %get3A_336 : vector<16xf32>
            %swap3A_341 = arith.index_cast %min3A_232 : i32 to index
            %swap3A_342 = arith.constant 96 : index
            %swap3A_343 = tpu.vector_load %arg19[%swap3A_341, %swap3A_342] {strides = array<i32>} : memref<328x128xf32, #tpu.memory_space<vmem>>, vector<16xf32>,
            tpu.vector_store %arg19[%swap3A_341, %swap3A_342], %max3A_340 {strides = array<i32>} : memref<328x128xf32, #tpu.memory_space<vmem>>, vector<16xf32>,
            %get3A_344 = arith.index_cast %min3A_232 : i32 to index
            %get3A_345 = arith.constant 96 : index
            %get3A_346 = tpu.vector_load %arg20[%get3A_344, %get3A_345] {strides = array<i32>} : memref<328x128xf32, #tpu.memory_space<vmem>>, vector<16xf32>,
            %add3A_347 = arith.addf %get3A_346, %get3A_336 : vector<16xf32>
            %swap3A_348 = arith.index_cast %min3A_232 : i32 to index
            %swap3A_349 = arith.constant 96 : index
            %swap3A_350 = tpu.vector_load %arg20[%swap3A_348, %swap3A_349] {strides = array<i32>} : memref<328x128xf32, #tpu.memory_space<vmem>>, vector<16xf32>,
            tpu.vector_store %arg20[%swap3A_348, %swap3A_349], %add3A_347 {strides = array<i32>} : memref<328x128xf32, #tpu.memory_space<vmem>>, vector<16xf32>,
            %get3A_351 = arith.index_cast %add3A_192 : i32 to index
            %get3A_352 = arith.constant 112 : index
            %get3A_353 = tpu.vector_load %arg18[%get3A_351, %get3A_352] {strides = array<i32>} : memref<48x128xf32, #tpu.memory_space<vmem>>, vector<16xf32>,
            %get3A_354 = arith.index_cast %min3A_232 : i32 to index
            %get3A_355 = arith.constant 112 : index
            %get3A_356 = tpu.vector_load %arg19[%get3A_354, %get3A_355] {strides = array<i32>} : memref<328x128xf32, #tpu.memory_space<vmem>>, vector<16xf32>,
            %max3A_357 = arith.maximumf %get3A_356, %get3A_353 : vector<16xf32>
            %swap3A_358 = arith.index_cast %min3A_232 : i32 to index
            %swap3A_359 = arith.constant 112 : index
            %swap3A_360 = tpu.vector_load %arg19[%swap3A_358, %swap3A_359] {strides = array<i32>} : memref<328x128xf32, #tpu.memory_space<vmem>>, vector<16xf32>,
            tpu.vector_store %arg19[%swap3A_358, %swap3A_359], %max3A_357 {strides = array<i32>} : memref<328x128xf32, #tpu.memory_space<vmem>>, vector<16xf32>,
            %get3A_361 = arith.index_cast %min3A_232 : i32 to index
            %get3A_362 = arith.constant 112 : index
            %get3A_363 = tpu.vector_load %arg20[%get3A_361, %get3A_362] {strides = array<i32>} : memref<328x128xf32, #tpu.memory_space<vmem>>, vector<16xf32>,
            %add3A_364 = arith.addf %get3A_363, %get3A_353 : vector<16xf32>
            %swap3A_365 = arith.index_cast %min3A_232 : i32 to index
            %swap3A_366 = arith.constant 112 : index
            %swap3A_367 = tpu.vector_load %arg20[%swap3A_365, %swap3A_366] {strides = array<i32>} : memref<328x128xf32, #tpu.memory_space<vmem>>, vector<16xf32>,
            tpu.vector_store %arg20[%swap3A_365, %swap3A_366], %add3A_364 {strides = array<i32>} : memref<328x128xf32, #tpu.memory_space<vmem>>, vector<16xf32>,
            %scan3A_368 = arith.constant 1 : i32
            %scan3A_369 = arith.addi %scan3A_188, %scan3A_368 : i32
            %mul3A_370 = arith.constant 1 : i32
            %mul3A_371 = arith.muli %scan3A_369, %mul3A_370 : i32
            %add3A_372 = arith.constant 0 : i32
            %add3A_373 = arith.addi %add3A_372, %mul3A_371 : i32
            %jit3A_374 = arith.constant 16 : i32
            %div3A_375 = arith.divsi %add3A_373, %jit3A_374 : i32
            %sign3A_376 = arith.constant 0 : i32
            %sign3A_377 = arith.cmpi sgt, %add3A_373, %sign3A_376 : i32
            %sign3A_378 = arith.extui %sign3A_377 : i1 to i32
            %sign3A_379 = arith.constant 0 : i32
            %sign3A_380 = arith.cmpi slt, %add3A_373, %sign3A_379 : i32
            %sign3A_381 = arith.extui %sign3A_380 : i1 to i32
            %sign3A_382 = arith.subi %sign3A_378, %sign3A_381 : i32
            %sign3A_383 = arith.constant 0 : i32
            %sign3A_384 = arith.cmpi sgt, %jit3A_374, %sign3A_383 : i32
            %sign3A_385 = arith.extui %sign3A_384 : i1 to i32
            %sign3A_386 = arith.constant 0 : i32
            %sign3A_387 = arith.cmpi slt, %jit3A_374, %sign3A_386 : i32
            %sign3A_388 = arith.extui %sign3A_387 : i1 to i32
            %sign3A_389 = arith.subi %sign3A_385, %sign3A_388 : i32
            %ne3A_390 = arith.cmpi ne, %sign3A_382, %sign3A_389 : i32
            %rem3A_391 = arith.remsi %add3A_373, %jit3A_374 : i32
            %ne3A_392 = arith.constant 0 : i32
            %ne3A_393 = arith.cmpi ne, %rem3A_391, %ne3A_392 : i32
            %and3A_394 = arith.andi %ne3A_390, %ne3A_393 : i1
            %sub3A_395 = arith.constant 1 : i32
            %sub3A_396 = arith.subi %div3A_375, %sub3A_395 : i32
            %select_n3A_397 = arith.select %and3A_394, %sub3A_396, %div3A_375 : i32
            %mul3A_398 = arith.constant 16 : i32
            %mul3A_399 = arith.muli %select_n3A_397, %mul3A_398 : i32
            %mul3A_400 = arith.constant 48 : i32
            %mul3A_401 = arith.muli %add3A_169, %mul3A_400 : i32
            %add3A_402 = arith.addi %mul3A_401, %mul3A_399 : i32
            %get3A_403 = arith.index_cast %add3A_402 : i32 to index
            %get3A_404 = tpu.vector_load %arg14[%get3A_403] {strides = array<i32>} : memref<3296xi32, #tpu.memory_space<vmem>>, vector<16xi32>,
            %sub3A_405 = arith.subi %add3A_373, %mul3A_399 : i32
            %eq3A_406 = vector.broadcast %sub3A_405 : i32 to vector<16xi32>
            %eq3A_407 = arith.cmpi eq, %iota3A, %eq3A_406 : vector<16xi32>
            %jit3A_408 = arith.constant 0 : i32
            %broadcast_in_dim3A_409 = vector.broadcast %jit3A_408 : i32 to vector<16xi32>
            %select_n3A_410 = arith.select %eq3A_407, %get3A_404, %broadcast_in_dim3A_409 : vector<16xi1>, vector<16xi32>
            %reduce_sum3A_411 = arith.constant true
            %reduce_sum3A_412 = vector.broadcast %reduce_sum3A_411 : i1 to vector<16xi1>
            %reduce_sum3A_413 = tpu.scan <sum>, %select_n3A_410 masked %reduce_sum3A_412 : vector<16xi32>, vector<16xi1> -> vector<16xi32>
            %reduce_sum3A_414 = vector.extract %reduce_sum3A_413[15] : i32 from vector<16xi32>
            %min3A_415 = arith.constant 327 : i32
            %min3A_416 = arith.minsi %reduce_sum3A_414, %min3A_415 : i32
            %get3A_417 = arith.index_cast %add3A_373 : i32 to index
            %get3A_418 = arith.constant 0 : index
            %get3A_419 = tpu.vector_load %arg18[%get3A_417, %get3A_418] {strides = array<i32>} : memref<48x128xf32, #tpu.memory_space<vmem>>, vector<16xf32>,
            %get3A_420 = arith.index_cast %min3A_416 : i32 to index
            %get3A_421 = arith.constant 0 : index
            %get3A_422 = tpu.vector_load %arg19[%get3A_420, %get3A_421] {strides = array<i32>} : memref<328x128xf32, #tpu.memory_space<vmem>>, vector<16xf32>,
            %max3A_423 = arith.maximumf %get3A_422, %get3A_419 : vector<16xf32>
            %swap3A_424 = arith.index_cast %min3A_416 : i32 to index
            %swap3A_425 = arith.constant 0 : index
            %swap3A_426 = tpu.vector_load %arg19[%swap3A_424, %swap3A_425] {strides = array<i32>} : memref<328x128xf32, #tpu.memory_space<vmem>>, vector<16xf32>,
            tpu.vector_store %arg19[%swap3A_424, %swap3A_425], %max3A_423 {strides = array<i32>} : memref<328x128xf32, #tpu.memory_space<vmem>>, vector<16xf32>,
            %get3A_427 = arith.index_cast %min3A_416 : i32 to index
            %get3A_428 = arith.constant 0 : index
            %get3A_429 = tpu.vector_load %arg20[%get3A_427, %get3A_428] {strides = array<i32>} : memref<328x128xf32, #tpu.memory_space<vmem>>, vector<16xf32>,
            %add3A_430 = arith.addf %get3A_429, %get3A_419 : vector<16xf32>
            %swap3A_431 = arith.index_cast %min3A_416 : i32 to index
            %swap3A_432 = arith.constant 0 : index
            %swap3A_433 = tpu.vector_load %arg20[%swap3A_431, %swap3A_432] {strides = array<i32>} : memref<328x128xf32, #tpu.memory_space<vmem>>, vector<16xf32>,
            tpu.vector_store %arg20[%swap3A_431, %swap3A_432], %add3A_430 {strides = array<i32>} : memref<328x128xf32, #tpu.memory_space<vmem>>, vector<16xf32>,
            %get3A_434 = arith.index_cast %add3A_373 : i32 to index
            %get3A_435 = arith.constant 16 : index
            %get3A_436 = tpu.vector_load %arg18[%get3A_434, %get3A_435] {strides = array<i32>} : memref<48x128xf32, #tpu.memory_space<vmem>>, vector<16xf32>,
            %get3A_437 = arith.index_cast %min3A_416 : i32 to index
            %get3A_438 = arith.constant 16 : index
            %get3A_439 = tpu.vector_load %arg19[%get3A_437, %get3A_438] {strides = array<i32>} : memref<328x128xf32, #tpu.memory_space<vmem>>, vector<16xf32>,
            %max3A_440 = arith.maximumf %get3A_439, %get3A_436 : vector<16xf32>
            %swap3A_441 = arith.index_cast %min3A_416 : i32 to index
            %swap3A_442 = arith.constant 16 : index
            %swap3A_443 = tpu.vector_load %arg19[%swap3A_441, %swap3A_442] {strides = array<i32>} : memref<328x128xf32, #tpu.memory_space<vmem>>, vector<16xf32>,
            tpu.vector_store %arg19[%swap3A_441, %swap3A_442], %max3A_440 {strides = array<i32>} : memref<328x128xf32, #tpu.memory_space<vmem>>, vector<16xf32>,
            %get3A_444 = arith.index_cast %min3A_416 : i32 to index
            %get3A_445 = arith.constant 16 : index
            %get3A_446 = tpu.vector_load %arg20[%get3A_444, %get3A_445] {strides = array<i32>} : memref<328x128xf32, #tpu.memory_space<vmem>>, vector<16xf32>,
            %add3A_447 = arith.addf %get3A_446, %get3A_436 : vector<16xf32>
            %swap3A_448 = arith.index_cast %min3A_416 : i32 to index
            %swap3A_449 = arith.constant 16 : index
            %swap3A_450 = tpu.vector_load %arg20[%swap3A_448, %swap3A_449] {strides = array<i32>} : memref<328x128xf32, #tpu.memory_space<vmem>>, vector<16xf32>,
            tpu.vector_store %arg20[%swap3A_448, %swap3A_449], %add3A_447 {strides = array<i32>} : memref<328x128xf32, #tpu.memory_space<vmem>>, vector<16xf32>,
            %get3A_451 = arith.index_cast %add3A_373 : i32 to index
            %get3A_452 = arith.constant 32 : index
            %get3A_453 = tpu.vector_load %arg18[%get3A_451, %get3A_452] {strides = array<i32>} : memref<48x128xf32, #tpu.memory_space<vmem>>, vector<16xf32>,
            %get3A_454 = arith.index_cast %min3A_416 : i32 to index
            %get3A_455 = arith.constant 32 : index
            %get3A_456 = tpu.vector_load %arg19[%get3A_454, %get3A_455] {strides = array<i32>} : memref<328x128xf32, #tpu.memory_space<vmem>>, vector<16xf32>,
            %max3A_457 = arith.maximumf %get3A_456, %get3A_453 : vector<16xf32>
            %swap3A_458 = arith.index_cast %min3A_416 : i32 to index
            %swap3A_459 = arith.constant 32 : index
            %swap3A_460 = tpu.vector_load %arg19[%swap3A_458, %swap3A_459] {strides = array<i32>} : memref<328x128xf32, #tpu.memory_space<vmem>>, vector<16xf32>,
            tpu.vector_store %arg19[%swap3A_458, %swap3A_459], %max3A_457 {strides = array<i32>} : memref<328x128xf32, #tpu.memory_space<vmem>>, vector<16xf32>,
            %get3A_461 = arith.index_cast %min3A_416 : i32 to index
            %get3A_462 = arith.constant 32 : index
            %get3A_463 = tpu.vector_load %arg20[%get3A_461, %get3A_462] {strides = array<i32>} : memref<328x128xf32, #tpu.memory_space<vmem>>, vector<16xf32>,
            %add3A_464 = arith.addf %get3A_463, %get3A_453 : vector<16xf32>
            %swap3A_465 = arith.index_cast %min3A_416 : i32 to index
            %swap3A_466 = arith.constant 32 : index
            %swap3A_467 = tpu.vector_load %arg20[%swap3A_465, %swap3A_466] {strides = array<i32>} : memref<328x128xf32, #tpu.memory_space<vmem>>, vector<16xf32>,
            tpu.vector_store %arg20[%swap3A_465, %swap3A_466], %add3A_464 {strides = array<i32>} : memref<328x128xf32, #tpu.memory_space<vmem>>, vector<16xf32>,
            %get3A_468 = arith.index_cast %add3A_373 : i32 to index
            %get3A_469 = arith.constant 48 : index
            %get3A_470 = tpu.vector_load %arg18[%get3A_468, %get3A_469] {strides = array<i32>} : memref<48x128xf32, #tpu.memory_space<vmem>>, vector<16xf32>,
            %get3A_471 = arith.index_cast %min3A_416 : i32 to index
            %get3A_472 = arith.constant 48 : index
            %get3A_473 = tpu.vector_load %arg19[%get3A_471, %get3A_472] {strides = array<i32>} : memref<328x128xf32, #tpu.memory_space<vmem>>, vector<16xf32>,
            %max3A_474 = arith.maximumf %get3A_473, %get3A_470 : vector<16xf32>
            %swap3A_475 = arith.index_cast %min3A_416 : i32 to index
            %swap3A_476 = arith.constant 48 : index
            %swap3A_477 = tpu.vector_load %arg19[%swap3A_475, %swap3A_476] {strides = array<i32>} : memref<328x128xf32, #tpu.memory_space<vmem>>, vector<16xf32>,
            tpu.vector_store %arg19[%swap3A_475, %swap3A_476], %max3A_474 {strides = array<i32>} : memref<328x128xf32, #tpu.memory_space<vmem>>, vector<16xf32>,
            %get3A_478 = arith.index_cast %min3A_416 : i32 to index
            %get3A_479 = arith.constant 48 : index
            %get3A_480 = tpu.vector_load %arg20[%get3A_478, %get3A_479] {strides = array<i32>} : memref<328x128xf32, #tpu.memory_space<vmem>>, vector<16xf32>,
            %add3A_481 = arith.addf %get3A_480, %get3A_470 : vector<16xf32>
            %swap3A_482 = arith.index_cast %min3A_416 : i32 to index
            %swap3A_483 = arith.constant 48 : index
            %swap3A_484 = tpu.vector_load %arg20[%swap3A_482, %swap3A_483] {strides = array<i32>} : memref<328x128xf32, #tpu.memory_space<vmem>>, vector<16xf32>,
            tpu.vector_store %arg20[%swap3A_482, %swap3A_483], %add3A_481 {strides = array<i32>} : memref<328x128xf32, #tpu.memory_space<vmem>>, vector<16xf32>,
            %get3A_485 = arith.index_cast %add3A_373 : i32 to index
            %get3A_486 = arith.constant 64 : index
            %get3A_487 = tpu.vector_load %arg18[%get3A_485, %get3A_486] {strides = array<i32>} : memref<48x128xf32, #tpu.memory_space<vmem>>, vector<16xf32>,
            %get3A_488 = arith.index_cast %min3A_416 : i32 to index
            %get3A_489 = arith.constant 64 : index
            %get3A_490 = tpu.vector_load %arg19[%get3A_488, %get3A_489] {strides = array<i32>} : memref<328x128xf32, #tpu.memory_space<vmem>>, vector<16xf32>,
            %max3A_491 = arith.maximumf %get3A_490, %get3A_487 : vector<16xf32>
            %swap3A_492 = arith.index_cast %min3A_416 : i32 to index
            %swap3A_493 = arith.constant 64 : index
            %swap3A_494 = tpu.vector_load %arg19[%swap3A_492, %swap3A_493] {strides = array<i32>} : memref<328x128xf32, #tpu.memory_space<vmem>>, vector<16xf32>,
            tpu.vector_store %arg19[%swap3A_492, %swap3A_493], %max3A_491 {strides = array<i32>} : memref<328x128xf32, #tpu.memory_space<vmem>>, vector<16xf32>,
            %get3A_495 = arith.index_cast %min3A_416 : i32 to index
            %get3A_496 = arith.constant 64 : index
            %get3A_497 = tpu.vector_load %arg20[%get3A_495, %get3A_496] {strides = array<i32>} : memref<328x128xf32, #tpu.memory_space<vmem>>, vector<16xf32>,
            %add3A_498 = arith.addf %get3A_497, %get3A_487 : vector<16xf32>
            %swap3A_499 = arith.index_cast %min3A_416 : i32 to index
            %swap3A_500 = arith.constant 64 : index
            %swap3A_501 = tpu.vector_load %arg20[%swap3A_499, %swap3A_500] {strides = array<i32>} : memref<328x128xf32, #tpu.memory_space<vmem>>, vector<16xf32>,
            tpu.vector_store %arg20[%swap3A_499, %swap3A_500], %add3A_498 {strides = array<i32>} : memref<328x128xf32, #tpu.memory_space<vmem>>, vector<16xf32>,
            %get3A_502 = arith.index_cast %add3A_373 : i32 to index
            %get3A_503 = arith.constant 80 : index
            %get3A_504 = tpu.vector_load %arg18[%get3A_502, %get3A_503] {strides = array<i32>} : memref<48x128xf32, #tpu.memory_space<vmem>>, vector<16xf32>,
            %get3A_505 = arith.index_cast %min3A_416 : i32 to index
            %get3A_506 = arith.constant 80 : index
            %get3A_507 = tpu.vector_load %arg19[%get3A_505, %get3A_506] {strides = array<i32>} : memref<328x128xf32, #tpu.memory_space<vmem>>, vector<16xf32>,
            %max3A_508 = arith.maximumf %get3A_507, %get3A_504 : vector<16xf32>
            %swap3A_509 = arith.index_cast %min3A_416 : i32 to index
            %swap3A_510 = arith.constant 80 : index
            %swap3A_511 = tpu.vector_load %arg19[%swap3A_509, %swap3A_510] {strides = array<i32>} : memref<328x128xf32, #tpu.memory_space<vmem>>, vector<16xf32>,
            tpu.vector_store %arg19[%swap3A_509, %swap3A_510], %max3A_508 {strides = array<i32>} : memref<328x128xf32, #tpu.memory_space<vmem>>, vector<16xf32>,
            %get3A_512 = arith.index_cast %min3A_416 : i32 to index
            %get3A_513 = arith.constant 80 : index
            %get3A_514 = tpu.vector_load %arg20[%get3A_512, %get3A_513] {strides = array<i32>} : memref<328x128xf32, #tpu.memory_space<vmem>>, vector<16xf32>,
            %add3A_515 = arith.addf %get3A_514, %get3A_504 : vector<16xf32>
            %swap3A_516 = arith.index_cast %min3A_416 : i32 to index
            %swap3A_517 = arith.constant 80 : index
            %swap3A_518 = tpu.vector_load %arg20[%swap3A_516, %swap3A_517] {strides = array<i32>} : memref<328x128xf32, #tpu.memory_space<vmem>>, vector<16xf32>,
            tpu.vector_store %arg20[%swap3A_516, %swap3A_517], %add3A_515 {strides = array<i32>} : memref<328x128xf32, #tpu.memory_space<vmem>>, vector<16xf32>,
            %get3A_519 = arith.index_cast %add3A_373 : i32 to index
            %get3A_520 = arith.constant 96 : index
            %get3A_521 = tpu.vector_load %arg18[%get3A_519, %get3A_520] {strides = array<i32>} : memref<48x128xf32, #tpu.memory_space<vmem>>, vector<16xf32>,
            %get3A_522 = arith.index_cast %min3A_416 : i32 to index
            %get3A_523 = arith.constant 96 : index
            %get3A_524 = tpu.vector_load %arg19[%get3A_522, %get3A_523] {strides = array<i32>} : memref<328x128xf32, #tpu.memory_space<vmem>>, vector<16xf32>,
            %max3A_525 = arith.maximumf %get3A_524, %get3A_521 : vector<16xf32>
            %swap3A_526 = arith.index_cast %min3A_416 : i32 to index
            %swap3A_527 = arith.constant 96 : index
            %swap3A_528 = tpu.vector_load %arg19[%swap3A_526, %swap3A_527] {strides = array<i32>} : memref<328x128xf32, #tpu.memory_space<vmem>>, vector<16xf32>,
            tpu.vector_store %arg19[%swap3A_526, %swap3A_527], %max3A_525 {strides = array<i32>} : memref<328x128xf32, #tpu.memory_space<vmem>>, vector<16xf32>,
            %get3A_529 = arith.index_cast %min3A_416 : i32 to index
            %get3A_530 = arith.constant 96 : index
            %get3A_531 = tpu.vector_load %arg20[%get3A_529, %get3A_530] {strides = array<i32>} : memref<328x128xf32, #tpu.memory_space<vmem>>, vector<16xf32>,
            %add3A_532 = arith.addf %get3A_531, %get3A_521 : vector<16xf32>
            %swap3A_533 = arith.index_cast %min3A_416 : i32 to index
            %swap3A_534 = arith.constant 96 : index
            %swap3A_535 = tpu.vector_load %arg20[%swap3A_533, %swap3A_534] {strides = array<i32>} : memref<328x128xf32, #tpu.memory_space<vmem>>, vector<16xf32>,
            tpu.vector_store %arg20[%swap3A_533, %swap3A_534], %add3A_532 {strides = array<i32>} : memref<328x128xf32, #tpu.memory_space<vmem>>, vector<16xf32>,
            %get3A_536 = arith.index_cast %add3A_373 : i32 to index
            %get3A_537 = arith.constant 112 : index
            %get3A_538 = tpu.vector_load %arg18[%get3A_536, %get3A_537] {strides = array<i32>} : memref<48x128xf32, #tpu.memory_space<vmem>>, vector<16xf32>,
            %get3A_539 = arith.index_cast %min3A_416 : i32 to index
            %get3A_540 = arith.constant 112 : index
            %get3A_541 = tpu.vector_load %arg19[%get3A_539, %get3A_540] {strides = array<i32>} : memref<328x128xf32, #tpu.memory_space<vmem>>, vector<16xf32>,
            %max3A_542 = arith.maximumf %get3A_541, %get3A_538 : vector<16xf32>
            %swap3A_543 = arith.index_cast %min3A_416 : i32 to index
            %swap3A_544 = arith.constant 112 : index
            %swap3A_545 = tpu.vector_load %arg19[%swap3A_543, %swap3A_544] {strides = array<i32>} : memref<328x128xf32, #tpu.memory_space<vmem>>, vector<16xf32>,
            tpu.vector_store %arg19[%swap3A_543, %swap3A_544], %max3A_542 {strides = array<i32>} : memref<328x128xf32, #tpu.memory_space<vmem>>, vector<16xf32>,
            %get3A_546 = arith.index_cast %min3A_416 : i32 to index
            %get3A_547 = arith.constant 112 : index
            %get3A_548 = tpu.vector_load %arg20[%get3A_546, %get3A_547] {strides = array<i32>} : memref<328x128xf32, #tpu.memory_space<vmem>>, vector<16xf32>,
            %add3A_549 = arith.addf %get3A_548, %get3A_538 : vector<16xf32>
            %swap3A_550 = arith.index_cast %min3A_416 : i32 to index
            %swap3A_551 = arith.constant 112 : index
            %swap3A_552 = tpu.vector_load %arg20[%swap3A_550, %swap3A_551] {strides = array<i32>} : memref<328x128xf32, #tpu.memory_space<vmem>>, vector<16xf32>,
            tpu.vector_store %arg20[%swap3A_550, %swap3A_551], %add3A_549 {strides = array<i32>} : memref<328x128xf32, #tpu.memory_space<vmem>>, vector<16xf32>,
          }
          %scan3A_187 = arith.constant 48 : i32
        } else {
        }
      }
      %while3A_156 = arith.constant 1 : i32
      scf.for %while3A_157 = %while3A_154 to %while3A_150 step %while3A_156  : i32 {
        %mul3A_158 = arith.constant 2 : i32
        %mul3A_159 = arith.muli %mul3A_158, %while3A_157 : i32
        %add3A_160 = arith.constant 0 : i32
        %add3A_161 = arith.addi %mul3A_159, %add3A_160 : i32
        %lt3A_162 = arith.cmpi slt, %add3A_161, %select_n3A : i32
        %convert_element_type3A_163 = arith.extui %lt3A_162 : i1 to i32
        %cond3A_164 = arith.constant 0 : i32
        %cond3A_165 = arith.cmpi ne, %convert_element_type3A_163, %cond3A_164 : i32
        scf.if %cond3A_165 {
          %dma_wait3A_174 = arith.constant 0 : i32
          %dma_wait3A_175 = arith.constant 0 : i32
          %dma_wait3A_176 = tpu.memref_slice %arg3[%dma_wait3A_174, %dma_wait3A_175] : memref<10000x128xf32, #tpu.memory_space<hbm>> -> memref<10000x128xf32, #tpu.memory_space<hbm>>
          tpu.wait_indirect_dma semaphore(%arg23 : memref<!tpu.dma_semaphore, #tpu.memory_space<semaphore_mem>>) src(%dma_wait3A_176 : memref<10000x128xf32, #tpu.memory_space<hbm>>) dst(%arg17 : memref<48x128xf32, #tpu.memory_space<vmem>>)
          %add3A_177 = arith.constant 1 : i32
          %add3A_178 = arith.addi %add3A_161, %add3A_177 : i32
          %lt3A_179 = arith.cmpi slt, %add3A_178, %select_n3A : i32
          %convert_element_type3A_180 = arith.extui %lt3A_179 : i1 to i32
          %cond3A_181 = arith.constant 0 : i32
          %cond3A_182 = arith.cmpi ne, %convert_element_type3A_180, %cond3A_181 : i32
          scf.if %cond3A_182 {
            %add3A_188 = arith.constant 1 : i32
            %add3A_189 = arith.addi %add3A_161, %add3A_188 : i32
            %mul3A_190 = arith.constant 48 : i32
            %mul3A_191 = arith.muli %add3A_189, %mul3A_190 : i32
            %add3A_192 = arith.constant 0 : i32
            %add3A_193 = arith.addi %mul3A_191, %add3A_192 : i32
            %get3A = arith.index_cast %add3A_193 : i32 to index
            %get3A_194 = tpu.vector_load %arg13[%get3A] {strides = array<i32>} : memref<3296xi32, #tpu.memory_space<vmem>>, vector<16xi32>,
            %swap3A_195 = arith.constant 0 : index
            %swap3A_196 = tpu.vector_load %arg16[%swap3A_195] {strides = array<i32>} : memref<48xi32, #tpu.memory_space<vmem>>, vector<16xi32>,
            tpu.vector_store %arg16[%swap3A_195], %get3A_194 {strides = array<i32>} : memref<48xi32, #tpu.memory_space<vmem>>, vector<16xi32>,
            %add3A_197 = arith.constant 16 : i32
            %add3A_198 = arith.addi %mul3A_191, %add3A_197 : i32
            %get3A_199 = arith.index_cast %add3A_198 : i32 to index
            %get3A_200 = tpu.vector_load %arg13[%get3A_199] {strides = array<i32>} : memref<3296xi32, #tpu.memory_space<vmem>>, vector<16xi32>,
            %swap3A_201 = arith.constant 16 : index
            %swap3A_202 = tpu.vector_load %arg16[%swap3A_201] {strides = array<i32>} : memref<48xi32, #tpu.memory_space<vmem>>, vector<16xi32>,
            tpu.vector_store %arg16[%swap3A_201], %get3A_200 {strides = array<i32>} : memref<48xi32, #tpu.memory_space<vmem>>, vector<16xi32>,
            %add3A_203 = arith.constant 32 : i32
            %add3A_204 = arith.addi %mul3A_191, %add3A_203 : i32
            %get3A_205 = arith.index_cast %add3A_204 : i32 to index
            %get3A_206 = tpu.vector_load %arg13[%get3A_205] {strides = array<i32>} : memref<3296xi32, #tpu.memory_space<vmem>>, vector<16xi32>,
            %swap3A_207 = arith.constant 32 : index
            %swap3A_208 = tpu.vector_load %arg16[%swap3A_207] {strides = array<i32>} : memref<48xi32, #tpu.memory_space<vmem>>, vector<16xi32>,
            tpu.vector_store %arg16[%swap3A_207], %get3A_206 {strides = array<i32>} : memref<48xi32, #tpu.memory_space<vmem>>, vector<16xi32>,
            %dma_start3A_209 = arith.constant 0 : i32
            %dma_start3A_210 = arith.constant 0 : i32
            %dma_start3A_211 = tpu.memref_slice %arg3[%dma_start3A_209, %dma_start3A_210] : memref<10000x128xf32, #tpu.memory_space<hbm>> -> memref<10000x128xf32, #tpu.memory_space<hbm>>
            tpu.enqueue_indirect_dma source(%dma_start3A_211 : memref<10000x128xf32, #tpu.memory_space<hbm>>) target(%arg18 : memref<48x128xf32, #tpu.memory_space<vmem>>) offsets(%arg16 : memref<48xi32, #tpu.memory_space<vmem>>) semaphore(%arg24 : memref<!tpu.dma_semaphore, #tpu.memory_space<semaphore_mem>>)
          } else {
          }
          %scan3A_183 = arith.constant 0 : i32
          %scan3A_184 = arith.constant 48 : i32
          %scan3A_185 = arith.addi %scan3A_183, %scan3A_184 : i32
          %scan3A_186 = arith.constant 2 : i32
          scf.for %scan3A_188 = %scan3A_183 to %scan3A_185 step %scan3A_186  : i32 {
            %mul3A_189 = arith.constant 1 : i32
            %mul3A_190 = arith.muli %scan3A_188, %mul3A_189 : i32
            %add3A_191 = arith.constant 0 : i32
            %add3A_192 = arith.addi %add3A_191, %mul3A_190 : i32
            %jit3A_193 = arith.constant 16 : i32
            %div3A_194 = arith.divsi %add3A_192, %jit3A_193 : i32
            %sign3A_195 = arith.constant 0 : i32
            %sign3A_196 = arith.cmpi sgt, %add3A_192, %sign3A_195 : i32
            %sign3A_197 = arith.extui %sign3A_196 : i1 to i32
            %sign3A_198 = arith.constant 0 : i32
            %sign3A_199 = arith.cmpi slt, %add3A_192, %sign3A_198 : i32
            %sign3A_200 = arith.extui %sign3A_199 : i1 to i32
            %sign3A_201 = arith.subi %sign3A_197, %sign3A_200 : i32
            %sign3A_202 = arith.constant 0 : i32
            %sign3A_203 = arith.cmpi sgt, %jit3A_193, %sign3A_202 : i32
            %sign3A_204 = arith.extui %sign3A_203 : i1 to i32
            %sign3A_205 = arith.constant 0 : i32
            %sign3A_206 = arith.cmpi slt, %jit3A_193, %sign3A_205 : i32
            %sign3A_207 = arith.extui %sign3A_206 : i1 to i32
            %sign3A_208 = arith.subi %sign3A_204, %sign3A_207 : i32
            %ne3A_209 = arith.cmpi ne, %sign3A_201, %sign3A_208 : i32
            %rem3A_210 = arith.remsi %add3A_192, %jit3A_193 : i32
            %ne3A_211 = arith.constant 0 : i32
            %ne3A_212 = arith.cmpi ne, %rem3A_210, %ne3A_211 : i32
            %and3A_213 = arith.andi %ne3A_209, %ne3A_212 : i1
            %sub3A_214 = arith.constant 1 : i32
            %sub3A_215 = arith.subi %div3A_194, %sub3A_214 : i32
            %select_n3A_216 = arith.select %and3A_213, %sub3A_215, %div3A_194 : i32
            %mul3A_217 = arith.constant 16 : i32
            %mul3A_218 = arith.muli %select_n3A_216, %mul3A_217 : i32
            %mul3A_219 = arith.constant 48 : i32
            %mul3A_220 = arith.muli %add3A_161, %mul3A_219 : i32
            %add3A_221 = arith.addi %mul3A_220, %mul3A_218 : i32
            %get3A = arith.index_cast %add3A_221 : i32 to index
            %get3A_222 = tpu.vector_load %arg14[%get3A] {strides = array<i32>} : memref<3296xi32, #tpu.memory_space<vmem>>, vector<16xi32>,
            %sub3A_223 = arith.subi %add3A_192, %mul3A_218 : i32
            %eq3A = vector.broadcast %sub3A_223 : i32 to vector<16xi32>
            %eq3A_224 = arith.cmpi eq, %iota3A, %eq3A : vector<16xi32>
            %jit3A_225 = arith.constant 0 : i32
            %broadcast_in_dim3A_226 = vector.broadcast %jit3A_225 : i32 to vector<16xi32>
            %select_n3A_227 = arith.select %eq3A_224, %get3A_222, %broadcast_in_dim3A_226 : vector<16xi1>, vector<16xi32>
            %reduce_sum3A = arith.constant true
            %reduce_sum3A_228 = vector.broadcast %reduce_sum3A : i1 to vector<16xi1>
            %reduce_sum3A_229 = tpu.scan <sum>, %select_n3A_227 masked %reduce_sum3A_228 : vector<16xi32>, vector<16xi1> -> vector<16xi32>
            %reduce_sum3A_230 = vector.extract %reduce_sum3A_229[15] : i32 from vector<16xi32>
            %min3A_231 = arith.constant 327 : i32
            %min3A_232 = arith.minsi %reduce_sum3A_230, %min3A_231 : i32
            %get3A_233 = arith.index_cast %add3A_192 : i32 to index
            %get3A_234 = arith.constant 0 : index
            %get3A_235 = tpu.vector_load %arg17[%get3A_233, %get3A_234] {strides = array<i32>} : memref<48x128xf32, #tpu.memory_space<vmem>>, vector<16xf32>,
            %get3A_236 = arith.index_cast %min3A_232 : i32 to index
            %get3A_237 = arith.constant 0 : index
            %get3A_238 = tpu.vector_load %arg19[%get3A_236, %get3A_237] {strides = array<i32>} : memref<328x128xf32, #tpu.memory_space<vmem>>, vector<16xf32>,
            %max3A = arith.maximumf %get3A_238, %get3A_235 : vector<16xf32>
            %swap3A_239 = arith.index_cast %min3A_232 : i32 to index
            %swap3A_240 = arith.constant 0 : index
            %swap3A_241 = tpu.vector_load %arg19[%swap3A_239, %swap3A_240] {strides = array<i32>} : memref<328x128xf32, #tpu.memory_space<vmem>>, vector<16xf32>,
            tpu.vector_store %arg19[%swap3A_239, %swap3A_240], %max3A {strides = array<i32>} : memref<328x128xf32, #tpu.memory_space<vmem>>, vector<16xf32>,
            %get3A_242 = arith.index_cast %min3A_232 : i32 to index
            %get3A_243 = arith.constant 0 : index
            %get3A_244 = tpu.vector_load %arg20[%get3A_242, %get3A_243] {strides = array<i32>} : memref<328x128xf32, #tpu.memory_space<vmem>>, vector<16xf32>,
            %add3A_245 = arith.addf %get3A_244, %get3A_235 : vector<16xf32>
            %swap3A_246 = arith.index_cast %min3A_232 : i32 to index
            %swap3A_247 = arith.constant 0 : index
            %swap3A_248 = tpu.vector_load %arg20[%swap3A_246, %swap3A_247] {strides = array<i32>} : memref<328x128xf32, #tpu.memory_space<vmem>>, vector<16xf32>,
            tpu.vector_store %arg20[%swap3A_246, %swap3A_247], %add3A_245 {strides = array<i32>} : memref<328x128xf32, #tpu.memory_space<vmem>>, vector<16xf32>,
            %get3A_249 = arith.index_cast %add3A_192 : i32 to index
            %get3A_250 = arith.constant 16 : index
            %get3A_251 = tpu.vector_load %arg17[%get3A_249, %get3A_250] {strides = array<i32>} : memref<48x128xf32, #tpu.memory_space<vmem>>, vector<16xf32>,
            %get3A_252 = arith.index_cast %min3A_232 : i32 to index
            %get3A_253 = arith.constant 16 : index
            %get3A_254 = tpu.vector_load %arg19[%get3A_252, %get3A_253] {strides = array<i32>} : memref<328x128xf32, #tpu.memory_space<vmem>>, vector<16xf32>,
            %max3A_255 = arith.maximumf %get3A_254, %get3A_251 : vector<16xf32>
            %swap3A_256 = arith.index_cast %min3A_232 : i32 to index
            %swap3A_257 = arith.constant 16 : index
            %swap3A_258 = tpu.vector_load %arg19[%swap3A_256, %swap3A_257] {strides = array<i32>} : memref<328x128xf32, #tpu.memory_space<vmem>>, vector<16xf32>,
            tpu.vector_store %arg19[%swap3A_256, %swap3A_257], %max3A_255 {strides = array<i32>} : memref<328x128xf32, #tpu.memory_space<vmem>>, vector<16xf32>,
            %get3A_259 = arith.index_cast %min3A_232 : i32 to index
            %get3A_260 = arith.constant 16 : index
            %get3A_261 = tpu.vector_load %arg20[%get3A_259, %get3A_260] {strides = array<i32>} : memref<328x128xf32, #tpu.memory_space<vmem>>, vector<16xf32>,
            %add3A_262 = arith.addf %get3A_261, %get3A_251 : vector<16xf32>
            %swap3A_263 = arith.index_cast %min3A_232 : i32 to index
            %swap3A_264 = arith.constant 16 : index
            %swap3A_265 = tpu.vector_load %arg20[%swap3A_263, %swap3A_264] {strides = array<i32>} : memref<328x128xf32, #tpu.memory_space<vmem>>, vector<16xf32>,
            tpu.vector_store %arg20[%swap3A_263, %swap3A_264], %add3A_262 {strides = array<i32>} : memref<328x128xf32, #tpu.memory_space<vmem>>, vector<16xf32>,
            %get3A_266 = arith.index_cast %add3A_192 : i32 to index
            %get3A_267 = arith.constant 32 : index
            %get3A_268 = tpu.vector_load %arg17[%get3A_266, %get3A_267] {strides = array<i32>} : memref<48x128xf32, #tpu.memory_space<vmem>>, vector<16xf32>,
            %get3A_269 = arith.index_cast %min3A_232 : i32 to index
            %get3A_270 = arith.constant 32 : index
            %get3A_271 = tpu.vector_load %arg19[%get3A_269, %get3A_270] {strides = array<i32>} : memref<328x128xf32, #tpu.memory_space<vmem>>, vector<16xf32>,
            %max3A_272 = arith.maximumf %get3A_271, %get3A_268 : vector<16xf32>
            %swap3A_273 = arith.index_cast %min3A_232 : i32 to index
            %swap3A_274 = arith.constant 32 : index
            %swap3A_275 = tpu.vector_load %arg19[%swap3A_273, %swap3A_274] {strides = array<i32>} : memref<328x128xf32, #tpu.memory_space<vmem>>, vector<16xf32>,
            tpu.vector_store %arg19[%swap3A_273, %swap3A_274], %max3A_272 {strides = array<i32>} : memref<328x128xf32, #tpu.memory_space<vmem>>, vector<16xf32>,
            %get3A_276 = arith.index_cast %min3A_232 : i32 to index
            %get3A_277 = arith.constant 32 : index
            %get3A_278 = tpu.vector_load %arg20[%get3A_276, %get3A_277] {strides = array<i32>} : memref<328x128xf32, #tpu.memory_space<vmem>>, vector<16xf32>,
            %add3A_279 = arith.addf %get3A_278, %get3A_268 : vector<16xf32>
            %swap3A_280 = arith.index_cast %min3A_232 : i32 to index
            %swap3A_281 = arith.constant 32 : index
            %swap3A_282 = tpu.vector_load %arg20[%swap3A_280, %swap3A_281] {strides = array<i32>} : memref<328x128xf32, #tpu.memory_space<vmem>>, vector<16xf32>,
            tpu.vector_store %arg20[%swap3A_280, %swap3A_281], %add3A_279 {strides = array<i32>} : memref<328x128xf32, #tpu.memory_space<vmem>>, vector<16xf32>,
            %get3A_283 = arith.index_cast %add3A_192 : i32 to index
            %get3A_284 = arith.constant 48 : index
            %get3A_285 = tpu.vector_load %arg17[%get3A_283, %get3A_284] {strides = array<i32>} : memref<48x128xf32, #tpu.memory_space<vmem>>, vector<16xf32>,
            %get3A_286 = arith.index_cast %min3A_232 : i32 to index
            %get3A_287 = arith.constant 48 : index
            %get3A_288 = tpu.vector_load %arg19[%get3A_286, %get3A_287] {strides = array<i32>} : memref<328x128xf32, #tpu.memory_space<vmem>>, vector<16xf32>,
            %max3A_289 = arith.maximumf %get3A_288, %get3A_285 : vector<16xf32>
            %swap3A_290 = arith.index_cast %min3A_232 : i32 to index
            %swap3A_291 = arith.constant 48 : index
            %swap3A_292 = tpu.vector_load %arg19[%swap3A_290, %swap3A_291] {strides = array<i32>} : memref<328x128xf32, #tpu.memory_space<vmem>>, vector<16xf32>,
            tpu.vector_store %arg19[%swap3A_290, %swap3A_291], %max3A_289 {strides = array<i32>} : memref<328x128xf32, #tpu.memory_space<vmem>>, vector<16xf32>,
            %get3A_293 = arith.index_cast %min3A_232 : i32 to index
            %get3A_294 = arith.constant 48 : index
            %get3A_295 = tpu.vector_load %arg20[%get3A_293, %get3A_294] {strides = array<i32>} : memref<328x128xf32, #tpu.memory_space<vmem>>, vector<16xf32>,
            %add3A_296 = arith.addf %get3A_295, %get3A_285 : vector<16xf32>
            %swap3A_297 = arith.index_cast %min3A_232 : i32 to index
            %swap3A_298 = arith.constant 48 : index
            %swap3A_299 = tpu.vector_load %arg20[%swap3A_297, %swap3A_298] {strides = array<i32>} : memref<328x128xf32, #tpu.memory_space<vmem>>, vector<16xf32>,
            tpu.vector_store %arg20[%swap3A_297, %swap3A_298], %add3A_296 {strides = array<i32>} : memref<328x128xf32, #tpu.memory_space<vmem>>, vector<16xf32>,
            %get3A_300 = arith.index_cast %add3A_192 : i32 to index
            %get3A_301 = arith.constant 64 : index
            %get3A_302 = tpu.vector_load %arg17[%get3A_300, %get3A_301] {strides = array<i32>} : memref<48x128xf32, #tpu.memory_space<vmem>>, vector<16xf32>,
            %get3A_303 = arith.index_cast %min3A_232 : i32 to index
            %get3A_304 = arith.constant 64 : index
            %get3A_305 = tpu.vector_load %arg19[%get3A_303, %get3A_304] {strides = array<i32>} : memref<328x128xf32, #tpu.memory_space<vmem>>, vector<16xf32>,
            %max3A_306 = arith.maximumf %get3A_305, %get3A_302 : vector<16xf32>
            %swap3A_307 = arith.index_cast %min3A_232 : i32 to index
            %swap3A_308 = arith.constant 64 : index
            %swap3A_309 = tpu.vector_load %arg19[%swap3A_307, %swap3A_308] {strides = array<i32>} : memref<328x128xf32, #tpu.memory_space<vmem>>, vector<16xf32>,
            tpu.vector_store %arg19[%swap3A_307, %swap3A_308], %max3A_306 {strides = array<i32>} : memref<328x128xf32, #tpu.memory_space<vmem>>, vector<16xf32>,
            %get3A_310 = arith.index_cast %min3A_232 : i32 to index
            %get3A_311 = arith.constant 64 : index
            %get3A_312 = tpu.vector_load %arg20[%get3A_310, %get3A_311] {strides = array<i32>} : memref<328x128xf32, #tpu.memory_space<vmem>>, vector<16xf32>,
            %add3A_313 = arith.addf %get3A_312, %get3A_302 : vector<16xf32>
            %swap3A_314 = arith.index_cast %min3A_232 : i32 to index
            %swap3A_315 = arith.constant 64 : index
            %swap3A_316 = tpu.vector_load %arg20[%swap3A_314, %swap3A_315] {strides = array<i32>} : memref<328x128xf32, #tpu.memory_space<vmem>>, vector<16xf32>,
            tpu.vector_store %arg20[%swap3A_314, %swap3A_315], %add3A_313 {strides = array<i32>} : memref<328x128xf32, #tpu.memory_space<vmem>>, vector<16xf32>,
            %get3A_317 = arith.index_cast %add3A_192 : i32 to index
            %get3A_318 = arith.constant 80 : index
            %get3A_319 = tpu.vector_load %arg17[%get3A_317, %get3A_318] {strides = array<i32>} : memref<48x128xf32, #tpu.memory_space<vmem>>, vector<16xf32>,
            %get3A_320 = arith.index_cast %min3A_232 : i32 to index
            %get3A_321 = arith.constant 80 : index
            %get3A_322 = tpu.vector_load %arg19[%get3A_320, %get3A_321] {strides = array<i32>} : memref<328x128xf32, #tpu.memory_space<vmem>>, vector<16xf32>,
            %max3A_323 = arith.maximumf %get3A_322, %get3A_319 : vector<16xf32>
            %swap3A_324 = arith.index_cast %min3A_232 : i32 to index
            %swap3A_325 = arith.constant 80 : index
            %swap3A_326 = tpu.vector_load %arg19[%swap3A_324, %swap3A_325] {strides = array<i32>} : memref<328x128xf32, #tpu.memory_space<vmem>>, vector<16xf32>,
            tpu.vector_store %arg19[%swap3A_324, %swap3A_325], %max3A_323 {strides = array<i32>} : memref<328x128xf32, #tpu.memory_space<vmem>>, vector<16xf32>,
            %get3A_327 = arith.index_cast %min3A_232 : i32 to index
            %get3A_328 = arith.constant 80 : index
            %get3A_329 = tpu.vector_load %arg20[%get3A_327, %get3A_328] {strides = array<i32>} : memref<328x128xf32, #tpu.memory_space<vmem>>, vector<16xf32>,
            %add3A_330 = arith.addf %get3A_329, %get3A_319 : vector<16xf32>
            %swap3A_331 = arith.index_cast %min3A_232 : i32 to index
            %swap3A_332 = arith.constant 80 : index
            %swap3A_333 = tpu.vector_load %arg20[%swap3A_331, %swap3A_332] {strides = array<i32>} : memref<328x128xf32, #tpu.memory_space<vmem>>, vector<16xf32>,
            tpu.vector_store %arg20[%swap3A_331, %swap3A_332], %add3A_330 {strides = array<i32>} : memref<328x128xf32, #tpu.memory_space<vmem>>, vector<16xf32>,
            %get3A_334 = arith.index_cast %add3A_192 : i32 to index
            %get3A_335 = arith.constant 96 : index
            %get3A_336 = tpu.vector_load %arg17[%get3A_334, %get3A_335] {strides = array<i32>} : memref<48x128xf32, #tpu.memory_space<vmem>>, vector<16xf32>,
            %get3A_337 = arith.index_cast %min3A_232 : i32 to index
            %get3A_338 = arith.constant 96 : index
            %get3A_339 = tpu.vector_load %arg19[%get3A_337, %get3A_338] {strides = array<i32>} : memref<328x128xf32, #tpu.memory_space<vmem>>, vector<16xf32>,
            %max3A_340 = arith.maximumf %get3A_339, %get3A_336 : vector<16xf32>
            %swap3A_341 = arith.index_cast %min3A_232 : i32 to index
            %swap3A_342 = arith.constant 96 : index
            %swap3A_343 = tpu.vector_load %arg19[%swap3A_341, %swap3A_342] {strides = array<i32>} : memref<328x128xf32, #tpu.memory_space<vmem>>, vector<16xf32>,
            tpu.vector_store %arg19[%swap3A_341, %swap3A_342], %max3A_340 {strides = array<i32>} : memref<328x128xf32, #tpu.memory_space<vmem>>, vector<16xf32>,
            %get3A_344 = arith.index_cast %min3A_232 : i32 to index
            %get3A_345 = arith.constant 96 : index
            %get3A_346 = tpu.vector_load %arg20[%get3A_344, %get3A_345] {strides = array<i32>} : memref<328x128xf32, #tpu.memory_space<vmem>>, vector<16xf32>,
            %add3A_347 = arith.addf %get3A_346, %get3A_336 : vector<16xf32>
            %swap3A_348 = arith.index_cast %min3A_232 : i32 to index
            %swap3A_349 = arith.constant 96 : index
            %swap3A_350 = tpu.vector_load %arg20[%swap3A_348, %swap3A_349] {strides = array<i32>} : memref<328x128xf32, #tpu.memory_space<vmem>>, vector<16xf32>,
            tpu.vector_store %arg20[%swap3A_348, %swap3A_349], %add3A_347 {strides = array<i32>} : memref<328x128xf32, #tpu.memory_space<vmem>>, vector<16xf32>,
            %get3A_351 = arith.index_cast %add3A_192 : i32 to index
            %get3A_352 = arith.constant 112 : index
            %get3A_353 = tpu.vector_load %arg17[%get3A_351, %get3A_352] {strides = array<i32>} : memref<48x128xf32, #tpu.memory_space<vmem>>, vector<16xf32>,
            %get3A_354 = arith.index_cast %min3A_232 : i32 to index
            %get3A_355 = arith.constant 112 : index
            %get3A_356 = tpu.vector_load %arg19[%get3A_354, %get3A_355] {strides = array<i32>} : memref<328x128xf32, #tpu.memory_space<vmem>>, vector<16xf32>,
            %max3A_357 = arith.maximumf %get3A_356, %get3A_353 : vector<16xf32>
            %swap3A_358 = arith.index_cast %min3A_232 : i32 to index
            %swap3A_359 = arith.constant 112 : index
            %swap3A_360 = tpu.vector_load %arg19[%swap3A_358, %swap3A_359] {strides = array<i32>} : memref<328x128xf32, #tpu.memory_space<vmem>>, vector<16xf32>,
            tpu.vector_store %arg19[%swap3A_358, %swap3A_359], %max3A_357 {strides = array<i32>} : memref<328x128xf32, #tpu.memory_space<vmem>>, vector<16xf32>,
            %get3A_361 = arith.index_cast %min3A_232 : i32 to index
            %get3A_362 = arith.constant 112 : index
            %get3A_363 = tpu.vector_load %arg20[%get3A_361, %get3A_362] {strides = array<i32>} : memref<328x128xf32, #tpu.memory_space<vmem>>, vector<16xf32>,
            %add3A_364 = arith.addf %get3A_363, %get3A_353 : vector<16xf32>
            %swap3A_365 = arith.index_cast %min3A_232 : i32 to index
            %swap3A_366 = arith.constant 112 : index
            %swap3A_367 = tpu.vector_load %arg20[%swap3A_365, %swap3A_366] {strides = array<i32>} : memref<328x128xf32, #tpu.memory_space<vmem>>, vector<16xf32>,
            tpu.vector_store %arg20[%swap3A_365, %swap3A_366], %add3A_364 {strides = array<i32>} : memref<328x128xf32, #tpu.memory_space<vmem>>, vector<16xf32>,
            %scan3A_368 = arith.constant 1 : i32
            %scan3A_369 = arith.addi %scan3A_188, %scan3A_368 : i32
            %mul3A_370 = arith.constant 1 : i32
            %mul3A_371 = arith.muli %scan3A_369, %mul3A_370 : i32
            %add3A_372 = arith.constant 0 : i32
            %add3A_373 = arith.addi %add3A_372, %mul3A_371 : i32
            %jit3A_374 = arith.constant 16 : i32
            %div3A_375 = arith.divsi %add3A_373, %jit3A_374 : i32
            %sign3A_376 = arith.constant 0 : i32
            %sign3A_377 = arith.cmpi sgt, %add3A_373, %sign3A_376 : i32
            %sign3A_378 = arith.extui %sign3A_377 : i1 to i32
            %sign3A_379 = arith.constant 0 : i32
            %sign3A_380 = arith.cmpi slt, %add3A_373, %sign3A_379 : i32
            %sign3A_381 = arith.extui %sign3A_380 : i1 to i32
            %sign3A_382 = arith.subi %sign3A_378, %sign3A_381 : i32
            %sign3A_383 = arith.constant 0 : i32
            %sign3A_384 = arith.cmpi sgt, %jit3A_374, %sign3A_383 : i32
            %sign3A_385 = arith.extui %sign3A_384 : i1 to i32
            %sign3A_386 = arith.constant 0 : i32
            %sign3A_387 = arith.cmpi slt, %jit3A_374, %sign3A_386 : i32
            %sign3A_388 = arith.extui %sign3A_387 : i1 to i32
            %sign3A_389 = arith.subi %sign3A_385, %sign3A_388 : i32
            %ne3A_390 = arith.cmpi ne, %sign3A_382, %sign3A_389 : i32
            %rem3A_391 = arith.remsi %add3A_373, %jit3A_374 : i32
            %ne3A_392 = arith.constant 0 : i32
            %ne3A_393 = arith.cmpi ne, %rem3A_391, %ne3A_392 : i32
            %and3A_394 = arith.andi %ne3A_390, %ne3A_393 : i1
            %sub3A_395 = arith.constant 1 : i32
            %sub3A_396 = arith.subi %div3A_375, %sub3A_395 : i32
            %select_n3A_397 = arith.select %and3A_394, %sub3A_396, %div3A_375 : i32
            %mul3A_398 = arith.constant 16 : i32
            %mul3A_399 = arith.muli %select_n3A_397, %mul3A_398 : i32
            %mul3A_400 = arith.constant 48 : i32
            %mul3A_401 = arith.muli %add3A_161, %mul3A_400 : i32
            %add3A_402 = arith.addi %mul3A_401, %mul3A_399 : i32
            %get3A_403 = arith.index_cast %add3A_402 : i32 to index
            %get3A_404 = tpu.vector_load %arg14[%get3A_403] {strides = array<i32>} : memref<3296xi32, #tpu.memory_space<vmem>>, vector<16xi32>,
            %sub3A_405 = arith.subi %add3A_373, %mul3A_399 : i32
            %eq3A_406 = vector.broadcast %sub3A_405 : i32 to vector<16xi32>
            %eq3A_407 = arith.cmpi eq, %iota3A, %eq3A_406 : vector<16xi32>
            %jit3A_408 = arith.constant 0 : i32
            %broadcast_in_dim3A_409 = vector.broadcast %jit3A_408 : i32 to vector<16xi32>
            %select_n3A_410 = arith.select %eq3A_407, %get3A_404, %broadcast_in_dim3A_409 : vector<16xi1>, vector<16xi32>
            %reduce_sum3A_411 = arith.constant true
            %reduce_sum3A_412 = vector.broadcast %reduce_sum3A_411 : i1 to vector<16xi1>
            %reduce_sum3A_413 = tpu.scan <sum>, %select_n3A_410 masked %reduce_sum3A_412 : vector<16xi32>, vector<16xi1> -> vector<16xi32>
            %reduce_sum3A_414 = vector.extract %reduce_sum3A_413[15] : i32 from vector<16xi32>
            %min3A_415 = arith.constant 327 : i32
            %min3A_416 = arith.minsi %reduce_sum3A_414, %min3A_415 : i32
            %get3A_417 = arith.index_cast %add3A_373 : i32 to index
            %get3A_418 = arith.constant 0 : index
            %get3A_419 = tpu.vector_load %arg17[%get3A_417, %get3A_418] {strides = array<i32>} : memref<48x128xf32, #tpu.memory_space<vmem>>, vector<16xf32>,
            %get3A_420 = arith.index_cast %min3A_416 : i32 to index
            %get3A_421 = arith.constant 0 : index
            %get3A_422 = tpu.vector_load %arg19[%get3A_420, %get3A_421] {strides = array<i32>} : memref<328x128xf32, #tpu.memory_space<vmem>>, vector<16xf32>,
            %max3A_423 = arith.maximumf %get3A_422, %get3A_419 : vector<16xf32>
            %swap3A_424 = arith.index_cast %min3A_416 : i32 to index
            %swap3A_425 = arith.constant 0 : index
            %swap3A_426 = tpu.vector_load %arg19[%swap3A_424, %swap3A_425] {strides = array<i32>} : memref<328x128xf32, #tpu.memory_space<vmem>>, vector<16xf32>,
            tpu.vector_store %arg19[%swap3A_424, %swap3A_425], %max3A_423 {strides = array<i32>} : memref<328x128xf32, #tpu.memory_space<vmem>>, vector<16xf32>,
            %get3A_427 = arith.index_cast %min3A_416 : i32 to index
            %get3A_428 = arith.constant 0 : index
            %get3A_429 = tpu.vector_load %arg20[%get3A_427, %get3A_428] {strides = array<i32>} : memref<328x128xf32, #tpu.memory_space<vmem>>, vector<16xf32>,
            %add3A_430 = arith.addf %get3A_429, %get3A_419 : vector<16xf32>
            %swap3A_431 = arith.index_cast %min3A_416 : i32 to index
            %swap3A_432 = arith.constant 0 : index
            %swap3A_433 = tpu.vector_load %arg20[%swap3A_431, %swap3A_432] {strides = array<i32>} : memref<328x128xf32, #tpu.memory_space<vmem>>, vector<16xf32>,
            tpu.vector_store %arg20[%swap3A_431, %swap3A_432], %add3A_430 {strides = array<i32>} : memref<328x128xf32, #tpu.memory_space<vmem>>, vector<16xf32>,
            %get3A_434 = arith.index_cast %add3A_373 : i32 to index
            %get3A_435 = arith.constant 16 : index
            %get3A_436 = tpu.vector_load %arg17[%get3A_434, %get3A_435] {strides = array<i32>} : memref<48x128xf32, #tpu.memory_space<vmem>>, vector<16xf32>,
            %get3A_437 = arith.index_cast %min3A_416 : i32 to index
            %get3A_438 = arith.constant 16 : index
            %get3A_439 = tpu.vector_load %arg19[%get3A_437, %get3A_438] {strides = array<i32>} : memref<328x128xf32, #tpu.memory_space<vmem>>, vector<16xf32>,
            %max3A_440 = arith.maximumf %get3A_439, %get3A_436 : vector<16xf32>
            %swap3A_441 = arith.index_cast %min3A_416 : i32 to index
            %swap3A_442 = arith.constant 16 : index
            %swap3A_443 = tpu.vector_load %arg19[%swap3A_441, %swap3A_442] {strides = array<i32>} : memref<328x128xf32, #tpu.memory_space<vmem>>, vector<16xf32>,
            tpu.vector_store %arg19[%swap3A_441, %swap3A_442], %max3A_440 {strides = array<i32>} : memref<328x128xf32, #tpu.memory_space<vmem>>, vector<16xf32>,
            %get3A_444 = arith.index_cast %min3A_416 : i32 to index
            %get3A_445 = arith.constant 16 : index
            %get3A_446 = tpu.vector_load %arg20[%get3A_444, %get3A_445] {strides = array<i32>} : memref<328x128xf32, #tpu.memory_space<vmem>>, vector<16xf32>,
            %add3A_447 = arith.addf %get3A_446, %get3A_436 : vector<16xf32>
            %swap3A_448 = arith.index_cast %min3A_416 : i32 to index
            %swap3A_449 = arith.constant 16 : index
            %swap3A_450 = tpu.vector_load %arg20[%swap3A_448, %swap3A_449] {strides = array<i32>} : memref<328x128xf32, #tpu.memory_space<vmem>>, vector<16xf32>,
            tpu.vector_store %arg20[%swap3A_448, %swap3A_449], %add3A_447 {strides = array<i32>} : memref<328x128xf32, #tpu.memory_space<vmem>>, vector<16xf32>,
            %get3A_451 = arith.index_cast %add3A_373 : i32 to index
            %get3A_452 = arith.constant 32 : index
            %get3A_453 = tpu.vector_load %arg17[%get3A_451, %get3A_452] {strides = array<i32>} : memref<48x128xf32, #tpu.memory_space<vmem>>, vector<16xf32>,
            %get3A_454 = arith.index_cast %min3A_416 : i32 to index
            %get3A_455 = arith.constant 32 : index
            %get3A_456 = tpu.vector_load %arg19[%get3A_454, %get3A_455] {strides = array<i32>} : memref<328x128xf32, #tpu.memory_space<vmem>>, vector<16xf32>,
            %max3A_457 = arith.maximumf %get3A_456, %get3A_453 : vector<16xf32>
            %swap3A_458 = arith.index_cast %min3A_416 : i32 to index
            %swap3A_459 = arith.constant 32 : index
            %swap3A_460 = tpu.vector_load %arg19[%swap3A_458, %swap3A_459] {strides = array<i32>} : memref<328x128xf32, #tpu.memory_space<vmem>>, vector<16xf32>,
            tpu.vector_store %arg19[%swap3A_458, %swap3A_459], %max3A_457 {strides = array<i32>} : memref<328x128xf32, #tpu.memory_space<vmem>>, vector<16xf32>,
            %get3A_461 = arith.index_cast %min3A_416 : i32 to index
            %get3A_462 = arith.constant 32 : index
            %get3A_463 = tpu.vector_load %arg20[%get3A_461, %get3A_462] {strides = array<i32>} : memref<328x128xf32, #tpu.memory_space<vmem>>, vector<16xf32>,
            %add3A_464 = arith.addf %get3A_463, %get3A_453 : vector<16xf32>
            %swap3A_465 = arith.index_cast %min3A_416 : i32 to index
            %swap3A_466 = arith.constant 32 : index
            %swap3A_467 = tpu.vector_load %arg20[%swap3A_465, %swap3A_466] {strides = array<i32>} : memref<328x128xf32, #tpu.memory_space<vmem>>, vector<16xf32>,
            tpu.vector_store %arg20[%swap3A_465, %swap3A_466], %add3A_464 {strides = array<i32>} : memref<328x128xf32, #tpu.memory_space<vmem>>, vector<16xf32>,
            %get3A_468 = arith.index_cast %add3A_373 : i32 to index
            %get3A_469 = arith.constant 48 : index
            %get3A_470 = tpu.vector_load %arg17[%get3A_468, %get3A_469] {strides = array<i32>} : memref<48x128xf32, #tpu.memory_space<vmem>>, vector<16xf32>,
            %get3A_471 = arith.index_cast %min3A_416 : i32 to index
            %get3A_472 = arith.constant 48 : index
            %get3A_473 = tpu.vector_load %arg19[%get3A_471, %get3A_472] {strides = array<i32>} : memref<328x128xf32, #tpu.memory_space<vmem>>, vector<16xf32>,
            %max3A_474 = arith.maximumf %get3A_473, %get3A_470 : vector<16xf32>
            %swap3A_475 = arith.index_cast %min3A_416 : i32 to index
            %swap3A_476 = arith.constant 48 : index
            %swap3A_477 = tpu.vector_load %arg19[%swap3A_475, %swap3A_476] {strides = array<i32>} : memref<328x128xf32, #tpu.memory_space<vmem>>, vector<16xf32>,
            tpu.vector_store %arg19[%swap3A_475, %swap3A_476], %max3A_474 {strides = array<i32>} : memref<328x128xf32, #tpu.memory_space<vmem>>, vector<16xf32>,
            %get3A_478 = arith.index_cast %min3A_416 : i32 to index
            %get3A_479 = arith.constant 48 : index
            %get3A_480 = tpu.vector_load %arg20[%get3A_478, %get3A_479] {strides = array<i32>} : memref<328x128xf32, #tpu.memory_space<vmem>>, vector<16xf32>,
            %add3A_481 = arith.addf %get3A_480, %get3A_470 : vector<16xf32>
            %swap3A_482 = arith.index_cast %min3A_416 : i32 to index
            %swap3A_483 = arith.constant 48 : index
            %swap3A_484 = tpu.vector_load %arg20[%swap3A_482, %swap3A_483] {strides = array<i32>} : memref<328x128xf32, #tpu.memory_space<vmem>>, vector<16xf32>,
            tpu.vector_store %arg20[%swap3A_482, %swap3A_483], %add3A_481 {strides = array<i32>} : memref<328x128xf32, #tpu.memory_space<vmem>>, vector<16xf32>,
            %get3A_485 = arith.index_cast %add3A_373 : i32 to index
            %get3A_486 = arith.constant 64 : index
            %get3A_487 = tpu.vector_load %arg17[%get3A_485, %get3A_486] {strides = array<i32>} : memref<48x128xf32, #tpu.memory_space<vmem>>, vector<16xf32>,
            %get3A_488 = arith.index_cast %min3A_416 : i32 to index
            %get3A_489 = arith.constant 64 : index
            %get3A_490 = tpu.vector_load %arg19[%get3A_488, %get3A_489] {strides = array<i32>} : memref<328x128xf32, #tpu.memory_space<vmem>>, vector<16xf32>,
            %max3A_491 = arith.maximumf %get3A_490, %get3A_487 : vector<16xf32>
            %swap3A_492 = arith.index_cast %min3A_416 : i32 to index
            %swap3A_493 = arith.constant 64 : index
            %swap3A_494 = tpu.vector_load %arg19[%swap3A_492, %swap3A_493] {strides = array<i32>} : memref<328x128xf32, #tpu.memory_space<vmem>>, vector<16xf32>,
            tpu.vector_store %arg19[%swap3A_492, %swap3A_493], %max3A_491 {strides = array<i32>} : memref<328x128xf32, #tpu.memory_space<vmem>>, vector<16xf32>,
            %get3A_495 = arith.index_cast %min3A_416 : i32 to index
            %get3A_496 = arith.constant 64 : index
            %get3A_497 = tpu.vector_load %arg20[%get3A_495, %get3A_496] {strides = array<i32>} : memref<328x128xf32, #tpu.memory_space<vmem>>, vector<16xf32>,
            %add3A_498 = arith.addf %get3A_497, %get3A_487 : vector<16xf32>
            %swap3A_499 = arith.index_cast %min3A_416 : i32 to index
            %swap3A_500 = arith.constant 64 : index
            %swap3A_501 = tpu.vector_load %arg20[%swap3A_499, %swap3A_500] {strides = array<i32>} : memref<328x128xf32, #tpu.memory_space<vmem>>, vector<16xf32>,
            tpu.vector_store %arg20[%swap3A_499, %swap3A_500], %add3A_498 {strides = array<i32>} : memref<328x128xf32, #tpu.memory_space<vmem>>, vector<16xf32>,
            %get3A_502 = arith.index_cast %add3A_373 : i32 to index
            %get3A_503 = arith.constant 80 : index
            %get3A_504 = tpu.vector_load %arg17[%get3A_502, %get3A_503] {strides = array<i32>} : memref<48x128xf32, #tpu.memory_space<vmem>>, vector<16xf32>,
            %get3A_505 = arith.index_cast %min3A_416 : i32 to index
            %get3A_506 = arith.constant 80 : index
            %get3A_507 = tpu.vector_load %arg19[%get3A_505, %get3A_506] {strides = array<i32>} : memref<328x128xf32, #tpu.memory_space<vmem>>, vector<16xf32>,
            %max3A_508 = arith.maximumf %get3A_507, %get3A_504 : vector<16xf32>
            %swap3A_509 = arith.index_cast %min3A_416 : i32 to index
            %swap3A_510 = arith.constant 80 : index
            %swap3A_511 = tpu.vector_load %arg19[%swap3A_509, %swap3A_510] {strides = array<i32>} : memref<328x128xf32, #tpu.memory_space<vmem>>, vector<16xf32>,
            tpu.vector_store %arg19[%swap3A_509, %swap3A_510], %max3A_508 {strides = array<i32>} : memref<328x128xf32, #tpu.memory_space<vmem>>, vector<16xf32>,
            %get3A_512 = arith.index_cast %min3A_416 : i32 to index
            %get3A_513 = arith.constant 80 : index
            %get3A_514 = tpu.vector_load %arg20[%get3A_512, %get3A_513] {strides = array<i32>} : memref<328x128xf32, #tpu.memory_space<vmem>>, vector<16xf32>,
            %add3A_515 = arith.addf %get3A_514, %get3A_504 : vector<16xf32>
            %swap3A_516 = arith.index_cast %min3A_416 : i32 to index
            %swap3A_517 = arith.constant 80 : index
            %swap3A_518 = tpu.vector_load %arg20[%swap3A_516, %swap3A_517] {strides = array<i32>} : memref<328x128xf32, #tpu.memory_space<vmem>>, vector<16xf32>,
            tpu.vector_store %arg20[%swap3A_516, %swap3A_517], %add3A_515 {strides = array<i32>} : memref<328x128xf32, #tpu.memory_space<vmem>>, vector<16xf32>,
            %get3A_519 = arith.index_cast %add3A_373 : i32 to index
            %get3A_520 = arith.constant 96 : index
            %get3A_521 = tpu.vector_load %arg17[%get3A_519, %get3A_520] {strides = array<i32>} : memref<48x128xf32, #tpu.memory_space<vmem>>, vector<16xf32>,
            %get3A_522 = arith.index_cast %min3A_416 : i32 to index
            %get3A_523 = arith.constant 96 : index
            %get3A_524 = tpu.vector_load %arg19[%get3A_522, %get3A_523] {strides = array<i32>} : memref<328x128xf32, #tpu.memory_space<vmem>>, vector<16xf32>,
            %max3A_525 = arith.maximumf %get3A_524, %get3A_521 : vector<16xf32>
            %swap3A_526 = arith.index_cast %min3A_416 : i32 to index
            %swap3A_527 = arith.constant 96 : index
            %swap3A_528 = tpu.vector_load %arg19[%swap3A_526, %swap3A_527] {strides = array<i32>} : memref<328x128xf32, #tpu.memory_space<vmem>>, vector<16xf32>,
            tpu.vector_store %arg19[%swap3A_526, %swap3A_527], %max3A_525 {strides = array<i32>} : memref<328x128xf32, #tpu.memory_space<vmem>>, vector<16xf32>,
            %get3A_529 = arith.index_cast %min3A_416 : i32 to index
            %get3A_530 = arith.constant 96 : index
            %get3A_531 = tpu.vector_load %arg20[%get3A_529, %get3A_530] {strides = array<i32>} : memref<328x128xf32, #tpu.memory_space<vmem>>, vector<16xf32>,
            %add3A_532 = arith.addf %get3A_531, %get3A_521 : vector<16xf32>
            %swap3A_533 = arith.index_cast %min3A_416 : i32 to index
            %swap3A_534 = arith.constant 96 : index
            %swap3A_535 = tpu.vector_load %arg20[%swap3A_533, %swap3A_534] {strides = array<i32>} : memref<328x128xf32, #tpu.memory_space<vmem>>, vector<16xf32>,
            tpu.vector_store %arg20[%swap3A_533, %swap3A_534], %add3A_532 {strides = array<i32>} : memref<328x128xf32, #tpu.memory_space<vmem>>, vector<16xf32>,
            %get3A_536 = arith.index_cast %add3A_373 : i32 to index
            %get3A_537 = arith.constant 112 : index
            %get3A_538 = tpu.vector_load %arg17[%get3A_536, %get3A_537] {strides = array<i32>} : memref<48x128xf32, #tpu.memory_space<vmem>>, vector<16xf32>,
            %get3A_539 = arith.index_cast %min3A_416 : i32 to index
            %get3A_540 = arith.constant 112 : index
            %get3A_541 = tpu.vector_load %arg19[%get3A_539, %get3A_540] {strides = array<i32>} : memref<328x128xf32, #tpu.memory_space<vmem>>, vector<16xf32>,
            %max3A_542 = arith.maximumf %get3A_541, %get3A_538 : vector<16xf32>
            %swap3A_543 = arith.index_cast %min3A_416 : i32 to index
            %swap3A_544 = arith.constant 112 : index
            %swap3A_545 = tpu.vector_load %arg19[%swap3A_543, %swap3A_544] {strides = array<i32>} : memref<328x128xf32, #tpu.memory_space<vmem>>, vector<16xf32>,
            tpu.vector_store %arg19[%swap3A_543, %swap3A_544], %max3A_542 {strides = array<i32>} : memref<328x128xf32, #tpu.memory_space<vmem>>, vector<16xf32>,
            %get3A_546 = arith.index_cast %min3A_416 : i32 to index
            %get3A_547 = arith.constant 112 : index
            %get3A_548 = tpu.vector_load %arg20[%get3A_546, %get3A_547] {strides = array<i32>} : memref<328x128xf32, #tpu.memory_space<vmem>>, vector<16xf32>,
            %add3A_549 = arith.addf %get3A_548, %get3A_538 : vector<16xf32>
            %swap3A_550 = arith.index_cast %min3A_416 : i32 to index
            %swap3A_551 = arith.constant 112 : index
            %swap3A_552 = tpu.vector_load %arg20[%swap3A_550, %swap3A_551] {strides = array<i32>} : memref<328x128xf32, #tpu.memory_space<vmem>>, vector<16xf32>,
            tpu.vector_store %arg20[%swap3A_550, %swap3A_551], %add3A_549 {strides = array<i32>} : memref<328x128xf32, #tpu.memory_space<vmem>>, vector<16xf32>,
          }
          %scan3A_187 = arith.constant 48 : i32
        } else {
        }
        %mul3A_166 = arith.constant 2 : i32
        %mul3A_167 = arith.muli %mul3A_166, %while3A_157 : i32
        %add3A_168 = arith.constant 1 : i32
        %add3A_169 = arith.addi %mul3A_167, %add3A_168 : i32
        %lt3A_170 = arith.cmpi slt, %add3A_169, %select_n3A : i32
        %convert_element_type3A_171 = arith.extui %lt3A_170 : i1 to i32
        %cond3A_172 = arith.constant 0 : i32
        %cond3A_173 = arith.cmpi ne, %convert_element_type3A_171, %cond3A_172 : i32
        scf.if %cond3A_173 {
          %dma_wait3A_174 = arith.constant 0 : i32
          %dma_wait3A_175 = arith.constant 0 : i32
          %dma_wait3A_176 = tpu.memref_slice %arg3[%dma_wait3A_174, %dma_wait3A_175] : memref<10000x128xf32, #tpu.memory_space<hbm>> -> memref<10000x128xf32, #tpu.memory_space<hbm>>
          tpu.wait_indirect_dma semaphore(%arg24 : memref<!tpu.dma_semaphore, #tpu.memory_space<semaphore_mem>>) src(%dma_wait3A_176 : memref<10000x128xf32, #tpu.memory_space<hbm>>) dst(%arg18 : memref<48x128xf32, #tpu.memory_space<vmem>>)
          %add3A_177 = arith.constant 1 : i32
          %add3A_178 = arith.addi %add3A_169, %add3A_177 : i32
          %lt3A_179 = arith.cmpi slt, %add3A_178, %select_n3A : i32
          %convert_element_type3A_180 = arith.extui %lt3A_179 : i1 to i32
          %cond3A_181 = arith.constant 0 : i32
          %cond3A_182 = arith.cmpi ne, %convert_element_type3A_180, %cond3A_181 : i32
          scf.if %cond3A_182 {
            %add3A_188 = arith.constant 1 : i32
            %add3A_189 = arith.addi %add3A_169, %add3A_188 : i32
            %mul3A_190 = arith.constant 48 : i32
            %mul3A_191 = arith.muli %add3A_189, %mul3A_190 : i32
            %add3A_192 = arith.constant 0 : i32
            %add3A_193 = arith.addi %mul3A_191, %add3A_192 : i32
            %get3A = arith.index_cast %add3A_193 : i32 to index
            %get3A_194 = tpu.vector_load %arg13[%get3A] {strides = array<i32>} : memref<3296xi32, #tpu.memory_space<vmem>>, vector<16xi32>,
            %swap3A_195 = arith.constant 0 : index
            %swap3A_196 = tpu.vector_load %arg15[%swap3A_195] {strides = array<i32>} : memref<48xi32, #tpu.memory_space<vmem>>, vector<16xi32>,
            tpu.vector_store %arg15[%swap3A_195], %get3A_194 {strides = array<i32>} : memref<48xi32, #tpu.memory_space<vmem>>, vector<16xi32>,
            %add3A_197 = arith.constant 16 : i32
            %add3A_198 = arith.addi %mul3A_191, %add3A_197 : i32
            %get3A_199 = arith.index_cast %add3A_198 : i32 to index
            %get3A_200 = tpu.vector_load %arg13[%get3A_199] {strides = array<i32>} : memref<3296xi32, #tpu.memory_space<vmem>>, vector<16xi32>,
            %swap3A_201 = arith.constant 16 : index
            %swap3A_202 = tpu.vector_load %arg15[%swap3A_201] {strides = array<i32>} : memref<48xi32, #tpu.memory_space<vmem>>, vector<16xi32>,
            tpu.vector_store %arg15[%swap3A_201], %get3A_200 {strides = array<i32>} : memref<48xi32, #tpu.memory_space<vmem>>, vector<16xi32>,
            %add3A_203 = arith.constant 32 : i32
            %add3A_204 = arith.addi %mul3A_191, %add3A_203 : i32
            %get3A_205 = arith.index_cast %add3A_204 : i32 to index
            %get3A_206 = tpu.vector_load %arg13[%get3A_205] {strides = array<i32>} : memref<3296xi32, #tpu.memory_space<vmem>>, vector<16xi32>,
            %swap3A_207 = arith.constant 32 : index
            %swap3A_208 = tpu.vector_load %arg15[%swap3A_207] {strides = array<i32>} : memref<48xi32, #tpu.memory_space<vmem>>, vector<16xi32>,
            tpu.vector_store %arg15[%swap3A_207], %get3A_206 {strides = array<i32>} : memref<48xi32, #tpu.memory_space<vmem>>, vector<16xi32>,
            %dma_start3A_209 = arith.constant 0 : i32
            %dma_start3A_210 = arith.constant 0 : i32
            %dma_start3A_211 = tpu.memref_slice %arg3[%dma_start3A_209, %dma_start3A_210] : memref<10000x128xf32, #tpu.memory_space<hbm>> -> memref<10000x128xf32, #tpu.memory_space<hbm>>
            tpu.enqueue_indirect_dma source(%dma_start3A_211 : memref<10000x128xf32, #tpu.memory_space<hbm>>) target(%arg17 : memref<48x128xf32, #tpu.memory_space<vmem>>) offsets(%arg15 : memref<48xi32, #tpu.memory_space<vmem>>) semaphore(%arg23 : memref<!tpu.dma_semaphore, #tpu.memory_space<semaphore_mem>>)
          } else {
          }
          %scan3A_183 = arith.constant 0 : i32
          %scan3A_184 = arith.constant 48 : i32
          %scan3A_185 = arith.addi %scan3A_183, %scan3A_184 : i32
          %scan3A_186 = arith.constant 2 : i32
          scf.for %scan3A_188 = %scan3A_183 to %scan3A_185 step %scan3A_186  : i32 {
            %mul3A_189 = arith.constant 1 : i32
            %mul3A_190 = arith.muli %scan3A_188, %mul3A_189 : i32
            %add3A_191 = arith.constant 0 : i32
            %add3A_192 = arith.addi %add3A_191, %mul3A_190 : i32
            %jit3A_193 = arith.constant 16 : i32
            %div3A_194 = arith.divsi %add3A_192, %jit3A_193 : i32
            %sign3A_195 = arith.constant 0 : i32
            %sign3A_196 = arith.cmpi sgt, %add3A_192, %sign3A_195 : i32
            %sign3A_197 = arith.extui %sign3A_196 : i1 to i32
            %sign3A_198 = arith.constant 0 : i32
            %sign3A_199 = arith.cmpi slt, %add3A_192, %sign3A_198 : i32
            %sign3A_200 = arith.extui %sign3A_199 : i1 to i32
            %sign3A_201 = arith.subi %sign3A_197, %sign3A_200 : i32
            %sign3A_202 = arith.constant 0 : i32
            %sign3A_203 = arith.cmpi sgt, %jit3A_193, %sign3A_202 : i32
            %sign3A_204 = arith.extui %sign3A_203 : i1 to i32
            %sign3A_205 = arith.constant 0 : i32
            %sign3A_206 = arith.cmpi slt, %jit3A_193, %sign3A_205 : i32
            %sign3A_207 = arith.extui %sign3A_206 : i1 to i32
            %sign3A_208 = arith.subi %sign3A_204, %sign3A_207 : i32
            %ne3A_209 = arith.cmpi ne, %sign3A_201, %sign3A_208 : i32
            %rem3A_210 = arith.remsi %add3A_192, %jit3A_193 : i32
            %ne3A_211 = arith.constant 0 : i32
            %ne3A_212 = arith.cmpi ne, %rem3A_210, %ne3A_211 : i32
            %and3A_213 = arith.andi %ne3A_209, %ne3A_212 : i1
            %sub3A_214 = arith.constant 1 : i32
            %sub3A_215 = arith.subi %div3A_194, %sub3A_214 : i32
            %select_n3A_216 = arith.select %and3A_213, %sub3A_215, %div3A_194 : i32
            %mul3A_217 = arith.constant 16 : i32
            %mul3A_218 = arith.muli %select_n3A_216, %mul3A_217 : i32
            %mul3A_219 = arith.constant 48 : i32
            %mul3A_220 = arith.muli %add3A_169, %mul3A_219 : i32
            %add3A_221 = arith.addi %mul3A_220, %mul3A_218 : i32
            %get3A = arith.index_cast %add3A_221 : i32 to index
            %get3A_222 = tpu.vector_load %arg14[%get3A] {strides = array<i32>} : memref<3296xi32, #tpu.memory_space<vmem>>, vector<16xi32>,
            %sub3A_223 = arith.subi %add3A_192, %mul3A_218 : i32
            %eq3A = vector.broadcast %sub3A_223 : i32 to vector<16xi32>
            %eq3A_224 = arith.cmpi eq, %iota3A, %eq3A : vector<16xi32>
            %jit3A_225 = arith.constant 0 : i32
            %broadcast_in_dim3A_226 = vector.broadcast %jit3A_225 : i32 to vector<16xi32>
            %select_n3A_227 = arith.select %eq3A_224, %get3A_222, %broadcast_in_dim3A_226 : vector<16xi1>, vector<16xi32>
            %reduce_sum3A = arith.constant true
            %reduce_sum3A_228 = vector.broadcast %reduce_sum3A : i1 to vector<16xi1>
            %reduce_sum3A_229 = tpu.scan <sum>, %select_n3A_227 masked %reduce_sum3A_228 : vector<16xi32>, vector<16xi1> -> vector<16xi32>
            %reduce_sum3A_230 = vector.extract %reduce_sum3A_229[15] : i32 from vector<16xi32>
            %min3A_231 = arith.constant 327 : i32
            %min3A_232 = arith.minsi %reduce_sum3A_230, %min3A_231 : i32
            %get3A_233 = arith.index_cast %add3A_192 : i32 to index
            %get3A_234 = arith.constant 0 : index
            %get3A_235 = tpu.vector_load %arg18[%get3A_233, %get3A_234] {strides = array<i32>} : memref<48x128xf32, #tpu.memory_space<vmem>>, vector<16xf32>,
            %get3A_236 = arith.index_cast %min3A_232 : i32 to index
            %get3A_237 = arith.constant 0 : index
            %get3A_238 = tpu.vector_load %arg19[%get3A_236, %get3A_237] {strides = array<i32>} : memref<328x128xf32, #tpu.memory_space<vmem>>, vector<16xf32>,
            %max3A = arith.maximumf %get3A_238, %get3A_235 : vector<16xf32>
            %swap3A_239 = arith.index_cast %min3A_232 : i32 to index
            %swap3A_240 = arith.constant 0 : index
            %swap3A_241 = tpu.vector_load %arg19[%swap3A_239, %swap3A_240] {strides = array<i32>} : memref<328x128xf32, #tpu.memory_space<vmem>>, vector<16xf32>,
            tpu.vector_store %arg19[%swap3A_239, %swap3A_240], %max3A {strides = array<i32>} : memref<328x128xf32, #tpu.memory_space<vmem>>, vector<16xf32>,
            %get3A_242 = arith.index_cast %min3A_232 : i32 to index
            %get3A_243 = arith.constant 0 : index
            %get3A_244 = tpu.vector_load %arg20[%get3A_242, %get3A_243] {strides = array<i32>} : memref<328x128xf32, #tpu.memory_space<vmem>>, vector<16xf32>,
            %add3A_245 = arith.addf %get3A_244, %get3A_235 : vector<16xf32>
            %swap3A_246 = arith.index_cast %min3A_232 : i32 to index
            %swap3A_247 = arith.constant 0 : index
            %swap3A_248 = tpu.vector_load %arg20[%swap3A_246, %swap3A_247] {strides = array<i32>} : memref<328x128xf32, #tpu.memory_space<vmem>>, vector<16xf32>,
            tpu.vector_store %arg20[%swap3A_246, %swap3A_247], %add3A_245 {strides = array<i32>} : memref<328x128xf32, #tpu.memory_space<vmem>>, vector<16xf32>,
            %get3A_249 = arith.index_cast %add3A_192 : i32 to index
            %get3A_250 = arith.constant 16 : index
            %get3A_251 = tpu.vector_load %arg18[%get3A_249, %get3A_250] {strides = array<i32>} : memref<48x128xf32, #tpu.memory_space<vmem>>, vector<16xf32>,
            %get3A_252 = arith.index_cast %min3A_232 : i32 to index
            %get3A_253 = arith.constant 16 : index
            %get3A_254 = tpu.vector_load %arg19[%get3A_252, %get3A_253] {strides = array<i32>} : memref<328x128xf32, #tpu.memory_space<vmem>>, vector<16xf32>,
            %max3A_255 = arith.maximumf %get3A_254, %get3A_251 : vector<16xf32>
            %swap3A_256 = arith.index_cast %min3A_232 : i32 to index
            %swap3A_257 = arith.constant 16 : index
            %swap3A_258 = tpu.vector_load %arg19[%swap3A_256, %swap3A_257] {strides = array<i32>} : memref<328x128xf32, #tpu.memory_space<vmem>>, vector<16xf32>,
            tpu.vector_store %arg19[%swap3A_256, %swap3A_257], %max3A_255 {strides = array<i32>} : memref<328x128xf32, #tpu.memory_space<vmem>>, vector<16xf32>,
            %get3A_259 = arith.index_cast %min3A_232 : i32 to index
            %get3A_260 = arith.constant 16 : index
            %get3A_261 = tpu.vector_load %arg20[%get3A_259, %get3A_260] {strides = array<i32>} : memref<328x128xf32, #tpu.memory_space<vmem>>, vector<16xf32>,
            %add3A_262 = arith.addf %get3A_261, %get3A_251 : vector<16xf32>
            %swap3A_263 = arith.index_cast %min3A_232 : i32 to index
            %swap3A_264 = arith.constant 16 : index
            %swap3A_265 = tpu.vector_load %arg20[%swap3A_263, %swap3A_264] {strides = array<i32>} : memref<328x128xf32, #tpu.memory_space<vmem>>, vector<16xf32>,
            tpu.vector_store %arg20[%swap3A_263, %swap3A_264], %add3A_262 {strides = array<i32>} : memref<328x128xf32, #tpu.memory_space<vmem>>, vector<16xf32>,
            %get3A_266 = arith.index_cast %add3A_192 : i32 to index
            %get3A_267 = arith.constant 32 : index
            %get3A_268 = tpu.vector_load %arg18[%get3A_266, %get3A_267] {strides = array<i32>} : memref<48x128xf32, #tpu.memory_space<vmem>>, vector<16xf32>,
            %get3A_269 = arith.index_cast %min3A_232 : i32 to index
            %get3A_270 = arith.constant 32 : index
            %get3A_271 = tpu.vector_load %arg19[%get3A_269, %get3A_270] {strides = array<i32>} : memref<328x128xf32, #tpu.memory_space<vmem>>, vector<16xf32>,
            %max3A_272 = arith.maximumf %get3A_271, %get3A_268 : vector<16xf32>
            %swap3A_273 = arith.index_cast %min3A_232 : i32 to index
            %swap3A_274 = arith.constant 32 : index
            %swap3A_275 = tpu.vector_load %arg19[%swap3A_273, %swap3A_274] {strides = array<i32>} : memref<328x128xf32, #tpu.memory_space<vmem>>, vector<16xf32>,
            tpu.vector_store %arg19[%swap3A_273, %swap3A_274], %max3A_272 {strides = array<i32>} : memref<328x128xf32, #tpu.memory_space<vmem>>, vector<16xf32>,
            %get3A_276 = arith.index_cast %min3A_232 : i32 to index
            %get3A_277 = arith.constant 32 : index
            %get3A_278 = tpu.vector_load %arg20[%get3A_276, %get3A_277] {strides = array<i32>} : memref<328x128xf32, #tpu.memory_space<vmem>>, vector<16xf32>,
            %add3A_279 = arith.addf %get3A_278, %get3A_268 : vector<16xf32>
            %swap3A_280 = arith.index_cast %min3A_232 : i32 to index
            %swap3A_281 = arith.constant 32 : index
            %swap3A_282 = tpu.vector_load %arg20[%swap3A_280, %swap3A_281] {strides = array<i32>} : memref<328x128xf32, #tpu.memory_space<vmem>>, vector<16xf32>,
            tpu.vector_store %arg20[%swap3A_280, %swap3A_281], %add3A_279 {strides = array<i32>} : memref<328x128xf32, #tpu.memory_space<vmem>>, vector<16xf32>,
            %get3A_283 = arith.index_cast %add3A_192 : i32 to index
            %get3A_284 = arith.constant 48 : index
            %get3A_285 = tpu.vector_load %arg18[%get3A_283, %get3A_284] {strides = array<i32>} : memref<48x128xf32, #tpu.memory_space<vmem>>, vector<16xf32>,
            %get3A_286 = arith.index_cast %min3A_232 : i32 to index
            %get3A_287 = arith.constant 48 : index
            %get3A_288 = tpu.vector_load %arg19[%get3A_286, %get3A_287] {strides = array<i32>} : memref<328x128xf32, #tpu.memory_space<vmem>>, vector<16xf32>,
            %max3A_289 = arith.maximumf %get3A_288, %get3A_285 : vector<16xf32>
            %swap3A_290 = arith.index_cast %min3A_232 : i32 to index
            %swap3A_291 = arith.constant 48 : index
            %swap3A_292 = tpu.vector_load %arg19[%swap3A_290, %swap3A_291] {strides = array<i32>} : memref<328x128xf32, #tpu.memory_space<vmem>>, vector<16xf32>,
            tpu.vector_store %arg19[%swap3A_290, %swap3A_291], %max3A_289 {strides = array<i32>} : memref<328x128xf32, #tpu.memory_space<vmem>>, vector<16xf32>,
            %get3A_293 = arith.index_cast %min3A_232 : i32 to index
            %get3A_294 = arith.constant 48 : index
            %get3A_295 = tpu.vector_load %arg20[%get3A_293, %get3A_294] {strides = array<i32>} : memref<328x128xf32, #tpu.memory_space<vmem>>, vector<16xf32>,
            %add3A_296 = arith.addf %get3A_295, %get3A_285 : vector<16xf32>
            %swap3A_297 = arith.index_cast %min3A_232 : i32 to index
            %swap3A_298 = arith.constant 48 : index
            %swap3A_299 = tpu.vector_load %arg20[%swap3A_297, %swap3A_298] {strides = array<i32>} : memref<328x128xf32, #tpu.memory_space<vmem>>, vector<16xf32>,
            tpu.vector_store %arg20[%swap3A_297, %swap3A_298], %add3A_296 {strides = array<i32>} : memref<328x128xf32, #tpu.memory_space<vmem>>, vector<16xf32>,
            %get3A_300 = arith.index_cast %add3A_192 : i32 to index
            %get3A_301 = arith.constant 64 : index
            %get3A_302 = tpu.vector_load %arg18[%get3A_300, %get3A_301] {strides = array<i32>} : memref<48x128xf32, #tpu.memory_space<vmem>>, vector<16xf32>,
            %get3A_303 = arith.index_cast %min3A_232 : i32 to index
            %get3A_304 = arith.constant 64 : index
            %get3A_305 = tpu.vector_load %arg19[%get3A_303, %get3A_304] {strides = array<i32>} : memref<328x128xf32, #tpu.memory_space<vmem>>, vector<16xf32>,
            %max3A_306 = arith.maximumf %get3A_305, %get3A_302 : vector<16xf32>
            %swap3A_307 = arith.index_cast %min3A_232 : i32 to index
            %swap3A_308 = arith.constant 64 : index
            %swap3A_309 = tpu.vector_load %arg19[%swap3A_307, %swap3A_308] {strides = array<i32>} : memref<328x128xf32, #tpu.memory_space<vmem>>, vector<16xf32>,
            tpu.vector_store %arg19[%swap3A_307, %swap3A_308], %max3A_306 {strides = array<i32>} : memref<328x128xf32, #tpu.memory_space<vmem>>, vector<16xf32>,
            %get3A_310 = arith.index_cast %min3A_232 : i32 to index
            %get3A_311 = arith.constant 64 : index
            %get3A_312 = tpu.vector_load %arg20[%get3A_310, %get3A_311] {strides = array<i32>} : memref<328x128xf32, #tpu.memory_space<vmem>>, vector<16xf32>,
            %add3A_313 = arith.addf %get3A_312, %get3A_302 : vector<16xf32>
            %swap3A_314 = arith.index_cast %min3A_232 : i32 to index
            %swap3A_315 = arith.constant 64 : index
            %swap3A_316 = tpu.vector_load %arg20[%swap3A_314, %swap3A_315] {strides = array<i32>} : memref<328x128xf32, #tpu.memory_space<vmem>>, vector<16xf32>,
            tpu.vector_store %arg20[%swap3A_314, %swap3A_315], %add3A_313 {strides = array<i32>} : memref<328x128xf32, #tpu.memory_space<vmem>>, vector<16xf32>,
            %get3A_317 = arith.index_cast %add3A_192 : i32 to index
            %get3A_318 = arith.constant 80 : index
            %get3A_319 = tpu.vector_load %arg18[%get3A_317, %get3A_318] {strides = array<i32>} : memref<48x128xf32, #tpu.memory_space<vmem>>, vector<16xf32>,
            %get3A_320 = arith.index_cast %min3A_232 : i32 to index
            %get3A_321 = arith.constant 80 : index
            %get3A_322 = tpu.vector_load %arg19[%get3A_320, %get3A_321] {strides = array<i32>} : memref<328x128xf32, #tpu.memory_space<vmem>>, vector<16xf32>,
            %max3A_323 = arith.maximumf %get3A_322, %get3A_319 : vector<16xf32>
            %swap3A_324 = arith.index_cast %min3A_232 : i32 to index
            %swap3A_325 = arith.constant 80 : index
            %swap3A_326 = tpu.vector_load %arg19[%swap3A_324, %swap3A_325] {strides = array<i32>} : memref<328x128xf32, #tpu.memory_space<vmem>>, vector<16xf32>,
            tpu.vector_store %arg19[%swap3A_324, %swap3A_325], %max3A_323 {strides = array<i32>} : memref<328x128xf32, #tpu.memory_space<vmem>>, vector<16xf32>,
            %get3A_327 = arith.index_cast %min3A_232 : i32 to index
            %get3A_328 = arith.constant 80 : index
            %get3A_329 = tpu.vector_load %arg20[%get3A_327, %get3A_328] {strides = array<i32>} : memref<328x128xf32, #tpu.memory_space<vmem>>, vector<16xf32>,
            %add3A_330 = arith.addf %get3A_329, %get3A_319 : vector<16xf32>
            %swap3A_331 = arith.index_cast %min3A_232 : i32 to index
            %swap3A_332 = arith.constant 80 : index
            %swap3A_333 = tpu.vector_load %arg20[%swap3A_331, %swap3A_332] {strides = array<i32>} : memref<328x128xf32, #tpu.memory_space<vmem>>, vector<16xf32>,
            tpu.vector_store %arg20[%swap3A_331, %swap3A_332], %add3A_330 {strides = array<i32>} : memref<328x128xf32, #tpu.memory_space<vmem>>, vector<16xf32>,
            %get3A_334 = arith.index_cast %add3A_192 : i32 to index
            %get3A_335 = arith.constant 96 : index
            %get3A_336 = tpu.vector_load %arg18[%get3A_334, %get3A_335] {strides = array<i32>} : memref<48x128xf32, #tpu.memory_space<vmem>>, vector<16xf32>,
            %get3A_337 = arith.index_cast %min3A_232 : i32 to index
            %get3A_338 = arith.constant 96 : index
            %get3A_339 = tpu.vector_load %arg19[%get3A_337, %get3A_338] {strides = array<i32>} : memref<328x128xf32, #tpu.memory_space<vmem>>, vector<16xf32>,
            %max3A_340 = arith.maximumf %get3A_339, %get3A_336 : vector<16xf32>
            %swap3A_341 = arith.index_cast %min3A_232 : i32 to index
            %swap3A_342 = arith.constant 96 : index
            %swap3A_343 = tpu.vector_load %arg19[%swap3A_341, %swap3A_342] {strides = array<i32>} : memref<328x128xf32, #tpu.memory_space<vmem>>, vector<16xf32>,
            tpu.vector_store %arg19[%swap3A_341, %swap3A_342], %max3A_340 {strides = array<i32>} : memref<328x128xf32, #tpu.memory_space<vmem>>, vector<16xf32>,
            %get3A_344 = arith.index_cast %min3A_232 : i32 to index
            %get3A_345 = arith.constant 96 : index
            %get3A_346 = tpu.vector_load %arg20[%get3A_344, %get3A_345] {strides = array<i32>} : memref<328x128xf32, #tpu.memory_space<vmem>>, vector<16xf32>,
            %add3A_347 = arith.addf %get3A_346, %get3A_336 : vector<16xf32>
            %swap3A_348 = arith.index_cast %min3A_232 : i32 to index
            %swap3A_349 = arith.constant 96 : index
            %swap3A_350 = tpu.vector_load %arg20[%swap3A_348, %swap3A_349] {strides = array<i32>} : memref<328x128xf32, #tpu.memory_space<vmem>>, vector<16xf32>,
            tpu.vector_store %arg20[%swap3A_348, %swap3A_349], %add3A_347 {strides = array<i32>} : memref<328x128xf32, #tpu.memory_space<vmem>>, vector<16xf32>,
            %get3A_351 = arith.index_cast %add3A_192 : i32 to index
            %get3A_352 = arith.constant 112 : index
            %get3A_353 = tpu.vector_load %arg18[%get3A_351, %get3A_352] {strides = array<i32>} : memref<48x128xf32, #tpu.memory_space<vmem>>, vector<16xf32>,
            %get3A_354 = arith.index_cast %min3A_232 : i32 to index
            %get3A_355 = arith.constant 112 : index
            %get3A_356 = tpu.vector_load %arg19[%get3A_354, %get3A_355] {strides = array<i32>} : memref<328x128xf32, #tpu.memory_space<vmem>>, vector<16xf32>,
            %max3A_357 = arith.maximumf %get3A_356, %get3A_353 : vector<16xf32>
            %swap3A_358 = arith.index_cast %min3A_232 : i32 to index
            %swap3A_359 = arith.constant 112 : index
            %swap3A_360 = tpu.vector_load %arg19[%swap3A_358, %swap3A_359] {strides = array<i32>} : memref<328x128xf32, #tpu.memory_space<vmem>>, vector<16xf32>,
            tpu.vector_store %arg19[%swap3A_358, %swap3A_359], %max3A_357 {strides = array<i32>} : memref<328x128xf32, #tpu.memory_space<vmem>>, vector<16xf32>,
            %get3A_361 = arith.index_cast %min3A_232 : i32 to index
            %get3A_362 = arith.constant 112 : index
            %get3A_363 = tpu.vector_load %arg20[%get3A_361, %get3A_362] {strides = array<i32>} : memref<328x128xf32, #tpu.memory_space<vmem>>, vector<16xf32>,
            %add3A_364 = arith.addf %get3A_363, %get3A_353 : vector<16xf32>
            %swap3A_365 = arith.index_cast %min3A_232 : i32 to index
            %swap3A_366 = arith.constant 112 : index
            %swap3A_367 = tpu.vector_load %arg20[%swap3A_365, %swap3A_366] {strides = array<i32>} : memref<328x128xf32, #tpu.memory_space<vmem>>, vector<16xf32>,
            tpu.vector_store %arg20[%swap3A_365, %swap3A_366], %add3A_364 {strides = array<i32>} : memref<328x128xf32, #tpu.memory_space<vmem>>, vector<16xf32>,
            %scan3A_368 = arith.constant 1 : i32
            %scan3A_369 = arith.addi %scan3A_188, %scan3A_368 : i32
            %mul3A_370 = arith.constant 1 : i32
            %mul3A_371 = arith.muli %scan3A_369, %mul3A_370 : i32
            %add3A_372 = arith.constant 0 : i32
            %add3A_373 = arith.addi %add3A_372, %mul3A_371 : i32
            %jit3A_374 = arith.constant 16 : i32
            %div3A_375 = arith.divsi %add3A_373, %jit3A_374 : i32
            %sign3A_376 = arith.constant 0 : i32
            %sign3A_377 = arith.cmpi sgt, %add3A_373, %sign3A_376 : i32
            %sign3A_378 = arith.extui %sign3A_377 : i1 to i32
            %sign3A_379 = arith.constant 0 : i32
            %sign3A_380 = arith.cmpi slt, %add3A_373, %sign3A_379 : i32
            %sign3A_381 = arith.extui %sign3A_380 : i1 to i32
            %sign3A_382 = arith.subi %sign3A_378, %sign3A_381 : i32
            %sign3A_383 = arith.constant 0 : i32
            %sign3A_384 = arith.cmpi sgt, %jit3A_374, %sign3A_383 : i32
            %sign3A_385 = arith.extui %sign3A_384 : i1 to i32
            %sign3A_386 = arith.constant 0 : i32
            %sign3A_387 = arith.cmpi slt, %jit3A_374, %sign3A_386 : i32
            %sign3A_388 = arith.extui %sign3A_387 : i1 to i32
            %sign3A_389 = arith.subi %sign3A_385, %sign3A_388 : i32
            %ne3A_390 = arith.cmpi ne, %sign3A_382, %sign3A_389 : i32
            %rem3A_391 = arith.remsi %add3A_373, %jit3A_374 : i32
            %ne3A_392 = arith.constant 0 : i32
            %ne3A_393 = arith.cmpi ne, %rem3A_391, %ne3A_392 : i32
            %and3A_394 = arith.andi %ne3A_390, %ne3A_393 : i1
            %sub3A_395 = arith.constant 1 : i32
            %sub3A_396 = arith.subi %div3A_375, %sub3A_395 : i32
            %select_n3A_397 = arith.select %and3A_394, %sub3A_396, %div3A_375 : i32
            %mul3A_398 = arith.constant 16 : i32
            %mul3A_399 = arith.muli %select_n3A_397, %mul3A_398 : i32
            %mul3A_400 = arith.constant 48 : i32
            %mul3A_401 = arith.muli %add3A_169, %mul3A_400 : i32
            %add3A_402 = arith.addi %mul3A_401, %mul3A_399 : i32
            %get3A_403 = arith.index_cast %add3A_402 : i32 to index
            %get3A_404 = tpu.vector_load %arg14[%get3A_403] {strides = array<i32>} : memref<3296xi32, #tpu.memory_space<vmem>>, vector<16xi32>,
            %sub3A_405 = arith.subi %add3A_373, %mul3A_399 : i32
            %eq3A_406 = vector.broadcast %sub3A_405 : i32 to vector<16xi32>
            %eq3A_407 = arith.cmpi eq, %iota3A, %eq3A_406 : vector<16xi32>
            %jit3A_408 = arith.constant 0 : i32
            %broadcast_in_dim3A_409 = vector.broadcast %jit3A_408 : i32 to vector<16xi32>
            %select_n3A_410 = arith.select %eq3A_407, %get3A_404, %broadcast_in_dim3A_409 : vector<16xi1>, vector<16xi32>
            %reduce_sum3A_411 = arith.constant true
            %reduce_sum3A_412 = vector.broadcast %reduce_sum3A_411 : i1 to vector<16xi1>
            %reduce_sum3A_413 = tpu.scan <sum>, %select_n3A_410 masked %reduce_sum3A_412 : vector<16xi32>, vector<16xi1> -> vector<16xi32>
            %reduce_sum3A_414 = vector.extract %reduce_sum3A_413[15] : i32 from vector<16xi32>
            %min3A_415 = arith.constant 327 : i32
            %min3A_416 = arith.minsi %reduce_sum3A_414, %min3A_415 : i32
            %get3A_417 = arith.index_cast %add3A_373 : i32 to index
            %get3A_418 = arith.constant 0 : index
            %get3A_419 = tpu.vector_load %arg18[%get3A_417, %get3A_418] {strides = array<i32>} : memref<48x128xf32, #tpu.memory_space<vmem>>, vector<16xf32>,
            %get3A_420 = arith.index_cast %min3A_416 : i32 to index
            %get3A_421 = arith.constant 0 : index
            %get3A_422 = tpu.vector_load %arg19[%get3A_420, %get3A_421] {strides = array<i32>} : memref<328x128xf32, #tpu.memory_space<vmem>>, vector<16xf32>,
            %max3A_423 = arith.maximumf %get3A_422, %get3A_419 : vector<16xf32>
            %swap3A_424 = arith.index_cast %min3A_416 : i32 to index
            %swap3A_425 = arith.constant 0 : index
            %swap3A_426 = tpu.vector_load %arg19[%swap3A_424, %swap3A_425] {strides = array<i32>} : memref<328x128xf32, #tpu.memory_space<vmem>>, vector<16xf32>,
            tpu.vector_store %arg19[%swap3A_424, %swap3A_425], %max3A_423 {strides = array<i32>} : memref<328x128xf32, #tpu.memory_space<vmem>>, vector<16xf32>,
            %get3A_427 = arith.index_cast %min3A_416 : i32 to index
            %get3A_428 = arith.constant 0 : index
            %get3A_429 = tpu.vector_load %arg20[%get3A_427, %get3A_428] {strides = array<i32>} : memref<328x128xf32, #tpu.memory_space<vmem>>, vector<16xf32>,
            %add3A_430 = arith.addf %get3A_429, %get3A_419 : vector<16xf32>
            %swap3A_431 = arith.index_cast %min3A_416 : i32 to index
            %swap3A_432 = arith.constant 0 : index
            %swap3A_433 = tpu.vector_load %arg20[%swap3A_431, %swap3A_432] {strides = array<i32>} : memref<328x128xf32, #tpu.memory_space<vmem>>, vector<16xf32>,
            tpu.vector_store %arg20[%swap3A_431, %swap3A_432], %add3A_430 {strides = array<i32>} : memref<328x128xf32, #tpu.memory_space<vmem>>, vector<16xf32>,
            %get3A_434 = arith.index_cast %add3A_373 : i32 to index
            %get3A_435 = arith.constant 16 : index
            %get3A_436 = tpu.vector_load %arg18[%get3A_434, %get3A_435] {strides = array<i32>} : memref<48x128xf32, #tpu.memory_space<vmem>>, vector<16xf32>,
            %get3A_437 = arith.index_cast %min3A_416 : i32 to index
            %get3A_438 = arith.constant 16 : index
            %get3A_439 = tpu.vector_load %arg19[%get3A_437, %get3A_438] {strides = array<i32>} : memref<328x128xf32, #tpu.memory_space<vmem>>, vector<16xf32>,
            %max3A_440 = arith.maximumf %get3A_439, %get3A_436 : vector<16xf32>
            %swap3A_441 = arith.index_cast %min3A_416 : i32 to index
            %swap3A_442 = arith.constant 16 : index
            %swap3A_443 = tpu.vector_load %arg19[%swap3A_441, %swap3A_442] {strides = array<i32>} : memref<328x128xf32, #tpu.memory_space<vmem>>, vector<16xf32>,
            tpu.vector_store %arg19[%swap3A_441, %swap3A_442], %max3A_440 {strides = array<i32>} : memref<328x128xf32, #tpu.memory_space<vmem>>, vector<16xf32>,
            %get3A_444 = arith.index_cast %min3A_416 : i32 to index
            %get3A_445 = arith.constant 16 : index
            %get3A_446 = tpu.vector_load %arg20[%get3A_444, %get3A_445] {strides = array<i32>} : memref<328x128xf32, #tpu.memory_space<vmem>>, vector<16xf32>,
            %add3A_447 = arith.addf %get3A_446, %get3A_436 : vector<16xf32>
            %swap3A_448 = arith.index_cast %min3A_416 : i32 to index
            %swap3A_449 = arith.constant 16 : index
            %swap3A_450 = tpu.vector_load %arg20[%swap3A_448, %swap3A_449] {strides = array<i32>} : memref<328x128xf32, #tpu.memory_space<vmem>>, vector<16xf32>,
            tpu.vector_store %arg20[%swap3A_448, %swap3A_449], %add3A_447 {strides = array<i32>} : memref<328x128xf32, #tpu.memory_space<vmem>>, vector<16xf32>,
            %get3A_451 = arith.index_cast %add3A_373 : i32 to index
            %get3A_452 = arith.constant 32 : index
            %get3A_453 = tpu.vector_load %arg18[%get3A_451, %get3A_452] {strides = array<i32>} : memref<48x128xf32, #tpu.memory_space<vmem>>, vector<16xf32>,
            %get3A_454 = arith.index_cast %min3A_416 : i32 to index
            %get3A_455 = arith.constant 32 : index
            %get3A_456 = tpu.vector_load %arg19[%get3A_454, %get3A_455] {strides = array<i32>} : memref<328x128xf32, #tpu.memory_space<vmem>>, vector<16xf32>,
            %max3A_457 = arith.maximumf %get3A_456, %get3A_453 : vector<16xf32>
            %swap3A_458 = arith.index_cast %min3A_416 : i32 to index
            %swap3A_459 = arith.constant 32 : index
            %swap3A_460 = tpu.vector_load %arg19[%swap3A_458, %swap3A_459] {strides = array<i32>} : memref<328x128xf32, #tpu.memory_space<vmem>>, vector<16xf32>,
            tpu.vector_store %arg19[%swap3A_458, %swap3A_459], %max3A_457 {strides = array<i32>} : memref<328x128xf32, #tpu.memory_space<vmem>>, vector<16xf32>,
            %get3A_461 = arith.index_cast %min3A_416 : i32 to index
            %get3A_462 = arith.constant 32 : index
            %get3A_463 = tpu.vector_load %arg20[%get3A_461, %get3A_462] {strides = array<i32>} : memref<328x128xf32, #tpu.memory_space<vmem>>, vector<16xf32>,
            %add3A_464 = arith.addf %get3A_463, %get3A_453 : vector<16xf32>
            %swap3A_465 = arith.index_cast %min3A_416 : i32 to index
            %swap3A_466 = arith.constant 32 : index
            %swap3A_467 = tpu.vector_load %arg20[%swap3A_465, %swap3A_466] {strides = array<i32>} : memref<328x128xf32, #tpu.memory_space<vmem>>, vector<16xf32>,
            tpu.vector_store %arg20[%swap3A_465, %swap3A_466], %add3A_464 {strides = array<i32>} : memref<328x128xf32, #tpu.memory_space<vmem>>, vector<16xf32>,
            %get3A_468 = arith.index_cast %add3A_373 : i32 to index
            %get3A_469 = arith.constant 48 : index
            %get3A_470 = tpu.vector_load %arg18[%get3A_468, %get3A_469] {strides = array<i32>} : memref<48x128xf32, #tpu.memory_space<vmem>>, vector<16xf32>,
            %get3A_471 = arith.index_cast %min3A_416 : i32 to index
            %get3A_472 = arith.constant 48 : index
            %get3A_473 = tpu.vector_load %arg19[%get3A_471, %get3A_472] {strides = array<i32>} : memref<328x128xf32, #tpu.memory_space<vmem>>, vector<16xf32>,
            %max3A_474 = arith.maximumf %get3A_473, %get3A_470 : vector<16xf32>
            %swap3A_475 = arith.index_cast %min3A_416 : i32 to index
            %swap3A_476 = arith.constant 48 : index
            %swap3A_477 = tpu.vector_load %arg19[%swap3A_475, %swap3A_476] {strides = array<i32>} : memref<328x128xf32, #tpu.memory_space<vmem>>, vector<16xf32>,
            tpu.vector_store %arg19[%swap3A_475, %swap3A_476], %max3A_474 {strides = array<i32>} : memref<328x128xf32, #tpu.memory_space<vmem>>, vector<16xf32>,
            %get3A_478 = arith.index_cast %min3A_416 : i32 to index
            %get3A_479 = arith.constant 48 : index
            %get3A_480 = tpu.vector_load %arg20[%get3A_478, %get3A_479] {strides = array<i32>} : memref<328x128xf32, #tpu.memory_space<vmem>>, vector<16xf32>,
            %add3A_481 = arith.addf %get3A_480, %get3A_470 : vector<16xf32>
            %swap3A_482 = arith.index_cast %min3A_416 : i32 to index
            %swap3A_483 = arith.constant 48 : index
            %swap3A_484 = tpu.vector_load %arg20[%swap3A_482, %swap3A_483] {strides = array<i32>} : memref<328x128xf32, #tpu.memory_space<vmem>>, vector<16xf32>,
            tpu.vector_store %arg20[%swap3A_482, %swap3A_483], %add3A_481 {strides = array<i32>} : memref<328x128xf32, #tpu.memory_space<vmem>>, vector<16xf32>,
            %get3A_485 = arith.index_cast %add3A_373 : i32 to index
            %get3A_486 = arith.constant 64 : index
            %get3A_487 = tpu.vector_load %arg18[%get3A_485, %get3A_486] {strides = array<i32>} : memref<48x128xf32, #tpu.memory_space<vmem>>, vector<16xf32>,
            %get3A_488 = arith.index_cast %min3A_416 : i32 to index
            %get3A_489 = arith.constant 64 : index
            %get3A_490 = tpu.vector_load %arg19[%get3A_488, %get3A_489] {strides = array<i32>} : memref<328x128xf32, #tpu.memory_space<vmem>>, vector<16xf32>,
            %max3A_491 = arith.maximumf %get3A_490, %get3A_487 : vector<16xf32>
            %swap3A_492 = arith.index_cast %min3A_416 : i32 to index
            %swap3A_493 = arith.constant 64 : index
            %swap3A_494 = tpu.vector_load %arg19[%swap3A_492, %swap3A_493] {strides = array<i32>} : memref<328x128xf32, #tpu.memory_space<vmem>>, vector<16xf32>,
            tpu.vector_store %arg19[%swap3A_492, %swap3A_493], %max3A_491 {strides = array<i32>} : memref<328x128xf32, #tpu.memory_space<vmem>>, vector<16xf32>,
            %get3A_495 = arith.index_cast %min3A_416 : i32 to index
            %get3A_496 = arith.constant 64 : index
            %get3A_497 = tpu.vector_load %arg20[%get3A_495, %get3A_496] {strides = array<i32>} : memref<328x128xf32, #tpu.memory_space<vmem>>, vector<16xf32>,
            %add3A_498 = arith.addf %get3A_497, %get3A_487 : vector<16xf32>
            %swap3A_499 = arith.index_cast %min3A_416 : i32 to index
            %swap3A_500 = arith.constant 64 : index
            %swap3A_501 = tpu.vector_load %arg20[%swap3A_499, %swap3A_500] {strides = array<i32>} : memref<328x128xf32, #tpu.memory_space<vmem>>, vector<16xf32>,
            tpu.vector_store %arg20[%swap3A_499, %swap3A_500], %add3A_498 {strides = array<i32>} : memref<328x128xf32, #tpu.memory_space<vmem>>, vector<16xf32>,
            %get3A_502 = arith.index_cast %add3A_373 : i32 to index
            %get3A_503 = arith.constant 80 : index
            %get3A_504 = tpu.vector_load %arg18[%get3A_502, %get3A_503] {strides = array<i32>} : memref<48x128xf32, #tpu.memory_space<vmem>>, vector<16xf32>,
            %get3A_505 = arith.index_cast %min3A_416 : i32 to index
            %get3A_506 = arith.constant 80 : index
            %get3A_507 = tpu.vector_load %arg19[%get3A_505, %get3A_506] {strides = array<i32>} : memref<328x128xf32, #tpu.memory_space<vmem>>, vector<16xf32>,
            %max3A_508 = arith.maximumf %get3A_507, %get3A_504 : vector<16xf32>
            %swap3A_509 = arith.index_cast %min3A_416 : i32 to index
            %swap3A_510 = arith.constant 80 : index
            %swap3A_511 = tpu.vector_load %arg19[%swap3A_509, %swap3A_510] {strides = array<i32>} : memref<328x128xf32, #tpu.memory_space<vmem>>, vector<16xf32>,
            tpu.vector_store %arg19[%swap3A_509, %swap3A_510], %max3A_508 {strides = array<i32>} : memref<328x128xf32, #tpu.memory_space<vmem>>, vector<16xf32>,
            %get3A_512 = arith.index_cast %min3A_416 : i32 to index
            %get3A_513 = arith.constant 80 : index
            %get3A_514 = tpu.vector_load %arg20[%get3A_512, %get3A_513] {strides = array<i32>} : memref<328x128xf32, #tpu.memory_space<vmem>>, vector<16xf32>,
            %add3A_515 = arith.addf %get3A_514, %get3A_504 : vector<16xf32>
            %swap3A_516 = arith.index_cast %min3A_416 : i32 to index
            %swap3A_517 = arith.constant 80 : index
            %swap3A_518 = tpu.vector_load %arg20[%swap3A_516, %swap3A_517] {strides = array<i32>} : memref<328x128xf32, #tpu.memory_space<vmem>>, vector<16xf32>,
            tpu.vector_store %arg20[%swap3A_516, %swap3A_517], %add3A_515 {strides = array<i32>} : memref<328x128xf32, #tpu.memory_space<vmem>>, vector<16xf32>,
            %get3A_519 = arith.index_cast %add3A_373 : i32 to index
            %get3A_520 = arith.constant 96 : index
            %get3A_521 = tpu.vector_load %arg18[%get3A_519, %get3A_520] {strides = array<i32>} : memref<48x128xf32, #tpu.memory_space<vmem>>, vector<16xf32>,
            %get3A_522 = arith.index_cast %min3A_416 : i32 to index
            %get3A_523 = arith.constant 96 : index
            %get3A_524 = tpu.vector_load %arg19[%get3A_522, %get3A_523] {strides = array<i32>} : memref<328x128xf32, #tpu.memory_space<vmem>>, vector<16xf32>,
            %max3A_525 = arith.maximumf %get3A_524, %get3A_521 : vector<16xf32>
            %swap3A_526 = arith.index_cast %min3A_416 : i32 to index
            %swap3A_527 = arith.constant 96 : index
            %swap3A_528 = tpu.vector_load %arg19[%swap3A_526, %swap3A_527] {strides = array<i32>} : memref<328x128xf32, #tpu.memory_space<vmem>>, vector<16xf32>,
            tpu.vector_store %arg19[%swap3A_526, %swap3A_527], %max3A_525 {strides = array<i32>} : memref<328x128xf32, #tpu.memory_space<vmem>>, vector<16xf32>,
            %get3A_529 = arith.index_cast %min3A_416 : i32 to index
            %get3A_530 = arith.constant 96 : index
            %get3A_531 = tpu.vector_load %arg20[%get3A_529, %get3A_530] {strides = array<i32>} : memref<328x128xf32, #tpu.memory_space<vmem>>, vector<16xf32>,
            %add3A_532 = arith.addf %get3A_531, %get3A_521 : vector<16xf32>
            %swap3A_533 = arith.index_cast %min3A_416 : i32 to index
            %swap3A_534 = arith.constant 96 : index
            %swap3A_535 = tpu.vector_load %arg20[%swap3A_533, %swap3A_534] {strides = array<i32>} : memref<328x128xf32, #tpu.memory_space<vmem>>, vector<16xf32>,
            tpu.vector_store %arg20[%swap3A_533, %swap3A_534], %add3A_532 {strides = array<i32>} : memref<328x128xf32, #tpu.memory_space<vmem>>, vector<16xf32>,
            %get3A_536 = arith.index_cast %add3A_373 : i32 to index
            %get3A_537 = arith.constant 112 : index
            %get3A_538 = tpu.vector_load %arg18[%get3A_536, %get3A_537] {strides = array<i32>} : memref<48x128xf32, #tpu.memory_space<vmem>>, vector<16xf32>,
            %get3A_539 = arith.index_cast %min3A_416 : i32 to index
            %get3A_540 = arith.constant 112 : index
            %get3A_541 = tpu.vector_load %arg19[%get3A_539, %get3A_540] {strides = array<i32>} : memref<328x128xf32, #tpu.memory_space<vmem>>, vector<16xf32>,
            %max3A_542 = arith.maximumf %get3A_541, %get3A_538 : vector<16xf32>
            %swap3A_543 = arith.index_cast %min3A_416 : i32 to index
            %swap3A_544 = arith.constant 112 : index
            %swap3A_545 = tpu.vector_load %arg19[%swap3A_543, %swap3A_544] {strides = array<i32>} : memref<328x128xf32, #tpu.memory_space<vmem>>, vector<16xf32>,
            tpu.vector_store %arg19[%swap3A_543, %swap3A_544], %max3A_542 {strides = array<i32>} : memref<328x128xf32, #tpu.memory_space<vmem>>, vector<16xf32>,
            %get3A_546 = arith.index_cast %min3A_416 : i32 to index
            %get3A_547 = arith.constant 112 : index
            %get3A_548 = tpu.vector_load %arg20[%get3A_546, %get3A_547] {strides = array<i32>} : memref<328x128xf32, #tpu.memory_space<vmem>>, vector<16xf32>,
            %add3A_549 = arith.addf %get3A_548, %get3A_538 : vector<16xf32>
            %swap3A_550 = arith.index_cast %min3A_416 : i32 to index
            %swap3A_551 = arith.constant 112 : index
            %swap3A_552 = tpu.vector_load %arg20[%swap3A_550, %swap3A_551] {strides = array<i32>} : memref<328x128xf32, #tpu.memory_space<vmem>>, vector<16xf32>,
            tpu.vector_store %arg20[%swap3A_550, %swap3A_551], %add3A_549 {strides = array<i32>} : memref<328x128xf32, #tpu.memory_space<vmem>>, vector<16xf32>,
          }
          %scan3A_187 = arith.constant 48 : i32
        } else {
        }
      }
    }
    %scan3A_48 = arith.constant 50 : i32
    "tpu.region"() ({
      %run_scoped3A = tpu.sem_alloc : memref<!tpu.dma_semaphore, #tpu.memory_space<semaphore_mem>>
      %dma_start3A_49 = arith.constant 0 : i32
      %dma_start3A_50 = arith.constant 0 : i32
      %dma_start3A_51 = tpu.memref_slice %arg20[%dma_start3A_49, %dma_start3A_50] : memref<328x128xf32, #tpu.memory_space<vmem>> -> memref<320x128xf32, #tpu.memory_space<vmem>>
      %dma_start3A_52 = arith.constant 0 : i32
      %dma_start3A_53 = tpu.memref_slice %arg7[%mul3A_2, %dma_start3A_52] : memref<10240x128xf32, #tpu.memory_space<hbm>> -> memref<320x128xf32, #tpu.memory_space<hbm>>
      %dma_start3A_54 = arith.constant 0 : i32
      %dma_start3A_55 = tpu.memref_slice %arg7[%mul3A_2, %dma_start3A_54] : memref<10240x128xf32, #tpu.memory_space<hbm>> -> memref<320x128xf32, #tpu.memory_space<hbm>>
      %dma_start3A_56 = arith.constant 0 : i32
      %dma_start3A_57 = arith.constant 0 : i32
      %dma_start3A_58 = tpu.memref_slice %arg20[%dma_start3A_56, %dma_start3A_57] : memref<328x128xf32, #tpu.memory_space<vmem>> -> memref<320x128xf32, #tpu.memory_space<vmem>>
      tpu.enqueue_dma source(%dma_start3A_58 : memref<320x128xf32, #tpu.memory_space<vmem>>) target(%dma_start3A_55 : memref<320x128xf32, #tpu.memory_space<hbm>>) target_semaphore(%run_scoped3A : memref<!tpu.dma_semaphore, #tpu.memory_space<semaphore_mem>>)
      %dma_wait3A = arith.constant 0 : i32
      %dma_wait3A_59 = arith.constant 0 : i32
      %dma_wait3A_60 = tpu.memref_slice %arg20[%dma_wait3A, %dma_wait3A_59] : memref<328x128xf32, #tpu.memory_space<vmem>> -> memref<320x128xf32, #tpu.memory_space<vmem>>
      %dma_wait3A_61 = arith.constant 0 : i32
      %dma_wait3A_62 = tpu.memref_slice %arg7[%mul3A_2, %dma_wait3A_61] : memref<10240x128xf32, #tpu.memory_space<hbm>> -> memref<320x128xf32, #tpu.memory_space<hbm>>
      %dma_wait3A_63 = arith.constant 0 : i32
      %dma_wait3A_64 = tpu.memref_slice %arg7[%mul3A_2, %dma_wait3A_63] : memref<10240x128xf32, #tpu.memory_space<hbm>> -> memref<320x128xf32, #tpu.memory_space<hbm>>
      %dma_wait3A_65 = arith.constant 0 : i32
      %dma_wait3A_66 = arith.constant 0 : i32
      %dma_wait3A_67 = tpu.memref_slice %arg20[%dma_wait3A_65, %dma_wait3A_66] : memref<328x128xf32, #tpu.memory_space<vmem>> -> memref<320x128xf32, #tpu.memory_space<vmem>>
      tpu.wait_dma2 semaphore(%run_scoped3A : memref<!tpu.dma_semaphore, #tpu.memory_space<semaphore_mem>>) src(%dma_wait3A_67 : memref<320x128xf32, #tpu.memory_space<vmem>>) dst(%dma_wait3A_64 : memref<320x128xf32, #tpu.memory_space<hbm>>)
      tpu.yield
    }) : () -> ()
    "tpu.region"() ({
      %run_scoped3A = tpu.sem_alloc : memref<!tpu.dma_semaphore, #tpu.memory_space<semaphore_mem>>
      %dma_start3A_49 = arith.constant 0 : i32
      %dma_start3A_50 = arith.constant 0 : i32
      %dma_start3A_51 = tpu.memref_slice %arg19[%dma_start3A_49, %dma_start3A_50] : memref<328x128xf32, #tpu.memory_space<vmem>> -> memref<320x128xf32, #tpu.memory_space<vmem>>
      %dma_start3A_52 = arith.constant 0 : i32
      %dma_start3A_53 = tpu.memref_slice %arg9[%mul3A_2, %dma_start3A_52] : memref<10240x128xf32, #tpu.memory_space<hbm>> -> memref<320x128xf32, #tpu.memory_space<hbm>>
      %dma_start3A_54 = arith.constant 0 : i32
      %dma_start3A_55 = tpu.memref_slice %arg9[%mul3A_2, %dma_start3A_54] : memref<10240x128xf32, #tpu.memory_space<hbm>> -> memref<320x128xf32, #tpu.memory_space<hbm>>
      %dma_start3A_56 = arith.constant 0 : i32
      %dma_start3A_57 = arith.constant 0 : i32
      %dma_start3A_58 = tpu.memref_slice %arg19[%dma_start3A_56, %dma_start3A_57] : memref<328x128xf32, #tpu.memory_space<vmem>> -> memref<320x128xf32, #tpu.memory_space<vmem>>
      tpu.enqueue_dma source(%dma_start3A_58 : memref<320x128xf32, #tpu.memory_space<vmem>>) target(%dma_start3A_55 : memref<320x128xf32, #tpu.memory_space<hbm>>) target_semaphore(%run_scoped3A : memref<!tpu.dma_semaphore, #tpu.memory_space<semaphore_mem>>)
      %dma_wait3A = arith.constant 0 : i32
      %dma_wait3A_59 = arith.constant 0 : i32
      %dma_wait3A_60 = tpu.memref_slice %arg19[%dma_wait3A, %dma_wait3A_59] : memref<328x128xf32, #tpu.memory_space<vmem>> -> memref<320x128xf32, #tpu.memory_space<vmem>>
      %dma_wait3A_61 = arith.constant 0 : i32
      %dma_wait3A_62 = tpu.memref_slice %arg9[%mul3A_2, %dma_wait3A_61] : memref<10240x128xf32, #tpu.memory_space<hbm>> -> memref<320x128xf32, #tpu.memory_space<hbm>>
      %dma_wait3A_63 = arith.constant 0 : i32
      %dma_wait3A_64 = tpu.memref_slice %arg9[%mul3A_2, %dma_wait3A_63] : memref<10240x128xf32, #tpu.memory_space<hbm>> -> memref<320x128xf32, #tpu.memory_space<hbm>>
      %dma_wait3A_65 = arith.constant 0 : i32
      %dma_wait3A_66 = arith.constant 0 : i32
      %dma_wait3A_67 = tpu.memref_slice %arg19[%dma_wait3A_65, %dma_wait3A_66] : memref<328x128xf32, #tpu.memory_space<vmem>> -> memref<320x128xf32, #tpu.memory_space<vmem>>
      tpu.wait_dma2 semaphore(%run_scoped3A : memref<!tpu.dma_semaphore, #tpu.memory_space<semaphore_mem>>) src(%dma_wait3A_67 : memref<320x128xf32, #tpu.memory_space<vmem>>) dst(%dma_wait3A_64 : memref<320x128xf32, #tpu.memory_space<hbm>>)
      tpu.yield
    }) : () -> ()
    "tpu.region"() ({
      %run_scoped3A = tpu.sem_alloc : memref<!tpu.dma_semaphore, #tpu.memory_space<semaphore_mem>>
      %dma_start3A_49 = arith.constant 0 : i32
      %dma_start3A_50 = tpu.memref_slice %arg21[%dma_start3A_49] : memref<336xf32, #tpu.memory_space<vmem>> -> memref<320xf32, #tpu.memory_space<vmem>>
      %dma_start3A_51 = tpu.memref_slice %arg10[%mul3A_2] : memref<10240xf32, #tpu.memory_space<hbm>> -> memref<320xf32, #tpu.memory_space<hbm>>
      %dma_start3A_52 = tpu.memref_slice %arg10[%mul3A_2] : memref<10240xf32, #tpu.memory_space<hbm>> -> memref<320xf32, #tpu.memory_space<hbm>>
      %dma_start3A_53 = arith.constant 0 : i32
      %dma_start3A_54 = tpu.memref_slice %arg21[%dma_start3A_53] : memref<336xf32, #tpu.memory_space<vmem>> -> memref<320xf32, #tpu.memory_space<vmem>>
      tpu.enqueue_dma source(%dma_start3A_54 : memref<320xf32, #tpu.memory_space<vmem>>) target(%dma_start3A_52 : memref<320xf32, #tpu.memory_space<hbm>>) target_semaphore(%run_scoped3A : memref<!tpu.dma_semaphore, #tpu.memory_space<semaphore_mem>>)
      %dma_wait3A = arith.constant 0 : i32
      %dma_wait3A_55 = tpu.memref_slice %arg21[%dma_wait3A] : memref<336xf32, #tpu.memory_space<vmem>> -> memref<320xf32, #tpu.memory_space<vmem>>
      %dma_wait3A_56 = tpu.memref_slice %arg10[%mul3A_2] : memref<10240xf32, #tpu.memory_space<hbm>> -> memref<320xf32, #tpu.memory_space<hbm>>
      %dma_wait3A_57 = tpu.memref_slice %arg10[%mul3A_2] : memref<10240xf32, #tpu.memory_space<hbm>> -> memref<320xf32, #tpu.memory_space<hbm>>
      %dma_wait3A_58 = arith.constant 0 : i32
      %dma_wait3A_59 = tpu.memref_slice %arg21[%dma_wait3A_58] : memref<336xf32, #tpu.memory_space<vmem>> -> memref<320xf32, #tpu.memory_space<vmem>>
      tpu.wait_dma2 semaphore(%run_scoped3A : memref<!tpu.dma_semaphore, #tpu.memory_space<semaphore_mem>>) src(%dma_wait3A_59 : memref<320xf32, #tpu.memory_space<vmem>>) dst(%dma_wait3A_57 : memref<320xf32, #tpu.memory_space<hbm>>)
      tpu.yield
    }) : () -> ()
    return
  }
}

</mosaic_0001>

<sc_bundles>
// kernel: _sc_segment.3.cloned.1.call-start
scs
__scs_entry_jumppad:
0x0: {  	(pc) =	sbr.rel $0x88, $3  }
0x1: {  	(tag) =	ssettag $0x0;
	lr =	simm.s32 $0x1  }
0x2: {  	[smem:$0x3F9D] =	sst lr;
	_ =	strace $0xD0000000  }
0x3: {  	_ = 	snop  }
0x4: {  	_ = 	snop  }
0x5: {  	_ = 	snop  }
0x6: {  	_ = 	snop  }
0x7: {  	_ = 	snop  }
__scs_overlays_trampoline_lowered:
0x8: {  	[smem:$0x3FAC] =	sst s0  }
0x9: {  	[smem:$0x3FAD] =	sst s1  }
0xa: {  	[smem:$0x3FAE] =	sst s2  }
0xb: {  	[smem:$0x3FAF] =	sst s3  }
0xc: {  	[smem:$0x3FB0] =	sst s4  }
0xd: {  	[smem:$0x3FB1] =	sst s5  }
0xe: {  	[smem:$0x3FB2] =	sst s6  }
0xf: {  	[smem:$0x3FB3] =	sst s7  }
0x10: {  	[smem:$0x3FB4] =	sst s8  }
0x11: {  	[smem:$0x3FB5] =	sst s9;
	s0 =	simm.s32 @!p0 $0x0  }
0x12: {  	s1 =	sld [smem:$0x3F9B];
	s0 =	simm.s32 @p0 $0x1  }
0x13: {  	[smem:$0x3FB6] =	sst s0;
	s0 =	simm.s32 @!p1 $0x0  }
0x14: {  	s2 =	sld [smem:$0x3F9A];
	s0 =	simm.s32 @p1 $0x1  }
0x15: {  	[smem:$0x3FB7] =	sst s0;
	s0 =	simm.s32 @!p2 $0x0  }
0x16: {  	s3 =	sld [smem:$0x3FDB];
	s0 =	simm.s32 @p2 $0x1  }
0x17: {  	s4 =	simm.s32 $0x1BF5;
	[smem:$0x3FB9] =	sst s0  }
0x18: {  	s0 =	sld [smem:$0x3F9C];
	_ =	swait.ge [sflag:s4], $0x0  }
0x19: {  	s7 =	sld [smem:$0x3F9D]  }
0x1a: {  	s8 =	sadd.s32 $0xFFFFE003, lr  }
0x1b: {  	s9 =	sadd.s32 $0xFFFFFEF7, lr;
	s5 =	simm.s32 $0xFFFFFFFF;
	p2 =	slt.u32 s8, $0xFFFFF086  }
0x1c: {  	p1 =	slt.u32 s9, $0xF7A;
	s5 =	simm.s32 @!p2 $0x0  }
0x1d: {  	s5 =	simm.s32 @p1 $0x1;
	p0 =	seq.s32 s7, s2  }
0x1e: {  	s7 =	smul.u32 @!p0 $0xF7A, s2;
	p2 =	seq.s32 @!p0 s5, $0x0  }
0x1f: {  	s9 =	smul.u32 $0xF7A, s1;
	s8 =	simm.s32 @!p0 $0x1BF5;
	p2 =	por !p2, p0  }
0x20: {  	[sflag:s8] =	ssyncset.s32 @!p0 $0xFFFFF086;
	s6 =	sadd.s32 @!p0 s3, s7;
	s7 =	simm.s32 @!p0 $0x108  }
0x21: {  	s3 =	sadd.s32 s3, s9;
	s6 =	sadd.s32 @!p0 $0x88, s6;
	s7 =	simm.s32 @p2 $0x1082  }
0x22: {  	[simem:s7], [sflag:s8] =	dma.local @!p0 [hbm:s6], $0xF7A  }
0x23: {  	s9 =	sor.u32 $0xD0000000, s2;
	s6 =	simm.s32 $0x108;
	_ =	swait.ge @!p0 [sflag:s8], $0x0  }
0x24: {  	s3 =	sadd.s32 $0x88, s3;
	s6 =	simm.s32 @!p1 $0x1082;
	[sflag:s4] =	ssyncset.s32 $0xFFFFF086  }
0x25: {  	[simem:s6], [sflag:s4] =	dma.local [hbm:s3], $0xF7A  }
0x26: {  	[smem:$0x3F9D] =	sst s1;
	(tag) =	ssettag s2;
	_ =	strace s9  }
0x27: {  	s1 =	sld [smem:$0x3FAD]  }
0x28: {  	s2 =	sld [smem:$0x3FAE]  }
0x29: {  	s4 =	sld [smem:$0x3FB0]  }
0x2a: {  	p0 =	seq.s32 s5, $0x0;
	s5 =	sld [smem:$0x3FB1]  }
0x2b: {  	s6 =	sld [smem:$0x3FB2]  }
0x2c: {  	s7 =	sld [smem:$0x3FB3]  }
0x2d: {  	s3 =	simm.s32 $0x108;
	s8 =	sld [smem:$0x3FB4]  }
0x2e: {  	s3 =	simm.s32 @!p0 $0x1082;
	s9 =	sld [smem:$0x3FB5]  }
0x2f: {  	lr =	sadd.s32 s0, s3;
	s0 =	sld [smem:$0x3FAC]  }
0x30: {  	s3 =	sld [smem:$0x3FAF]  }
0x31: {  	[smem:$0x3FB8] =	sst s10  }
0x32: {  	s10 =	sld [smem:$0x3FB6];
	_ =	sdelay $0x3  }
0x33: {  	p0 =	seq.s32 s10, $0x1;
	s10 =	sld [smem:$0x3FB8];
	_ =	sdelay $0x3  }
0x34: {  	[smem:$0x3FB8] =	sst s10  }
0x35: {  	s10 =	sld [smem:$0x3FB7];
	_ =	sdelay $0x3  }
0x36: {  	p1 =	seq.s32 s10, $0x1;
	s10 =	sld [smem:$0x3FB8];
	_ =	sdelay $0x3  }
0x37: {  	[smem:$0x3FB8] =	sst s10  }
0x38: {  	s10 =	sld [smem:$0x3FB9]  }
0x39: {  	_ = 	snop;
	(pc) =	sbr.ind lr, $3  }
0x3a: {  	_ = 	snop  }
0x3b: {  	_ = 	snop  }
0x3c: {  	p2 =	seq.s32 s10, $0x1;
	s10 =	sld [smem:$0x3FB8]  }
0x3d: {  	_ =	shalt  }
0x3e: {  	_ =	shalt  }
0x3f: {  	_ =	shalt  }
0x40: {  	_ =	shalt  }
0x41: {  	_ =	shalt  }
0x42: {  	_ =	shalt  }
0x43: {  	_ =	shalt  }
0x44: {  	_ =	shalt  }
0x45: {  	_ =	shalt  }
0x46: {  	_ =	shalt  }
0x47: {  	_ =	shalt  }
0x48: {  	_ =	shalt  }
0x49: {  	_ =	shalt  }
0x4a: {  	_ =	shalt  }
0x4b: {  	_ =	shalt  }
0x4c: {  	_ =	shalt  }
0x4d: {  	_ =	shalt  }
0x4e: {  	_ =	shalt  }
0x4f: {  	_ =	shalt  }
0x50: {  	_ =	shalt  }
0x51: {  	_ =	shalt  }
0x52: {  	_ =	shalt  }
0x53: {  	_ =	shalt  }
0x54: {  	_ =	shalt  }
0x55: {  	_ =	shalt  }
0x56: {  	_ =	shalt  }
0x57: {  	_ =	shalt  }
0x58: {  	_ =	shalt  }
0x59: {  	_ =	shalt  }
0x5a: {  	_ =	shalt  }
0x5b: {  	_ =	shalt  }
0x5c: {  	_ =	shalt  }
0x5d: {  	_ =	shalt  }
0x5e: {  	_ =	shalt  }
0x5f: {  	_ =	shalt  }
0x60: {  	_ =	shalt  }
0x61: {  	_ =	shalt  }
0x62: {  	_ =	shalt  }
0x63: {  	_ =	shalt  }
0x64: {  	_ =	shalt  }
0x65: {  	_ =	shalt  }
0x66: {  	_ =	shalt  }
0x67: {  	_ =	shalt  }
0x68: {  	_ =	shalt  }
0x69: {  	_ =	shalt  }
0x6a: {  	_ =	shalt  }
0x6b: {  	_ =	shalt  }
0x6c: {  	_ =	shalt  }
0x6d: {  	_ =	shalt  }
0x6e: {  	_ =	shalt  }
0x6f: {  	_ =	shalt  }
0x70: {  	_ =	shalt  }
0x71: {  	_ =	shalt  }
0x72: {  	_ =	shalt  }
0x73: {  	_ =	shalt  }
0x74: {  	_ =	shalt  }
0x75: {  	_ =	shalt  }
0x76: {  	_ =	shalt  }
0x77: {  	_ =	shalt  }
0x78: {  	_ =	shalt  }
0x79: {  	_ =	shalt  }
0x7a: {  	_ =	shalt  }
0x7b: {  	_ =	shalt  }
0x7c: {  	_ =	shalt  }
0x7d: {  	_ =	shalt  }
0x7e: {  	_ =	shalt  }
0x7f: {  	_ =	shalt  }
0x80: {  	_ =	shalt  }
0x81: {  	_ =	shalt  }
0x82: {  	_ =	shalt  }
0x83: {  	_ =	shalt  }
0x84: {  	_ =	shalt  }
0x85: {  	_ =	shalt  }
0x86: {  	_ =	shalt  }
0x87: {  	_ =	shalt  }
.Lfunc_end0:
.L_simem_size_0:
called_computation_lowered:
.L_overlay_start_0:
0x88: {  	s2 =	sld [smem:$0x3FD9]  }
0x89: {  	s3 =	sld [smem:$0x3FFE];
	_ =	sdelay $0x1  }
0x8a: {  	s1 =	srdreg.scid  }
0x8b: {  	s0 =	sand.u32 $0x1, s1  }
0x8c: {  	s15 =	sshll.u32 s0, $0xA;
	s2 =	sadd.s32 s3, s2  }
0x8d: {  	s2 =	sadd.s32 s2, s15  }
0x8e: {  	[smem:$0x3FC4] =	sst s2  }
0x8f: {  	_ = 	snop  }
0x90: {  	s2 =	sld [smem:$0x3FC9]  }
0x91: {  	s16 =	sld [smem:$0x3FD0]  }
0x92: {  	s4 =	sld [smem:$0x3FC8]  }
0x93: {  	s5 =	sld [smem:$0x3FC7]  }
0x94: {  	s7 =	simm.s32 $0xA;
	s8 =	simm.s32 $0x10;
	s6 =	sld [smem:$0x3FC6]  }
0x95: {  	[smem:s8], [sflag:s7] =	dma.local [hbm:s16], $0x1  }
0x96: {  	_ =	swait.eq [sflag:s7], $0x1  }
0x97: {  	s17 =	sld [smem:$0x10]  }
0x98: {  	s18 =	sld [smem:$0x11]  }
0x99: {  	s9 =	sld [smem:$0x12];
	[sflag:s7] =	ssyncset.done $0x0  }
0x9a: {  	s10 =	sld [smem:$0x13];
	[sflag:s7] =	ssyncadd.s32 $0xFFFFFFFF  }
0x9b: {  	s19 =	sld [smem:$0x14];
	(tm) =	ssettm $0x1  }
0x9c: {  	s11 =	sld [smem:$0x3FFB];
	_ =	sdelay $0x3  }
0x9d: {  	_ =	strace s11  }
0x9e: {  	s11 =	sld [smem:$0x3FFC];
	_ =	sdelay $0x3  }
0x9f: {  	_ =	strace s11  }
0xa0: {  	s11 =	sld [smem:$0x3FFD];
	_ =	sdelay $0x3  }
0xa1: {  	_ =	strace s11  }
0xa2: {  	_ =	strace $0x8FFFFFFF  }
0xa3: {  	s20 =	sld [smem:$0x3FDB];
	_ =	sdelay $0x1  }
0xa4: {  	s12 =	simm.s32 $_scs_section_size  }
0xa5: {  	s13 =	simm.s32 $_size__tile_overlayer_lowered;
	s14 =	simm.s32 $_tile_overlayer_lowered  }
0xa6: {  	s23 =	simm.s32 $0x1BFF;
	s22 =	sshll.u32 s14, $0x1;
	s11 =	sadd.s32 s12, s20  }
0xa7: {  	s21 =	sshll.u32 s13, $0x1;
	s15 =	simm.s32 $0x0;
	s13 =	sadd.s32 s22, s11  }
0xa8: {  	[timem:s15], [sflag:s23] =	dma.local [hbm:s13], s21  }
0xa9: {  	_ =	swait.ge [sflag:s23], s21  }
0xaa: {  	s12 =	ssub.s32 $0x0, s21;
	[sflag:s23] =	ssyncset.done $0x0  }
0xab: {  	[sflag:s23] =	ssyncadd.s32 s12;
	_ =	sdelay $0x1  }
0xac: {  	s24 =	simm.s32 $0x1B8B  }
0xad: {  	_ =	swait.ge [sflag:s24], $0x1  }
0xae: {  	[sflag:s24] =	ssyncset.done $0x0  }
0xaf: {  	s25 =	simm.s32 $0x1B8E;
	[sflag:s24] =	ssyncadd.s32 $0xFFFFFFFF  }
0xb0: {  	s26 =	simm.s32 $execute0_lowered;
	[smem:$0x3FD2] =	sst s25  }
0xb1: {  	s12 =	sshll.u32 s26, $0x1;
	_ =	strace $0x80000046;
	[dreg:$0x1] =	wrdreg $0xFFFFFFFF  }
0xb2: {  	s28 =	simm.s32 $_size_execute0_lowered;
	s11 =	sadd.s32 s11, s12;
	[dreg:$0x0] =	wrdreg $0x0  }
0xb3: {  	s12 =	sshll.u32 s28, $0x1;
	[dreg:$0x2] =	wrdreg s11  }
0xb4: {  	[dreg:$0x3] =	wrdreg s12  }
0xb5: {  	[dreg:$0x4] =	wrdreg $0xC0  }
0xb6: {  	_ =	task [dreg:s15], $0x5FFFF  }
0xb7: {  	[dreg:$0x1] =	wrdreg $0xFFFFFFFF  }
0xb8: {  	[dreg:$0x0] =	wrdreg $0x60  }
0xb9: {  	[dreg:$0x2] =	wrdreg s2  }
0xba: {  	[dreg:$0x3] =	wrdreg s4  }
0xbb: {  	[dreg:$0x4] =	wrdreg s5  }
0xbc: {  	[dreg:$0x5] =	wrdreg s6  }
0xbd: {  	[dreg:$0x6] =	wrdreg s17  }
0xbe: {  	[dreg:$0x7] =	wrdreg s18  }
0xbf: {  	[dreg:$0x8] =	wrdreg s9  }
0xc0: {  	[dreg:$0x9] =	wrdreg s10  }
0xc1: {  	[dreg:$0xa] =	wrdreg s19  }
0xc2: {  	[dreg:$0xb] =	wrdreg $0x9  }
0xc3: {  	_ =	task.clear_ibuf [dreg:s15], $0xCFFFF;
	_ =	strace $0x90000046  }
0xc4: {  	s29 =	simm.s32 $0x9;
	_ =	strace $0x80000048  }
0xc5: {  	_ =	swait.ge [sflag:s29], $0x1  }
0xc6: {  	[sflag:s29] =	ssyncadd.s32 $0xFFFFFFFF  }
0xc7: {  	_ =	strace $0x90000048  }
0xc8: {  	_ =	sfence  }
0xc9: {  	s30 =	sld [smem:$0x0];
	_ =	sdelay $0x2  }
0xca: {  	s31 =	sshll.u32 s1, $0xD;
	s1 =	sshrl.u32 s1, $0x2  }
0xcb: {  	s3 =	sand.u32 $0x4000, s31;
	s1 =	sadd.s32 s1, s30  }
0xcc: {  	s0 =	sor.u32 s3, s0;
	s1 =	sshll.u32 s1, $0x11  }
0xcd: {  	s0 =	sor.u32 s1, s0  }
0xce: {  	s0 =	sadd.s32 $0x8F2B, s0  }
0xcf: {  	[sflag:s0] =	ssyncadd.remote.s32 $0x1  }
0xd0: {  	_ =	sfence.sel $0xFFFF  }
0xd1: {  	[dreg:$0x0] =	wrdreg $0xFFFFFFFF;
	(pc) =	sbr.abs _section_cstart, $3  }
0xd2: {  	[dreg:$0x1] =	wrdreg $0xFFFFFFFF  }
0xd3: {  	_ =	task.clear_ibuf [dreg:s15], $0x2FFFF;
	_ =	strace $0x9FFFFFFF  }
0xd4: {  	(tm) =	ssettm $0x7FFFFFFF  }
0xd5: {  	_ =	shalt  }
tec
execute0_lowered:
.L_overlay_start_1:
0x0: {  	(tag) =	ssettag $0x1  }
0x1: {  	s0 =	rddreg [dreg:$0x0]  }
0x2: {  	s1 =	rddreg [dreg:$0x1]  }
0x3: {  	s2 =	rddreg [dreg:$0x2]  }
0x4: {  	s3 =	rddreg [dreg:$0x3]  }
0x5: {  	s4 =	rddreg [dreg:$0x4]  }
0x6: {  	s5 =	rddreg [dreg:$0x5]  }
0x7: {  	s6 =	srdreg.scid;
	s8 =	rddreg [dreg:$0x6]  }
0x8: {  	s10 =	rddreg [dreg:$0x7];
	s9 =	stileid.u32  }
0x9: {  	s11 =	rddreg [dreg:$0x8];
	s17 =	simm.s32 $0x10800;
	s7 =	sand.u32 $0x1, s6  }
0xa: {  	s18 =	simm.s32 $0x4;
	s19 =	simm.s32 $0x6400;
	s6 =	sshll.u32 s7, $0x4  }
0xb: {  	s21 =	simm.s32 $0x0;
	s7 =	ssub.s32 $0x2, s7;
	s9 =	sor.u32 s9, s6  }
0xc: {  	s6 =	simm.s32 $0x0;
	s30 =	sshrl.u32 s7, $0x1;
	s13 =	smul.u32 $0x140, s9  }
0xd: {  	[smem:$0x7FF] =	sst s6;
	s12 =	smul.u32 $0x1400, s9;
	s15 =	ssub.s32 s7, s30  }
.Ltmp0:
0xe: {  	_ =	strace $0x80000047;
	s14 =	ssub.s32 $0x2710, s13;
	(pc) =	sbr.rel .LBB2_1-.Ltmp0, $4  }
0xf: {  	s7 =	sadd.s32 s4, s12;
	s8 =	sadd.s32 s8, s12;
	s9 =	sadd.s32 s5, s12  }
0x10: {  	v2 =	vimm.f32 $0.0e+00;
	s31 =	sshrl.u32 s13, $0x3;
	s10 =	sadd.s32 s10, s12;
	s12 =	smax.u32 s15, $0x1  }
0x11: {  	v3 =	vimm.f32 $-3.402823470e+38;
	v4 =	vimm.s32 $0x0;
	v0 =	vmov s13;
	s13 =	simm.s32 $0xC80;
	s15 =	simm.s32 $0x2;
	s16 =	smin.u32 s14, $0x140  }
0x12: {  	v5 =	vimm.s32 $0x100000;
	v6 =	vlaneseq.u32;
	s11 =	sadd.s32 s11, s31;
	s14 =	simm.s32 $0x1;
	v1 =	vmov s16;
	s16 =	simm.s32 $0x3  }
.LBB2_33:
0x13: {  	[hbm4b:s9+s6] =	stream.linear.scatter [tilespmem:s17], [sflag:$0x4], $0xA000, $0x38;
	[tilespmem:$0x1AD80] =	vst v63  }
0x14: {  	_ =	swait.ge [sflag:s18], $0xA000  }
0x15: {  	[sflag:s18] =	ssyncset.done $0x0  }
0x16: {  	[sflag:s18] =	ssyncadd.s32 $0xFFFF6000  }
0x17: {  	[hbm4b:s10+s6] =	stream.linear.scatter [tilespmem:s19], [sflag:$0x4], $0xA000, $0x38;
	[tilespmem:$0x1AD80] =	vst v63  }
0x18: {  	s21 =	sadd.s32 $0x1, s21;
	_ =	swait.ge [sflag:s18], $0xA000  }
0x19: {  	p0 =	sne.s32 s21, s12;
	[sflag:s18] =	ssyncset.done $0x0  }
.Ltmp1:
0x1a: {  	s4 =	simm.s32 $0x1AC00;
	[sflag:s18] =	ssyncadd.s32 $0xFFFF6000;
	(pc) =	sbr.rel @!p0 .LBB2_34-.Ltmp1, $4  }
0x1b: {  	[hbm4b:s11+s6] =	stream.linear.scatter [tilespmem:s4], [sflag:$0x4], $0x140, $0x38;
	[tilespmem:$0x1AD80] =	vst v63  }
0x1c: {  	_ =	swait.ge [sflag:s18], $0x140  }
0x1d: {  	[sflag:s18] =	ssyncset.done $0x0  }
0x1e: {  	[sflag:s18] =	ssyncadd.s32 $0xFFFFFEC0  }
.LBB2_1:
0x1f: {  	[tilespmem:$0x1AC00] =	vst v2  }
0x20: {  	[tilespmem:$0x1AC10] =	vst v2  }
0x21: {  	[tilespmem:$0x1AC20] =	vst v2  }
0x22: {  	[tilespmem:$0x1AC30] =	vst v2  }
0x23: {  	[tilespmem:$0x1AC40] =	vst v2  }
0x24: {  	[tilespmem:$0x1AC50] =	vst v2  }
0x25: {  	[tilespmem:$0x1AC60] =	vst v2  }
0x26: {  	[tilespmem:$0x1AC70] =	vst v2  }
0x27: {  	[tilespmem:$0x1AC80] =	vst v2  }
0x28: {  	[tilespmem:$0x1AC90] =	vst v2  }
0x29: {  	[tilespmem:$0x1ACA0] =	vst v2  }
0x2a: {  	[tilespmem:$0x1ACB0] =	vst v2  }
0x2b: {  	[tilespmem:$0x1ACC0] =	vst v2  }
0x2c: {  	[tilespmem:$0x1ACD0] =	vst v2  }
0x2d: {  	[tilespmem:$0x1ACE0] =	vst v2  }
0x2e: {  	[tilespmem:$0x1ACF0] =	vst v2  }
0x2f: {  	[tilespmem:$0x1AD00] =	vst v2  }
0x30: {  	[tilespmem:$0x1AD10] =	vst v2  }
0x31: {  	[tilespmem:$0x1AD20] =	vst v2  }
0x32: {  	[tilespmem:$0x1AD30] =	vst v2  }
0x33: {  	[tilespmem:$0x1AD40] =	vst v2;
	s4 =	simm.s32 $0x0;
	s5 =	simm.s32 $0x200  }
.LBB2_2:
0x34: {  	p0 =	sne.s32 s5, $0x28E00;
	[tilespmem:s4+$0x10870] =	vst v2  }
0x35: {  	[tilespmem:s4+$0x6400] =	vst v3  }
0x36: {  	[tilespmem:s4+$0x10800] =	vst v2  }
0x37: {  	[tilespmem:s4+$0x6410] =	vst v3  }
0x38: {  	[tilespmem:s4+$0x10810] =	vst v2  }
0x39: {  	[tilespmem:s4+$0x6420] =	vst v3  }
0x3a: {  	[tilespmem:s4+$0x10820] =	vst v2  }
0x3b: {  	[tilespmem:s4+$0x6430] =	vst v3  }
0x3c: {  	[tilespmem:s4+$0x10830] =	vst v2  }
0x3d: {  	[tilespmem:s4+$0x6440] =	vst v3  }
0x3e: {  	[tilespmem:s4+$0x10840] =	vst v2  }
.Ltmp2:
0x3f: {  	[tilespmem:s4+$0x6450] =	vst v3;
	(pc) =	sbr.rel @p0 .LBB2_2-.Ltmp2, $4  }
0x40: {  	[tilespmem:s4+$0x10850] =	vst v2  }
0x41: {  	[tilespmem:s4+$0x6460] =	vst v3  }
0x42: {  	[tilespmem:s4+$0x10860] =	vst v2  }
0x43: {  	[tilespmem:s4+$0x6470] =	vst v3;
	s4 =	sshra.s32 s5, $0x2;
	s5 =	sadd.s32 $0x200, s5  }
0x44: {  	[tilespmem:s4+$0x10870] =	vst v2  }
0x45: {  	[tilespmem:s4+$0x6400] =	vst v3  }
0x46: {  	[tilespmem:s4+$0x10800] =	vst v2  }
0x47: {  	[tilespmem:s4+$0x6410] =	vst v3  }
0x48: {  	[tilespmem:s4+$0x10810] =	vst v2  }
0x49: {  	[tilespmem:s4+$0x6420] =	vst v3  }
0x4a: {  	[tilespmem:s4+$0x10820] =	vst v2  }
0x4b: {  	[tilespmem:s4+$0x6430] =	vst v3  }
0x4c: {  	[tilespmem:s4+$0x10830] =	vst v2  }
0x4d: {  	[tilespmem:s4+$0x6440] =	vst v3  }
0x4e: {  	[tilespmem:s4+$0x10840] =	vst v2  }
0x4f: {  	[tilespmem:s4+$0x6450] =	vst v3  }
0x50: {  	[tilespmem:s4+$0x10850] =	vst v2  }
0x51: {  	[tilespmem:s4+$0x6460] =	vst v3  }
.Ltmp3:
0x52: {  	[tilespmem:s4+$0x10860] =	vst v2;
	(pc) =	sbr.rel .LBB2_5-.Ltmp3, $4  }
0x53: {  	[tilespmem:s4+$0x6470] =	vst v3;
	s22 =	simm.s32 $0x0  }
0x54: {  	[tilespmem:s22], [sflag:$0x1] =	stream.linear.gather [hbm4b:s2+s22], $0xC80, $0x38;
	[tilespmem:$0x1AD80] =	vst v63  }
0x55: {  	s23 =	simm.s32 $0x0  }
0x56: {  	[tilespmem:s13], [sflag:$0x1] =	stream.linear.gather [hbm4b:s3+s22], $0xC80, $0x38;
	[tilespmem:$0x1AD80] =	vst v63  }
.LBB2_4:
0x57: {  	p0 =	seq.s32 s23, $0x32  }
.Ltmp4:
0x58: {  	_ = 	snop;
	(pc) =	sbr.rel @p0 .LBB2_17-.Ltmp4, $1  }
0x59: {  	_ =	sdelay $0x3  }
.LBB2_5:
0x5a: {  	_ =	swait.ge [sflag:s14], $0xC80  }
0x5b: {  	[sflag:s14] =	ssyncset.done $0x0  }
0x5c: {  	[sflag:s14] =	ssyncadd.s32 $0xFFFFF380  }
0x5d: {  	_ =	swait.ge [sflag:s14], $0xC80  }
0x5e: {  	[sflag:s14] =	ssyncset.done $0x0  }
0x5f: {  	s4 =	simm.s32 $0x0;
	[sflag:s14] =	ssyncadd.s32 $0xFFFFF380  }
0x60: {  	v7 =	vld [tilespmem:s4+$0xC80];
	_ =	sdelay $0x4  }
0x61: {  	v7 =	vsub.s32 v7, v0  }
0x62: {  	vm0 =	vgt.s32 v7, $0xFFFFFFFF;
	vm1 =	vlt.s32 v7, v1  }
0x63: {  	vm0 =	vmand vm0, vm1  }
0x64: {  	v8 =	vsel vm0, $0x1, v4  }
0x65: {  	(xrf0) =	vadd.scan.msk.s32 $0xffff, v8;
	_ =	sdelay $0x2  }
0x66: {  	v8 =	vld [tilespmem:s4+$0x0];
	_ =	sdelay $0x2  }
0x67: {  	[tilespmem:s22+$0x2600] =	vst.msk vm0, v7;
	v7, _, _ =	vpop (xrf0)  }
0x68: {  	s20 =	simm.s32 $0x80;
	(v2sf) =	vpush v7, $0xF  }
0x69: {  	s5 =	simm.s32 $0x0;
	s4 =	smov.u32 s23;
	s23 =	simm.s32 $0x10;
	[tilespmem:s22+$0x1900] =	vst.msk vm0, v8  }
.LBB2_6:
0x6a: {  	p0 =	sne.s32 s20, $0x31C0;
	v7 =	vld [tilespmem:s23+$0xC80];
	_ =	sdelay $0x4  }
0x6b: {  	v7 =	vsub.s32 v7, v0  }
0x6c: {  	vm0 =	vgt.s32 v7, $0xFFFFFFFF;
	vm1 =	vlt.s32 v7, v1  }
0x6d: {  	vm0 =	vmand vm0, vm1  }
0x6e: {  	v8 =	vsel vm0, $0x1, v4  }
0x6f: {  	(xrf0) =	vadd.scan.msk.s32 $0xffff, v8;
	_ =	sdelay $0x1  }
0x70: {  	v8 =	vld [tilespmem:s23+$0x0];
	_ =	sdelay $0x1  }
.Ltmp5:
0x71: {  	s23 =	spop (v2sf);
	(pc) =	sbr.rel @p0 .LBB2_6-.Ltmp5, $4  }
0x72: {  	s5 =	sadd.s32 s5, s23  }
0x73: {  	[tilespmem:s5+$0x2600] =	vst.msk vm0, v7;
	v7, _, _ =	vpop (xrf0)  }
0x74: {  	[tilespmem:s5+$0x1900] =	vst.msk vm0, v8;
	(v2sf) =	vpush v7, $0xF  }
0x75: {  	s23 =	sshra.s32 s20, $0x2;
	s20 =	sadd.s32 $0x40, s20  }
0x76: {  	v7 =	vld [tilespmem:s23+$0xC80];
	_ =	sdelay $0x4  }
0x77: {  	v7 =	vsub.s32 v7, v0  }
0x78: {  	vm0 =	vgt.s32 v7, $0xFFFFFFFF;
	vm1 =	vlt.s32 v7, v1  }
0x79: {  	vm0 =	vmand vm0, vm1  }
0x7a: {  	v8 =	vsel vm0, $0x1, v4  }
0x7b: {  	(xrf0) =	vadd.scan.msk.s32 $0xffff, v8;
	_ =	sdelay $0x5  }
0x7c: {  	v8, _, _ =	vpop (xrf0)  }
0x7d: {  	(v2sf) =	vpush v8, $0xF;
	_ =	sdelay $0x7  }
0x7e: {  	v8 =	vld [tilespmem:s23+$0x0];
	_ =	sdelay $0x1  }
0x7f: {  	p0 =	seq.s32 s4, $0x31;
	s20 =	spop (v2sf);
	s23 =	sadd.s32 $0x1, s4  }
0x80: {  	s29 =	sadd.s32 s5, s20;
	s5 =	smul.u32 @!p0 $0x190, s23  }
0x81: {  	[tilespmem:s29+$0x2600] =	vst.msk vm0, v7  }
0x82: {  	s24 =	simm.s32 @!p0 $0x0;
	s20 =	sadd.s32 @!p0 s2, s5;
	[tilespmem:s29+$0x1900] =	vst.msk vm0, v8  }
0x83: {  	[tilespmem:s24], [sflag:$0x1] =	stream.linear.gather @!p0 [hbm4b:s20+s24], $0xC80, $0x38;
	[tilespmem:$0x1AD80] =	vst v63  }
0x84: {  	s30 =	spop (v2sf)  }
0x85: {  	s4 =	sadd.s32 s29, s30  }
0x86: {  	s31 =	sadd.s32 $0x2F, s4  }
0x87: {  	s25 =	smulhi.u32 $0x2AAAAAAB, s31;
	s26 =	sshra.s32 s31, $0x1F  }
0x88: {  	s28 =	simm.s32 @!p0 $0xC80;
	s5 =	sadd.s32 @!p0 s3, s5;
	s26 =	smul.u32 $0x2AAAAAAB, s26  }
0x89: {  	[tilespmem:s28], [sflag:$0x1] =	stream.linear.gather @!p0 [hbm4b:s5+s24], $0xC80, $0x38;
	[tilespmem:$0x1AD80] =	vst v63  }
0x8a: {  	s25 =	sadd.s32 s26, s25  }
0x8b: {  	s26 =	sshrl.u32 s25, $0x1F;
	s5 =	sshra.s32 s25, $0x3  }
0x8c: {  	s5 =	sadd.s32 s26, s5  }
0x8d: {  	s24 =	smul.u32 $0xFFFFFFD0, s5  }
0x8e: {  	s28 =	ssub.s32 $0xFFFFFFD1, s4  }
0x8f: {  	[tilespmem:s4+$0x1900] =	vst v4;
	p4 =	slt.s32 s31, $0x1;
	p1 =	sne.s32 s24, s28  }
0x90: {  	[tilespmem:s4+$0x2600] =	vst v5;
	p0 =	por !p4, !p1  }
0x91: {  	s20 =	simm.s32 $0x1;
	[tilespmem:s4+$0x1910] =	vst v4;
	p0 =	por !p0, !p0  }
0x92: {  	[tilespmem:s4+$0x2610] =	vst v5;
	s20 =	simm.s32 @!p0 $0x0  }
0x93: {  	[tilespmem:s4+$0x1920] =	vst v4;
	s24 =	ssub.s32 s5, s20  }
0x94: {  	[tilespmem:s4+$0x2620] =	vst v5;
	p0 =	slt.s32 s24, $0x1  }
0x95: {  	v7 =	vld @!p0 [tilespmem:$0x2600];
	_ =	sdelay $0x4  }
0x96: {  	v8 =	vld @!p0 [tilespmem:$0x1900];
	vm0 =	vlt.s32 @!p0 v7, $0x14F;
	vm1 =	vlt.s32 @!p0 v7, $0x140  }
0x97: {  	v7 =	vnsel @!p0 vm0, $0x14F, v7;
	_ =	sdelay $0x3  }
0x98: {  	s4 =	simm.s32 @!p0 $0x1AC00;
	[tilespmem:$0x3300] =	vst @!p0 v8;
	v8 =	vimm.f32 @!p0 $1.000000000e+00  }
0x99: {  	[tilespmem:v7+s4+$0x0] =	vst.idx.add.f32.msk @!p0 vm1, v8  }
0x9a: {  	v7 =	vld @!p0 [tilespmem:$0x2610];
	_ =	sdelay $0x4  }
0x9b: {  	v9 =	vld @!p0 [tilespmem:$0x1910];
	vm0 =	vlt.s32 @!p0 v7, $0x14F;
	vm1 =	vlt.s32 @!p0 v7, $0x140  }
0x9c: {  	v7 =	vnsel @!p0 vm0, $0x14F, v7;
	_ =	sdelay $0x3  }
0x9d: {  	[tilespmem:$0x3310] =	vst @!p0 v9  }
0x9e: {  	[tilespmem:v7+s4+$0x0] =	vst.idx.add.f32.msk @!p0 vm1, v8  }
0x9f: {  	v7 =	vld @!p0 [tilespmem:$0x2620];
	_ =	sdelay $0x4  }
0xa0: {  	v9 =	vld @!p0 [tilespmem:$0x1920];
	vm0 =	vlt.s32 @!p0 v7, $0x14F;
	vm1 =	vlt.s32 @!p0 v7, $0x140  }
0xa1: {  	v7 =	vnsel @!p0 vm0, $0x14F, v7;
	_ =	sdelay $0x2  }
0xa2: {  	s29 =	sadd.s32 $0x1, s24  }
0xa3: {  	p5 =	slt.s32 s24, $0x0;
	s5 =	simm.s32 @!p0 $0x3300;
	s30 =	sand.u32 $0x1, s29;
	[tilespmem:$0x3320] =	vst @!p0 v9  }
0xa4: {  	s20 =	simm.s32 @!p0 $0x3400;
	p6 =	seq.s32 s30, $0x1;
	[tilespmem:v7+s4+$0x0] =	vst.idx.add.f32.msk @!p0 vm1, v8;
	s4 =	simm.s32 @!p0 $0x30  }
0xa5: {  	[tilespmem:s20], [sflag:$0x2] =	stream.indirect.gather @!p0 [hbm4b:s0+s4], $0x80, s5, s4, $0xb8;
	[tilespmem:$0x1AD80] =	vst v63  }
0xa6: {  	s31 =	sshrl.u32 s29, $0x1F;
	p0 =	por !p5, !p6  }
0xa7: {  	s4 =	sadd.s32 s31, s29;
	s5 =	simm.s32 $0x1;
	p0 =	por !p0, !p0  }
0xa8: {  	s4 =	sshra.s32 s4, $0x1;
	s5 =	simm.s32 @!p0 $0x0  }
0xa9: {  	s25 =	ssub.s32 s4, s5  }
0xaa: {  	p0 =	slt.s32 s25, $0x1  }
.Ltmp6:
0xab: {  	_ = 	snop;
	(pc) =	sbr.rel @!p0 .LBB2_8-.Ltmp6, $4  }
.Ltmp7:
0xac: {  	_ = 	snop;
	(pc) =	sbr.rel @p0 .LBB2_4-.Ltmp7, $4  }
0xad: {  	_ = 	snop  }
0xae: {  	_ = 	snop  }
0xaf: {  	s26 =	simm.s32 $0x0  }
0xb0: {  	_ = 	snop  }
.LBB2_15:
0xb1: {  	v7 =	vmax.f32 v9, v10;
	v8 =	vadd.f32 v8, v10  }
0xb2: {  	[tilespmem:s5+$0x6470] =	vst v7  }
0xb3: {  	[tilespmem:s5+$0x10870] =	vst v8  }
.LBB2_16:
0xb4: {  	s26 =	sadd.s32 $0x1, s26  }
0xb5: {  	p0 =	seq.s32 s26, s25  }
.Ltmp8:
0xb6: {  	_ = 	snop;
	(pc) =	sbr.rel @p0 .LBB2_4-.Ltmp8, $1  }
0xb7: {  	_ =	sdelay $0x3  }
.LBB2_8:
0xb8: {  	s29 =	sshll.u32 s26, $0x1  }
0xb9: {  	p0 =	slt.s32 s29, s24  }
.Ltmp9:
0xba: {  	_ = 	snop;
	(pc) =	sbr.rel @!p0 .LBB2_12-.Ltmp9, $2  }
0xbb: {  	_ =	sdelay $0x2  }
0xbc: {  	s28 =	sor.u32 $0x1, s29  }
0xbd: {  	s28 =	sor.u32 $0x1, s29  }
0xbe: {  	_ =	swait.ge [sflag:s15], $0x1800;
	p0 =	sge.s32 s28, s24  }
0xbf: {  	[sflag:s15] =	ssyncset.done $0x0;
	s4 =	smul.u32 @!p0 $0x30, s28  }
0xc0: {  	[sflag:s15] =	ssyncadd.s32 $0xFFFFE800  }
0xc1: {  	v7 =	vld @!p0 [tilespmem:s4+$0x1900];
	_ =	sdelay $0x4  }
0xc2: {  	[tilespmem:$0x3380] =	vst @!p0 v7  }
0xc3: {  	v7 =	vld @!p0 [tilespmem:s4+$0x2600];
	_ =	sdelay $0x4  }
0xc4: {  	vm0 =	vlt.s32 @!p0 v7, $0x14F;
	vm1 =	vlt.s32 @!p0 v7, $0x140  }
0xc5: {  	v7 =	vnsel @!p0 vm0, $0x14F, v7;
	_ =	sdelay $0x3  }
0xc6: {  	v8 =	vimm.f32 @!p0 $1.000000000e+00;
	s5 =	simm.s32 @!p0 $0x1AC00  }
0xc7: {  	[tilespmem:v7+s5+$0x0] =	vst.idx.add.f32.msk @!p0 vm1, v8  }
0xc8: {  	v7 =	vld @!p0 [tilespmem:s4+$0x1910];
	_ =	sdelay $0x4  }
0xc9: {  	[tilespmem:$0x3390] =	vst @!p0 v7  }
0xca: {  	v7 =	vld @!p0 [tilespmem:s4+$0x2610];
	_ =	sdelay $0x4  }
0xcb: {  	vm0 =	vlt.s32 @!p0 v7, $0x14F;
	vm1 =	vlt.s32 @!p0 v7, $0x140  }
0xcc: {  	v7 =	vnsel @!p0 vm0, $0x14F, v7;
	_ =	sdelay $0x4  }
0xcd: {  	[tilespmem:v7+s5+$0x0] =	vst.idx.add.f32.msk @!p0 vm1, v8  }
0xce: {  	v7 =	vld @!p0 [tilespmem:s4+$0x1920];
	_ =	sdelay $0x4  }
0xcf: {  	[tilespmem:$0x33A0] =	vst @!p0 v7  }
0xd0: {  	v7 =	vld @!p0 [tilespmem:s4+$0x2620];
	_ =	sdelay $0x4  }
0xd1: {  	vm0 =	vlt.s32 @!p0 v7, $0x14F;
	vm1 =	vlt.s32 @!p0 v7, $0x140  }
0xd2: {  	s20 =	smul.u32 $0x180, s26;
	v9 =	vnsel @!p0 vm0, $0x14F, v7;
	_ =	sdelay $0x1  }
0xd3: {  	s4 =	sshra.s32 s20, $0x2  }
0xd4: {  	s4 =	sadd.s32 $0x2600, s4  }
0xd5: {  	v7 =	vmov s4  }
0xd6: {  	s20 =	simm.s32 @!p0 $0x4C00;
	s4 =	simm.s32 @!p0 $0x30;
	[tilespmem:v9+s5+$0x0] =	vst.idx.add.f32.msk @!p0 vm1, v8;
	s5 =	simm.s32 @!p0 $0x3380  }
0xd7: {  	[tilespmem:s20], [sflag:$0x3] =	stream.indirect.gather @!p0 [hbm4b:s0+s4], $0x80, s5, s4, $0xb8;
	[tilespmem:$0x1AD80] =	vst v63  }
0xd8: {  	s4 =	simm.s32 $0x0  }
0xd9: {  	s5 =	sand.u32 $0x30, s4  }
0xda: {  	v8 =	vld.idx.msk [tilespmem:v7+s5+$0x0 ss:$0x1], $0xffff;
	_ =	sdelay $0x1  }
0xdb: {  	s20 =	sand.u32 $0xE, s4  }
0xdc: {  	v9 =	vmov s20  }
0xdd: {  	vm14 =	veq.s32 v9, v6  }
0xde: {  	v8 =	vnsel vm14, $0x0, v8  }
0xdf: {  	(xrf0) =	vadd.scan.msk.s32 $0xffff, v8;
	_ =	sdelay $0x5  }
0xe0: {  	v8, _, _ =	vpop (xrf0)  }
0xe1: {  	(v2sf) =	vpush v8, $0xF;
	_ =	sdelay $0xe  }
0xe2: {  	s20 =	spop (v2sf)  }
0xe3: {  	p0 =	slt.s32 s20, $0x147  }
0xe4: {  	s30 =	simm.s32 $0x3480;
	s20 =	simm.s32 @!p0 $0x147  }
0xe5: {  	v8 =	vld [tilespmem:s30+$0xFFFFFF80];
	s20 =	sshll.u32 s20, $0x7  }
0xe6: {  	v9 =	vld [tilespmem:s20+$0x10800]  }
0xe7: {  	v10 =	vld [tilespmem:s20+$0x6400];
	_ =	sdelay $0x4  }
0xe8: {  	v9 =	vadd.f32 v9, v8;
	v8 =	vmax.f32 v10, v8  }
0xe9: {  	[tilespmem:s20+$0x6400] =	vst v8;
	v8 =	vld [tilespmem:s20+$0x6410]  }
0xea: {  	[tilespmem:s20+$0x10800] =	vst v9;
	v9 =	vld [tilespmem:s20+$0x10810]  }
0xeb: {  	v10 =	vld [tilespmem:s30+$0xFFFFFF90];
	_ =	sdelay $0x4  }
0xec: {  	v8 =	vmax.f32 v8, v10;
	v9 =	vadd.f32 v9, v10  }
0xed: {  	[tilespmem:s20+$0x6410] =	vst v8;
	v8 =	vld [tilespmem:s20+$0x10820]  }
0xee: {  	[tilespmem:s20+$0x10810] =	vst v9;
	v9 =	vld [tilespmem:s20+$0x6420]  }
0xef: {  	v10 =	vld [tilespmem:s30+$0xFFFFFFA0];
	_ =	sdelay $0x4  }
0xf0: {  	v9 =	vmax.f32 v9, v10;
	v8 =	vadd.f32 v8, v10  }
0xf1: {  	[tilespmem:s20+$0x6420] =	vst v9;
	v9 =	vld [tilespmem:s20+$0x10830]  }
0xf2: {  	[tilespmem:s20+$0x10820] =	vst v8;
	v8 =	vld [tilespmem:s20+$0x6430]  }
0xf3: {  	v10 =	vld [tilespmem:s30+$0xFFFFFFB0];
	_ =	sdelay $0x4  }
0xf4: {  	v8 =	vmax.f32 v8, v10;
	v9 =	vadd.f32 v9, v10  }
0xf5: {  	[tilespmem:s20+$0x6430] =	vst v8;
	v8 =	vld [tilespmem:s20+$0x10840]  }
0xf6: {  	[tilespmem:s20+$0x10830] =	vst v9;
	v9 =	vld [tilespmem:s20+$0x6440]  }
0xf7: {  	v10 =	vld [tilespmem:s30+$0xFFFFFFC0];
	_ =	sdelay $0x4  }
0xf8: {  	v9 =	vmax.f32 v9, v10;
	v8 =	vadd.f32 v8, v10  }
0xf9: {  	[tilespmem:s20+$0x6440] =	vst v9;
	v9 =	vld [tilespmem:s20+$0x10850]  }
0xfa: {  	[tilespmem:s20+$0x10840] =	vst v8;
	v8 =	vld [tilespmem:s20+$0x6450]  }
0xfb: {  	v10 =	vld [tilespmem:s30+$0xFFFFFFD0];
	_ =	sdelay $0x4  }
0xfc: {  	v8 =	vmax.f32 v8, v10;
	v9 =	vadd.f32 v9, v10  }
0xfd: {  	[tilespmem:s20+$0x6450] =	vst v8;
	v8 =	vld [tilespmem:s20+$0x10860]  }
0xfe: {  	[tilespmem:s20+$0x10850] =	vst v9;
	v9 =	vld [tilespmem:s20+$0x6460]  }
0xff: {  	v10 =	vld [tilespmem:s30+$0xFFFFFFE0];
	_ =	sdelay $0x4  }
0x100: {  	v9 =	vmax.f32 v9, v10;
	v8 =	vadd.f32 v8, v10  }
0x101: {  	[tilespmem:s20+$0x6460] =	vst v9;
	v9 =	vld [tilespmem:s20+$0x10870]  }
0x102: {  	[tilespmem:s20+$0x10860] =	vst v8;
	v8 =	vld [tilespmem:s20+$0x6470]  }
0x103: {  	v10 =	vld [tilespmem:s30+$0xFFFFFFF0];
	_ =	sdelay $0x4  }
0x104: {  	v8 =	vmax.f32 v8, v10;
	v9 =	vadd.f32 v9, v10  }
0x105: {  	[tilespmem:s20+$0x6470] =	vst v8  }
0x106: {  	[tilespmem:s20+$0x10870] =	vst v9  }
0x107: {  	v8 =	vld.idx.msk [tilespmem:v7+s5+$0x0 ss:$0x1], $0xffff  }
0x108: {  	s4 =	sand.u32 $0xF, s4  }
0x109: {  	s4 =	sadd.s32 $0x1, s4  }
0x10a: {  	v9 =	vmov s4  }
0x10b: {  	vm15 =	veq.s32 v9, v6  }
0x10c: {  	v8 =	vnsel vm15, $0x0, v8  }
0x10d: {  	(xrf0) =	vadd.scan.msk.s32 $0xffff, v8;
	_ =	sdelay $0x5  }
0x10e: {  	v8, _, _ =	vpop (xrf0)  }
0x10f: {  	(v2sf) =	vpush v8, $0xF;
	_ =	sdelay $0xe  }
0x110: {  	s4 =	spop (v2sf)  }
0x111: {  	p0 =	slt.s32 s4, $0x147  }
0x112: {  	s4 =	simm.s32 @!p0 $0x147  }
0x113: {  	v8 =	vld [tilespmem:s30+$0x0];
	s5 =	sshll.u32 s4, $0x7  }
0x114: {  	v9 =	vld [tilespmem:s5+$0x6400]  }
0x115: {  	v10 =	vld [tilespmem:s5+$0x10800];
	_ =	sdelay $0x4  }
0x116: {  	v9 =	vmax.f32 v9, v8;
	v8 =	vadd.f32 v10, v8  }
0x117: {  	v11 =	vld [tilespmem:s5+$0x10810];
	[tilespmem:s5+$0x6400] =	vst v9  }
0x118: {  	v12 =	vld [tilespmem:s5+$0x6410];
	[tilespmem:s5+$0x10800] =	vst v8  }
0x119: {  	v8 =	vld [tilespmem:s30+$0x10];
	_ =	sdelay $0x4  }
0x11a: {  	v9 =	vmax.f32 v12, v8;
	v8 =	vadd.f32 v11, v8  }
0x11b: {  	v13 =	vld [tilespmem:s5+$0x10820];
	[tilespmem:s5+$0x6410] =	vst v9  }
0x11c: {  	v14 =	vld [tilespmem:s5+$0x6420];
	[tilespmem:s5+$0x10810] =	vst v8  }
0x11d: {  	v9 =	vld [tilespmem:s30+$0x20];
	_ =	sdelay $0x4  }
0x11e: {  	v60 =	vmax.f32 v14, v9;
	v13 =	vadd.f32 v13, v9  }
0x11f: {  	v15 =	vld [tilespmem:s5+$0x6430];
	[tilespmem:s5+$0x6420] =	vst v60  }
0x120: {  	v10 =	vld [tilespmem:s5+$0x10830];
	[tilespmem:s5+$0x10820] =	vst v13  }
0x121: {  	v12 =	vld [tilespmem:s30+$0x30];
	_ =	sdelay $0x4  }
0x122: {  	v61 =	vmax.f32 v15, v12;
	v10 =	vadd.f32 v10, v12  }
0x123: {  	v16 =	vld [tilespmem:s5+$0x10840];
	[tilespmem:s5+$0x6430] =	vst v61  }
0x124: {  	v17 =	vld [tilespmem:s5+$0x6440];
	[tilespmem:s5+$0x10830] =	vst v10  }
0x125: {  	v10 =	vld [tilespmem:s30+$0x40];
	_ =	sdelay $0x4  }
0x126: {  	v62 =	vmax.f32 v17, v10;
	v10 =	vadd.f32 v16, v10  }
0x127: {  	v18 =	vld [tilespmem:s5+$0x10850];
	[tilespmem:s5+$0x6440] =	vst v62  }
0x128: {  	v19 =	vld [tilespmem:s5+$0x6450];
	[tilespmem:s5+$0x10840] =	vst v10  }
0x129: {  	v10 =	vld [tilespmem:s30+$0x50];
	_ =	sdelay $0x4  }
0x12a: {  	v63 =	vmax.f32 v19, v10;
	v10 =	vadd.f32 v18, v10  }
0x12b: {  	v20 =	vld [tilespmem:s5+$0x10860];
	[tilespmem:s5+$0x6450] =	vst v63  }
0x12c: {  	v11 =	vld [tilespmem:s5+$0x6460];
	[tilespmem:s5+$0x10850] =	vst v10  }
0x12d: {  	v10 =	vld [tilespmem:s30+$0x60];
	_ =	sdelay $0x4  }
0x12e: {  	v11 =	vmax.f32 v11, v10;
	v10 =	vadd.f32 v20, v10  }
0x12f: {  	v8 =	vld [tilespmem:s5+$0x10870];
	[tilespmem:s5+$0x6460] =	vst v11  }
0x130: {  	v9 =	vld [tilespmem:s5+$0x6470];
	[tilespmem:s5+$0x10860] =	vst v10  }
0x131: {  	s31 =	simm.s32 $0x2;
	v10 =	vld [tilespmem:s30+$0x70]  }
.LBB2_10:
0x132: {  	_ =	sdelay $0x2  }
0x133: {  	p0 =	slt.u32 s31, $0x2E  }
0x134: {  	s30 =	sadd.s32 $0x100, s30;
	s4 =	smov.u32 s31;
	s31 =	sadd.s32 $0x2, s31;
	v9 =	vmax.f32 v9, v10;
	v8 =	vadd.f32 v8, v10  }
0x135: {  	[tilespmem:s5+$0x6470] =	vst v9  }
0x136: {  	s20 =	sand.u32 $0x30, s4;
	[tilespmem:s5+$0x10870] =	vst v8  }
0x137: {  	v8 =	vld.idx.msk [tilespmem:v7+s20+$0x0 ss:$0x1], $0xffff;
	_ =	sdelay $0x2  }
0x138: {  	s5 =	sand.u32 $0xE, s4  }
0x139: {  	v9 =	vmov s5  }
0x13a: {  	vm0 =	veq.s32 v9, v6  }
0x13b: {  	v8 =	vnsel vm0, $0x0, v8  }
0x13c: {  	(xrf0) =	vadd.scan.msk.s32 $0xffff, v8;
	_ =	sdelay $0x5  }
0x13d: {  	v8, _, _ =	vpop (xrf0)  }
0x13e: {  	(v2sf) =	vpush v8, $0xF;
	_ =	sdelay $0xe  }
0x13f: {  	s5 =	spop (v2sf)  }
0x140: {  	p1 =	slt.s32 s5, $0x147  }
0x141: {  	s5 =	simm.s32 @!p1 $0x147  }
0x142: {  	v8 =	vld [tilespmem:s30+$0xFFFFFF80];
	s5 =	sshll.u32 s5, $0x7  }
0x143: {  	v9 =	vld [tilespmem:s5+$0x10800]  }
0x144: {  	v10 =	vld [tilespmem:s5+$0x6400];
	_ =	sdelay $0x3  }
0x145: {  	v9 =	vadd.f32 v9, v8  }
0x146: {  	v8 =	vmax.f32 v10, v8  }
0x147: {  	[tilespmem:s5+$0x10800] =	vst v9;
	v9 =	vld [tilespmem:s5+$0x10810]  }
0x148: {  	[tilespmem:s5+$0x6400] =	vst v8;
	v8 =	vld [tilespmem:s5+$0x6410]  }
0x149: {  	v10 =	vld [tilespmem:s30+$0xFFFFFF90];
	_ =	sdelay $0x4  }
0x14a: {  	v8 =	vmax.f32 v8, v10;
	v9 =	vadd.f32 v9, v10  }
0x14b: {  	[tilespmem:s5+$0x6410] =	vst v8;
	v8 =	vld [tilespmem:s5+$0x10820]  }
0x14c: {  	[tilespmem:s5+$0x10810] =	vst v9;
	v9 =	vld [tilespmem:s5+$0x6420]  }
0x14d: {  	v10 =	vld [tilespmem:s30+$0xFFFFFFA0];
	_ =	sdelay $0x4  }
0x14e: {  	v9 =	vmax.f32 v9, v10;
	v8 =	vadd.f32 v8, v10  }
0x14f: {  	[tilespmem:s5+$0x6420] =	vst v9;
	v9 =	vld [tilespmem:s5+$0x10830]  }
0x150: {  	[tilespmem:s5+$0x10820] =	vst v8;
	v8 =	vld [tilespmem:s5+$0x6430]  }
0x151: {  	v10 =	vld [tilespmem:s30+$0xFFFFFFB0];
	_ =	sdelay $0x4  }
0x152: {  	v8 =	vmax.f32 v8, v10;
	v9 =	vadd.f32 v9, v10  }
0x153: {  	[tilespmem:s5+$0x6430] =	vst v8;
	v8 =	vld [tilespmem:s5+$0x10840]  }
0x154: {  	[tilespmem:s5+$0x10830] =	vst v9;
	v9 =	vld [tilespmem:s5+$0x6440]  }
0x155: {  	v10 =	vld [tilespmem:s30+$0xFFFFFFC0];
	_ =	sdelay $0x4  }
0x156: {  	v9 =	vmax.f32 v9, v10;
	v8 =	vadd.f32 v8, v10  }
0x157: {  	[tilespmem:s5+$0x6440] =	vst v9;
	v9 =	vld [tilespmem:s5+$0x10850]  }
0x158: {  	[tilespmem:s5+$0x10840] =	vst v8;
	v8 =	vld [tilespmem:s5+$0x6450]  }
0x159: {  	v10 =	vld [tilespmem:s30+$0xFFFFFFD0];
	_ =	sdelay $0x4  }
0x15a: {  	v8 =	vmax.f32 v8, v10;
	v9 =	vadd.f32 v9, v10  }
0x15b: {  	[tilespmem:s5+$0x6450] =	vst v8;
	v8 =	vld [tilespmem:s5+$0x10860]  }
0x15c: {  	[tilespmem:s5+$0x10850] =	vst v9;
	v9 =	vld [tilespmem:s5+$0x6460]  }
0x15d: {  	v10 =	vld [tilespmem:s30+$0xFFFFFFE0];
	_ =	sdelay $0x4  }
0x15e: {  	v9 =	vmax.f32 v9, v10;
	v8 =	vadd.f32 v8, v10  }
0x15f: {  	[tilespmem:s5+$0x6460] =	vst v9;
	v9 =	vld [tilespmem:s5+$0x10870]  }
0x160: {  	[tilespmem:s5+$0x10860] =	vst v8;
	v8 =	vld [tilespmem:s5+$0x6470]  }
0x161: {  	v10 =	vld [tilespmem:s30+$0xFFFFFFF0];
	_ =	sdelay $0x4  }
0x162: {  	v8 =	vmax.f32 v8, v10;
	v9 =	vadd.f32 v9, v10  }
0x163: {  	[tilespmem:s5+$0x6470] =	vst v8  }
0x164: {  	[tilespmem:s5+$0x10870] =	vst v9  }
0x165: {  	v8 =	vld.idx.msk [tilespmem:v7+s20+$0x0 ss:$0x1], $0xffff  }
0x166: {  	s4 =	sand.u32 $0xF, s4  }
0x167: {  	s4 =	sadd.s32 $0x1, s4  }
0x168: {  	v9 =	vmov s4  }
0x169: {  	vm0 =	veq.s32 v9, v6;
	_ =	sdelay $0x1  }
0x16a: {  	v8 =	vnsel vm0, $0x0, v8  }
0x16b: {  	(xrf0) =	vadd.scan.msk.s32 $0xffff, v8;
	_ =	sdelay $0x5  }
0x16c: {  	v8, _, _ =	vpop (xrf0)  }
0x16d: {  	(v2sf) =	vpush v8, $0xF;
	_ =	sdelay $0xe  }
0x16e: {  	s4 =	spop (v2sf)  }
0x16f: {  	p1 =	slt.s32 s4, $0x147  }
0x170: {  	s4 =	simm.s32 @!p1 $0x147  }
0x171: {  	v8 =	vld [tilespmem:s30+$0x0];
	s5 =	sshll.u32 s4, $0x7  }
0x172: {  	v9 =	vld [tilespmem:s5+$0x6400]  }
0x173: {  	v10 =	vld [tilespmem:s5+$0x10800]  }
0x174: {  	v11 =	vld [tilespmem:s5+$0x10810]  }
0x175: {  	v12 =	vld [tilespmem:s5+$0x6410]  }
0x176: {  	v13 =	vld [tilespmem:s5+$0x10820]  }
0x177: {  	v9 =	vmax.f32 v9, v8;
	v14 =	vld [tilespmem:s5+$0x6420]  }
0x178: {  	[tilespmem:s5+$0x6400] =	vst v9;
	v8 =	vadd.f32 v10, v8;
	v10 =	vld [tilespmem:s5+$0x10830]  }
0x179: {  	v15 =	vld [tilespmem:s5+$0x6430]  }
0x17a: {  	[tilespmem:s5+$0x10800] =	vst v8;
	v16 =	vld [tilespmem:s5+$0x10840]  }
0x17b: {  	v8 =	vld [tilespmem:s30+$0x10]  }
0x17c: {  	v17 =	vld [tilespmem:s5+$0x6440]  }
0x17d: {  	v18 =	vld [tilespmem:s5+$0x10850]  }
0x17e: {  	v19 =	vld [tilespmem:s5+$0x6450]  }
0x17f: {  	v20 =	vld [tilespmem:s5+$0x10860]  }
0x180: {  	v9 =	vmax.f32 v12, v8;
	v11 =	vadd.f32 v11, v8;
	v12 =	vld [tilespmem:s5+$0x6460]  }
0x181: {  	[tilespmem:s5+$0x6410] =	vst v9;
	v8 =	vld [tilespmem:s5+$0x10870]  }
0x182: {  	[tilespmem:s5+$0x10810] =	vst v11;
	v9 =	vld [tilespmem:s5+$0x6470]  }
0x183: {  	v11 =	vld [tilespmem:s30+$0x20];
	_ =	sdelay $0x4  }
0x184: {  	v14 =	vmax.f32 v14, v11;
	v11 =	vadd.f32 v13, v11  }
0x185: {  	[tilespmem:s5+$0x6420] =	vst v14  }
0x186: {  	[tilespmem:s5+$0x10820] =	vst v11  }
0x187: {  	v11 =	vld [tilespmem:s30+$0x30];
	_ =	sdelay $0x4  }
0x188: {  	v13 =	vmax.f32 v15, v11;
	v10 =	vadd.f32 v10, v11  }
0x189: {  	[tilespmem:s5+$0x6430] =	vst v13  }
0x18a: {  	[tilespmem:s5+$0x10830] =	vst v10  }
0x18b: {  	v10 =	vld [tilespmem:s30+$0x40];
	_ =	sdelay $0x4  }
0x18c: {  	v11 =	vmax.f32 v17, v10;
	v10 =	vadd.f32 v16, v10  }
0x18d: {  	[tilespmem:s5+$0x6440] =	vst v11  }
0x18e: {  	[tilespmem:s5+$0x10840] =	vst v10  }
0x18f: {  	v10 =	vld [tilespmem:s30+$0x50];
	_ =	sdelay $0x4  }
0x190: {  	v11 =	vmax.f32 v19, v10;
	v10 =	vadd.f32 v18, v10  }
0x191: {  	[tilespmem:s5+$0x6450] =	vst v11  }
0x192: {  	[tilespmem:s5+$0x10850] =	vst v10  }
0x193: {  	v10 =	vld [tilespmem:s30+$0x60];
	_ =	sdelay $0x3  }
.Ltmp10:
0x194: {  	(pc) =	sbr.rel @p0 .LBB2_10-.Ltmp10, $4  }
0x195: {  	v11 =	vmax.f32 v12, v10;
	v10 =	vadd.f32 v20, v10  }
0x196: {  	[tilespmem:s5+$0x6460] =	vst v11  }
0x197: {  	[tilespmem:s5+$0x10860] =	vst v10  }
0x198: {  	v10 =	vld [tilespmem:s30+$0x70]  }
0x199: {  	_ =	sdelay $0x3  }
0x19a: {  	v7 =	vmax.f32 v9, v10;
	v8 =	vadd.f32 v8, v10  }
0x19b: {  	[tilespmem:s5+$0x6470] =	vst v7  }
0x19c: {  	[tilespmem:s5+$0x10870] =	vst v8  }
.LBB2_12:
0x19d: {  	p0 =	sge.s32 s28, s24  }
.Ltmp11:
0x19e: {  	_ = 	snop;
	(pc) =	sbr.rel @p0 .LBB2_16-.Ltmp11, $1  }
0x19f: {  	_ =	sdelay $0x3  }
0x1a0: {  	s4 =	sadd.s32 $0x2, s29  }
0x1a1: {  	_ =	swait.ge [sflag:s16], $0x1800;
	p0 =	sge.s32 s4, s24  }
0x1a2: {  	[sflag:s16] =	ssyncset.done $0x0;
	s4 =	smul.u32 @!p0 $0x30, s4  }
0x1a3: {  	[sflag:s16] =	ssyncadd.s32 $0xFFFFE800  }
0x1a4: {  	v7 =	vld @!p0 [tilespmem:s4+$0x1900];
	_ =	sdelay $0x4  }
0x1a5: {  	[tilespmem:$0x3300] =	vst @!p0 v7  }
0x1a6: {  	v7 =	vld @!p0 [tilespmem:s4+$0x2600];
	_ =	sdelay $0x4  }
0x1a7: {  	vm0 =	vlt.s32 @!p0 v7, $0x14F;
	vm1 =	vlt.s32 @!p0 v7, $0x140  }
0x1a8: {  	v7 =	vnsel @!p0 vm0, $0x14F, v7;
	_ =	sdelay $0x3  }
0x1a9: {  	v8 =	vimm.f32 @!p0 $1.000000000e+00;
	s5 =	simm.s32 @!p0 $0x1AC00  }
0x1aa: {  	[tilespmem:v7+s5+$0x0] =	vst.idx.add.f32.msk @!p0 vm1, v8  }
0x1ab: {  	v7 =	vld @!p0 [tilespmem:s4+$0x1910];
	_ =	sdelay $0x4  }
0x1ac: {  	[tilespmem:$0x3310] =	vst @!p0 v7  }
0x1ad: {  	v7 =	vld @!p0 [tilespmem:s4+$0x2610];
	_ =	sdelay $0x4  }
0x1ae: {  	vm0 =	vlt.s32 @!p0 v7, $0x14F;
	vm1 =	vlt.s32 @!p0 v7, $0x140  }
0x1af: {  	v7 =	vnsel @!p0 vm0, $0x14F, v7;
	_ =	sdelay $0x4  }
0x1b0: {  	[tilespmem:v7+s5+$0x0] =	vst.idx.add.f32.msk @!p0 vm1, v8  }
0x1b1: {  	v7 =	vld @!p0 [tilespmem:s4+$0x1920];
	_ =	sdelay $0x4  }
0x1b2: {  	[tilespmem:$0x3320] =	vst @!p0 v7  }
0x1b3: {  	v7 =	vld @!p0 [tilespmem:s4+$0x2620];
	_ =	sdelay $0x4  }
0x1b4: {  	vm0 =	vlt.s32 @!p0 v7, $0x14F;
	vm1 =	vlt.s32 @!p0 v7, $0x140  }
0x1b5: {  	s20 =	smul.u32 $0xC0, s28;
	v9 =	vnsel @!p0 vm0, $0x14F, v7;
	_ =	sdelay $0x1  }
0x1b6: {  	s4 =	sshra.s32 s20, $0x2  }
0x1b7: {  	s4 =	sadd.s32 $0x2600, s4  }
0x1b8: {  	v7 =	vmov s4  }
0x1b9: {  	s20 =	simm.s32 @!p0 $0x3400;
	s4 =	simm.s32 @!p0 $0x30;
	[tilespmem:v9+s5+$0x0] =	vst.idx.add.f32.msk @!p0 vm1, v8;
	s5 =	simm.s32 @!p0 $0x3300  }
0x1ba: {  	[tilespmem:s20], [sflag:$0x2] =	stream.indirect.gather @!p0 [hbm4b:s0+s4], $0x80, s5, s4, $0xb8;
	[tilespmem:$0x1AD80] =	vst v63  }
0x1bb: {  	s4 =	simm.s32 $0x0  }
0x1bc: {  	s30 =	sand.u32 $0x30, s4  }
0x1bd: {  	v8 =	vld.idx.msk [tilespmem:v7+s30+$0x0 ss:$0x1], $0xffff;
	_ =	sdelay $0x1  }
0x1be: {  	s31 =	sand.u32 $0xE, s4  }
0x1bf: {  	v9 =	vmov s31  }
0x1c0: {  	vm14 =	veq.s32 v9, v6  }
0x1c1: {  	v8 =	vnsel vm14, $0x0, v8  }
0x1c2: {  	(xrf0) =	vadd.scan.msk.s32 $0xffff, v8;
	_ =	sdelay $0x5  }
0x1c3: {  	v8, _, _ =	vpop (xrf0)  }
0x1c4: {  	(v2sf) =	vpush v8, $0xF;
	_ =	sdelay $0xe  }
0x1c5: {  	s20 =	spop (v2sf)  }
0x1c6: {  	p0 =	slt.s32 s20, $0x147  }
0x1c7: {  	s28 =	simm.s32 $0x4C80;
	s20 =	simm.s32 @!p0 $0x147  }
0x1c8: {  	v8 =	vld [tilespmem:s28+$0xFFFFFF80];
	s20 =	sshll.u32 s20, $0x7  }
0x1c9: {  	v9 =	vld [tilespmem:s20+$0x10800]  }
0x1ca: {  	v10 =	vld [tilespmem:s20+$0x6400];
	_ =	sdelay $0x4  }
0x1cb: {  	v9 =	vadd.f32 v9, v8;
	v8 =	vmax.f32 v10, v8  }
0x1cc: {  	[tilespmem:s20+$0x6400] =	vst v8;
	v8 =	vld [tilespmem:s20+$0x6410]  }
0x1cd: {  	[tilespmem:s20+$0x10800] =	vst v9;
	v9 =	vld [tilespmem:s20+$0x10810]  }
0x1ce: {  	v10 =	vld [tilespmem:s28+$0xFFFFFF90];
	_ =	sdelay $0x4  }
0x1cf: {  	v8 =	vmax.f32 v8, v10;
	v9 =	vadd.f32 v9, v10  }
0x1d0: {  	[tilespmem:s20+$0x6410] =	vst v8;
	v8 =	vld [tilespmem:s20+$0x10820]  }
0x1d1: {  	[tilespmem:s20+$0x10810] =	vst v9;
	v9 =	vld [tilespmem:s20+$0x6420]  }
0x1d2: {  	v10 =	vld [tilespmem:s28+$0xFFFFFFA0];
	_ =	sdelay $0x4  }
0x1d3: {  	v9 =	vmax.f32 v9, v10;
	v8 =	vadd.f32 v8, v10  }
0x1d4: {  	[tilespmem:s20+$0x6420] =	vst v9;
	v9 =	vld [tilespmem:s20+$0x10830]  }
0x1d5: {  	[tilespmem:s20+$0x10820] =	vst v8;
	v8 =	vld [tilespmem:s20+$0x6430]  }
0x1d6: {  	v10 =	vld [tilespmem:s28+$0xFFFFFFB0];
	_ =	sdelay $0x4  }
0x1d7: {  	v8 =	vmax.f32 v8, v10;
	v9 =	vadd.f32 v9, v10  }
0x1d8: {  	[tilespmem:s20+$0x6430] =	vst v8;
	v8 =	vld [tilespmem:s20+$0x10840]  }
0x1d9: {  	[tilespmem:s20+$0x10830] =	vst v9;
	v9 =	vld [tilespmem:s20+$0x6440]  }
0x1da: {  	v10 =	vld [tilespmem:s28+$0xFFFFFFC0];
	_ =	sdelay $0x4  }
0x1db: {  	v9 =	vmax.f32 v9, v10;
	v8 =	vadd.f32 v8, v10  }
0x1dc: {  	[tilespmem:s20+$0x6440] =	vst v9;
	v9 =	vld [tilespmem:s20+$0x10850]  }
0x1dd: {  	[tilespmem:s20+$0x10840] =	vst v8;
	v8 =	vld [tilespmem:s20+$0x6450]  }
0x1de: {  	v10 =	vld [tilespmem:s28+$0xFFFFFFD0];
	_ =	sdelay $0x4  }
0x1df: {  	v8 =	vmax.f32 v8, v10;
	v9 =	vadd.f32 v9, v10  }
0x1e0: {  	[tilespmem:s20+$0x6450] =	vst v8;
	v8 =	vld [tilespmem:s20+$0x10860]  }
0x1e1: {  	[tilespmem:s20+$0x10850] =	vst v9;
	v9 =	vld [tilespmem:s20+$0x6460]  }
0x1e2: {  	v10 =	vld [tilespmem:s28+$0xFFFFFFE0];
	_ =	sdelay $0x4  }
0x1e3: {  	v9 =	vmax.f32 v9, v10;
	v8 =	vadd.f32 v8, v10  }
0x1e4: {  	[tilespmem:s20+$0x6460] =	vst v9;
	v9 =	vld [tilespmem:s20+$0x10870]  }
0x1e5: {  	[tilespmem:s20+$0x10860] =	vst v8;
	v8 =	vld [tilespmem:s20+$0x6470]  }
0x1e6: {  	v10 =	vld [tilespmem:s28+$0xFFFFFFF0];
	_ =	sdelay $0x4  }
0x1e7: {  	v8 =	vmax.f32 v8, v10;
	v9 =	vadd.f32 v9, v10  }
0x1e8: {  	[tilespmem:s20+$0x6470] =	vst v8  }
0x1e9: {  	[tilespmem:s20+$0x10870] =	vst v9  }
0x1ea: {  	v8 =	vld.idx.msk [tilespmem:v7+s30+$0x0 ss:$0x1], $0xffff  }
0x1eb: {  	s4 =	sand.u32 $0xF, s4  }
0x1ec: {  	s4 =	sadd.s32 $0x1, s4  }
0x1ed: {  	v9 =	vmov s4  }
0x1ee: {  	vm15 =	veq.s32 v9, v6  }
0x1ef: {  	v8 =	vnsel vm15, $0x0, v8  }
0x1f0: {  	(xrf0) =	vadd.scan.msk.s32 $0xffff, v8;
	_ =	sdelay $0x5  }
0x1f1: {  	v8, _, _ =	vpop (xrf0)  }
0x1f2: {  	(v2sf) =	vpush v8, $0xF;
	_ =	sdelay $0xe  }
0x1f3: {  	s4 =	spop (v2sf)  }
0x1f4: {  	p0 =	slt.s32 s4, $0x147  }
0x1f5: {  	s4 =	simm.s32 @!p0 $0x147  }
0x1f6: {  	v8 =	vld [tilespmem:s28+$0x0];
	s5 =	sshll.u32 s4, $0x7  }
0x1f7: {  	v9 =	vld [tilespmem:s5+$0x6400]  }
0x1f8: {  	v10 =	vld [tilespmem:s5+$0x10800];
	_ =	sdelay $0x4  }
0x1f9: {  	v9 =	vmax.f32 v9, v8;
	v8 =	vadd.f32 v10, v8  }
0x1fa: {  	v11 =	vld [tilespmem:s5+$0x10810];
	[tilespmem:s5+$0x6400] =	vst v9  }
0x1fb: {  	v12 =	vld [tilespmem:s5+$0x6410];
	[tilespmem:s5+$0x10800] =	vst v8  }
0x1fc: {  	v8 =	vld [tilespmem:s28+$0x10];
	_ =	sdelay $0x4  }
0x1fd: {  	v9 =	vmax.f32 v12, v8;
	v8 =	vadd.f32 v11, v8  }
0x1fe: {  	v13 =	vld [tilespmem:s5+$0x10820];
	[tilespmem:s5+$0x6410] =	vst v9  }
0x1ff: {  	v14 =	vld [tilespmem:s5+$0x6420];
	[tilespmem:s5+$0x10810] =	vst v8  }
0x200: {  	v9 =	vld [tilespmem:s28+$0x20];
	_ =	sdelay $0x4  }
0x201: {  	v60 =	vmax.f32 v14, v9;
	v13 =	vadd.f32 v13, v9  }
0x202: {  	v15 =	vld [tilespmem:s5+$0x6430];
	[tilespmem:s5+$0x6420] =	vst v60  }
0x203: {  	v10 =	vld [tilespmem:s5+$0x10830];
	[tilespmem:s5+$0x10820] =	vst v13  }
0x204: {  	v12 =	vld [tilespmem:s28+$0x30];
	_ =	sdelay $0x4  }
0x205: {  	v61 =	vmax.f32 v15, v12;
	v10 =	vadd.f32 v10, v12  }
0x206: {  	v16 =	vld [tilespmem:s5+$0x10840];
	[tilespmem:s5+$0x6430] =	vst v61  }
0x207: {  	v17 =	vld [tilespmem:s5+$0x6440];
	[tilespmem:s5+$0x10830] =	vst v10  }
0x208: {  	v10 =	vld [tilespmem:s28+$0x40];
	_ =	sdelay $0x4  }
0x209: {  	v62 =	vmax.f32 v17, v10;
	v10 =	vadd.f32 v16, v10  }
0x20a: {  	v18 =	vld [tilespmem:s5+$0x10850];
	[tilespmem:s5+$0x6440] =	vst v62  }
0x20b: {  	v19 =	vld [tilespmem:s5+$0x6450];
	[tilespmem:s5+$0x10840] =	vst v10  }
0x20c: {  	v10 =	vld [tilespmem:s28+$0x50];
	_ =	sdelay $0x4  }
0x20d: {  	v63 =	vmax.f32 v19, v10;
	v10 =	vadd.f32 v18, v10  }
0x20e: {  	v20 =	vld [tilespmem:s5+$0x10860];
	[tilespmem:s5+$0x6450] =	vst v63  }
0x20f: {  	v11 =	vld [tilespmem:s5+$0x6460];
	[tilespmem:s5+$0x10850] =	vst v10  }
0x210: {  	v10 =	vld [tilespmem:s28+$0x60];
	_ =	sdelay $0x4  }
0x211: {  	v11 =	vmax.f32 v11, v10;
	v10 =	vadd.f32 v20, v10  }
0x212: {  	v8 =	vld [tilespmem:s5+$0x10870];
	[tilespmem:s5+$0x6460] =	vst v11  }
0x213: {  	v9 =	vld [tilespmem:s5+$0x6470];
	[tilespmem:s5+$0x10860] =	vst v10  }
0x214: {  	v10 =	vld [tilespmem:s28+$0x70];
	_ =	sdelay $0x2  }
0x215: {  	s29 =	simm.s32 $0x2  }
.LBB2_14:
0x216: {  	p0 =	slt.u32 s29, $0x2E  }
0x217: {  	v9 =	vmax.f32 v9, v10;
	v8 =	vadd.f32 v8, v10;
	s28 =	sadd.s32 $0x100, s28;
	s4 =	smov.u32 s29;
	s29 =	sadd.s32 $0x2, s29  }
0x218: {  	[tilespmem:s5+$0x6470] =	vst v9  }
0x219: {  	s20 =	sand.u32 $0x30, s4;
	[tilespmem:s5+$0x10870] =	vst v8  }
0x21a: {  	v8 =	vld.idx.msk [tilespmem:v7+s20+$0x0 ss:$0x1], $0xffff;
	_ =	sdelay $0x2  }
0x21b: {  	s5 =	sand.u32 $0xE, s4  }
0x21c: {  	v9 =	vmov s5  }
0x21d: {  	vm0 =	veq.s32 v9, v6  }
0x21e: {  	v8 =	vnsel vm0, $0x0, v8  }
0x21f: {  	(xrf0) =	vadd.scan.msk.s32 $0xffff, v8;
	_ =	sdelay $0x5  }
0x220: {  	v8, _, _ =	vpop (xrf0)  }
0x221: {  	(v2sf) =	vpush v8, $0xF;
	_ =	sdelay $0xe  }
0x222: {  	s5 =	spop (v2sf)  }
0x223: {  	p1 =	slt.s32 s5, $0x147  }
0x224: {  	s5 =	simm.s32 @!p1 $0x147  }
0x225: {  	v8 =	vld [tilespmem:s28+$0xFFFFFF80];
	s5 =	sshll.u32 s5, $0x7  }
0x226: {  	v9 =	vld [tilespmem:s5+$0x10800]  }
0x227: {  	v10 =	vld [tilespmem:s5+$0x6400];
	_ =	sdelay $0x3  }
0x228: {  	v9 =	vadd.f32 v9, v8  }
0x229: {  	v8 =	vmax.f32 v10, v8  }
0x22a: {  	[tilespmem:s5+$0x10800] =	vst v9;
	v9 =	vld [tilespmem:s5+$0x10810]  }
0x22b: {  	[tilespmem:s5+$0x6400] =	vst v8;
	v8 =	vld [tilespmem:s5+$0x6410]  }
0x22c: {  	v10 =	vld [tilespmem:s28+$0xFFFFFF90];
	_ =	sdelay $0x4  }
0x22d: {  	v8 =	vmax.f32 v8, v10;
	v9 =	vadd.f32 v9, v10  }
0x22e: {  	[tilespmem:s5+$0x6410] =	vst v8;
	v8 =	vld [tilespmem:s5+$0x10820]  }
0x22f: {  	[tilespmem:s5+$0x10810] =	vst v9;
	v9 =	vld [tilespmem:s5+$0x6420]  }
0x230: {  	v10 =	vld [tilespmem:s28+$0xFFFFFFA0];
	_ =	sdelay $0x4  }
0x231: {  	v9 =	vmax.f32 v9, v10;
	v8 =	vadd.f32 v8, v10  }
0x232: {  	[tilespmem:s5+$0x6420] =	vst v9;
	v9 =	vld [tilespmem:s5+$0x10830]  }
0x233: {  	[tilespmem:s5+$0x10820] =	vst v8;
	v8 =	vld [tilespmem:s5+$0x6430]  }
0x234: {  	v10 =	vld [tilespmem:s28+$0xFFFFFFB0];
	_ =	sdelay $0x4  }
0x235: {  	v8 =	vmax.f32 v8, v10;
	v9 =	vadd.f32 v9, v10  }
0x236: {  	[tilespmem:s5+$0x6430] =	vst v8;
	v8 =	vld [tilespmem:s5+$0x10840]  }
0x237: {  	[tilespmem:s5+$0x10830] =	vst v9;
	v9 =	vld [tilespmem:s5+$0x6440]  }
0x238: {  	v10 =	vld [tilespmem:s28+$0xFFFFFFC0];
	_ =	sdelay $0x4  }
0x239: {  	v9 =	vmax.f32 v9, v10;
	v8 =	vadd.f32 v8, v10  }
0x23a: {  	[tilespmem:s5+$0x6440] =	vst v9;
	v9 =	vld [tilespmem:s5+$0x10850]  }
0x23b: {  	[tilespmem:s5+$0x10840] =	vst v8;
	v8 =	vld [tilespmem:s5+$0x6450]  }
0x23c: {  	v10 =	vld [tilespmem:s28+$0xFFFFFFD0];
	_ =	sdelay $0x4  }
0x23d: {  	v8 =	vmax.f32 v8, v10;
	v9 =	vadd.f32 v9, v10  }
0x23e: {  	[tilespmem:s5+$0x6450] =	vst v8;
	v8 =	vld [tilespmem:s5+$0x10860]  }
0x23f: {  	[tilespmem:s5+$0x10850] =	vst v9;
	v9 =	vld [tilespmem:s5+$0x6460]  }
0x240: {  	v10 =	vld [tilespmem:s28+$0xFFFFFFE0];
	_ =	sdelay $0x4  }
0x241: {  	v9 =	vmax.f32 v9, v10;
	v8 =	vadd.f32 v8, v10  }
0x242: {  	[tilespmem:s5+$0x6460] =	vst v9;
	v9 =	vld [tilespmem:s5+$0x10870]  }
0x243: {  	[tilespmem:s5+$0x10860] =	vst v8;
	v8 =	vld [tilespmem:s5+$0x6470]  }
0x244: {  	v10 =	vld [tilespmem:s28+$0xFFFFFFF0];
	_ =	sdelay $0x4  }
0x245: {  	v8 =	vmax.f32 v8, v10;
	v9 =	vadd.f32 v9, v10  }
0x246: {  	[tilespmem:s5+$0x6470] =	vst v8  }
0x247: {  	[tilespmem:s5+$0x10870] =	vst v9  }
0x248: {  	v8 =	vld.idx.msk [tilespmem:v7+s20+$0x0 ss:$0x1], $0xffff  }
0x249: {  	s4 =	sand.u32 $0xF, s4  }
0x24a: {  	s4 =	sadd.s32 $0x1, s4  }
0x24b: {  	v9 =	vmov s4  }
0x24c: {  	vm0 =	veq.s32 v9, v6;
	_ =	sdelay $0x1  }
0x24d: {  	v8 =	vnsel vm0, $0x0, v8  }
0x24e: {  	(xrf0) =	vadd.scan.msk.s32 $0xffff, v8;
	_ =	sdelay $0x5  }
0x24f: {  	v8, _, _ =	vpop (xrf0)  }
0x250: {  	(v2sf) =	vpush v8, $0xF;
	_ =	sdelay $0xe  }
0x251: {  	s4 =	spop (v2sf)  }
0x252: {  	p1 =	slt.s32 s4, $0x147  }
0x253: {  	s4 =	simm.s32 @!p1 $0x147  }
0x254: {  	v8 =	vld [tilespmem:s28+$0x0];
	s5 =	sshll.u32 s4, $0x7  }
0x255: {  	v9 =	vld [tilespmem:s5+$0x6400]  }
0x256: {  	v10 =	vld [tilespmem:s5+$0x10800]  }
0x257: {  	v11 =	vld [tilespmem:s5+$0x10810]  }
0x258: {  	v12 =	vld [tilespmem:s5+$0x6410]  }
0x259: {  	v13 =	vld [tilespmem:s5+$0x10820]  }
0x25a: {  	v9 =	vmax.f32 v9, v8;
	v14 =	vld [tilespmem:s5+$0x6420]  }
0x25b: {  	[tilespmem:s5+$0x6400] =	vst v9;
	v8 =	vadd.f32 v10, v8;
	v10 =	vld [tilespmem:s5+$0x10830]  }
0x25c: {  	v15 =	vld [tilespmem:s5+$0x6430]  }
0x25d: {  	[tilespmem:s5+$0x10800] =	vst v8;
	v16 =	vld [tilespmem:s5+$0x10840]  }
0x25e: {  	v8 =	vld [tilespmem:s28+$0x10]  }
0x25f: {  	v17 =	vld [tilespmem:s5+$0x6440]  }
0x260: {  	v18 =	vld [tilespmem:s5+$0x10850]  }
0x261: {  	v19 =	vld [tilespmem:s5+$0x6450]  }
0x262: {  	v20 =	vld [tilespmem:s5+$0x10860]  }
0x263: {  	v9 =	vmax.f32 v12, v8;
	v11 =	vadd.f32 v11, v8;
	v12 =	vld [tilespmem:s5+$0x6460]  }
0x264: {  	[tilespmem:s5+$0x6410] =	vst v9;
	v8 =	vld [tilespmem:s5+$0x10870]  }
0x265: {  	[tilespmem:s5+$0x10810] =	vst v11;
	v9 =	vld [tilespmem:s5+$0x6470]  }
0x266: {  	v11 =	vld [tilespmem:s28+$0x20];
	_ =	sdelay $0x4  }
0x267: {  	v14 =	vmax.f32 v14, v11;
	v11 =	vadd.f32 v13, v11  }
0x268: {  	[tilespmem:s5+$0x6420] =	vst v14  }
0x269: {  	[tilespmem:s5+$0x10820] =	vst v11  }
0x26a: {  	v11 =	vld [tilespmem:s28+$0x30];
	_ =	sdelay $0x4  }
0x26b: {  	v13 =	vmax.f32 v15, v11;
	v10 =	vadd.f32 v10, v11  }
0x26c: {  	[tilespmem:s5+$0x6430] =	vst v13  }
0x26d: {  	[tilespmem:s5+$0x10830] =	vst v10  }
0x26e: {  	v10 =	vld [tilespmem:s28+$0x40];
	_ =	sdelay $0x4  }
0x26f: {  	v11 =	vmax.f32 v17, v10;
	v10 =	vadd.f32 v16, v10  }
0x270: {  	[tilespmem:s5+$0x6440] =	vst v11  }
0x271: {  	[tilespmem:s5+$0x10840] =	vst v10  }
0x272: {  	v10 =	vld [tilespmem:s28+$0x50];
	_ =	sdelay $0x4  }
0x273: {  	v11 =	vmax.f32 v19, v10;
	v10 =	vadd.f32 v18, v10  }
0x274: {  	[tilespmem:s5+$0x6450] =	vst v11  }
0x275: {  	[tilespmem:s5+$0x10850] =	vst v10  }
0x276: {  	v10 =	vld [tilespmem:s28+$0x60];
	_ =	sdelay $0x3  }
.Ltmp12:
0x277: {  	(pc) =	sbr.rel @p0 .LBB2_14-.Ltmp12, $4  }
0x278: {  	v11 =	vmax.f32 v12, v10;
	v10 =	vadd.f32 v20, v10  }
0x279: {  	[tilespmem:s5+$0x6460] =	vst v11  }
0x27a: {  	[tilespmem:s5+$0x10860] =	vst v10  }
0x27b: {  	v10 =	vld [tilespmem:s28+$0x70]  }
.Ltmp13:
0x27c: {  	_ = 	snop;
	(pc) =	sbr.rel .LBB2_15-.Ltmp13, $1  }
0x27d: {  	_ =	sdelay $0x3  }
.LBB2_17:
0x27e: {  	s4 =	simm.s32 $0x0  }
0x27f: {  	[hbm4b:s7+s4] =	stream.linear.scatter [tilespmem:s17], [sflag:$0x4], $0xA000, $0x38;
	[tilespmem:$0x1AD80] =	vst v63  }
0x280: {  	_ =	swait.ge [sflag:s18], $0xA000  }
0x281: {  	[sflag:s18] =	ssyncset.done $0x0  }
0x282: {  	[sflag:s18] =	ssyncadd.s32 $0xFFFF6000  }
0x283: {  	[hbm4b:s8+s4] =	stream.linear.scatter [tilespmem:s19], [sflag:$0x4], $0xA000, $0x38;
	[tilespmem:$0x1AD80] =	vst v63  }
0x284: {  	_ =	swait.ge [sflag:s18], $0xA000  }
0x285: {  	[sflag:s18] =	ssyncset.done $0x0  }
0x286: {  	s5 =	simm.s32 $0x200;
	s4 =	simm.s32 $0x0;
	[sflag:s18] =	ssyncadd.s32 $0xFFFF6000  }
.LBB2_18:
0x287: {  	p0 =	sne.s32 s5, $0x28E00;
	[tilespmem:s4+$0x10870] =	vst v2  }
0x288: {  	[tilespmem:s4+$0x6400] =	vst v3  }
0x289: {  	[tilespmem:s4+$0x10800] =	vst v2  }
0x28a: {  	[tilespmem:s4+$0x6410] =	vst v3  }
0x28b: {  	[tilespmem:s4+$0x10810] =	vst v2  }
0x28c: {  	[tilespmem:s4+$0x6420] =	vst v3  }
0x28d: {  	[tilespmem:s4+$0x10820] =	vst v2  }
0x28e: {  	[tilespmem:s4+$0x6430] =	vst v3  }
0x28f: {  	[tilespmem:s4+$0x10830] =	vst v2  }
0x290: {  	[tilespmem:s4+$0x6440] =	vst v3  }
0x291: {  	[tilespmem:s4+$0x10840] =	vst v2  }
.Ltmp14:
0x292: {  	[tilespmem:s4+$0x6450] =	vst v3;
	(pc) =	sbr.rel @p0 .LBB2_18-.Ltmp14, $4  }
0x293: {  	[tilespmem:s4+$0x10850] =	vst v2  }
0x294: {  	[tilespmem:s4+$0x6460] =	vst v3  }
0x295: {  	[tilespmem:s4+$0x10860] =	vst v2  }
0x296: {  	[tilespmem:s4+$0x6470] =	vst v3;
	s4 =	sshra.s32 s5, $0x2;
	s5 =	sadd.s32 $0x200, s5  }
0x297: {  	[tilespmem:s4+$0x10870] =	vst v2  }
0x298: {  	[tilespmem:s4+$0x6400] =	vst v3  }
0x299: {  	[tilespmem:s4+$0x10800] =	vst v2  }
0x29a: {  	[tilespmem:s4+$0x6410] =	vst v3  }
0x29b: {  	[tilespmem:s4+$0x10810] =	vst v2  }
0x29c: {  	[tilespmem:s4+$0x6420] =	vst v3  }
0x29d: {  	[tilespmem:s4+$0x10820] =	vst v2  }
0x29e: {  	[tilespmem:s4+$0x6430] =	vst v3  }
0x29f: {  	[tilespmem:s4+$0x10830] =	vst v2  }
0x2a0: {  	[tilespmem:s4+$0x6440] =	vst v3  }
0x2a1: {  	[tilespmem:s4+$0x10840] =	vst v2  }
0x2a2: {  	[tilespmem:s4+$0x6450] =	vst v3  }
0x2a3: {  	[tilespmem:s4+$0x10850] =	vst v2  }
0x2a4: {  	[tilespmem:s4+$0x6460] =	vst v3  }
.Ltmp15:
0x2a5: {  	[tilespmem:s4+$0x10860] =	vst v2;
	(pc) =	sbr.rel .LBB2_21-.Ltmp15, $4  }
0x2a6: {  	[tilespmem:s4+$0x6470] =	vst v3;
	s22 =	simm.s32 $0x0  }
0x2a7: {  	[tilespmem:s22], [sflag:$0x1] =	stream.linear.gather [hbm4b:s2+s22], $0xC80, $0x38;
	[tilespmem:$0x1AD80] =	vst v63  }
0x2a8: {  	s23 =	simm.s32 $0x0  }
0x2a9: {  	[tilespmem:s13], [sflag:$0x1] =	stream.linear.gather [hbm4b:s3+s22], $0xC80, $0x38;
	[tilespmem:$0x1AD80] =	vst v63  }
.LBB2_20:
0x2aa: {  	p0 =	seq.s32 s23, $0x32  }
.Ltmp16:
0x2ab: {  	_ = 	snop;
	(pc) =	sbr.rel @p0 .LBB2_33-.Ltmp16, $1  }
0x2ac: {  	_ =	sdelay $0x3  }
.LBB2_21:
0x2ad: {  	_ =	swait.ge [sflag:s14], $0xC80  }
0x2ae: {  	[sflag:s14] =	ssyncset.done $0x0  }
0x2af: {  	[sflag:s14] =	ssyncadd.s32 $0xFFFFF380  }
0x2b0: {  	_ =	swait.ge [sflag:s14], $0xC80  }
0x2b1: {  	[sflag:s14] =	ssyncset.done $0x0  }
0x2b2: {  	s4 =	simm.s32 $0x0;
	[sflag:s14] =	ssyncadd.s32 $0xFFFFF380  }
0x2b3: {  	v7 =	vld [tilespmem:s4+$0xC80];
	_ =	sdelay $0x4  }
0x2b4: {  	v7 =	vsub.s32 v7, v0  }
0x2b5: {  	vm0 =	vgt.s32 v7, $0xFFFFFFFF;
	vm1 =	vlt.s32 v7, v1  }
0x2b6: {  	vm0 =	vmand vm0, vm1  }
0x2b7: {  	v8 =	vsel vm0, $0x1, v4  }
0x2b8: {  	(xrf0) =	vadd.scan.msk.s32 $0xffff, v8;
	_ =	sdelay $0x2  }
0x2b9: {  	v8 =	vld [tilespmem:s4+$0x0];
	_ =	sdelay $0x2  }
0x2ba: {  	[tilespmem:s22+$0x2600] =	vst.msk vm0, v7;
	v7, _, _ =	vpop (xrf0)  }
0x2bb: {  	s20 =	simm.s32 $0x80;
	(v2sf) =	vpush v7, $0xF  }
0x2bc: {  	s5 =	simm.s32 $0x0;
	s4 =	smov.u32 s23;
	s23 =	simm.s32 $0x10;
	[tilespmem:s22+$0x1900] =	vst.msk vm0, v8  }
.LBB2_22:
0x2bd: {  	p0 =	sne.s32 s20, $0x31C0;
	v7 =	vld [tilespmem:s23+$0xC80];
	_ =	sdelay $0x4  }
0x2be: {  	v7 =	vsub.s32 v7, v0  }
0x2bf: {  	vm0 =	vgt.s32 v7, $0xFFFFFFFF;
	vm1 =	vlt.s32 v7, v1  }
0x2c0: {  	vm0 =	vmand vm0, vm1  }
0x2c1: {  	v8 =	vsel vm0, $0x1, v4  }
0x2c2: {  	(xrf0) =	vadd.scan.msk.s32 $0xffff, v8;
	_ =	sdelay $0x1  }
0x2c3: {  	v8 =	vld [tilespmem:s23+$0x0];
	_ =	sdelay $0x1  }
.Ltmp17:
0x2c4: {  	s23 =	spop (v2sf);
	(pc) =	sbr.rel @p0 .LBB2_22-.Ltmp17, $4  }
0x2c5: {  	s5 =	sadd.s32 s5, s23  }
0x2c6: {  	[tilespmem:s5+$0x2600] =	vst.msk vm0, v7;
	v7, _, _ =	vpop (xrf0)  }
0x2c7: {  	[tilespmem:s5+$0x1900] =	vst.msk vm0, v8;
	(v2sf) =	vpush v7, $0xF  }
0x2c8: {  	s23 =	sshra.s32 s20, $0x2;
	s20 =	sadd.s32 $0x40, s20  }
0x2c9: {  	v7 =	vld [tilespmem:s23+$0xC80];
	_ =	sdelay $0x4  }
0x2ca: {  	v7 =	vsub.s32 v7, v0  }
0x2cb: {  	vm0 =	vgt.s32 v7, $0xFFFFFFFF;
	vm1 =	vlt.s32 v7, v1  }
0x2cc: {  	vm0 =	vmand vm0, vm1  }
0x2cd: {  	v8 =	vsel vm0, $0x1, v4  }
0x2ce: {  	(xrf0) =	vadd.scan.msk.s32 $0xffff, v8;
	_ =	sdelay $0x5  }
0x2cf: {  	v8, _, _ =	vpop (xrf0)  }
0x2d0: {  	(v2sf) =	vpush v8, $0xF;
	_ =	sdelay $0x7  }
0x2d1: {  	v8 =	vld [tilespmem:s23+$0x0];
	_ =	sdelay $0x1  }
0x2d2: {  	p0 =	seq.s32 s4, $0x31;
	s20 =	spop (v2sf);
	s23 =	sadd.s32 $0x1, s4  }
0x2d3: {  	s29 =	sadd.s32 s5, s20;
	s5 =	smul.u32 @!p0 $0x190, s23  }
0x2d4: {  	[tilespmem:s29+$0x2600] =	vst.msk vm0, v7  }
0x2d5: {  	s24 =	simm.s32 @!p0 $0x0;
	s20 =	sadd.s32 @!p0 s2, s5;
	[tilespmem:s29+$0x1900] =	vst.msk vm0, v8  }
0x2d6: {  	[tilespmem:s24], [sflag:$0x1] =	stream.linear.gather @!p0 [hbm4b:s20+s24], $0xC80, $0x38;
	[tilespmem:$0x1AD80] =	vst v63  }
0x2d7: {  	s30 =	spop (v2sf)  }
0x2d8: {  	s4 =	sadd.s32 s29, s30  }
0x2d9: {  	s31 =	sadd.s32 $0x2F, s4  }
0x2da: {  	s25 =	smulhi.u32 $0x2AAAAAAB, s31;
	s26 =	sshra.s32 s31, $0x1F  }
0x2db: {  	s28 =	simm.s32 @!p0 $0xC80;
	s5 =	sadd.s32 @!p0 s3, s5;
	s26 =	smul.u32 $0x2AAAAAAB, s26  }
0x2dc: {  	[tilespmem:s28], [sflag:$0x1] =	stream.linear.gather @!p0 [hbm4b:s5+s24], $0xC80, $0x38;
	[tilespmem:$0x1AD80] =	vst v63  }
0x2dd: {  	s25 =	sadd.s32 s26, s25  }
0x2de: {  	s26 =	sshrl.u32 s25, $0x1F;
	s5 =	sshra.s32 s25, $0x3  }
0x2df: {  	s5 =	sadd.s32 s26, s5  }
0x2e0: {  	s24 =	smul.u32 $0xFFFFFFD0, s5  }
0x2e1: {  	s28 =	ssub.s32 $0xFFFFFFD1, s4  }
0x2e2: {  	[tilespmem:s4+$0x1900] =	vst v4;
	p4 =	slt.s32 s31, $0x1;
	p1 =	sne.s32 s24, s28  }
0x2e3: {  	[tilespmem:s4+$0x2600] =	vst v5;
	p0 =	por !p4, !p1  }
0x2e4: {  	s20 =	simm.s32 $0x1;
	[tilespmem:s4+$0x1910] =	vst v4;
	p0 =	por !p0, !p0  }
0x2e5: {  	[tilespmem:s4+$0x2610] =	vst v5;
	s20 =	simm.s32 @!p0 $0x0  }
0x2e6: {  	[tilespmem:s4+$0x1920] =	vst v4;
	s24 =	ssub.s32 s5, s20  }
0x2e7: {  	[tilespmem:s4+$0x2620] =	vst v5;
	p0 =	slt.s32 s24, $0x1  }
0x2e8: {  	v7 =	vld @!p0 [tilespmem:$0x1900]  }
0x2e9: {  	v8 =	vld @!p0 [tilespmem:$0x1910]  }
0x2ea: {  	v9 =	vld @!p0 [tilespmem:$0x1920];
	_ =	sdelay $0x2  }
0x2eb: {  	s29 =	sadd.s32 $0x1, s24;
	[tilespmem:$0x3300] =	vst @!p0 v7  }
0x2ec: {  	p5 =	slt.s32 s24, $0x0;
	s4 =	simm.s32 @!p0 $0x30;
	s30 =	sand.u32 $0x1, s29;
	[tilespmem:$0x3310] =	vst @!p0 v8  }
0x2ed: {  	s5 =	simm.s32 @!p0 $0x3300;
	s20 =	simm.s32 @!p0 $0x3400;
	p6 =	seq.s32 s30, $0x1;
	[tilespmem:$0x3320] =	vst @!p0 v9  }
0x2ee: {  	[tilespmem:s20], [sflag:$0x2] =	stream.indirect.gather @!p0 [hbm4b:s1+s4], $0x80, s5, s4, $0xb8;
	[tilespmem:$0x1AD80] =	vst v63  }
0x2ef: {  	s31 =	sshrl.u32 s29, $0x1F;
	p0 =	por !p5, !p6  }
0x2f0: {  	s4 =	sadd.s32 s31, s29;
	s5 =	simm.s32 $0x1;
	p0 =	por !p0, !p0  }
0x2f1: {  	s4 =	sshra.s32 s4, $0x1;
	s5 =	simm.s32 @!p0 $0x0  }
0x2f2: {  	s25 =	ssub.s32 s4, s5  }
0x2f3: {  	p0 =	slt.s32 s25, $0x1  }
.Ltmp18:
0x2f4: {  	_ = 	snop;
	(pc) =	sbr.rel @!p0 .LBB2_24-.Ltmp18, $4  }
.Ltmp19:
0x2f5: {  	_ = 	snop;
	(pc) =	sbr.rel @p0 .LBB2_20-.Ltmp19, $4  }
0x2f6: {  	_ = 	snop  }
0x2f7: {  	_ = 	snop  }
0x2f8: {  	s26 =	simm.s32 $0x0  }
0x2f9: {  	_ = 	snop  }
.LBB2_31:
0x2fa: {  	v7 =	vmax.f32 v9, v10;
	v8 =	vadd.f32 v8, v10  }
0x2fb: {  	[tilespmem:s5+$0x6470] =	vst v7  }
0x2fc: {  	[tilespmem:s5+$0x10870] =	vst v8  }
.LBB2_32:
0x2fd: {  	s26 =	sadd.s32 $0x1, s26  }
0x2fe: {  	p0 =	seq.s32 s26, s25  }
.Ltmp20:
0x2ff: {  	_ = 	snop;
	(pc) =	sbr.rel @p0 .LBB2_20-.Ltmp20, $1  }
0x300: {  	_ =	sdelay $0x3  }
.LBB2_24:
0x301: {  	s29 =	sshll.u32 s26, $0x1  }
0x302: {  	p0 =	slt.s32 s29, s24  }
.Ltmp21:
0x303: {  	_ = 	snop;
	(pc) =	sbr.rel @!p0 .LBB2_28-.Ltmp21, $2  }
0x304: {  	_ =	sdelay $0x2  }
0x305: {  	s28 =	sor.u32 $0x1, s29  }
0x306: {  	s28 =	sor.u32 $0x1, s29  }
0x307: {  	p0 =	sge.s32 s28, s24  }
0x308: {  	_ =	swait.ge [sflag:s15], $0x1800;
	s4 =	smul.u32 @!p0 $0xC0, s28  }
0x309: {  	[sflag:s15] =	ssyncset.done $0x0  }
0x30a: {  	[sflag:s15] =	ssyncadd.s32 $0xFFFFE800;
	s4 =	sshra.s32 @!p0 s4, $0x2  }
0x30b: {  	v7 =	vld @!p0 [tilespmem:s4+$0x1900];
	_ =	sdelay $0x4  }
0x30c: {  	[tilespmem:$0x3380] =	vst @!p0 v7  }
0x30d: {  	v7 =	vld @!p0 [tilespmem:s4+$0x1910];
	_ =	sdelay $0x4  }
0x30e: {  	[tilespmem:$0x3390] =	vst @!p0 v7  }
0x30f: {  	s20 =	smul.u32 $0x180, s26;
	v8 =	vld @!p0 [tilespmem:s4+$0x1920];
	_ =	sdelay $0x1  }
0x310: {  	s4 =	sshra.s32 s20, $0x2  }
0x311: {  	s4 =	sadd.s32 $0x2600, s4  }
0x312: {  	v7 =	vmov s4  }
0x313: {  	s5 =	simm.s32 @!p0 $0x3380;
	s20 =	simm.s32 @!p0 $0x4C00;
	s4 =	simm.s32 @!p0 $0x30;
	[tilespmem:$0x33A0] =	vst @!p0 v8  }
0x314: {  	[tilespmem:s20], [sflag:$0x3] =	stream.indirect.gather @!p0 [hbm4b:s1+s4], $0x80, s5, s4, $0xb8;
	[tilespmem:$0x1AD80] =	vst v63  }
0x315: {  	s4 =	simm.s32 $0x0  }
0x316: {  	s5 =	sand.u32 $0x30, s4  }
0x317: {  	v8 =	vld.idx.msk [tilespmem:v7+s5+$0x0 ss:$0x1], $0xffff;
	_ =	sdelay $0x1  }
0x318: {  	s20 =	sand.u32 $0xE, s4  }
0x319: {  	v9 =	vmov s20  }
0x31a: {  	vm0 =	veq.s32 v9, v6  }
0x31b: {  	v8 =	vnsel vm0, $0x0, v8  }
0x31c: {  	(xrf0) =	vadd.scan.msk.s32 $0xffff, v8;
	_ =	sdelay $0x5  }
0x31d: {  	v8, _, _ =	vpop (xrf0)  }
0x31e: {  	(v2sf) =	vpush v8, $0xF;
	_ =	sdelay $0xe  }
0x31f: {  	s20 =	spop (v2sf)  }
0x320: {  	p0 =	slt.s32 s20, $0x147  }
0x321: {  	s30 =	simm.s32 $0x3480;
	s20 =	simm.s32 @!p0 $0x147  }
0x322: {  	v8 =	vld [tilespmem:s30+$0xFFFFFF80];
	s20 =	sshll.u32 s20, $0x7  }
0x323: {  	v9 =	vld [tilespmem:s20+$0x10800]  }
0x324: {  	v10 =	vld [tilespmem:s20+$0x6400];
	_ =	sdelay $0x4  }
0x325: {  	v9 =	vadd.f32 v9, v8;
	v8 =	vmax.f32 v10, v8  }
0x326: {  	[tilespmem:s20+$0x6400] =	vst v8;
	v8 =	vld [tilespmem:s20+$0x6410]  }
0x327: {  	[tilespmem:s20+$0x10800] =	vst v9;
	v9 =	vld [tilespmem:s20+$0x10810]  }
0x328: {  	v10 =	vld [tilespmem:s30+$0xFFFFFF90];
	_ =	sdelay $0x4  }
0x329: {  	v8 =	vmax.f32 v8, v10;
	v9 =	vadd.f32 v9, v10  }
0x32a: {  	[tilespmem:s20+$0x6410] =	vst v8;
	v8 =	vld [tilespmem:s20+$0x10820]  }
0x32b: {  	[tilespmem:s20+$0x10810] =	vst v9;
	v9 =	vld [tilespmem:s20+$0x6420]  }
0x32c: {  	v10 =	vld [tilespmem:s30+$0xFFFFFFA0];
	_ =	sdelay $0x4  }
0x32d: {  	v9 =	vmax.f32 v9, v10;
	v8 =	vadd.f32 v8, v10  }
0x32e: {  	[tilespmem:s20+$0x6420] =	vst v9;
	v9 =	vld [tilespmem:s20+$0x10830]  }
0x32f: {  	[tilespmem:s20+$0x10820] =	vst v8;
	v8 =	vld [tilespmem:s20+$0x6430]  }
0x330: {  	v10 =	vld [tilespmem:s30+$0xFFFFFFB0];
	_ =	sdelay $0x4  }
0x331: {  	v8 =	vmax.f32 v8, v10;
	v9 =	vadd.f32 v9, v10  }
0x332: {  	[tilespmem:s20+$0x6430] =	vst v8;
	v8 =	vld [tilespmem:s20+$0x10840]  }
0x333: {  	[tilespmem:s20+$0x10830] =	vst v9;
	v9 =	vld [tilespmem:s20+$0x6440]  }
0x334: {  	v10 =	vld [tilespmem:s30+$0xFFFFFFC0];
	_ =	sdelay $0x4  }
0x335: {  	v9 =	vmax.f32 v9, v10;
	v8 =	vadd.f32 v8, v10  }
0x336: {  	[tilespmem:s20+$0x6440] =	vst v9;
	v9 =	vld [tilespmem:s20+$0x10850]  }
0x337: {  	[tilespmem:s20+$0x10840] =	vst v8;
	v8 =	vld [tilespmem:s20+$0x6450]  }
0x338: {  	v10 =	vld [tilespmem:s30+$0xFFFFFFD0];
	_ =	sdelay $0x4  }
0x339: {  	v8 =	vmax.f32 v8, v10;
	v9 =	vadd.f32 v9, v10  }
0x33a: {  	[tilespmem:s20+$0x6450] =	vst v8;
	v8 =	vld [tilespmem:s20+$0x10860]  }
0x33b: {  	[tilespmem:s20+$0x10850] =	vst v9;
	v9 =	vld [tilespmem:s20+$0x6460]  }
0x33c: {  	v10 =	vld [tilespmem:s30+$0xFFFFFFE0];
	_ =	sdelay $0x4  }
0x33d: {  	v9 =	vmax.f32 v9, v10;
	v8 =	vadd.f32 v8, v10  }
0x33e: {  	[tilespmem:s20+$0x6460] =	vst v9;
	v9 =	vld [tilespmem:s20+$0x10870]  }
0x33f: {  	[tilespmem:s20+$0x10860] =	vst v8;
	v8 =	vld [tilespmem:s20+$0x6470]  }
0x340: {  	v10 =	vld [tilespmem:s30+$0xFFFFFFF0];
	_ =	sdelay $0x4  }
0x341: {  	v8 =	vmax.f32 v8, v10;
	v9 =	vadd.f32 v9, v10  }
0x342: {  	[tilespmem:s20+$0x6470] =	vst v8  }
0x343: {  	[tilespmem:s20+$0x10870] =	vst v9  }
0x344: {  	v8 =	vld.idx.msk [tilespmem:v7+s5+$0x0 ss:$0x1], $0xffff  }
0x345: {  	s4 =	sand.u32 $0xF, s4  }
0x346: {  	s4 =	sadd.s32 $0x1, s4  }
0x347: {  	v9 =	vmov s4  }
0x348: {  	vm15 =	veq.s32 v9, v6  }
0x349: {  	v8 =	vnsel vm15, $0x0, v8  }
0x34a: {  	(xrf0) =	vadd.scan.msk.s32 $0xffff, v8;
	_ =	sdelay $0x5  }
0x34b: {  	v8, _, _ =	vpop (xrf0)  }
0x34c: {  	(v2sf) =	vpush v8, $0xF;
	_ =	sdelay $0xe  }
0x34d: {  	s4 =	spop (v2sf)  }
0x34e: {  	p0 =	slt.s32 s4, $0x147  }
0x34f: {  	s4 =	simm.s32 @!p0 $0x147  }
0x350: {  	v8 =	vld [tilespmem:s30+$0x0];
	s5 =	sshll.u32 s4, $0x7  }
0x351: {  	v9 =	vld [tilespmem:s5+$0x6400]  }
0x352: {  	v10 =	vld [tilespmem:s5+$0x10800];
	_ =	sdelay $0x4  }
0x353: {  	v9 =	vmax.f32 v9, v8;
	v8 =	vadd.f32 v10, v8  }
0x354: {  	v11 =	vld [tilespmem:s5+$0x10810];
	[tilespmem:s5+$0x6400] =	vst v9  }
0x355: {  	v12 =	vld [tilespmem:s5+$0x6410];
	[tilespmem:s5+$0x10800] =	vst v8  }
0x356: {  	v8 =	vld [tilespmem:s30+$0x10];
	_ =	sdelay $0x4  }
0x357: {  	v9 =	vmax.f32 v12, v8;
	v8 =	vadd.f32 v11, v8  }
0x358: {  	v13 =	vld [tilespmem:s5+$0x10820];
	[tilespmem:s5+$0x6410] =	vst v9  }
0x359: {  	v14 =	vld [tilespmem:s5+$0x6420];
	[tilespmem:s5+$0x10810] =	vst v8  }
0x35a: {  	v9 =	vld [tilespmem:s30+$0x20];
	_ =	sdelay $0x4  }
0x35b: {  	v60 =	vmax.f32 v14, v9;
	v13 =	vadd.f32 v13, v9  }
0x35c: {  	v15 =	vld [tilespmem:s5+$0x6430];
	[tilespmem:s5+$0x6420] =	vst v60  }
0x35d: {  	v10 =	vld [tilespmem:s5+$0x10830];
	[tilespmem:s5+$0x10820] =	vst v13  }
0x35e: {  	v12 =	vld [tilespmem:s30+$0x30];
	_ =	sdelay $0x4  }
0x35f: {  	v61 =	vmax.f32 v15, v12;
	v10 =	vadd.f32 v10, v12  }
0x360: {  	v16 =	vld [tilespmem:s5+$0x10840];
	[tilespmem:s5+$0x6430] =	vst v61  }
0x361: {  	v17 =	vld [tilespmem:s5+$0x6440];
	[tilespmem:s5+$0x10830] =	vst v10  }
0x362: {  	v10 =	vld [tilespmem:s30+$0x40];
	_ =	sdelay $0x4  }
0x363: {  	v62 =	vmax.f32 v17, v10;
	v10 =	vadd.f32 v16, v10  }
0x364: {  	v18 =	vld [tilespmem:s5+$0x10850];
	[tilespmem:s5+$0x6440] =	vst v62  }
0x365: {  	v19 =	vld [tilespmem:s5+$0x6450];
	[tilespmem:s5+$0x10840] =	vst v10  }
0x366: {  	v10 =	vld [tilespmem:s30+$0x50];
	_ =	sdelay $0x4  }
0x367: {  	v63 =	vmax.f32 v19, v10;
	v10 =	vadd.f32 v18, v10  }
0x368: {  	v20 =	vld [tilespmem:s5+$0x10860];
	[tilespmem:s5+$0x6450] =	vst v63  }
0x369: {  	v11 =	vld [tilespmem:s5+$0x6460];
	[tilespmem:s5+$0x10850] =	vst v10  }
0x36a: {  	v10 =	vld [tilespmem:s30+$0x60];
	_ =	sdelay $0x4  }
0x36b: {  	v11 =	vmax.f32 v11, v10;
	v10 =	vadd.f32 v20, v10  }
0x36c: {  	v8 =	vld [tilespmem:s5+$0x10870];
	[tilespmem:s5+$0x6460] =	vst v11  }
0x36d: {  	v9 =	vld [tilespmem:s5+$0x6470];
	[tilespmem:s5+$0x10860] =	vst v10  }
0x36e: {  	s31 =	simm.s32 $0x2;
	v10 =	vld [tilespmem:s30+$0x70]  }
.LBB2_26:
0x36f: {  	_ =	sdelay $0x2  }
0x370: {  	p0 =	slt.u32 s31, $0x2E  }
0x371: {  	s30 =	sadd.s32 $0x100, s30;
	s4 =	smov.u32 s31;
	s31 =	sadd.s32 $0x2, s31;
	v9 =	vmax.f32 v9, v10;
	v8 =	vadd.f32 v8, v10  }
0x372: {  	[tilespmem:s5+$0x6470] =	vst v9  }
0x373: {  	s20 =	sand.u32 $0x30, s4;
	[tilespmem:s5+$0x10870] =	vst v8  }
0x374: {  	v8 =	vld.idx.msk [tilespmem:v7+s20+$0x0 ss:$0x1], $0xffff;
	_ =	sdelay $0x2  }
0x375: {  	s5 =	sand.u32 $0xE, s4  }
0x376: {  	v9 =	vmov s5  }
0x377: {  	vm0 =	veq.s32 v9, v6  }
0x378: {  	v8 =	vnsel vm0, $0x0, v8  }
0x379: {  	(xrf0) =	vadd.scan.msk.s32 $0xffff, v8;
	_ =	sdelay $0x5  }
0x37a: {  	v8, _, _ =	vpop (xrf0)  }
0x37b: {  	(v2sf) =	vpush v8, $0xF;
	_ =	sdelay $0xe  }
0x37c: {  	s5 =	spop (v2sf)  }
0x37d: {  	p1 =	slt.s32 s5, $0x147  }
0x37e: {  	s5 =	simm.s32 @!p1 $0x147  }
0x37f: {  	v8 =	vld [tilespmem:s30+$0xFFFFFF80];
	s5 =	sshll.u32 s5, $0x7  }
0x380: {  	v9 =	vld [tilespmem:s5+$0x10800]  }
0x381: {  	v10 =	vld [tilespmem:s5+$0x6400];
	_ =	sdelay $0x3  }
0x382: {  	v9 =	vadd.f32 v9, v8  }
0x383: {  	v8 =	vmax.f32 v10, v8  }
0x384: {  	[tilespmem:s5+$0x10800] =	vst v9;
	v9 =	vld [tilespmem:s5+$0x10810]  }
0x385: {  	[tilespmem:s5+$0x6400] =	vst v8;
	v8 =	vld [tilespmem:s5+$0x6410]  }
0x386: {  	v10 =	vld [tilespmem:s30+$0xFFFFFF90];
	_ =	sdelay $0x4  }
0x387: {  	v8 =	vmax.f32 v8, v10;
	v9 =	vadd.f32 v9, v10  }
0x388: {  	[tilespmem:s5+$0x6410] =	vst v8;
	v8 =	vld [tilespmem:s5+$0x10820]  }
0x389: {  	[tilespmem:s5+$0x10810] =	vst v9;
	v9 =	vld [tilespmem:s5+$0x6420]  }
0x38a: {  	v10 =	vld [tilespmem:s30+$0xFFFFFFA0];
	_ =	sdelay $0x4  }
0x38b: {  	v9 =	vmax.f32 v9, v10;
	v8 =	vadd.f32 v8, v10  }
0x38c: {  	[tilespmem:s5+$0x6420] =	vst v9;
	v9 =	vld [tilespmem:s5+$0x10830]  }
0x38d: {  	[tilespmem:s5+$0x10820] =	vst v8;
	v8 =	vld [tilespmem:s5+$0x6430]  }
0x38e: {  	v10 =	vld [tilespmem:s30+$0xFFFFFFB0];
	_ =	sdelay $0x4  }
0x38f: {  	v8 =	vmax.f32 v8, v10;
	v9 =	vadd.f32 v9, v10  }
0x390: {  	[tilespmem:s5+$0x6430] =	vst v8;
	v8 =	vld [tilespmem:s5+$0x10840]  }
0x391: {  	[tilespmem:s5+$0x10830] =	vst v9;
	v9 =	vld [tilespmem:s5+$0x6440]  }
0x392: {  	v10 =	vld [tilespmem:s30+$0xFFFFFFC0];
	_ =	sdelay $0x4  }
0x393: {  	v9 =	vmax.f32 v9, v10;
	v8 =	vadd.f32 v8, v10  }
0x394: {  	[tilespmem:s5+$0x6440] =	vst v9;
	v9 =	vld [tilespmem:s5+$0x10850]  }
0x395: {  	[tilespmem:s5+$0x10840] =	vst v8;
	v8 =	vld [tilespmem:s5+$0x6450]  }
0x396: {  	v10 =	vld [tilespmem:s30+$0xFFFFFFD0];
	_ =	sdelay $0x4  }
0x397: {  	v8 =	vmax.f32 v8, v10;
	v9 =	vadd.f32 v9, v10  }
0x398: {  	[tilespmem:s5+$0x6450] =	vst v8;
	v8 =	vld [tilespmem:s5+$0x10860]  }
0x399: {  	[tilespmem:s5+$0x10850] =	vst v9;
	v9 =	vld [tilespmem:s5+$0x6460]  }
0x39a: {  	v10 =	vld [tilespmem:s30+$0xFFFFFFE0];
	_ =	sdelay $0x4  }
0x39b: {  	v9 =	vmax.f32 v9, v10;
	v8 =	vadd.f32 v8, v10  }
0x39c: {  	[tilespmem:s5+$0x6460] =	vst v9;
	v9 =	vld [tilespmem:s5+$0x10870]  }
0x39d: {  	[tilespmem:s5+$0x10860] =	vst v8;
	v8 =	vld [tilespmem:s5+$0x6470]  }
0x39e: {  	v10 =	vld [tilespmem:s30+$0xFFFFFFF0];
	_ =	sdelay $0x4  }
0x39f: {  	v8 =	vmax.f32 v8, v10;
	v9 =	vadd.f32 v9, v10  }
0x3a0: {  	[tilespmem:s5+$0x6470] =	vst v8  }
0x3a1: {  	[tilespmem:s5+$0x10870] =	vst v9  }
0x3a2: {  	v8 =	vld.idx.msk [tilespmem:v7+s20+$0x0 ss:$0x1], $0xffff  }
0x3a3: {  	s4 =	sand.u32 $0xF, s4  }
0x3a4: {  	s4 =	sadd.s32 $0x1, s4  }
0x3a5: {  	v9 =	vmov s4  }
0x3a6: {  	vm0 =	veq.s32 v9, v6;
	_ =	sdelay $0x1  }
0x3a7: {  	v8 =	vnsel vm0, $0x0, v8  }
0x3a8: {  	(xrf0) =	vadd.scan.msk.s32 $0xffff, v8;
	_ =	sdelay $0x5  }
0x3a9: {  	v8, _, _ =	vpop (xrf0)  }
0x3aa: {  	(v2sf) =	vpush v8, $0xF;
	_ =	sdelay $0xe  }
0x3ab: {  	s4 =	spop (v2sf)  }
0x3ac: {  	p1 =	slt.s32 s4, $0x147  }
0x3ad: {  	s4 =	simm.s32 @!p1 $0x147  }
0x3ae: {  	v8 =	vld [tilespmem:s30+$0x0];
	s5 =	sshll.u32 s4, $0x7  }
0x3af: {  	v9 =	vld [tilespmem:s5+$0x6400]  }
0x3b0: {  	v10 =	vld [tilespmem:s5+$0x10800]  }
0x3b1: {  	v11 =	vld [tilespmem:s5+$0x10810]  }
0x3b2: {  	v12 =	vld [tilespmem:s5+$0x6410]  }
0x3b3: {  	v13 =	vld [tilespmem:s5+$0x10820]  }
0x3b4: {  	v9 =	vmax.f32 v9, v8;
	v14 =	vld [tilespmem:s5+$0x6420]  }
0x3b5: {  	[tilespmem:s5+$0x6400] =	vst v9;
	v8 =	vadd.f32 v10, v8;
	v10 =	vld [tilespmem:s5+$0x10830]  }
0x3b6: {  	v15 =	vld [tilespmem:s5+$0x6430]  }
0x3b7: {  	[tilespmem:s5+$0x10800] =	vst v8;
	v16 =	vld [tilespmem:s5+$0x10840]  }
0x3b8: {  	v8 =	vld [tilespmem:s30+$0x10]  }
0x3b9: {  	v17 =	vld [tilespmem:s5+$0x6440]  }
0x3ba: {  	v18 =	vld [tilespmem:s5+$0x10850]  }
0x3bb: {  	v19 =	vld [tilespmem:s5+$0x6450]  }
0x3bc: {  	v20 =	vld [tilespmem:s5+$0x10860]  }
0x3bd: {  	v9 =	vmax.f32 v12, v8;
	v11 =	vadd.f32 v11, v8;
	v12 =	vld [tilespmem:s5+$0x6460]  }
0x3be: {  	[tilespmem:s5+$0x6410] =	vst v9;
	v8 =	vld [tilespmem:s5+$0x10870]  }
0x3bf: {  	[tilespmem:s5+$0x10810] =	vst v11;
	v9 =	vld [tilespmem:s5+$0x6470]  }
0x3c0: {  	v11 =	vld [tilespmem:s30+$0x20];
	_ =	sdelay $0x4  }
0x3c1: {  	v14 =	vmax.f32 v14, v11;
	v11 =	vadd.f32 v13, v11  }
0x3c2: {  	[tilespmem:s5+$0x6420] =	vst v14  }
0x3c3: {  	[tilespmem:s5+$0x10820] =	vst v11  }
0x3c4: {  	v11 =	vld [tilespmem:s30+$0x30];
	_ =	sdelay $0x4  }
0x3c5: {  	v13 =	vmax.f32 v15, v11;
	v10 =	vadd.f32 v10, v11  }
0x3c6: {  	[tilespmem:s5+$0x6430] =	vst v13  }
0x3c7: {  	[tilespmem:s5+$0x10830] =	vst v10  }
0x3c8: {  	v10 =	vld [tilespmem:s30+$0x40];
	_ =	sdelay $0x4  }
0x3c9: {  	v11 =	vmax.f32 v17, v10;
	v10 =	vadd.f32 v16, v10  }
0x3ca: {  	[tilespmem:s5+$0x6440] =	vst v11  }
0x3cb: {  	[tilespmem:s5+$0x10840] =	vst v10  }
0x3cc: {  	v10 =	vld [tilespmem:s30+$0x50];
	_ =	sdelay $0x4  }
0x3cd: {  	v11 =	vmax.f32 v19, v10;
	v10 =	vadd.f32 v18, v10  }
0x3ce: {  	[tilespmem:s5+$0x6450] =	vst v11  }
0x3cf: {  	[tilespmem:s5+$0x10850] =	vst v10  }
0x3d0: {  	v10 =	vld [tilespmem:s30+$0x60];
	_ =	sdelay $0x3  }
.Ltmp22:
0x3d1: {  	(pc) =	sbr.rel @p0 .LBB2_26-.Ltmp22, $4  }
0x3d2: {  	v11 =	vmax.f32 v12, v10;
	v10 =	vadd.f32 v20, v10  }
0x3d3: {  	[tilespmem:s5+$0x6460] =	vst v11  }
0x3d4: {  	[tilespmem:s5+$0x10860] =	vst v10  }
0x3d5: {  	v10 =	vld [tilespmem:s30+$0x70]  }
0x3d6: {  	_ =	sdelay $0x3  }
0x3d7: {  	v7 =	vmax.f32 v9, v10;
	v8 =	vadd.f32 v8, v10  }
0x3d8: {  	[tilespmem:s5+$0x6470] =	vst v7  }
0x3d9: {  	[tilespmem:s5+$0x10870] =	vst v8  }
.LBB2_28:
0x3da: {  	p0 =	sge.s32 s28, s24  }
.Ltmp23:
0x3db: {  	_ = 	snop;
	(pc) =	sbr.rel @p0 .LBB2_32-.Ltmp23, $1  }
0x3dc: {  	_ =	sdelay $0x3  }
0x3dd: {  	s4 =	sadd.s32 $0x2, s29  }
0x3de: {  	p0 =	sge.s32 s4, s24  }
0x3df: {  	_ =	swait.ge [sflag:s16], $0x1800;
	s4 =	smul.u32 @!p0 $0xC0, s4  }
0x3e0: {  	[sflag:s16] =	ssyncset.done $0x0  }
0x3e1: {  	[sflag:s16] =	ssyncadd.s32 $0xFFFFE800;
	s4 =	sshra.s32 @!p0 s4, $0x2  }
0x3e2: {  	v7 =	vld @!p0 [tilespmem:s4+$0x1900];
	_ =	sdelay $0x4  }
0x3e3: {  	[tilespmem:$0x3300] =	vst @!p0 v7  }
0x3e4: {  	v7 =	vld @!p0 [tilespmem:s4+$0x1910];
	_ =	sdelay $0x4  }
0x3e5: {  	[tilespmem:$0x3310] =	vst @!p0 v7  }
0x3e6: {  	s20 =	smul.u32 $0xC0, s28;
	v8 =	vld @!p0 [tilespmem:s4+$0x1920];
	_ =	sdelay $0x1  }
0x3e7: {  	s4 =	sshra.s32 s20, $0x2  }
0x3e8: {  	s4 =	sadd.s32 $0x2600, s4  }
0x3e9: {  	v7 =	vmov s4  }
0x3ea: {  	s5 =	simm.s32 @!p0 $0x3300;
	s20 =	simm.s32 @!p0 $0x3400;
	s4 =	simm.s32 @!p0 $0x30;
	[tilespmem:$0x3320] =	vst @!p0 v8  }
0x3eb: {  	[tilespmem:s20], [sflag:$0x2] =	stream.indirect.gather @!p0 [hbm4b:s1+s4], $0x80, s5, s4, $0xb8;
	[tilespmem:$0x1AD80] =	vst v63  }
0x3ec: {  	s4 =	simm.s32 $0x0  }
0x3ed: {  	s30 =	sand.u32 $0x30, s4  }
0x3ee: {  	v8 =	vld.idx.msk [tilespmem:v7+s30+$0x0 ss:$0x1], $0xffff;
	_ =	sdelay $0x1  }
0x3ef: {  	s31 =	sand.u32 $0xE, s4  }
0x3f0: {  	v9 =	vmov s31  }
0x3f1: {  	vm0 =	veq.s32 v9, v6  }
0x3f2: {  	v8 =	vnsel vm0, $0x0, v8  }
0x3f3: {  	(xrf0) =	vadd.scan.msk.s32 $0xffff, v8;
	_ =	sdelay $0x5  }
0x3f4: {  	v8, _, _ =	vpop (xrf0)  }
0x3f5: {  	(v2sf) =	vpush v8, $0xF;
	_ =	sdelay $0xe  }
0x3f6: {  	s20 =	spop (v2sf)  }
0x3f7: {  	p0 =	slt.s32 s20, $0x147  }
0x3f8: {  	s28 =	simm.s32 $0x4C80;
	s20 =	simm.s32 @!p0 $0x147  }
0x3f9: {  	v8 =	vld [tilespmem:s28+$0xFFFFFF80];
	s20 =	sshll.u32 s20, $0x7  }
0x3fa: {  	v9 =	vld [tilespmem:s20+$0x10800]  }
0x3fb: {  	v10 =	vld [tilespmem:s20+$0x6400];
	_ =	sdelay $0x4  }
0x3fc: {  	v9 =	vadd.f32 v9, v8;
	v8 =	vmax.f32 v10, v8  }
0x3fd: {  	[tilespmem:s20+$0x6400] =	vst v8;
	v8 =	vld [tilespmem:s20+$0x6410]  }
0x3fe: {  	[tilespmem:s20+$0x10800] =	vst v9;
	v9 =	vld [tilespmem:s20+$0x10810]  }
0x3ff: {  	v10 =	vld [tilespmem:s28+$0xFFFFFF90];
	_ =	sdelay $0x4  }
0x400: {  	v8 =	vmax.f32 v8, v10;
	v9 =	vadd.f32 v9, v10  }
0x401: {  	[tilespmem:s20+$0x6410] =	vst v8;
	v8 =	vld [tilespmem:s20+$0x10820]  }
0x402: {  	[tilespmem:s20+$0x10810] =	vst v9;
	v9 =	vld [tilespmem:s20+$0x6420]  }
0x403: {  	v10 =	vld [tilespmem:s28+$0xFFFFFFA0];
	_ =	sdelay $0x4  }
0x404: {  	v9 =	vmax.f32 v9, v10;
	v8 =	vadd.f32 v8, v10  }
0x405: {  	[tilespmem:s20+$0x6420] =	vst v9;
	v9 =	vld [tilespmem:s20+$0x10830]  }
0x406: {  	[tilespmem:s20+$0x10820] =	vst v8;
	v8 =	vld [tilespmem:s20+$0x6430]  }
0x407: {  	v10 =	vld [tilespmem:s28+$0xFFFFFFB0];
	_ =	sdelay $0x4  }
0x408: {  	v8 =	vmax.f32 v8, v10;
	v9 =	vadd.f32 v9, v10  }
0x409: {  	[tilespmem:s20+$0x6430] =	vst v8;
	v8 =	vld [tilespmem:s20+$0x10840]  }
0x40a: {  	[tilespmem:s20+$0x10830] =	vst v9;
	v9 =	vld [tilespmem:s20+$0x6440]  }
0x40b: {  	v10 =	vld [tilespmem:s28+$0xFFFFFFC0];
	_ =	sdelay $0x4  }
0x40c: {  	v9 =	vmax.f32 v9, v10;
	v8 =	vadd.f32 v8, v10  }
0x40d: {  	[tilespmem:s20+$0x6440] =	vst v9;
	v9 =	vld [tilespmem:s20+$0x10850]  }
0x40e: {  	[tilespmem:s20+$0x10840] =	vst v8;
	v8 =	vld [tilespmem:s20+$0x6450]  }
0x40f: {  	v10 =	vld [tilespmem:s28+$0xFFFFFFD0];
	_ =	sdelay $0x4  }
0x410: {  	v8 =	vmax.f32 v8, v10;
	v9 =	vadd.f32 v9, v10  }
0x411: {  	[tilespmem:s20+$0x6450] =	vst v8;
	v8 =	vld [tilespmem:s20+$0x10860]  }
0x412: {  	[tilespmem:s20+$0x10850] =	vst v9;
	v9 =	vld [tilespmem:s20+$0x6460]  }
0x413: {  	v10 =	vld [tilespmem:s28+$0xFFFFFFE0];
	_ =	sdelay $0x4  }
0x414: {  	v9 =	vmax.f32 v9, v10;
	v8 =	vadd.f32 v8, v10  }
0x415: {  	[tilespmem:s20+$0x6460] =	vst v9;
	v9 =	vld [tilespmem:s20+$0x10870]  }
0x416: {  	[tilespmem:s20+$0x10860] =	vst v8;
	v8 =	vld [tilespmem:s20+$0x6470]  }
0x417: {  	v10 =	vld [tilespmem:s28+$0xFFFFFFF0];
	_ =	sdelay $0x4  }
0x418: {  	v8 =	vmax.f32 v8, v10;
	v9 =	vadd.f32 v9, v10  }
0x419: {  	[tilespmem:s20+$0x6470] =	vst v8  }
0x41a: {  	[tilespmem:s20+$0x10870] =	vst v9  }
0x41b: {  	v8 =	vld.idx.msk [tilespmem:v7+s30+$0x0 ss:$0x1], $0xffff  }
0x41c: {  	s4 =	sand.u32 $0xF, s4  }
0x41d: {  	s4 =	sadd.s32 $0x1, s4  }
0x41e: {  	v9 =	vmov s4  }
0x41f: {  	vm15 =	veq.s32 v9, v6  }
0x420: {  	v8 =	vnsel vm15, $0x0, v8  }
0x421: {  	(xrf0) =	vadd.scan.msk.s32 $0xffff, v8;
	_ =	sdelay $0x5  }
0x422: {  	v8, _, _ =	vpop (xrf0)  }
0x423: {  	(v2sf) =	vpush v8, $0xF;
	_ =	sdelay $0xe  }
0x424: {  	s4 =	spop (v2sf)  }
0x425: {  	p0 =	slt.s32 s4, $0x147  }
0x426: {  	s4 =	simm.s32 @!p0 $0x147  }
0x427: {  	v8 =	vld [tilespmem:s28+$0x0];
	s5 =	sshll.u32 s4, $0x7  }
0x428: {  	v9 =	vld [tilespmem:s5+$0x6400]  }
0x429: {  	v10 =	vld [tilespmem:s5+$0x10800];
	_ =	sdelay $0x4  }
0x42a: {  	v9 =	vmax.f32 v9, v8;
	v8 =	vadd.f32 v10, v8  }
0x42b: {  	v11 =	vld [tilespmem:s5+$0x10810];
	[tilespmem:s5+$0x6400] =	vst v9  }
0x42c: {  	v12 =	vld [tilespmem:s5+$0x6410];
	[tilespmem:s5+$0x10800] =	vst v8  }
0x42d: {  	v8 =	vld [tilespmem:s28+$0x10];
	_ =	sdelay $0x4  }
0x42e: {  	v9 =	vmax.f32 v12, v8;
	v8 =	vadd.f32 v11, v8  }
0x42f: {  	v13 =	vld [tilespmem:s5+$0x10820];
	[tilespmem:s5+$0x6410] =	vst v9  }
0x430: {  	v14 =	vld [tilespmem:s5+$0x6420];
	[tilespmem:s5+$0x10810] =	vst v8  }
0x431: {  	v9 =	vld [tilespmem:s28+$0x20];
	_ =	sdelay $0x4  }
0x432: {  	v60 =	vmax.f32 v14, v9;
	v13 =	vadd.f32 v13, v9  }
0x433: {  	v15 =	vld [tilespmem:s5+$0x6430];
	[tilespmem:s5+$0x6420] =	vst v60  }
0x434: {  	v10 =	vld [tilespmem:s5+$0x10830];
	[tilespmem:s5+$0x10820] =	vst v13  }
0x435: {  	v12 =	vld [tilespmem:s28+$0x30];
	_ =	sdelay $0x4  }
0x436: {  	v61 =	vmax.f32 v15, v12;
	v10 =	vadd.f32 v10, v12  }
0x437: {  	v16 =	vld [tilespmem:s5+$0x10840];
	[tilespmem:s5+$0x6430] =	vst v61  }
0x438: {  	v17 =	vld [tilespmem:s5+$0x6440];
	[tilespmem:s5+$0x10830] =	vst v10  }
0x439: {  	v10 =	vld [tilespmem:s28+$0x40];
	_ =	sdelay $0x4  }
0x43a: {  	v62 =	vmax.f32 v17, v10;
	v10 =	vadd.f32 v16, v10  }
0x43b: {  	v18 =	vld [tilespmem:s5+$0x10850];
	[tilespmem:s5+$0x6440] =	vst v62  }
0x43c: {  	v19 =	vld [tilespmem:s5+$0x6450];
	[tilespmem:s5+$0x10840] =	vst v10  }
0x43d: {  	v10 =	vld [tilespmem:s28+$0x50];
	_ =	sdelay $0x4  }
0x43e: {  	v63 =	vmax.f32 v19, v10;
	v10 =	vadd.f32 v18, v10  }
0x43f: {  	v20 =	vld [tilespmem:s5+$0x10860];
	[tilespmem:s5+$0x6450] =	vst v63  }
0x440: {  	v11 =	vld [tilespmem:s5+$0x6460];
	[tilespmem:s5+$0x10850] =	vst v10  }
0x441: {  	v10 =	vld [tilespmem:s28+$0x60];
	_ =	sdelay $0x4  }
0x442: {  	v11 =	vmax.f32 v11, v10;
	v10 =	vadd.f32 v20, v10  }
0x443: {  	v8 =	vld [tilespmem:s5+$0x10870];
	[tilespmem:s5+$0x6460] =	vst v11  }
0x444: {  	v9 =	vld [tilespmem:s5+$0x6470];
	[tilespmem:s5+$0x10860] =	vst v10  }
0x445: {  	v10 =	vld [tilespmem:s28+$0x70];
	_ =	sdelay $0x2  }
0x446: {  	s29 =	simm.s32 $0x2  }
.LBB2_30:
0x447: {  	p0 =	slt.u32 s29, $0x2E  }
0x448: {  	v9 =	vmax.f32 v9, v10;
	v8 =	vadd.f32 v8, v10;
	s28 =	sadd.s32 $0x100, s28;
	s4 =	smov.u32 s29;
	s29 =	sadd.s32 $0x2, s29  }
0x449: {  	[tilespmem:s5+$0x6470] =	vst v9  }
0x44a: {  	s20 =	sand.u32 $0x30, s4;
	[tilespmem:s5+$0x10870] =	vst v8  }
0x44b: {  	v8 =	vld.idx.msk [tilespmem:v7+s20+$0x0 ss:$0x1], $0xffff;
	_ =	sdelay $0x2  }
0x44c: {  	s5 =	sand.u32 $0xE, s4  }
0x44d: {  	v9 =	vmov s5  }
0x44e: {  	vm0 =	veq.s32 v9, v6  }
0x44f: {  	v8 =	vnsel vm0, $0x0, v8  }
0x450: {  	(xrf0) =	vadd.scan.msk.s32 $0xffff, v8;
	_ =	sdelay $0x5  }
0x451: {  	v8, _, _ =	vpop (xrf0)  }
0x452: {  	(v2sf) =	vpush v8, $0xF;
	_ =	sdelay $0xe  }
0x453: {  	s5 =	spop (v2sf)  }
0x454: {  	p1 =	slt.s32 s5, $0x147  }
0x455: {  	s5 =	simm.s32 @!p1 $0x147  }
0x456: {  	v8 =	vld [tilespmem:s28+$0xFFFFFF80];
	s5 =	sshll.u32 s5, $0x7  }
0x457: {  	v9 =	vld [tilespmem:s5+$0x10800]  }
0x458: {  	v10 =	vld [tilespmem:s5+$0x6400];
	_ =	sdelay $0x3  }
0x459: {  	v9 =	vadd.f32 v9, v8  }
0x45a: {  	v8 =	vmax.f32 v10, v8  }
0x45b: {  	[tilespmem:s5+$0x10800] =	vst v9;
	v9 =	vld [tilespmem:s5+$0x10810]  }
0x45c: {  	[tilespmem:s5+$0x6400] =	vst v8;
	v8 =	vld [tilespmem:s5+$0x6410]  }
0x45d: {  	v10 =	vld [tilespmem:s28+$0xFFFFFF90];
	_ =	sdelay $0x4  }
0x45e: {  	v8 =	vmax.f32 v8, v10;
	v9 =	vadd.f32 v9, v10  }
0x45f: {  	[tilespmem:s5+$0x6410] =	vst v8;
	v8 =	vld [tilespmem:s5+$0x10820]  }
0x460: {  	[tilespmem:s5+$0x10810] =	vst v9;
	v9 =	vld [tilespmem:s5+$0x6420]  }
0x461: {  	v10 =	vld [tilespmem:s28+$0xFFFFFFA0];
	_ =	sdelay $0x4  }
0x462: {  	v9 =	vmax.f32 v9, v10;
	v8 =	vadd.f32 v8, v10  }
0x463: {  	[tilespmem:s5+$0x6420] =	vst v9;
	v9 =	vld [tilespmem:s5+$0x10830]  }
0x464: {  	[tilespmem:s5+$0x10820] =	vst v8;
	v8 =	vld [tilespmem:s5+$0x6430]  }
0x465: {  	v10 =	vld [tilespmem:s28+$0xFFFFFFB0];
	_ =	sdelay $0x4  }
0x466: {  	v8 =	vmax.f32 v8, v10;
	v9 =	vadd.f32 v9, v10  }
0x467: {  	[tilespmem:s5+$0x6430] =	vst v8;
	v8 =	vld [tilespmem:s5+$0x10840]  }
0x468: {  	[tilespmem:s5+$0x10830] =	vst v9;
	v9 =	vld [tilespmem:s5+$0x6440]  }
0x469: {  	v10 =	vld [tilespmem:s28+$0xFFFFFFC0];
	_ =	sdelay $0x4  }
0x46a: {  	v9 =	vmax.f32 v9, v10;
	v8 =	vadd.f32 v8, v10  }
0x46b: {  	[tilespmem:s5+$0x6440] =	vst v9;
	v9 =	vld [tilespmem:s5+$0x10850]  }
0x46c: {  	[tilespmem:s5+$0x10840] =	vst v8;
	v8 =	vld [tilespmem:s5+$0x6450]  }
0x46d: {  	v10 =	vld [tilespmem:s28+$0xFFFFFFD0];
	_ =	sdelay $0x4  }
0x46e: {  	v8 =	vmax.f32 v8, v10;
	v9 =	vadd.f32 v9, v10  }
0x46f: {  	[tilespmem:s5+$0x6450] =	vst v8;
	v8 =	vld [tilespmem:s5+$0x10860]  }
0x470: {  	[tilespmem:s5+$0x10850] =	vst v9;
	v9 =	vld [tilespmem:s5+$0x6460]  }
0x471: {  	v10 =	vld [tilespmem:s28+$0xFFFFFFE0];
	_ =	sdelay $0x4  }
0x472: {  	v9 =	vmax.f32 v9, v10;
	v8 =	vadd.f32 v8, v10  }
0x473: {  	[tilespmem:s5+$0x6460] =	vst v9;
	v9 =	vld [tilespmem:s5+$0x10870]  }
0x474: {  	[tilespmem:s5+$0x10860] =	vst v8;
	v8 =	vld [tilespmem:s5+$0x6470]  }
0x475: {  	v10 =	vld [tilespmem:s28+$0xFFFFFFF0];
	_ =	sdelay $0x4  }
0x476: {  	v8 =	vmax.f32 v8, v10;
	v9 =	vadd.f32 v9, v10  }
0x477: {  	[tilespmem:s5+$0x6470] =	vst v8  }
0x478: {  	[tilespmem:s5+$0x10870] =	vst v9  }
0x479: {  	v8 =	vld.idx.msk [tilespmem:v7+s20+$0x0 ss:$0x1], $0xffff  }
0x47a: {  	s4 =	sand.u32 $0xF, s4  }
0x47b: {  	s4 =	sadd.s32 $0x1, s4  }
0x47c: {  	v9 =	vmov s4  }
0x47d: {  	vm0 =	veq.s32 v9, v6;
	_ =	sdelay $0x1  }
0x47e: {  	v8 =	vnsel vm0, $0x0, v8  }
0x47f: {  	(xrf0) =	vadd.scan.msk.s32 $0xffff, v8;
	_ =	sdelay $0x5  }
0x480: {  	v8, _, _ =	vpop (xrf0)  }
0x481: {  	(v2sf) =	vpush v8, $0xF;
	_ =	sdelay $0xe  }
0x482: {  	s4 =	spop (v2sf)  }
0x483: {  	p1 =	slt.s32 s4, $0x147  }
0x484: {  	s4 =	simm.s32 @!p1 $0x147  }
0x485: {  	v8 =	vld [tilespmem:s28+$0x0];
	s5 =	sshll.u32 s4, $0x7  }
0x486: {  	v9 =	vld [tilespmem:s5+$0x6400]  }
0x487: {  	v10 =	vld [tilespmem:s5+$0x10800]  }
0x488: {  	v11 =	vld [tilespmem:s5+$0x10810]  }
0x489: {  	v12 =	vld [tilespmem:s5+$0x6410]  }
0x48a: {  	v13 =	vld [tilespmem:s5+$0x10820]  }
0x48b: {  	v9 =	vmax.f32 v9, v8;
	v14 =	vld [tilespmem:s5+$0x6420]  }
0x48c: {  	[tilespmem:s5+$0x6400] =	vst v9;
	v8 =	vadd.f32 v10, v8;
	v10 =	vld [tilespmem:s5+$0x10830]  }
0x48d: {  	v15 =	vld [tilespmem:s5+$0x6430]  }
0x48e: {  	[tilespmem:s5+$0x10800] =	vst v8;
	v16 =	vld [tilespmem:s5+$0x10840]  }
0x48f: {  	v8 =	vld [tilespmem:s28+$0x10]  }
0x490: {  	v17 =	vld [tilespmem:s5+$0x6440]  }
0x491: {  	v18 =	vld [tilespmem:s5+$0x10850]  }
0x492: {  	v19 =	vld [tilespmem:s5+$0x6450]  }
0x493: {  	v20 =	vld [tilespmem:s5+$0x10860]  }
0x494: {  	v9 =	vmax.f32 v12, v8;
	v11 =	vadd.f32 v11, v8;
	v12 =	vld [tilespmem:s5+$0x6460]  }
0x495: {  	[tilespmem:s5+$0x6410] =	vst v9;
	v8 =	vld [tilespmem:s5+$0x10870]  }
0x496: {  	[tilespmem:s5+$0x10810] =	vst v11;
	v9 =	vld [tilespmem:s5+$0x6470]  }
0x497: {  	v11 =	vld [tilespmem:s28+$0x20];
	_ =	sdelay $0x4  }
0x498: {  	v14 =	vmax.f32 v14, v11;
	v11 =	vadd.f32 v13, v11  }
0x499: {  	[tilespmem:s5+$0x6420] =	vst v14  }
0x49a: {  	[tilespmem:s5+$0x10820] =	vst v11  }
0x49b: {  	v11 =	vld [tilespmem:s28+$0x30];
	_ =	sdelay $0x4  }
0x49c: {  	v13 =	vmax.f32 v15, v11;
	v10 =	vadd.f32 v10, v11  }
0x49d: {  	[tilespmem:s5+$0x6430] =	vst v13  }
0x49e: {  	[tilespmem:s5+$0x10830] =	vst v10  }
0x49f: {  	v10 =	vld [tilespmem:s28+$0x40];
	_ =	sdelay $0x4  }
0x4a0: {  	v11 =	vmax.f32 v17, v10;
	v10 =	vadd.f32 v16, v10  }
0x4a1: {  	[tilespmem:s5+$0x6440] =	vst v11  }
0x4a2: {  	[tilespmem:s5+$0x10840] =	vst v10  }
0x4a3: {  	v10 =	vld [tilespmem:s28+$0x50];
	_ =	sdelay $0x4  }
0x4a4: {  	v11 =	vmax.f32 v19, v10;
	v10 =	vadd.f32 v18, v10  }
0x4a5: {  	[tilespmem:s5+$0x6450] =	vst v11  }
0x4a6: {  	[tilespmem:s5+$0x10850] =	vst v10  }
0x4a7: {  	v10 =	vld [tilespmem:s28+$0x60];
	_ =	sdelay $0x3  }
.Ltmp24:
0x4a8: {  	(pc) =	sbr.rel @p0 .LBB2_30-.Ltmp24, $4  }
0x4a9: {  	v11 =	vmax.f32 v12, v10;
	v10 =	vadd.f32 v20, v10  }
0x4aa: {  	[tilespmem:s5+$0x6460] =	vst v11  }
0x4ab: {  	[tilespmem:s5+$0x10860] =	vst v10  }
0x4ac: {  	v10 =	vld [tilespmem:s28+$0x70]  }
.Ltmp25:
0x4ad: {  	_ = 	snop;
	(pc) =	sbr.rel .LBB2_31-.Ltmp25, $1  }
0x4ae: {  	_ =	sdelay $0x3  }
.LBB2_34:
0x4af: {  	_ =	sfence.sel $0x180000  }
0x4b0: {  	[bflag:$0x0] =	sbarrier.arrive $0xFFFF  }
0x4b1: {  	_ =	strace $0x90000047  }
0x4b2: {  	s0 =	stileid.u32;
	[bflag:$0x2] =	sbarrier.arrive $0xFFFF  }
0x4b3: {  	p0 =	sne.s32 s0, $0x0;
	s0 =	rddreg [dreg:$0x9]  }
0x4b4: {  	s0 =	sadd.s32 @!p0 $0x100000, s0  }
0x4b5: {  	[sflag:s0] =	ssyncadd.tile.s32 @!p0 $0x1;
	_ =	shalt  }
.Lfunc_end2:
_tile_overlayer_lowered:
.L_overlay_start_2:
0x4b6: {  	(tag) =	ssettag $0x2  }
0x4b7: {  	s0 =	rddreg [dreg:$0x0];
	s2 =	stileid.u32  }
0x4b8: {  	s1 =	rddreg [dreg:$0x1];
	p0 =	sne.s32 s2, $0x0  }
0x4b9: {  	s3 =	rddreg [dreg:$0x2];
	[bflag:$0x3] =	sbarrier.arrive $0xFFFF;
	s2 =	simm.s32 @!p0 $0x1C04  }
0x4ba: {  	[timem:s3], [sflag:s2] =	dma.local @!p0 [hbm:s0], s1  }
0x4bb: {  	s0 =	simm.s32 @!p0 $0x4  }
0x4bc: {  	_ =	swait.ge @!p0 [sflag:s0], s1  }
0x4bd: {  	s1 =	ssub.s32 @!p0 $0x0, s1;
	[sflag:s0] =	ssyncset.done @!p0 $0x0  }
0x4be: {  	[sflag:s0] =	ssyncadd.s32 @!p0 s1  }
0x4bf: {  	[bflag:$0x3] =	sbarrier.arrive $0xFFFF  }
0x4c0: {  	_ =	shalt  }

</sc_bundles>
